<compile_context>
chip_gen: v7x
topology: tpu7x:2x2x1
jax: 0.10.2.dev20260603
libtpu: 0.0.44.dev20260713+nightly
codegen_flags: <defaults>
</compile_context>

<pallas_src>
import functools

import jax
import jax.numpy as jnp
from jax import lax
from jax.experimental import pallas as pl
from jax.experimental.pallas import tpu as pltpu
from jax.experimental.pallas import tpu_sc as plsc

N = 10000
E = 320000
D = 128
DO = 128

NC = 2
NS = 16
NW = NC * NS
L = 16

N_PAD = 10240
NSL = N_PAD // NS
HSL = NSL // NC

EP1 = E // NS
EC1 = 4000
NCH1 = EP1 // EC1

EP2 = E // NW
C2 = 80
NB = 4
EP2_PAD = 10240
NSB = 4
NCH_SB = EP2_PAD // (NSB * C2)
RING = NCH_SB


def _rsqrt_nr(x):
    i = plsc.bitcast(x, jnp.int32)
    i = jnp.int32(0x5F3759DF) - (i >> 1)
    y = plsc.bitcast(i, jnp.float32)
    for _ in range(3):
        y = y * (1.5 - 0.5 * x * y * y)
    return y


def _scale_body(feat_hbm, src_hbm, dst_hbm, scaled_hbm,
                src_v, dst_v, hist_s, hist_d, shared, tmp_v, norm_v,
                acc_s, acc_d, rows_v):
    c = lax.axis_index("c")
    s = lax.axis_index("s")
    zero = jnp.zeros((L,), jnp.float32)
    ones = jnp.ones((L,), jnp.float32)

    @pl.loop(0, N_PAD // L)
    def _(i):
        hist_s[pl.ds(i * L, L)] = zero
        hist_d[pl.ds(i * L, L)] = zero

    base = s * EP1
    for k in range(NCH1):
        pltpu.sync_copy(src_hbm.at[pl.ds(base + k * EC1, EC1)], src_v)
        pltpu.sync_copy(dst_hbm.at[pl.ds(base + k * EC1, EC1)], dst_v)

        @pl.loop(0, EC1 // L)
        def _(i):
            si = src_v[pl.ds(i * L, L)]
            di = dst_v[pl.ds(i * L, L)]
            plsc.addupdate_scatter(hist_s, [si], ones)
            plsc.addupdate_scatter(hist_d, [di], ones)

    pltpu.sync_copy(hist_s, shared.at[s, 0])
    pltpu.sync_copy(hist_d, shared.at[s, 1])
    plsc.subcore_barrier()

    nbase = s * NSL

    @pl.loop(0, NSL // L)
    def _(j):
        acc_s[pl.ds(j * L, L)] = zero
        acc_d[pl.ds(j * L, L)] = zero

    @pl.loop(0, NS)
    def _(t):
        pltpu.sync_copy(shared.at[t, 0, pl.ds(nbase, NSL)], tmp_v)

        @pl.loop(0, NSL // L)
        def _(j):
            acc_s[pl.ds(j * L, L)] = acc_s[pl.ds(j * L, L)] + tmp_v[pl.ds(j * L, L)]

        pltpu.sync_copy(shared.at[t, 1, pl.ds(nbase, NSL)], tmp_v)

        @pl.loop(0, NSL // L)
        def _(j):
            acc_d[pl.ds(j * L, L)] = acc_d[pl.ds(j * L, L)] + tmp_v[pl.ds(j * L, L)]

    @pl.loop(0, NSL // L)
    def _(j):
        og = jnp.maximum(acc_s[pl.ds(j * L, L)], 1.0)
        ig = jnp.maximum(acc_d[pl.ds(j * L, L)], 1.0)
        norm_v[pl.ds(j * L, L)] = _rsqrt_nr(og * ig)

    row0 = nbase + c * HSL

    def scale_and_store(nrows):
        pltpu.sync_copy(feat_hbm.at[pl.ds(row0, nrows)],
                        rows_v.at[pl.ds(0, nrows)])

        @pl.loop(0, nrows)
        def _(r):
            v = norm_v[pl.ds(c * HSL + r, L)]
            wv = jnp.full((L,), v[0], jnp.float32)
            for j in range(D // L):
                rows_v[r, pl.ds(j * L, L)] = rows_v[r, pl.ds(j * L, L)] * wv

        pltpu.sync_copy(rows_v.at[pl.ds(0, nrows)],
                        scaled_hbm.at[pl.ds(row0, nrows)])

    TAIL = N - (N_PAD - HSL)

    @pl.when(row0 + HSL <= N)
    def _():
        scale_and_store(HSL)

    @pl.when(row0 + HSL > N)
    def _():
        scale_and_store(TAIL)


def _agg_body(scaled_hbm, srcT_hbm, dstT_hbm, agg_hbm,
              sidx, didx, rows0, rows1, rows2, rows3,
              sem0, sem1, sem2, sem3, ssem0, ssem1, ssem2, ssem3, acc_sh):
    c = lax.axis_index("c")
    s = lax.axis_index("s")
    w = s * NC + c
    bufs = [(rows0, sem0, ssem0), (rows1, sem1, ssem1),
            (rows2, sem2, ssem2), (rows3, sem3, ssem3)]

    @pl.loop(0, C2)
    def _(r):
        for j in range(D // L):
            rows0[r, pl.ds(j * L, L)] = jnp.zeros((L,), jnp.float32)

    nbase = s * NSL
    for q in range(NSL // C2):
        pltpu.sync_copy(rows0, acc_sh.at[pl.ds(nbase + q * C2, C2)])
    plsc.subcore_barrier()

    for sb in range(NSB):
        pltpu.sync_copy(srcT_hbm.at[w, sb], sidx)
        pltpu.sync_copy(dstT_hbm.at[w, sb], didx)

        for b, (rb, gs, _) in enumerate(bufs):
            pltpu.async_copy(scaled_hbm.at[sidx.at[b]], rb, gs)

        @pl.loop(0, RING // NB - 1)
        def _(i):
            k0 = i * NB
            for b, (rb, gs, ss) in enumerate(bufs):
                k = k0 + b
                pltpu.make_async_copy(
                    scaled_hbm.at[sidx.at[k]], rb, gs).wait()
                pltpu.async_copy(rb, acc_sh.at[didx.at[k]], ss, add=True)
            for b, (rb, gs, ss) in enumerate(bufs):
                k = k0 + b
                pltpu.make_async_copy(rb, acc_sh.at[didx.at[k]], ss).wait()
                pltpu.async_copy(scaled_hbm.at[sidx.at[k + NB]], rb, gs)

        ke = RING - NB
        for b, (rb, gs, ss) in enumerate(bufs):
            pltpu.make_async_copy(
                scaled_hbm.at[sidx.at[ke + b]], rb, gs).wait()
            pltpu.async_copy(rb, acc_sh.at[didx.at[ke + b]], ss, add=True)
        for b, (rb, gs, ss) in enumerate(bufs):
            pltpu.make_async_copy(rb, acc_sh.at[didx.at[ke + b]], ss).wait()

    plsc.subcore_barrier()
    pltpu.sync_copy(acc_sh.at[pl.ds(nbase, NSL)], agg_hbm.at[c, pl.ds(nbase, NSL)])


def _mm_body(agg_ref, w_ref, b_ref, o_ref):
    a = agg_ref[0] + agg_ref[1]
    o_ref[...] = (jnp.dot(a, w_ref[...], preferred_element_type=jnp.float32)
                  + b_ref[0:1, :])


_MB = 1000


def kernel(feat, edge_index, weight, bias):
    assert feat.shape == (N, D) and edge_index.shape == (2, E)
    src = edge_index[0]
    dst = edge_index[1]
    npad_e = EP2_PAD - EP2
    pad_idx = (N + (jnp.arange(npad_e, dtype=jnp.int32)[None, :]
                    + 8 * jnp.arange(NW, dtype=jnp.int32)[:, None]) % (N_PAD - N))
    srcT = jnp.concatenate([src.reshape(NW, EP2), pad_idx], axis=1)
    srcT = srcT.reshape(NW, NSB, NCH_SB, C2)
    dstT = jnp.concatenate([dst.reshape(NW, EP2), pad_idx], axis=1)
    dstT = dstT.reshape(NW, NSB, NCH_SB, C2)

    mesh = plsc.VectorSubcoreMesh(core_axis_name="c", subcore_axis_name="s")

    scale_k = functools.partial(
        pl.kernel,
        out_type=jax.ShapeDtypeStruct((N_PAD, D), jnp.float32),
        mesh=mesh,
        scratch_types=[
            pltpu.VMEM((EC1,), jnp.int32),
            pltpu.VMEM((EC1,), jnp.int32),
            pltpu.VMEM((N_PAD,), jnp.float32),
            pltpu.VMEM((N_PAD,), jnp.float32),
            pltpu.VMEM_SHARED((NS, 2, N_PAD), jnp.float32),
            pltpu.VMEM((NSL,), jnp.float32),
            pltpu.VMEM((NSL + L,), jnp.float32),
            pltpu.VMEM((NSL,), jnp.float32),
            pltpu.VMEM((NSL,), jnp.float32),
            pltpu.VMEM((HSL, D), jnp.float32),
        ],
        compiler_params=pltpu.CompilerParams(needs_layout_passes=False),
    )(_scale_body)
    scaled = scale_k(feat, src, dst)

    agg_k = functools.partial(
        pl.kernel,
        out_type=jax.ShapeDtypeStruct((NC, N_PAD, D), jnp.float32),
        mesh=mesh,
        scratch_types=[
            pltpu.VMEM((NCH_SB, C2), jnp.int32),
            pltpu.VMEM((NCH_SB, C2), jnp.int32),
            pltpu.VMEM((C2, D), jnp.float32),
            pltpu.VMEM((C2, D), jnp.float32),
            pltpu.VMEM((C2, D), jnp.float32),
            pltpu.VMEM((C2, D), jnp.float32),
            pltpu.SemaphoreType.DMA,
            pltpu.SemaphoreType.DMA,
            pltpu.SemaphoreType.DMA,
            pltpu.SemaphoreType.DMA,
            pltpu.SemaphoreType.DMA,
            pltpu.SemaphoreType.DMA,
            pltpu.SemaphoreType.DMA,
            pltpu.SemaphoreType.DMA,
            pltpu.VMEM_SHARED((N_PAD, D), jnp.float32),
        ],
        compiler_params=pltpu.CompilerParams(needs_layout_passes=False),
    )(_agg_body)
    agg = agg_k(scaled, srcT, dstT)

    out = pl.pallas_call(
        _mm_body,
        grid=(N // _MB,),
        in_specs=[
            pl.BlockSpec((NC, _MB, D), lambda i: (0, i, 0)),
            pl.BlockSpec((D, DO), lambda i: (0, 0)),
            pl.BlockSpec((8, DO), lambda i: (0, 0)),
        ],
        out_specs=pl.BlockSpec((_MB, DO), lambda i: (i, 0)),
        out_shape=jax.ShapeDtypeStruct((N, DO), jnp.float32),
    )(agg, weight, jnp.broadcast_to(bias, (8, DO)))
    return out

# --- scband reference (transcript-rebuilt; emitter-appended) ---
"""Pipeline reference for scband-graph-conv-65300682768935 (READ-ONLY COPY).

The authoritative reference and input builder live on the scoring server;
editing this copy changes nothing except your own understanding.
"""

import jax, jax.numpy as jnp
import numpy as np

N = 10000
E = 320000
D_IN = 128
D_OUT = 128
ALPHA = 0.5
BETA = 0.5


def setup_inputs(seed: int = 0) -> dict:
    key = jax.random.key(seed)
    k1, k2, k3 = jax.random.split(key, 3)
    feat = jax.random.normal(k1, (N, D_IN), dtype=jnp.float32)
    edge_index = jax.random.randint(k2, (2, E), 0, N, dtype=jnp.int32)
    # xavier_uniform for weight, zeros for bias (per reset_parameters)
    limit = float(np.sqrt(6.0 / (D_IN + D_OUT)))
    weight = jax.random.uniform(k3, (D_IN, D_OUT), dtype=jnp.float32, minval=-limit, maxval=limit)
    bias = jnp.zeros((D_OUT,), dtype=jnp.float32)
    return {"feat": feat, "edge_index": edge_index, "weight": weight, "bias": bias}


def reference(feat, edge_index, weight, bias):
    src = edge_index[0]
    dst = edge_index[1]
    n = feat.shape[0]
    # out_degrees (of src nodes) and in_degrees (of dst nodes), clamped to >= 1
    out_deg = jnp.zeros((n,), dtype=feat.dtype).at[src].add(1.0)
    in_deg = jnp.zeros((n,), dtype=feat.dtype).at[dst].add(1.0)
    out_deg = jnp.clip(out_deg, 1.0, None)
    in_deg = jnp.clip(in_deg, 1.0, None)
    # norm = in_deg^{-alpha} * out_deg^{-beta}
    norm = jnp.power(in_deg, -ALPHA) * jnp.power(out_deg, -BETA)
    feat_src = feat * norm[:, None]
    # in_feats == out_feats, so aggregate first then matmul (else branch)
    messages = jnp.take(feat_src, src, axis=0)  # copy_u
    agg = jnp.zeros((n, feat_src.shape[1]), dtype=feat.dtype).at[dst].add(messages)  # fn.sum
    rst = jnp.matmul(agg, weight)
    rst = rst + bias
    return rst

if __name__ == "__main__":
    import jax
    _d = setup_inputs()
    print(jax.jit(kernel)(*tuple(_d.values())))

</pallas_src>

<mosaic_0001>
#map = affine_map<(d0, d1) -> (0, 0)>
#map1 = affine_map<(d0, d1) -> (0)>
module attributes {stable_mosaic.version = 14 : i64} {
  func.func @_scale_body(%arg0: i32, %arg1: i32, %arg2: memref<10000x128xf32, #tpu.memory_space<hbm>>, %arg3: memref<320000xi32, #tpu.memory_space<hbm>>, %arg4: memref<320000xi32, #tpu.memory_space<hbm>>, %arg5: memref<10240x128xf32, #tpu.memory_space<hbm>>, %arg6: memref<4000xi32, #tpu.memory_space<vmem>>, %arg7: memref<4000xi32, #tpu.memory_space<vmem>>, %arg8: memref<10240xf32, #tpu.memory_space<vmem>>, %arg9: memref<10240xf32, #tpu.memory_space<vmem>>, %arg10: memref<16x2x10240xf32, #tpu.memory_space<vmem_shared>>, %arg11: memref<640xf32, #tpu.memory_space<vmem>>, %arg12: memref<656xf32, #tpu.memory_space<vmem>>, %arg13: memref<640xf32, #tpu.memory_space<vmem>>, %arg14: memref<640xf32, #tpu.memory_space<vmem>>, %arg15: memref<320x128xf32, #tpu.memory_space<vmem>>) attributes {dimension_semantics = [#tpu.dimension_semantics<core_parallel>, #tpu.dimension_semantics<subcore_parallel>], iteration_bounds = array<i64: 2, 16>, scalar_prefetch = 0 : i64, scratch_operands = 10 : i64, tpu.core_type = #tpu.core_type<sc_vector_subcore>, window_params = [{transform_indices = #map}, {transform_indices = #map1}, {transform_indices = #map1}, {transform_indices = #map}]} {
    %broadcast_in_dim3A = arith.constant 0.000000e+00 : f32
    %broadcast_in_dim3A_0 = vector.broadcast %broadcast_in_dim3A : f32 to vector<16xf32>
    %broadcast_in_dim3A_1 = arith.constant 1.000000e+00 : f32
    %broadcast_in_dim3A_2 = vector.broadcast %broadcast_in_dim3A_1 : f32 to vector<16xf32>
    %scan3A = arith.constant 0 : i32
    %scan3A_3 = arith.constant 640 : i32
    %scan3A_4 = arith.addi %scan3A, %scan3A_3 : i32
    %scan3A_5 = arith.constant 1 : i32
    scf.for %scan3A_83 = %scan3A to %scan3A_4 step %scan3A_5  : i32 {
      %mul3A_84 = arith.constant 1 : i32
      %mul3A_85 = arith.muli %scan3A_83, %mul3A_84 : i32
      %add3A_86 = arith.constant 0 : i32
      %add3A_87 = arith.addi %add3A_86, %mul3A_85 : i32
      %mul3A_88 = arith.constant 16 : i32
      %mul3A_89 = arith.muli %add3A_87, %mul3A_88 : i32
      %swap3A = arith.index_cast %mul3A_89 : i32 to index
      %swap3A_90 = tpu.vector_load %arg8[%swap3A] {strides = array<i32>} : memref<10240xf32, #tpu.memory_space<vmem>>, vector<16xf32>,
      tpu.vector_store %arg8[%swap3A], %broadcast_in_dim3A_0 {strides = array<i32>} : memref<10240xf32, #tpu.memory_space<vmem>>, vector<16xf32>,
      %mul3A_91 = arith.constant 16 : i32
      %mul3A_92 = arith.muli %add3A_87, %mul3A_91 : i32
      %swap3A_93 = arith.index_cast %mul3A_92 : i32 to index
      %swap3A_94 = tpu.vector_load %arg9[%swap3A_93] {strides = array<i32>} : memref<10240xf32, #tpu.memory_space<vmem>>, vector<16xf32>,
      tpu.vector_store %arg9[%swap3A_93], %broadcast_in_dim3A_0 {strides = array<i32>} : memref<10240xf32, #tpu.memory_space<vmem>>, vector<16xf32>,
    }
    %scan3A_6 = arith.constant 640 : i32
    %mul3A = arith.constant 20000 : i32
    %mul3A_7 = arith.muli %arg1, %mul3A : i32
    %add3A = arith.constant 0 : i32
    %add3A_8 = arith.addi %mul3A_7, %add3A : i32
    "tpu.region"() ({
      %run_scoped3A_83 = tpu.sem_alloc : memref<!tpu.dma_semaphore, #tpu.memory_space<semaphore_mem>>
      %dma_start3A = tpu.memref_slice %arg3[%add3A_8] : memref<320000xi32, #tpu.memory_space<hbm>> -> memref<4000xi32, #tpu.memory_space<hbm>>
      %dma_start3A_84 = tpu.memref_slice %arg3[%add3A_8] : memref<320000xi32, #tpu.memory_space<hbm>> -> memref<4000xi32, #tpu.memory_space<hbm>>
      tpu.enqueue_dma source(%dma_start3A_84 : memref<4000xi32, #tpu.memory_space<hbm>>) target(%arg6 : memref<4000xi32, #tpu.memory_space<vmem>>) target_semaphore(%run_scoped3A_83 : memref<!tpu.dma_semaphore, #tpu.memory_space<semaphore_mem>>)
      %dma_wait3A = tpu.memref_slice %arg3[%add3A_8] : memref<320000xi32, #tpu.memory_space<hbm>> -> memref<4000xi32, #tpu.memory_space<hbm>>
      %dma_wait3A_85 = tpu.memref_slice %arg3[%add3A_8] : memref<320000xi32, #tpu.memory_space<hbm>> -> memref<4000xi32, #tpu.memory_space<hbm>>
      tpu.wait_dma2 semaphore(%run_scoped3A_83 : memref<!tpu.dma_semaphore, #tpu.memory_space<semaphore_mem>>) src(%dma_wait3A_85 : memref<4000xi32, #tpu.memory_space<hbm>>) dst(%arg6 : memref<4000xi32, #tpu.memory_space<vmem>>)
      tpu.yield
    }) : () -> ()
    %add3A_9 = arith.constant 0 : i32
    %add3A_10 = arith.addi %mul3A_7, %add3A_9 : i32
    "tpu.region"() ({
      %run_scoped3A_83 = tpu.sem_alloc : memref<!tpu.dma_semaphore, #tpu.memory_space<semaphore_mem>>
      %dma_start3A = tpu.memref_slice %arg4[%add3A_10] : memref<320000xi32, #tpu.memory_space<hbm>> -> memref<4000xi32, #tpu.memory_space<hbm>>
      %dma_start3A_84 = tpu.memref_slice %arg4[%add3A_10] : memref<320000xi32, #tpu.memory_space<hbm>> -> memref<4000xi32, #tpu.memory_space<hbm>>
      tpu.enqueue_dma source(%dma_start3A_84 : memref<4000xi32, #tpu.memory_space<hbm>>) target(%arg7 : memref<4000xi32, #tpu.memory_space<vmem>>) target_semaphore(%run_scoped3A_83 : memref<!tpu.dma_semaphore, #tpu.memory_space<semaphore_mem>>)
      %dma_wait3A = tpu.memref_slice %arg4[%add3A_10] : memref<320000xi32, #tpu.memory_space<hbm>> -> memref<4000xi32, #tpu.memory_space<hbm>>
      %dma_wait3A_85 = tpu.memref_slice %arg4[%add3A_10] : memref<320000xi32, #tpu.memory_space<hbm>> -> memref<4000xi32, #tpu.memory_space<hbm>>
      tpu.wait_dma2 semaphore(%run_scoped3A_83 : memref<!tpu.dma_semaphore, #tpu.memory_space<semaphore_mem>>) src(%dma_wait3A_85 : memref<4000xi32, #tpu.memory_space<hbm>>) dst(%arg7 : memref<4000xi32, #tpu.memory_space<vmem>>)
      tpu.yield
    }) : () -> ()
    %scan3A_11 = arith.constant 0 : i32
    %scan3A_12 = arith.constant 250 : i32
    %scan3A_13 = arith.addi %scan3A_11, %scan3A_12 : i32
    %scan3A_14 = arith.constant 1 : i32
    scf.for %scan3A_83 = %scan3A_11 to %scan3A_13 step %scan3A_14  : i32 {
      %mul3A_84 = arith.constant 1 : i32
      %mul3A_85 = arith.muli %scan3A_83, %mul3A_84 : i32
      %add3A_86 = arith.constant 0 : i32
      %add3A_87 = arith.addi %add3A_86, %mul3A_85 : i32
      %mul3A_88 = arith.constant 16 : i32
      %mul3A_89 = arith.muli %add3A_87, %mul3A_88 : i32
      %get3A = arith.index_cast %mul3A_89 : i32 to index
      %get3A_90 = tpu.vector_load %arg6[%get3A] {strides = array<i32>} : memref<4000xi32, #tpu.memory_space<vmem>>, vector<16xi32>,
      %mul3A_91 = arith.constant 16 : i32
      %mul3A_92 = arith.muli %add3A_87, %mul3A_91 : i32
      %get3A_93 = arith.index_cast %mul3A_92 : i32 to index
      %get3A_94 = tpu.vector_load %arg7[%get3A_93] {strides = array<i32>} : memref<4000xi32, #tpu.memory_space<vmem>>, vector<16xi32>,
      tpu.vector_store_idx %arg8[%get3A_90], %broadcast_in_dim3A_2 {add = true} : memref<10240xf32, #tpu.memory_space<vmem>>[vector<16xi32>], vector<16xf32>,
      tpu.vector_store_idx %arg9[%get3A_94], %broadcast_in_dim3A_2 {add = true} : memref<10240xf32, #tpu.memory_space<vmem>>[vector<16xi32>], vector<16xf32>,
    }
    %scan3A_15 = arith.constant 250 : i32
    %add3A_16 = arith.constant 4000 : i32
    %add3A_17 = arith.addi %mul3A_7, %add3A_16 : i32
    "tpu.region"() ({
      %run_scoped3A_83 = tpu.sem_alloc : memref<!tpu.dma_semaphore, #tpu.memory_space<semaphore_mem>>
      %dma_start3A = tpu.memref_slice %arg3[%add3A_17] : memref<320000xi32, #tpu.memory_space<hbm>> -> memref<4000xi32, #tpu.memory_space<hbm>>
      %dma_start3A_84 = tpu.memref_slice %arg3[%add3A_17] : memref<320000xi32, #tpu.memory_space<hbm>> -> memref<4000xi32, #tpu.memory_space<hbm>>
      tpu.enqueue_dma source(%dma_start3A_84 : memref<4000xi32, #tpu.memory_space<hbm>>) target(%arg6 : memref<4000xi32, #tpu.memory_space<vmem>>) target_semaphore(%run_scoped3A_83 : memref<!tpu.dma_semaphore, #tpu.memory_space<semaphore_mem>>)
      %dma_wait3A = tpu.memref_slice %arg3[%add3A_17] : memref<320000xi32, #tpu.memory_space<hbm>> -> memref<4000xi32, #tpu.memory_space<hbm>>
      %dma_wait3A_85 = tpu.memref_slice %arg3[%add3A_17] : memref<320000xi32, #tpu.memory_space<hbm>> -> memref<4000xi32, #tpu.memory_space<hbm>>
      tpu.wait_dma2 semaphore(%run_scoped3A_83 : memref<!tpu.dma_semaphore, #tpu.memory_space<semaphore_mem>>) src(%dma_wait3A_85 : memref<4000xi32, #tpu.memory_space<hbm>>) dst(%arg6 : memref<4000xi32, #tpu.memory_space<vmem>>)
      tpu.yield
    }) : () -> ()
    %add3A_18 = arith.constant 4000 : i32
    %add3A_19 = arith.addi %mul3A_7, %add3A_18 : i32
    "tpu.region"() ({
      %run_scoped3A_83 = tpu.sem_alloc : memref<!tpu.dma_semaphore, #tpu.memory_space<semaphore_mem>>
      %dma_start3A = tpu.memref_slice %arg4[%add3A_19] : memref<320000xi32, #tpu.memory_space<hbm>> -> memref<4000xi32, #tpu.memory_space<hbm>>
      %dma_start3A_84 = tpu.memref_slice %arg4[%add3A_19] : memref<320000xi32, #tpu.memory_space<hbm>> -> memref<4000xi32, #tpu.memory_space<hbm>>
      tpu.enqueue_dma source(%dma_start3A_84 : memref<4000xi32, #tpu.memory_space<hbm>>) target(%arg7 : memref<4000xi32, #tpu.memory_space<vmem>>) target_semaphore(%run_scoped3A_83 : memref<!tpu.dma_semaphore, #tpu.memory_space<semaphore_mem>>)
      %dma_wait3A = tpu.memref_slice %arg4[%add3A_19] : memref<320000xi32, #tpu.memory_space<hbm>> -> memref<4000xi32, #tpu.memory_space<hbm>>
      %dma_wait3A_85 = tpu.memref_slice %arg4[%add3A_19] : memref<320000xi32, #tpu.memory_space<hbm>> -> memref<4000xi32, #tpu.memory_space<hbm>>
      tpu.wait_dma2 semaphore(%run_scoped3A_83 : memref<!tpu.dma_semaphore, #tpu.memory_space<semaphore_mem>>) src(%dma_wait3A_85 : memref<4000xi32, #tpu.memory_space<hbm>>) dst(%arg7 : memref<4000xi32, #tpu.memory_space<vmem>>)
      tpu.yield
    }) : () -> ()
    %scan3A_20 = arith.constant 0 : i32
    %scan3A_21 = arith.constant 250 : i32
    %scan3A_22 = arith.addi %scan3A_20, %scan3A_21 : i32
    %scan3A_23 = arith.constant 1 : i32
    scf.for %scan3A_83 = %scan3A_20 to %scan3A_22 step %scan3A_23  : i32 {
      %mul3A_84 = arith.constant 1 : i32
      %mul3A_85 = arith.muli %scan3A_83, %mul3A_84 : i32
      %add3A_86 = arith.constant 0 : i32
      %add3A_87 = arith.addi %add3A_86, %mul3A_85 : i32
      %mul3A_88 = arith.constant 16 : i32
      %mul3A_89 = arith.muli %add3A_87, %mul3A_88 : i32
      %get3A = arith.index_cast %mul3A_89 : i32 to index
      %get3A_90 = tpu.vector_load %arg6[%get3A] {strides = array<i32>} : memref<4000xi32, #tpu.memory_space<vmem>>, vector<16xi32>,
      %mul3A_91 = arith.constant 16 : i32
      %mul3A_92 = arith.muli %add3A_87, %mul3A_91 : i32
      %get3A_93 = arith.index_cast %mul3A_92 : i32 to index
      %get3A_94 = tpu.vector_load %arg7[%get3A_93] {strides = array<i32>} : memref<4000xi32, #tpu.memory_space<vmem>>, vector<16xi32>,
      tpu.vector_store_idx %arg8[%get3A_90], %broadcast_in_dim3A_2 {add = true} : memref<10240xf32, #tpu.memory_space<vmem>>[vector<16xi32>], vector<16xf32>,
      tpu.vector_store_idx %arg9[%get3A_94], %broadcast_in_dim3A_2 {add = true} : memref<10240xf32, #tpu.memory_space<vmem>>[vector<16xi32>], vector<16xf32>,
    }
    %scan3A_24 = arith.constant 250 : i32
    %add3A_25 = arith.constant 8000 : i32
    %add3A_26 = arith.addi %mul3A_7, %add3A_25 : i32
    "tpu.region"() ({
      %run_scoped3A_83 = tpu.sem_alloc : memref<!tpu.dma_semaphore, #tpu.memory_space<semaphore_mem>>
      %dma_start3A = tpu.memref_slice %arg3[%add3A_26] : memref<320000xi32, #tpu.memory_space<hbm>> -> memref<4000xi32, #tpu.memory_space<hbm>>
      %dma_start3A_84 = tpu.memref_slice %arg3[%add3A_26] : memref<320000xi32, #tpu.memory_space<hbm>> -> memref<4000xi32, #tpu.memory_space<hbm>>
      tpu.enqueue_dma source(%dma_start3A_84 : memref<4000xi32, #tpu.memory_space<hbm>>) target(%arg6 : memref<4000xi32, #tpu.memory_space<vmem>>) target_semaphore(%run_scoped3A_83 : memref<!tpu.dma_semaphore, #tpu.memory_space<semaphore_mem>>)
      %dma_wait3A = tpu.memref_slice %arg3[%add3A_26] : memref<320000xi32, #tpu.memory_space<hbm>> -> memref<4000xi32, #tpu.memory_space<hbm>>
      %dma_wait3A_85 = tpu.memref_slice %arg3[%add3A_26] : memref<320000xi32, #tpu.memory_space<hbm>> -> memref<4000xi32, #tpu.memory_space<hbm>>
      tpu.wait_dma2 semaphore(%run_scoped3A_83 : memref<!tpu.dma_semaphore, #tpu.memory_space<semaphore_mem>>) src(%dma_wait3A_85 : memref<4000xi32, #tpu.memory_space<hbm>>) dst(%arg6 : memref<4000xi32, #tpu.memory_space<vmem>>)
      tpu.yield
    }) : () -> ()
    %add3A_27 = arith.constant 8000 : i32
    %add3A_28 = arith.addi %mul3A_7, %add3A_27 : i32
    "tpu.region"() ({
      %run_scoped3A_83 = tpu.sem_alloc : memref<!tpu.dma_semaphore, #tpu.memory_space<semaphore_mem>>
      %dma_start3A = tpu.memref_slice %arg4[%add3A_28] : memref<320000xi32, #tpu.memory_space<hbm>> -> memref<4000xi32, #tpu.memory_space<hbm>>
      %dma_start3A_84 = tpu.memref_slice %arg4[%add3A_28] : memref<320000xi32, #tpu.memory_space<hbm>> -> memref<4000xi32, #tpu.memory_space<hbm>>
      tpu.enqueue_dma source(%dma_start3A_84 : memref<4000xi32, #tpu.memory_space<hbm>>) target(%arg7 : memref<4000xi32, #tpu.memory_space<vmem>>) target_semaphore(%run_scoped3A_83 : memref<!tpu.dma_semaphore, #tpu.memory_space<semaphore_mem>>)
      %dma_wait3A = tpu.memref_slice %arg4[%add3A_28] : memref<320000xi32, #tpu.memory_space<hbm>> -> memref<4000xi32, #tpu.memory_space<hbm>>
      %dma_wait3A_85 = tpu.memref_slice %arg4[%add3A_28] : memref<320000xi32, #tpu.memory_space<hbm>> -> memref<4000xi32, #tpu.memory_space<hbm>>
      tpu.wait_dma2 semaphore(%run_scoped3A_83 : memref<!tpu.dma_semaphore, #tpu.memory_space<semaphore_mem>>) src(%dma_wait3A_85 : memref<4000xi32, #tpu.memory_space<hbm>>) dst(%arg7 : memref<4000xi32, #tpu.memory_space<vmem>>)
      tpu.yield
    }) : () -> ()
    %scan3A_29 = arith.constant 0 : i32
    %scan3A_30 = arith.constant 250 : i32
    %scan3A_31 = arith.addi %scan3A_29, %scan3A_30 : i32
    %scan3A_32 = arith.constant 1 : i32
    scf.for %scan3A_83 = %scan3A_29 to %scan3A_31 step %scan3A_32  : i32 {
      %mul3A_84 = arith.constant 1 : i32
      %mul3A_85 = arith.muli %scan3A_83, %mul3A_84 : i32
      %add3A_86 = arith.constant 0 : i32
      %add3A_87 = arith.addi %add3A_86, %mul3A_85 : i32
      %mul3A_88 = arith.constant 16 : i32
      %mul3A_89 = arith.muli %add3A_87, %mul3A_88 : i32
      %get3A = arith.index_cast %mul3A_89 : i32 to index
      %get3A_90 = tpu.vector_load %arg6[%get3A] {strides = array<i32>} : memref<4000xi32, #tpu.memory_space<vmem>>, vector<16xi32>,
      %mul3A_91 = arith.constant 16 : i32
      %mul3A_92 = arith.muli %add3A_87, %mul3A_91 : i32
      %get3A_93 = arith.index_cast %mul3A_92 : i32 to index
      %get3A_94 = tpu.vector_load %arg7[%get3A_93] {strides = array<i32>} : memref<4000xi32, #tpu.memory_space<vmem>>, vector<16xi32>,
      tpu.vector_store_idx %arg8[%get3A_90], %broadcast_in_dim3A_2 {add = true} : memref<10240xf32, #tpu.memory_space<vmem>>[vector<16xi32>], vector<16xf32>,
      tpu.vector_store_idx %arg9[%get3A_94], %broadcast_in_dim3A_2 {add = true} : memref<10240xf32, #tpu.memory_space<vmem>>[vector<16xi32>], vector<16xf32>,
    }
    %scan3A_33 = arith.constant 250 : i32
    %add3A_34 = arith.constant 12000 : i32
    %add3A_35 = arith.addi %mul3A_7, %add3A_34 : i32
    "tpu.region"() ({
      %run_scoped3A_83 = tpu.sem_alloc : memref<!tpu.dma_semaphore, #tpu.memory_space<semaphore_mem>>
      %dma_start3A = tpu.memref_slice %arg3[%add3A_35] : memref<320000xi32, #tpu.memory_space<hbm>> -> memref<4000xi32, #tpu.memory_space<hbm>>
      %dma_start3A_84 = tpu.memref_slice %arg3[%add3A_35] : memref<320000xi32, #tpu.memory_space<hbm>> -> memref<4000xi32, #tpu.memory_space<hbm>>
      tpu.enqueue_dma source(%dma_start3A_84 : memref<4000xi32, #tpu.memory_space<hbm>>) target(%arg6 : memref<4000xi32, #tpu.memory_space<vmem>>) target_semaphore(%run_scoped3A_83 : memref<!tpu.dma_semaphore, #tpu.memory_space<semaphore_mem>>)
      %dma_wait3A = tpu.memref_slice %arg3[%add3A_35] : memref<320000xi32, #tpu.memory_space<hbm>> -> memref<4000xi32, #tpu.memory_space<hbm>>
      %dma_wait3A_85 = tpu.memref_slice %arg3[%add3A_35] : memref<320000xi32, #tpu.memory_space<hbm>> -> memref<4000xi32, #tpu.memory_space<hbm>>
      tpu.wait_dma2 semaphore(%run_scoped3A_83 : memref<!tpu.dma_semaphore, #tpu.memory_space<semaphore_mem>>) src(%dma_wait3A_85 : memref<4000xi32, #tpu.memory_space<hbm>>) dst(%arg6 : memref<4000xi32, #tpu.memory_space<vmem>>)
      tpu.yield
    }) : () -> ()
    %add3A_36 = arith.constant 12000 : i32
    %add3A_37 = arith.addi %mul3A_7, %add3A_36 : i32
    "tpu.region"() ({
      %run_scoped3A_83 = tpu.sem_alloc : memref<!tpu.dma_semaphore, #tpu.memory_space<semaphore_mem>>
      %dma_start3A = tpu.memref_slice %arg4[%add3A_37] : memref<320000xi32, #tpu.memory_space<hbm>> -> memref<4000xi32, #tpu.memory_space<hbm>>
      %dma_start3A_84 = tpu.memref_slice %arg4[%add3A_37] : memref<320000xi32, #tpu.memory_space<hbm>> -> memref<4000xi32, #tpu.memory_space<hbm>>
      tpu.enqueue_dma source(%dma_start3A_84 : memref<4000xi32, #tpu.memory_space<hbm>>) target(%arg7 : memref<4000xi32, #tpu.memory_space<vmem>>) target_semaphore(%run_scoped3A_83 : memref<!tpu.dma_semaphore, #tpu.memory_space<semaphore_mem>>)
      %dma_wait3A = tpu.memref_slice %arg4[%add3A_37] : memref<320000xi32, #tpu.memory_space<hbm>> -> memref<4000xi32, #tpu.memory_space<hbm>>
      %dma_wait3A_85 = tpu.memref_slice %arg4[%add3A_37] : memref<320000xi32, #tpu.memory_space<hbm>> -> memref<4000xi32, #tpu.memory_space<hbm>>
      tpu.wait_dma2 semaphore(%run_scoped3A_83 : memref<!tpu.dma_semaphore, #tpu.memory_space<semaphore_mem>>) src(%dma_wait3A_85 : memref<4000xi32, #tpu.memory_space<hbm>>) dst(%arg7 : memref<4000xi32, #tpu.memory_space<vmem>>)
      tpu.yield
    }) : () -> ()
    %scan3A_38 = arith.constant 0 : i32
    %scan3A_39 = arith.constant 250 : i32
    %scan3A_40 = arith.addi %scan3A_38, %scan3A_39 : i32
    %scan3A_41 = arith.constant 1 : i32
    scf.for %scan3A_83 = %scan3A_38 to %scan3A_40 step %scan3A_41  : i32 {
      %mul3A_84 = arith.constant 1 : i32
      %mul3A_85 = arith.muli %scan3A_83, %mul3A_84 : i32
      %add3A_86 = arith.constant 0 : i32
      %add3A_87 = arith.addi %add3A_86, %mul3A_85 : i32
      %mul3A_88 = arith.constant 16 : i32
      %mul3A_89 = arith.muli %add3A_87, %mul3A_88 : i32
      %get3A = arith.index_cast %mul3A_89 : i32 to index
      %get3A_90 = tpu.vector_load %arg6[%get3A] {strides = array<i32>} : memref<4000xi32, #tpu.memory_space<vmem>>, vector<16xi32>,
      %mul3A_91 = arith.constant 16 : i32
      %mul3A_92 = arith.muli %add3A_87, %mul3A_91 : i32
      %get3A_93 = arith.index_cast %mul3A_92 : i32 to index
      %get3A_94 = tpu.vector_load %arg7[%get3A_93] {strides = array<i32>} : memref<4000xi32, #tpu.memory_space<vmem>>, vector<16xi32>,
      tpu.vector_store_idx %arg8[%get3A_90], %broadcast_in_dim3A_2 {add = true} : memref<10240xf32, #tpu.memory_space<vmem>>[vector<16xi32>], vector<16xf32>,
      tpu.vector_store_idx %arg9[%get3A_94], %broadcast_in_dim3A_2 {add = true} : memref<10240xf32, #tpu.memory_space<vmem>>[vector<16xi32>], vector<16xf32>,
    }
    %scan3A_42 = arith.constant 250 : i32
    %add3A_43 = arith.constant 16000 : i32
    %add3A_44 = arith.addi %mul3A_7, %add3A_43 : i32
    "tpu.region"() ({
      %run_scoped3A_83 = tpu.sem_alloc : memref<!tpu.dma_semaphore, #tpu.memory_space<semaphore_mem>>
      %dma_start3A = tpu.memref_slice %arg3[%add3A_44] : memref<320000xi32, #tpu.memory_space<hbm>> -> memref<4000xi32, #tpu.memory_space<hbm>>
      %dma_start3A_84 = tpu.memref_slice %arg3[%add3A_44] : memref<320000xi32, #tpu.memory_space<hbm>> -> memref<4000xi32, #tpu.memory_space<hbm>>
      tpu.enqueue_dma source(%dma_start3A_84 : memref<4000xi32, #tpu.memory_space<hbm>>) target(%arg6 : memref<4000xi32, #tpu.memory_space<vmem>>) target_semaphore(%run_scoped3A_83 : memref<!tpu.dma_semaphore, #tpu.memory_space<semaphore_mem>>)
      %dma_wait3A = tpu.memref_slice %arg3[%add3A_44] : memref<320000xi32, #tpu.memory_space<hbm>> -> memref<4000xi32, #tpu.memory_space<hbm>>
      %dma_wait3A_85 = tpu.memref_slice %arg3[%add3A_44] : memref<320000xi32, #tpu.memory_space<hbm>> -> memref<4000xi32, #tpu.memory_space<hbm>>
      tpu.wait_dma2 semaphore(%run_scoped3A_83 : memref<!tpu.dma_semaphore, #tpu.memory_space<semaphore_mem>>) src(%dma_wait3A_85 : memref<4000xi32, #tpu.memory_space<hbm>>) dst(%arg6 : memref<4000xi32, #tpu.memory_space<vmem>>)
      tpu.yield
    }) : () -> ()
    %add3A_45 = arith.constant 16000 : i32
    %add3A_46 = arith.addi %mul3A_7, %add3A_45 : i32
    "tpu.region"() ({
      %run_scoped3A_83 = tpu.sem_alloc : memref<!tpu.dma_semaphore, #tpu.memory_space<semaphore_mem>>
      %dma_start3A = tpu.memref_slice %arg4[%add3A_46] : memref<320000xi32, #tpu.memory_space<hbm>> -> memref<4000xi32, #tpu.memory_space<hbm>>
      %dma_start3A_84 = tpu.memref_slice %arg4[%add3A_46] : memref<320000xi32, #tpu.memory_space<hbm>> -> memref<4000xi32, #tpu.memory_space<hbm>>
      tpu.enqueue_dma source(%dma_start3A_84 : memref<4000xi32, #tpu.memory_space<hbm>>) target(%arg7 : memref<4000xi32, #tpu.memory_space<vmem>>) target_semaphore(%run_scoped3A_83 : memref<!tpu.dma_semaphore, #tpu.memory_space<semaphore_mem>>)
      %dma_wait3A = tpu.memref_slice %arg4[%add3A_46] : memref<320000xi32, #tpu.memory_space<hbm>> -> memref<4000xi32, #tpu.memory_space<hbm>>
      %dma_wait3A_85 = tpu.memref_slice %arg4[%add3A_46] : memref<320000xi32, #tpu.memory_space<hbm>> -> memref<4000xi32, #tpu.memory_space<hbm>>
      tpu.wait_dma2 semaphore(%run_scoped3A_83 : memref<!tpu.dma_semaphore, #tpu.memory_space<semaphore_mem>>) src(%dma_wait3A_85 : memref<4000xi32, #tpu.memory_space<hbm>>) dst(%arg7 : memref<4000xi32, #tpu.memory_space<vmem>>)
      tpu.yield
    }) : () -> ()
    %scan3A_47 = arith.constant 0 : i32
    %scan3A_48 = arith.constant 250 : i32
    %scan3A_49 = arith.addi %scan3A_47, %scan3A_48 : i32
    %scan3A_50 = arith.constant 1 : i32
    scf.for %scan3A_83 = %scan3A_47 to %scan3A_49 step %scan3A_50  : i32 {
      %mul3A_84 = arith.constant 1 : i32
      %mul3A_85 = arith.muli %scan3A_83, %mul3A_84 : i32
      %add3A_86 = arith.constant 0 : i32
      %add3A_87 = arith.addi %add3A_86, %mul3A_85 : i32
      %mul3A_88 = arith.constant 16 : i32
      %mul3A_89 = arith.muli %add3A_87, %mul3A_88 : i32
      %get3A = arith.index_cast %mul3A_89 : i32 to index
      %get3A_90 = tpu.vector_load %arg6[%get3A] {strides = array<i32>} : memref<4000xi32, #tpu.memory_space<vmem>>, vector<16xi32>,
      %mul3A_91 = arith.constant 16 : i32
      %mul3A_92 = arith.muli %add3A_87, %mul3A_91 : i32
      %get3A_93 = arith.index_cast %mul3A_92 : i32 to index
      %get3A_94 = tpu.vector_load %arg7[%get3A_93] {strides = array<i32>} : memref<4000xi32, #tpu.memory_space<vmem>>, vector<16xi32>,
      tpu.vector_store_idx %arg8[%get3A_90], %broadcast_in_dim3A_2 {add = true} : memref<10240xf32, #tpu.memory_space<vmem>>[vector<16xi32>], vector<16xf32>,
      tpu.vector_store_idx %arg9[%get3A_94], %broadcast_in_dim3A_2 {add = true} : memref<10240xf32, #tpu.memory_space<vmem>>[vector<16xi32>], vector<16xf32>,
    }
    %scan3A_51 = arith.constant 250 : i32
    %run_scoped3A = arith.constant 0 : i32
    "tpu.region"() ({
      %run_scoped3A_83 = tpu.sem_alloc : memref<!tpu.dma_semaphore, #tpu.memory_space<semaphore_mem>>
      %dma_start3A = arith.constant 0 : i32
      %dma_start3A_84 = tpu.memref_slice %arg10[%arg1, %run_scoped3A, %dma_start3A] : memref<16x2x10240xf32, #tpu.memory_space<vmem_shared>> -> memref<1x1x10240xf32, #tpu.memory_space<vmem_shared>>
      %dma_start3A_85 = tpu.memref_squeeze %dma_start3A_84 : memref<1x1x10240xf32, #tpu.memory_space<vmem_shared>> -> memref<10240xf32, #tpu.memory_space<vmem_shared>>
      %dma_start3A_86 = arith.constant 0 : i32
      %dma_start3A_87 = tpu.memref_slice %arg10[%arg1, %run_scoped3A, %dma_start3A_86] : memref<16x2x10240xf32, #tpu.memory_space<vmem_shared>> -> memref<1x1x10240xf32, #tpu.memory_space<vmem_shared>>
      %dma_start3A_88 = tpu.memref_squeeze %dma_start3A_87 : memref<1x1x10240xf32, #tpu.memory_space<vmem_shared>> -> memref<10240xf32, #tpu.memory_space<vmem_shared>>
      tpu.enqueue_dma source(%arg8 : memref<10240xf32, #tpu.memory_space<vmem>>) target(%dma_start3A_88 : memref<10240xf32, #tpu.memory_space<vmem_shared>>) target_semaphore(%run_scoped3A_83 : memref<!tpu.dma_semaphore, #tpu.memory_space<semaphore_mem>>)
      %dma_wait3A = arith.constant 0 : i32
      %dma_wait3A_89 = tpu.memref_slice %arg10[%arg1, %run_scoped3A, %dma_wait3A] : memref<16x2x10240xf32, #tpu.memory_space<vmem_shared>> -> memref<1x1x10240xf32, #tpu.memory_space<vmem_shared>>
      %dma_wait3A_90 = tpu.memref_squeeze %dma_wait3A_89 : memref<1x1x10240xf32, #tpu.memory_space<vmem_shared>> -> memref<10240xf32, #tpu.memory_space<vmem_shared>>
      %dma_wait3A_91 = arith.constant 0 : i32
      %dma_wait3A_92 = tpu.memref_slice %arg10[%arg1, %run_scoped3A, %dma_wait3A_91] : memref<16x2x10240xf32, #tpu.memory_space<vmem_shared>> -> memref<1x1x10240xf32, #tpu.memory_space<vmem_shared>>
      %dma_wait3A_93 = tpu.memref_squeeze %dma_wait3A_92 : memref<1x1x10240xf32, #tpu.memory_space<vmem_shared>> -> memref<10240xf32, #tpu.memory_space<vmem_shared>>
      tpu.wait_dma2 semaphore(%run_scoped3A_83 : memref<!tpu.dma_semaphore, #tpu.memory_space<semaphore_mem>>) src(%arg8 : memref<10240xf32, #tpu.memory_space<vmem>>) dst(%dma_wait3A_93 : memref<10240xf32, #tpu.memory_space<vmem_shared>>)
      tpu.yield
    }) : () -> ()
    %run_scoped3A_52 = arith.constant 1 : i32
    "tpu.region"() ({
      %run_scoped3A_83 = tpu.sem_alloc : memref<!tpu.dma_semaphore, #tpu.memory_space<semaphore_mem>>
      %dma_start3A = arith.constant 0 : i32
      %dma_start3A_84 = tpu.memref_slice %arg10[%arg1, %run_scoped3A_52, %dma_start3A] : memref<16x2x10240xf32, #tpu.memory_space<vmem_shared>> -> memref<1x1x10240xf32, #tpu.memory_space<vmem_shared>>
      %dma_start3A_85 = tpu.memref_squeeze %dma_start3A_84 : memref<1x1x10240xf32, #tpu.memory_space<vmem_shared>> -> memref<10240xf32, #tpu.memory_space<vmem_shared>>
      %dma_start3A_86 = arith.constant 0 : i32
      %dma_start3A_87 = tpu.memref_slice %arg10[%arg1, %run_scoped3A_52, %dma_start3A_86] : memref<16x2x10240xf32, #tpu.memory_space<vmem_shared>> -> memref<1x1x10240xf32, #tpu.memory_space<vmem_shared>>
      %dma_start3A_88 = tpu.memref_squeeze %dma_start3A_87 : memref<1x1x10240xf32, #tpu.memory_space<vmem_shared>> -> memref<10240xf32, #tpu.memory_space<vmem_shared>>
      tpu.enqueue_dma source(%arg9 : memref<10240xf32, #tpu.memory_space<vmem>>) target(%dma_start3A_88 : memref<10240xf32, #tpu.memory_space<vmem_shared>>) target_semaphore(%run_scoped3A_83 : memref<!tpu.dma_semaphore, #tpu.memory_space<semaphore_mem>>)
      %dma_wait3A = arith.constant 0 : i32
      %dma_wait3A_89 = tpu.memref_slice %arg10[%arg1, %run_scoped3A_52, %dma_wait3A] : memref<16x2x10240xf32, #tpu.memory_space<vmem_shared>> -> memref<1x1x10240xf32, #tpu.memory_space<vmem_shared>>
      %dma_wait3A_90 = tpu.memref_squeeze %dma_wait3A_89 : memref<1x1x10240xf32, #tpu.memory_space<vmem_shared>> -> memref<10240xf32, #tpu.memory_space<vmem_shared>>
      %dma_wait3A_91 = arith.constant 0 : i32
      %dma_wait3A_92 = tpu.memref_slice %arg10[%arg1, %run_scoped3A_52, %dma_wait3A_91] : memref<16x2x10240xf32, #tpu.memory_space<vmem_shared>> -> memref<1x1x10240xf32, #tpu.memory_space<vmem_shared>>
      %dma_wait3A_93 = tpu.memref_squeeze %dma_wait3A_92 : memref<1x1x10240xf32, #tpu.memory_space<vmem_shared>> -> memref<10240xf32, #tpu.memory_space<vmem_shared>>
      tpu.wait_dma2 semaphore(%run_scoped3A_83 : memref<!tpu.dma_semaphore, #tpu.memory_space<semaphore_mem>>) src(%arg9 : memref<10240xf32, #tpu.memory_space<vmem>>) dst(%dma_wait3A_93 : memref<10240xf32, #tpu.memory_space<vmem_shared>>)
      tpu.yield
    }) : () -> ()
    %barrier3A = arith.constant 0 : index
    tpu.barrier barrier_id(%barrier3A)
    %mul3A_53 = arith.constant 640 : i32
    %mul3A_54 = arith.muli %arg1, %mul3A_53 : i32
    %scan3A_55 = arith.constant 0 : i32
    %scan3A_56 = arith.constant 40 : i32
    %scan3A_57 = arith.addi %scan3A_55, %scan3A_56 : i32
    %scan3A_58 = arith.constant 1 : i32
    scf.for %scan3A_83 = %scan3A_55 to %scan3A_57 step %scan3A_58  : i32 {
      %mul3A_84 = arith.constant 1 : i32
      %mul3A_85 = arith.muli %scan3A_83, %mul3A_84 : i32
      %add3A_86 = arith.constant 0 : i32
      %add3A_87 = arith.addi %add3A_86, %mul3A_85 : i32
      %mul3A_88 = arith.constant 16 : i32
      %mul3A_89 = arith.muli %add3A_87, %mul3A_88 : i32
      %swap3A = arith.index_cast %mul3A_89 : i32 to index
      %swap3A_90 = tpu.vector_load %arg13[%swap3A] {strides = array<i32>} : memref<640xf32, #tpu.memory_space<vmem>>, vector<16xf32>,
      tpu.vector_store %arg13[%swap3A], %broadcast_in_dim3A_0 {strides = array<i32>} : memref<640xf32, #tpu.memory_space<vmem>>, vector<16xf32>,
      %mul3A_91 = arith.constant 16 : i32
      %mul3A_92 = arith.muli %add3A_87, %mul3A_91 : i32
      %swap3A_93 = arith.index_cast %mul3A_92 : i32 to index
      %swap3A_94 = tpu.vector_load %arg14[%swap3A_93] {strides = array<i32>} : memref<640xf32, #tpu.memory_space<vmem>>, vector<16xf32>,
      tpu.vector_store %arg14[%swap3A_93], %broadcast_in_dim3A_0 {strides = array<i32>} : memref<640xf32, #tpu.memory_space<vmem>>, vector<16xf32>,
    }
    %scan3A_59 = arith.constant 40 : i32
    %scan3A_60 = arith.constant 0 : i32
    %scan3A_61 = arith.constant 16 : i32
    %scan3A_62 = arith.addi %scan3A_60, %scan3A_61 : i32
    %scan3A_63 = arith.constant 1 : i32
    scf.for %scan3A_83 = %scan3A_60 to %scan3A_62 step %scan3A_63  : i32 {
      %mul3A_84 = arith.constant 1 : i32
      %mul3A_85 = arith.muli %scan3A_83, %mul3A_84 : i32
      %add3A_86 = arith.constant 0 : i32
      %add3A_87 = arith.addi %add3A_86, %mul3A_85 : i32
      %run_scoped3A_88 = arith.constant 0 : i32
      "tpu.region"() ({
        %run_scoped3A_100 = tpu.sem_alloc : memref<!tpu.dma_semaphore, #tpu.memory_space<semaphore_mem>>
        %dma_start3A = tpu.memref_slice %arg10[%add3A_87, %run_scoped3A_88, %mul3A_54] : memref<16x2x10240xf32, #tpu.memory_space<vmem_shared>> -> memref<1x1x640xf32, #tpu.memory_space<vmem_shared>>
        %dma_start3A_101 = tpu.memref_squeeze %dma_start3A : memref<1x1x640xf32, #tpu.memory_space<vmem_shared>> -> memref<640xf32, #tpu.memory_space<vmem_shared>>
        %dma_start3A_102 = tpu.memref_slice %arg10[%add3A_87, %run_scoped3A_88, %mul3A_54] : memref<16x2x10240xf32, #tpu.memory_space<vmem_shared>> -> memref<1x1x640xf32, #tpu.memory_space<vmem_shared>>
        %dma_start3A_103 = tpu.memref_squeeze %dma_start3A_102 : memref<1x1x640xf32, #tpu.memory_space<vmem_shared>> -> memref<640xf32, #tpu.memory_space<vmem_shared>>
        tpu.enqueue_dma source(%dma_start3A_103 : memref<640xf32, #tpu.memory_space<vmem_shared>>) target(%arg11 : memref<640xf32, #tpu.memory_space<vmem>>) target_semaphore(%run_scoped3A_100 : memref<!tpu.dma_semaphore, #tpu.memory_space<semaphore_mem>>)
        %dma_wait3A = tpu.memref_slice %arg10[%add3A_87, %run_scoped3A_88, %mul3A_54] : memref<16x2x10240xf32, #tpu.memory_space<vmem_shared>> -> memref<1x1x640xf32, #tpu.memory_space<vmem_shared>>
        %dma_wait3A_104 = tpu.memref_squeeze %dma_wait3A : memref<1x1x640xf32, #tpu.memory_space<vmem_shared>> -> memref<640xf32, #tpu.memory_space<vmem_shared>>
        %dma_wait3A_105 = tpu.memref_slice %arg10[%add3A_87, %run_scoped3A_88, %mul3A_54] : memref<16x2x10240xf32, #tpu.memory_space<vmem_shared>> -> memref<1x1x640xf32, #tpu.memory_space<vmem_shared>>
        %dma_wait3A_106 = tpu.memref_squeeze %dma_wait3A_105 : memref<1x1x640xf32, #tpu.memory_space<vmem_shared>> -> memref<640xf32, #tpu.memory_space<vmem_shared>>
        tpu.wait_dma2 semaphore(%run_scoped3A_100 : memref<!tpu.dma_semaphore, #tpu.memory_space<semaphore_mem>>) src(%dma_wait3A_106 : memref<640xf32, #tpu.memory_space<vmem_shared>>) dst(%arg11 : memref<640xf32, #tpu.memory_space<vmem>>)
        tpu.yield
      }) : () -> ()
      %scan3A_89 = arith.constant 0 : i32
      %scan3A_90 = arith.constant 40 : i32
      %scan3A_91 = arith.addi %scan3A_89, %scan3A_90 : i32
      %scan3A_92 = arith.constant 1 : i32
      scf.for %scan3A_100 = %scan3A_89 to %scan3A_91 step %scan3A_92  : i32 {
        %mul3A_101 = arith.constant 1 : i32
        %mul3A_102 = arith.muli %scan3A_100, %mul3A_101 : i32
        %add3A_103 = arith.constant 0 : i32
        %add3A_104 = arith.addi %add3A_103, %mul3A_102 : i32
        %mul3A_105 = arith.constant 16 : i32
        %mul3A_106 = arith.muli %add3A_104, %mul3A_105 : i32
        %get3A = arith.index_cast %mul3A_106 : i32 to index
        %get3A_107 = tpu.vector_load %arg13[%get3A] {strides = array<i32>} : memref<640xf32, #tpu.memory_space<vmem>>, vector<16xf32>,
        %mul3A_108 = arith.constant 16 : i32
        %mul3A_109 = arith.muli %add3A_104, %mul3A_108 : i32
        %get3A_110 = arith.index_cast %mul3A_109 : i32 to index
        %get3A_111 = tpu.vector_load %arg11[%get3A_110] {strides = array<i32>} : memref<640xf32, #tpu.memory_space<vmem>>, vector<16xf32>,
        %add3A_112 = arith.addf %get3A_107, %get3A_111 : vector<16xf32>
        %mul3A_113 = arith.constant 16 : i32
        %mul3A_114 = arith.muli %add3A_104, %mul3A_113 : i32
        %swap3A = arith.index_cast %mul3A_114 : i32 to index
        %swap3A_115 = tpu.vector_load %arg13[%swap3A] {strides = array<i32>} : memref<640xf32, #tpu.memory_space<vmem>>, vector<16xf32>,
        tpu.vector_store %arg13[%swap3A], %add3A_112 {strides = array<i32>} : memref<640xf32, #tpu.memory_space<vmem>>, vector<16xf32>,
      }
      %scan3A_93 = arith.constant 40 : i32
      %run_scoped3A_94 = arith.constant 1 : i32
      "tpu.region"() ({
        %run_scoped3A_100 = tpu.sem_alloc : memref<!tpu.dma_semaphore, #tpu.memory_space<semaphore_mem>>
        %dma_start3A = tpu.memref_slice %arg10[%add3A_87, %run_scoped3A_94, %mul3A_54] : memref<16x2x10240xf32, #tpu.memory_space<vmem_shared>> -> memref<1x1x640xf32, #tpu.memory_space<vmem_shared>>
        %dma_start3A_101 = tpu.memref_squeeze %dma_start3A : memref<1x1x640xf32, #tpu.memory_space<vmem_shared>> -> memref<640xf32, #tpu.memory_space<vmem_shared>>
        %dma_start3A_102 = tpu.memref_slice %arg10[%add3A_87, %run_scoped3A_94, %mul3A_54] : memref<16x2x10240xf32, #tpu.memory_space<vmem_shared>> -> memref<1x1x640xf32, #tpu.memory_space<vmem_shared>>
        %dma_start3A_103 = tpu.memref_squeeze %dma_start3A_102 : memref<1x1x640xf32, #tpu.memory_space<vmem_shared>> -> memref<640xf32, #tpu.memory_space<vmem_shared>>
        tpu.enqueue_dma source(%dma_start3A_103 : memref<640xf32, #tpu.memory_space<vmem_shared>>) target(%arg11 : memref<640xf32, #tpu.memory_space<vmem>>) target_semaphore(%run_scoped3A_100 : memref<!tpu.dma_semaphore, #tpu.memory_space<semaphore_mem>>)
        %dma_wait3A = tpu.memref_slice %arg10[%add3A_87, %run_scoped3A_94, %mul3A_54] : memref<16x2x10240xf32, #tpu.memory_space<vmem_shared>> -> memref<1x1x640xf32, #tpu.memory_space<vmem_shared>>
        %dma_wait3A_104 = tpu.memref_squeeze %dma_wait3A : memref<1x1x640xf32, #tpu.memory_space<vmem_shared>> -> memref<640xf32, #tpu.memory_space<vmem_shared>>
        %dma_wait3A_105 = tpu.memref_slice %arg10[%add3A_87, %run_scoped3A_94, %mul3A_54] : memref<16x2x10240xf32, #tpu.memory_space<vmem_shared>> -> memref<1x1x640xf32, #tpu.memory_space<vmem_shared>>
        %dma_wait3A_106 = tpu.memref_squeeze %dma_wait3A_105 : memref<1x1x640xf32, #tpu.memory_space<vmem_shared>> -> memref<640xf32, #tpu.memory_space<vmem_shared>>
        tpu.wait_dma2 semaphore(%run_scoped3A_100 : memref<!tpu.dma_semaphore, #tpu.memory_space<semaphore_mem>>) src(%dma_wait3A_106 : memref<640xf32, #tpu.memory_space<vmem_shared>>) dst(%arg11 : memref<640xf32, #tpu.memory_space<vmem>>)
        tpu.yield
      }) : () -> ()
      %scan3A_95 = arith.constant 0 : i32
      %scan3A_96 = arith.constant 40 : i32
      %scan3A_97 = arith.addi %scan3A_95, %scan3A_96 : i32
      %scan3A_98 = arith.constant 1 : i32
      scf.for %scan3A_100 = %scan3A_95 to %scan3A_97 step %scan3A_98  : i32 {
        %mul3A_101 = arith.constant 1 : i32
        %mul3A_102 = arith.muli %scan3A_100, %mul3A_101 : i32
        %add3A_103 = arith.constant 0 : i32
        %add3A_104 = arith.addi %add3A_103, %mul3A_102 : i32
        %mul3A_105 = arith.constant 16 : i32
        %mul3A_106 = arith.muli %add3A_104, %mul3A_105 : i32
        %get3A = arith.index_cast %mul3A_106 : i32 to index
        %get3A_107 = tpu.vector_load %arg14[%get3A] {strides = array<i32>} : memref<640xf32, #tpu.memory_space<vmem>>, vector<16xf32>,
        %mul3A_108 = arith.constant 16 : i32
        %mul3A_109 = arith.muli %add3A_104, %mul3A_108 : i32
        %get3A_110 = arith.index_cast %mul3A_109 : i32 to index
        %get3A_111 = tpu.vector_load %arg11[%get3A_110] {strides = array<i32>} : memref<640xf32, #tpu.memory_space<vmem>>, vector<16xf32>,
        %add3A_112 = arith.addf %get3A_107, %get3A_111 : vector<16xf32>
        %mul3A_113 = arith.constant 16 : i32
        %mul3A_114 = arith.muli %add3A_104, %mul3A_113 : i32
        %swap3A = arith.index_cast %mul3A_114 : i32 to index
        %swap3A_115 = tpu.vector_load %arg14[%swap3A] {strides = array<i32>} : memref<640xf32, #tpu.memory_space<vmem>>, vector<16xf32>,
        tpu.vector_store %arg14[%swap3A], %add3A_112 {strides = array<i32>} : memref<640xf32, #tpu.memory_space<vmem>>, vector<16xf32>,
      }
      %scan3A_99 = arith.constant 40 : i32
    }
    %scan3A_64 = arith.constant 16 : i32
    %scan3A_65 = arith.constant 0 : i32
    %scan3A_66 = arith.constant 40 : i32
    %scan3A_67 = arith.addi %scan3A_65, %scan3A_66 : i32
    %scan3A_68 = arith.constant 1 : i32
    scf.for %scan3A_83 = %scan3A_65 to %scan3A_67 step %scan3A_68  : i32 {
      %mul3A_84 = arith.constant 1 : i32
      %mul3A_85 = arith.muli %scan3A_83, %mul3A_84 : i32
      %add3A_86 = arith.constant 0 : i32
      %add3A_87 = arith.addi %add3A_86, %mul3A_85 : i32
      %mul3A_88 = arith.constant 16 : i32
      %mul3A_89 = arith.muli %add3A_87, %mul3A_88 : i32
      %get3A = arith.index_cast %mul3A_89 : i32 to index
      %get3A_90 = tpu.vector_load %arg13[%get3A] {strides = array<i32>} : memref<640xf32, #tpu.memory_space<vmem>>, vector<16xf32>,
      %max3A = arith.constant 1.000000e+00 : f32
      %max3A_91 = vector.broadcast %max3A : f32 to vector<16xf32>
      %max3A_92 = arith.maximumf %get3A_90, %max3A_91 : vector<16xf32>
      %mul3A_93 = arith.constant 16 : i32
      %mul3A_94 = arith.muli %add3A_87, %mul3A_93 : i32
      %get3A_95 = arith.index_cast %mul3A_94 : i32 to index
      %get3A_96 = tpu.vector_load %arg14[%get3A_95] {strides = array<i32>} : memref<640xf32, #tpu.memory_space<vmem>>, vector<16xf32>,
      %max3A_97 = arith.constant 1.000000e+00 : f32
      %max3A_98 = vector.broadcast %max3A_97 : f32 to vector<16xf32>
      %max3A_99 = arith.maximumf %get3A_96, %max3A_98 : vector<16xf32>
      %mul3A_100 = arith.mulf %max3A_92, %max3A_99 : vector<16xf32>
      %bitcast3A = vector.bitcast %mul3A_100 : vector<16xf32> to vector<16xi32>
      %shift_right_arithmetic3A = arith.constant 1 : i32
      %shift_right_arithmetic3A_101 = vector.broadcast %shift_right_arithmetic3A : i32 to vector<16xi32>
      %shift_right_arithmetic3A_102 = arith.shrsi %bitcast3A, %shift_right_arithmetic3A_101 : vector<16xi32>
      %sub3A = arith.constant 1597463007 : i32
      %sub3A_103 = vector.broadcast %sub3A : i32 to vector<16xi32>
      %sub3A_104 = arith.subi %sub3A_103, %shift_right_arithmetic3A_102 : vector<16xi32>
      %bitcast3A_105 = vector.bitcast %sub3A_104 : vector<16xi32> to vector<16xf32>
      %mul3A_106 = arith.constant 5.000000e-01 : f32
      %mul3A_107 = vector.broadcast %mul3A_106 : f32 to vector<16xf32>
      %mul3A_108 = arith.mulf %mul3A_107, %mul3A_100 : vector<16xf32>
      %mul3A_109 = arith.mulf %mul3A_108, %bitcast3A_105 : vector<16xf32>
      %mul3A_110 = arith.mulf %mul3A_109, %bitcast3A_105 : vector<16xf32>
      %sub3A_111 = arith.constant 1.500000e+00 : f32
      %sub3A_112 = vector.broadcast %sub3A_111 : f32 to vector<16xf32>
      %sub3A_113 = arith.subf %sub3A_112, %mul3A_110 : vector<16xf32>
      %mul3A_114 = arith.mulf %bitcast3A_105, %sub3A_113 : vector<16xf32>
      %mul3A_115 = arith.constant 5.000000e-01 : f32
      %mul3A_116 = vector.broadcast %mul3A_115 : f32 to vector<16xf32>
      %mul3A_117 = arith.mulf %mul3A_116, %mul3A_100 : vector<16xf32>
      %mul3A_118 = arith.mulf %mul3A_117, %mul3A_114 : vector<16xf32>
      %mul3A_119 = arith.mulf %mul3A_118, %mul3A_114 : vector<16xf32>
      %sub3A_120 = arith.constant 1.500000e+00 : f32
      %sub3A_121 = vector.broadcast %sub3A_120 : f32 to vector<16xf32>
      %sub3A_122 = arith.subf %sub3A_121, %mul3A_119 : vector<16xf32>
      %mul3A_123 = arith.mulf %mul3A_114, %sub3A_122 : vector<16xf32>
      %mul3A_124 = arith.constant 5.000000e-01 : f32
      %mul3A_125 = vector.broadcast %mul3A_124 : f32 to vector<16xf32>
      %mul3A_126 = arith.mulf %mul3A_125, %mul3A_100 : vector<16xf32>
      %mul3A_127 = arith.mulf %mul3A_126, %mul3A_123 : vector<16xf32>
      %mul3A_128 = arith.mulf %mul3A_127, %mul3A_123 : vector<16xf32>
      %sub3A_129 = arith.constant 1.500000e+00 : f32
      %sub3A_130 = vector.broadcast %sub3A_129 : f32 to vector<16xf32>
      %sub3A_131 = arith.subf %sub3A_130, %mul3A_128 : vector<16xf32>
      %mul3A_132 = arith.mulf %mul3A_123, %sub3A_131 : vector<16xf32>
      %mul3A_133 = arith.constant 16 : i32
      %mul3A_134 = arith.muli %add3A_87, %mul3A_133 : i32
      %swap3A = arith.index_cast %mul3A_134 : i32 to index
      %swap3A_135 = tpu.vector_load %arg12[%swap3A] {strides = array<i32>} : memref<656xf32, #tpu.memory_space<vmem>>, vector<16xf32>,
      tpu.vector_store %arg12[%swap3A], %mul3A_132 {strides = array<i32>} : memref<656xf32, #tpu.memory_space<vmem>>, vector<16xf32>,
    }
    %scan3A_69 = arith.constant 40 : i32
    %mul3A_70 = arith.constant 320 : i32
    %mul3A_71 = arith.muli %arg0, %mul3A_70 : i32
    %add3A_72 = arith.addi %mul3A_54, %mul3A_71 : i32
    %add3A_73 = arith.constant 320 : i32
    %add3A_74 = arith.addi %add3A_72, %add3A_73 : i32
    %le3A = arith.constant 10000 : i32
    %le3A_75 = arith.cmpi sle, %add3A_74, %le3A : i32
    %convert_element_type3A = arith.extui %le3A_75 : i1 to i32
    %cond3A = arith.constant 0 : i32
    %cond3A_76 = arith.cmpi ne, %convert_element_type3A, %cond3A : i32
    scf.if %cond3A_76 {
      "tpu.region"() ({
        %run_scoped3A_88 = tpu.sem_alloc : memref<!tpu.dma_semaphore, #tpu.memory_space<semaphore_mem>>
        %dma_start3A = arith.constant 0 : i32
        %dma_start3A_89 = arith.constant 0 : i32
        %dma_start3A_90 = tpu.memref_slice %arg15[%dma_start3A, %dma_start3A_89] : memref<320x128xf32, #tpu.memory_space<vmem>> -> memref<320x128xf32, #tpu.memory_space<vmem>>
        %dma_start3A_91 = arith.constant 0 : i32
        %dma_start3A_92 = tpu.memref_slice %arg2[%add3A_72, %dma_start3A_91] : memref<10000x128xf32, #tpu.memory_space<hbm>> -> memref<320x128xf32, #tpu.memory_space<hbm>>
        %dma_start3A_93 = arith.constant 0 : i32
        %dma_start3A_94 = arith.constant 0 : i32
        %dma_start3A_95 = tpu.memref_slice %arg15[%dma_start3A_93, %dma_start3A_94] : memref<320x128xf32, #tpu.memory_space<vmem>> -> memref<320x128xf32, #tpu.memory_space<vmem>>
        %dma_start3A_96 = arith.constant 0 : i32
        %dma_start3A_97 = tpu.memref_slice %arg2[%add3A_72, %dma_start3A_96] : memref<10000x128xf32, #tpu.memory_space<hbm>> -> memref<320x128xf32, #tpu.memory_space<hbm>>
        tpu.enqueue_dma source(%dma_start3A_97 : memref<320x128xf32, #tpu.memory_space<hbm>>) target(%dma_start3A_95 : memref<320x128xf32, #tpu.memory_space<vmem>>) target_semaphore(%run_scoped3A_88 : memref<!tpu.dma_semaphore, #tpu.memory_space<semaphore_mem>>)
        %dma_wait3A = arith.constant 0 : i32
        %dma_wait3A_98 = arith.constant 0 : i32
        %dma_wait3A_99 = tpu.memref_slice %arg15[%dma_wait3A, %dma_wait3A_98] : memref<320x128xf32, #tpu.memory_space<vmem>> -> memref<320x128xf32, #tpu.memory_space<vmem>>
        %dma_wait3A_100 = arith.constant 0 : i32
        %dma_wait3A_101 = tpu.memref_slice %arg2[%add3A_72, %dma_wait3A_100] : memref<10000x128xf32, #tpu.memory_space<hbm>> -> memref<320x128xf32, #tpu.memory_space<hbm>>
        %dma_wait3A_102 = arith.constant 0 : i32
        %dma_wait3A_103 = arith.constant 0 : i32
        %dma_wait3A_104 = tpu.memref_slice %arg15[%dma_wait3A_102, %dma_wait3A_103] : memref<320x128xf32, #tpu.memory_space<vmem>> -> memref<320x128xf32, #tpu.memory_space<vmem>>
        %dma_wait3A_105 = arith.constant 0 : i32
        %dma_wait3A_106 = tpu.memref_slice %arg2[%add3A_72, %dma_wait3A_105] : memref<10000x128xf32, #tpu.memory_space<hbm>> -> memref<320x128xf32, #tpu.memory_space<hbm>>
        tpu.wait_dma2 semaphore(%run_scoped3A_88 : memref<!tpu.dma_semaphore, #tpu.memory_space<semaphore_mem>>) src(%dma_wait3A_106 : memref<320x128xf32, #tpu.memory_space<hbm>>) dst(%dma_wait3A_104 : memref<320x128xf32, #tpu.memory_space<vmem>>)
        tpu.yield
      }) : () -> ()
      %scan3A_83 = arith.constant 0 : i32
      %scan3A_84 = arith.constant 320 : i32
      %scan3A_85 = arith.addi %scan3A_83, %scan3A_84 : i32
      %scan3A_86 = arith.constant 1 : i32
      scf.for %scan3A_88 = %scan3A_83 to %scan3A_85 step %scan3A_86  : i32 {
        %mul3A_89 = arith.constant 1 : i32
        %mul3A_90 = arith.muli %scan3A_88, %mul3A_89 : i32
        %add3A_91 = arith.constant 0 : i32
        %add3A_92 = arith.addi %add3A_91, %mul3A_90 : i32
        %mul3A_93 = arith.constant 320 : i32
        %mul3A_94 = arith.muli %arg0, %mul3A_93 : i32
        %add3A_95 = arith.addi %mul3A_94, %add3A_92 : i32
        %get3A = arith.index_cast %add3A_95 : i32 to index
        %get3A_96 = tpu.vector_load %arg12[%get3A] {strides = array<i32>} : memref<656xf32, #tpu.memory_space<vmem>>, vector<16xf32>,
        %slice3A = vector.extract_strided_slice %get3A_96 {offsets = [0], sizes = [1], strides = [1]} : vector<16xf32> to vector<1xf32>
        %squeeze3A = vector.extract %slice3A[0] : f32 from vector<1xf32>
        %broadcast_in_dim3A_97 = vector.broadcast %squeeze3A : f32 to vector<16xf32>
        %get3A_98 = arith.index_cast %add3A_92 : i32 to index
        %get3A_99 = arith.constant 0 : index
        %get3A_100 = tpu.vector_load %arg15[%get3A_98, %get3A_99] {strides = array<i32>} : memref<320x128xf32, #tpu.memory_space<vmem>>, vector<16xf32>,
        %mul3A_101 = arith.mulf %get3A_100, %broadcast_in_dim3A_97 : vector<16xf32>
        %swap3A = arith.index_cast %add3A_92 : i32 to index
        %swap3A_102 = arith.constant 0 : index
        %swap3A_103 = tpu.vector_load %arg15[%swap3A, %swap3A_102] {strides = array<i32>} : memref<320x128xf32, #tpu.memory_space<vmem>>, vector<16xf32>,
        tpu.vector_store %arg15[%swap3A, %swap3A_102], %mul3A_101 {strides = array<i32>} : memref<320x128xf32, #tpu.memory_space<vmem>>, vector<16xf32>,
        %get3A_104 = arith.index_cast %add3A_92 : i32 to index
        %get3A_105 = arith.constant 16 : index
        %get3A_106 = tpu.vector_load %arg15[%get3A_104, %get3A_105] {strides = array<i32>} : memref<320x128xf32, #tpu.memory_space<vmem>>, vector<16xf32>,
        %mul3A_107 = arith.mulf %get3A_106, %broadcast_in_dim3A_97 : vector<16xf32>
        %swap3A_108 = arith.index_cast %add3A_92 : i32 to index
        %swap3A_109 = arith.constant 16 : index
        %swap3A_110 = tpu.vector_load %arg15[%swap3A_108, %swap3A_109] {strides = array<i32>} : memref<320x128xf32, #tpu.memory_space<vmem>>, vector<16xf32>,
        tpu.vector_store %arg15[%swap3A_108, %swap3A_109], %mul3A_107 {strides = array<i32>} : memref<320x128xf32, #tpu.memory_space<vmem>>, vector<16xf32>,
        %get3A_111 = arith.index_cast %add3A_92 : i32 to index
        %get3A_112 = arith.constant 32 : index
        %get3A_113 = tpu.vector_load %arg15[%get3A_111, %get3A_112] {strides = array<i32>} : memref<320x128xf32, #tpu.memory_space<vmem>>, vector<16xf32>,
        %mul3A_114 = arith.mulf %get3A_113, %broadcast_in_dim3A_97 : vector<16xf32>
        %swap3A_115 = arith.index_cast %add3A_92 : i32 to index
        %swap3A_116 = arith.constant 32 : index
        %swap3A_117 = tpu.vector_load %arg15[%swap3A_115, %swap3A_116] {strides = array<i32>} : memref<320x128xf32, #tpu.memory_space<vmem>>, vector<16xf32>,
        tpu.vector_store %arg15[%swap3A_115, %swap3A_116], %mul3A_114 {strides = array<i32>} : memref<320x128xf32, #tpu.memory_space<vmem>>, vector<16xf32>,
        %get3A_118 = arith.index_cast %add3A_92 : i32 to index
        %get3A_119 = arith.constant 48 : index
        %get3A_120 = tpu.vector_load %arg15[%get3A_118, %get3A_119] {strides = array<i32>} : memref<320x128xf32, #tpu.memory_space<vmem>>, vector<16xf32>,
        %mul3A_121 = arith.mulf %get3A_120, %broadcast_in_dim3A_97 : vector<16xf32>
        %swap3A_122 = arith.index_cast %add3A_92 : i32 to index
        %swap3A_123 = arith.constant 48 : index
        %swap3A_124 = tpu.vector_load %arg15[%swap3A_122, %swap3A_123] {strides = array<i32>} : memref<320x128xf32, #tpu.memory_space<vmem>>, vector<16xf32>,
        tpu.vector_store %arg15[%swap3A_122, %swap3A_123], %mul3A_121 {strides = array<i32>} : memref<320x128xf32, #tpu.memory_space<vmem>>, vector<16xf32>,
        %get3A_125 = arith.index_cast %add3A_92 : i32 to index
        %get3A_126 = arith.constant 64 : index
        %get3A_127 = tpu.vector_load %arg15[%get3A_125, %get3A_126] {strides = array<i32>} : memref<320x128xf32, #tpu.memory_space<vmem>>, vector<16xf32>,
        %mul3A_128 = arith.mulf %get3A_127, %broadcast_in_dim3A_97 : vector<16xf32>
        %swap3A_129 = arith.index_cast %add3A_92 : i32 to index
        %swap3A_130 = arith.constant 64 : index
        %swap3A_131 = tpu.vector_load %arg15[%swap3A_129, %swap3A_130] {strides = array<i32>} : memref<320x128xf32, #tpu.memory_space<vmem>>, vector<16xf32>,
        tpu.vector_store %arg15[%swap3A_129, %swap3A_130], %mul3A_128 {strides = array<i32>} : memref<320x128xf32, #tpu.memory_space<vmem>>, vector<16xf32>,
        %get3A_132 = arith.index_cast %add3A_92 : i32 to index
        %get3A_133 = arith.constant 80 : index
        %get3A_134 = tpu.vector_load %arg15[%get3A_132, %get3A_133] {strides = array<i32>} : memref<320x128xf32, #tpu.memory_space<vmem>>, vector<16xf32>,
        %mul3A_135 = arith.mulf %get3A_134, %broadcast_in_dim3A_97 : vector<16xf32>
        %swap3A_136 = arith.index_cast %add3A_92 : i32 to index
        %swap3A_137 = arith.constant 80 : index
        %swap3A_138 = tpu.vector_load %arg15[%swap3A_136, %swap3A_137] {strides = array<i32>} : memref<320x128xf32, #tpu.memory_space<vmem>>, vector<16xf32>,
        tpu.vector_store %arg15[%swap3A_136, %swap3A_137], %mul3A_135 {strides = array<i32>} : memref<320x128xf32, #tpu.memory_space<vmem>>, vector<16xf32>,
        %get3A_139 = arith.index_cast %add3A_92 : i32 to index
        %get3A_140 = arith.constant 96 : index
        %get3A_141 = tpu.vector_load %arg15[%get3A_139, %get3A_140] {strides = array<i32>} : memref<320x128xf32, #tpu.memory_space<vmem>>, vector<16xf32>,
        %mul3A_142 = arith.mulf %get3A_141, %broadcast_in_dim3A_97 : vector<16xf32>
        %swap3A_143 = arith.index_cast %add3A_92 : i32 to index
        %swap3A_144 = arith.constant 96 : index
        %swap3A_145 = tpu.vector_load %arg15[%swap3A_143, %swap3A_144] {strides = array<i32>} : memref<320x128xf32, #tpu.memory_space<vmem>>, vector<16xf32>,
        tpu.vector_store %arg15[%swap3A_143, %swap3A_144], %mul3A_142 {strides = array<i32>} : memref<320x128xf32, #tpu.memory_space<vmem>>, vector<16xf32>,
        %get3A_146 = arith.index_cast %add3A_92 : i32 to index
        %get3A_147 = arith.constant 112 : index
        %get3A_148 = tpu.vector_load %arg15[%get3A_146, %get3A_147] {strides = array<i32>} : memref<320x128xf32, #tpu.memory_space<vmem>>, vector<16xf32>,
        %mul3A_149 = arith.mulf %get3A_148, %broadcast_in_dim3A_97 : vector<16xf32>
        %swap3A_150 = arith.index_cast %add3A_92 : i32 to index
        %swap3A_151 = arith.constant 112 : index
        %swap3A_152 = tpu.vector_load %arg15[%swap3A_150, %swap3A_151] {strides = array<i32>} : memref<320x128xf32, #tpu.memory_space<vmem>>, vector<16xf32>,
        tpu.vector_store %arg15[%swap3A_150, %swap3A_151], %mul3A_149 {strides = array<i32>} : memref<320x128xf32, #tpu.memory_space<vmem>>, vector<16xf32>,
      }
      %scan3A_87 = arith.constant 320 : i32
      "tpu.region"() ({
        %run_scoped3A_88 = tpu.sem_alloc : memref<!tpu.dma_semaphore, #tpu.memory_space<semaphore_mem>>
        %dma_start3A = arith.constant 0 : i32
        %dma_start3A_89 = arith.constant 0 : i32
        %dma_start3A_90 = tpu.memref_slice %arg15[%dma_start3A, %dma_start3A_89] : memref<320x128xf32, #tpu.memory_space<vmem>> -> memref<320x128xf32, #tpu.memory_space<vmem>>
        %dma_start3A_91 = arith.constant 0 : i32
        %dma_start3A_92 = tpu.memref_slice %arg5[%add3A_72, %dma_start3A_91] : memref<10240x128xf32, #tpu.memory_space<hbm>> -> memref<320x128xf32, #tpu.memory_space<hbm>>
        %dma_start3A_93 = arith.constant 0 : i32
        %dma_start3A_94 = tpu.memref_slice %arg5[%add3A_72, %dma_start3A_93] : memref<10240x128xf32, #tpu.memory_space<hbm>> -> memref<320x128xf32, #tpu.memory_space<hbm>>
        %dma_start3A_95 = arith.constant 0 : i32
        %dma_start3A_96 = arith.constant 0 : i32
        %dma_start3A_97 = tpu.memref_slice %arg15[%dma_start3A_95, %dma_start3A_96] : memref<320x128xf32, #tpu.memory_space<vmem>> -> memref<320x128xf32, #tpu.memory_space<vmem>>
        tpu.enqueue_dma source(%dma_start3A_97 : memref<320x128xf32, #tpu.memory_space<vmem>>) target(%dma_start3A_94 : memref<320x128xf32, #tpu.memory_space<hbm>>) target_semaphore(%run_scoped3A_88 : memref<!tpu.dma_semaphore, #tpu.memory_space<semaphore_mem>>)
        %dma_wait3A = arith.constant 0 : i32
        %dma_wait3A_98 = arith.constant 0 : i32
        %dma_wait3A_99 = tpu.memref_slice %arg15[%dma_wait3A, %dma_wait3A_98] : memref<320x128xf32, #tpu.memory_space<vmem>> -> memref<320x128xf32, #tpu.memory_space<vmem>>
        %dma_wait3A_100 = arith.constant 0 : i32
        %dma_wait3A_101 = tpu.memref_slice %arg5[%add3A_72, %dma_wait3A_100] : memref<10240x128xf32, #tpu.memory_space<hbm>> -> memref<320x128xf32, #tpu.memory_space<hbm>>
        %dma_wait3A_102 = arith.constant 0 : i32
        %dma_wait3A_103 = tpu.memref_slice %arg5[%add3A_72, %dma_wait3A_102] : memref<10240x128xf32, #tpu.memory_space<hbm>> -> memref<320x128xf32, #tpu.memory_space<hbm>>
        %dma_wait3A_104 = arith.constant 0 : i32
        %dma_wait3A_105 = arith.constant 0 : i32
        %dma_wait3A_106 = tpu.memref_slice %arg15[%dma_wait3A_104, %dma_wait3A_105] : memref<320x128xf32, #tpu.memory_space<vmem>> -> memref<320x128xf32, #tpu.memory_space<vmem>>
        tpu.wait_dma2 semaphore(%run_scoped3A_88 : memref<!tpu.dma_semaphore, #tpu.memory_space<semaphore_mem>>) src(%dma_wait3A_106 : memref<320x128xf32, #tpu.memory_space<vmem>>) dst(%dma_wait3A_103 : memref<320x128xf32, #tpu.memory_space<hbm>>)
        tpu.yield
      }) : () -> ()
    } else {
    }
    %add3A_77 = arith.constant 320 : i32
    %add3A_78 = arith.addi %add3A_72, %add3A_77 : i32
    %gt3A = arith.constant 10000 : i32
    %gt3A_79 = arith.cmpi sgt, %add3A_78, %gt3A : i32
    %convert_element_type3A_80 = arith.extui %gt3A_79 : i1 to i32
    %cond3A_81 = arith.constant 0 : i32
    %cond3A_82 = arith.cmpi ne, %convert_element_type3A_80, %cond3A_81 : i32
    scf.if %cond3A_82 {
      "tpu.region"() ({
        %run_scoped3A_88 = tpu.sem_alloc : memref<!tpu.dma_semaphore, #tpu.memory_space<semaphore_mem>>
        %dma_start3A = arith.constant 0 : i32
        %dma_start3A_89 = arith.constant 0 : i32
        %dma_start3A_90 = tpu.memref_slice %arg15[%dma_start3A, %dma_start3A_89] : memref<320x128xf32, #tpu.memory_space<vmem>> -> memref<80x128xf32, #tpu.memory_space<vmem>>
        %dma_start3A_91 = arith.constant 0 : i32
        %dma_start3A_92 = tpu.memref_slice %arg2[%add3A_72, %dma_start3A_91] : memref<10000x128xf32, #tpu.memory_space<hbm>> -> memref<80x128xf32, #tpu.memory_space<hbm>>
        %dma_start3A_93 = arith.constant 0 : i32
        %dma_start3A_94 = arith.constant 0 : i32
        %dma_start3A_95 = tpu.memref_slice %arg15[%dma_start3A_93, %dma_start3A_94] : memref<320x128xf32, #tpu.memory_space<vmem>> -> memref<80x128xf32, #tpu.memory_space<vmem>>
        %dma_start3A_96 = arith.constant 0 : i32
        %dma_start3A_97 = tpu.memref_slice %arg2[%add3A_72, %dma_start3A_96] : memref<10000x128xf32, #tpu.memory_space<hbm>> -> memref<80x128xf32, #tpu.memory_space<hbm>>
        tpu.enqueue_dma source(%dma_start3A_97 : memref<80x128xf32, #tpu.memory_space<hbm>>) target(%dma_start3A_95 : memref<80x128xf32, #tpu.memory_space<vmem>>) target_semaphore(%run_scoped3A_88 : memref<!tpu.dma_semaphore, #tpu.memory_space<semaphore_mem>>)
        %dma_wait3A = arith.constant 0 : i32
        %dma_wait3A_98 = arith.constant 0 : i32
        %dma_wait3A_99 = tpu.memref_slice %arg15[%dma_wait3A, %dma_wait3A_98] : memref<320x128xf32, #tpu.memory_space<vmem>> -> memref<80x128xf32, #tpu.memory_space<vmem>>
        %dma_wait3A_100 = arith.constant 0 : i32
        %dma_wait3A_101 = tpu.memref_slice %arg2[%add3A_72, %dma_wait3A_100] : memref<10000x128xf32, #tpu.memory_space<hbm>> -> memref<80x128xf32, #tpu.memory_space<hbm>>
        %dma_wait3A_102 = arith.constant 0 : i32
        %dma_wait3A_103 = arith.constant 0 : i32
        %dma_wait3A_104 = tpu.memref_slice %arg15[%dma_wait3A_102, %dma_wait3A_103] : memref<320x128xf32, #tpu.memory_space<vmem>> -> memref<80x128xf32, #tpu.memory_space<vmem>>
        %dma_wait3A_105 = arith.constant 0 : i32
        %dma_wait3A_106 = tpu.memref_slice %arg2[%add3A_72, %dma_wait3A_105] : memref<10000x128xf32, #tpu.memory_space<hbm>> -> memref<80x128xf32, #tpu.memory_space<hbm>>
        tpu.wait_dma2 semaphore(%run_scoped3A_88 : memref<!tpu.dma_semaphore, #tpu.memory_space<semaphore_mem>>) src(%dma_wait3A_106 : memref<80x128xf32, #tpu.memory_space<hbm>>) dst(%dma_wait3A_104 : memref<80x128xf32, #tpu.memory_space<vmem>>)
        tpu.yield
      }) : () -> ()
      %scan3A_83 = arith.constant 0 : i32
      %scan3A_84 = arith.constant 80 : i32
      %scan3A_85 = arith.addi %scan3A_83, %scan3A_84 : i32
      %scan3A_86 = arith.constant 1 : i32
      scf.for %scan3A_88 = %scan3A_83 to %scan3A_85 step %scan3A_86  : i32 {
        %mul3A_89 = arith.constant 1 : i32
        %mul3A_90 = arith.muli %scan3A_88, %mul3A_89 : i32
        %add3A_91 = arith.constant 0 : i32
        %add3A_92 = arith.addi %add3A_91, %mul3A_90 : i32
        %mul3A_93 = arith.constant 320 : i32
        %mul3A_94 = arith.muli %arg0, %mul3A_93 : i32
        %add3A_95 = arith.addi %mul3A_94, %add3A_92 : i32
        %get3A = arith.index_cast %add3A_95 : i32 to index
        %get3A_96 = tpu.vector_load %arg12[%get3A] {strides = array<i32>} : memref<656xf32, #tpu.memory_space<vmem>>, vector<16xf32>,
        %slice3A = vector.extract_strided_slice %get3A_96 {offsets = [0], sizes = [1], strides = [1]} : vector<16xf32> to vector<1xf32>
        %squeeze3A = vector.extract %slice3A[0] : f32 from vector<1xf32>
        %broadcast_in_dim3A_97 = vector.broadcast %squeeze3A : f32 to vector<16xf32>
        %get3A_98 = arith.index_cast %add3A_92 : i32 to index
        %get3A_99 = arith.constant 0 : index
        %get3A_100 = tpu.vector_load %arg15[%get3A_98, %get3A_99] {strides = array<i32>} : memref<320x128xf32, #tpu.memory_space<vmem>>, vector<16xf32>,
        %mul3A_101 = arith.mulf %get3A_100, %broadcast_in_dim3A_97 : vector<16xf32>
        %swap3A = arith.index_cast %add3A_92 : i32 to index
        %swap3A_102 = arith.constant 0 : index
        %swap3A_103 = tpu.vector_load %arg15[%swap3A, %swap3A_102] {strides = array<i32>} : memref<320x128xf32, #tpu.memory_space<vmem>>, vector<16xf32>,
        tpu.vector_store %arg15[%swap3A, %swap3A_102], %mul3A_101 {strides = array<i32>} : memref<320x128xf32, #tpu.memory_space<vmem>>, vector<16xf32>,
        %get3A_104 = arith.index_cast %add3A_92 : i32 to index
        %get3A_105 = arith.constant 16 : index
        %get3A_106 = tpu.vector_load %arg15[%get3A_104, %get3A_105] {strides = array<i32>} : memref<320x128xf32, #tpu.memory_space<vmem>>, vector<16xf32>,
        %mul3A_107 = arith.mulf %get3A_106, %broadcast_in_dim3A_97 : vector<16xf32>
        %swap3A_108 = arith.index_cast %add3A_92 : i32 to index
        %swap3A_109 = arith.constant 16 : index
        %swap3A_110 = tpu.vector_load %arg15[%swap3A_108, %swap3A_109] {strides = array<i32>} : memref<320x128xf32, #tpu.memory_space<vmem>>, vector<16xf32>,
        tpu.vector_store %arg15[%swap3A_108, %swap3A_109], %mul3A_107 {strides = array<i32>} : memref<320x128xf32, #tpu.memory_space<vmem>>, vector<16xf32>,
        %get3A_111 = arith.index_cast %add3A_92 : i32 to index
        %get3A_112 = arith.constant 32 : index
        %get3A_113 = tpu.vector_load %arg15[%get3A_111, %get3A_112] {strides = array<i32>} : memref<320x128xf32, #tpu.memory_space<vmem>>, vector<16xf32>,
        %mul3A_114 = arith.mulf %get3A_113, %broadcast_in_dim3A_97 : vector<16xf32>
        %swap3A_115 = arith.index_cast %add3A_92 : i32 to index
        %swap3A_116 = arith.constant 32 : index
        %swap3A_117 = tpu.vector_load %arg15[%swap3A_115, %swap3A_116] {strides = array<i32>} : memref<320x128xf32, #tpu.memory_space<vmem>>, vector<16xf32>,
        tpu.vector_store %arg15[%swap3A_115, %swap3A_116], %mul3A_114 {strides = array<i32>} : memref<320x128xf32, #tpu.memory_space<vmem>>, vector<16xf32>,
        %get3A_118 = arith.index_cast %add3A_92 : i32 to index
        %get3A_119 = arith.constant 48 : index
        %get3A_120 = tpu.vector_load %arg15[%get3A_118, %get3A_119] {strides = array<i32>} : memref<320x128xf32, #tpu.memory_space<vmem>>, vector<16xf32>,
        %mul3A_121 = arith.mulf %get3A_120, %broadcast_in_dim3A_97 : vector<16xf32>
        %swap3A_122 = arith.index_cast %add3A_92 : i32 to index
        %swap3A_123 = arith.constant 48 : index
        %swap3A_124 = tpu.vector_load %arg15[%swap3A_122, %swap3A_123] {strides = array<i32>} : memref<320x128xf32, #tpu.memory_space<vmem>>, vector<16xf32>,
        tpu.vector_store %arg15[%swap3A_122, %swap3A_123], %mul3A_121 {strides = array<i32>} : memref<320x128xf32, #tpu.memory_space<vmem>>, vector<16xf32>,
        %get3A_125 = arith.index_cast %add3A_92 : i32 to index
        %get3A_126 = arith.constant 64 : index
        %get3A_127 = tpu.vector_load %arg15[%get3A_125, %get3A_126] {strides = array<i32>} : memref<320x128xf32, #tpu.memory_space<vmem>>, vector<16xf32>,
        %mul3A_128 = arith.mulf %get3A_127, %broadcast_in_dim3A_97 : vector<16xf32>
        %swap3A_129 = arith.index_cast %add3A_92 : i32 to index
        %swap3A_130 = arith.constant 64 : index
        %swap3A_131 = tpu.vector_load %arg15[%swap3A_129, %swap3A_130] {strides = array<i32>} : memref<320x128xf32, #tpu.memory_space<vmem>>, vector<16xf32>,
        tpu.vector_store %arg15[%swap3A_129, %swap3A_130], %mul3A_128 {strides = array<i32>} : memref<320x128xf32, #tpu.memory_space<vmem>>, vector<16xf32>,
        %get3A_132 = arith.index_cast %add3A_92 : i32 to index
        %get3A_133 = arith.constant 80 : index
        %get3A_134 = tpu.vector_load %arg15[%get3A_132, %get3A_133] {strides = array<i32>} : memref<320x128xf32, #tpu.memory_space<vmem>>, vector<16xf32>,
        %mul3A_135 = arith.mulf %get3A_134, %broadcast_in_dim3A_97 : vector<16xf32>
        %swap3A_136 = arith.index_cast %add3A_92 : i32 to index
        %swap3A_137 = arith.constant 80 : index
        %swap3A_138 = tpu.vector_load %arg15[%swap3A_136, %swap3A_137] {strides = array<i32>} : memref<320x128xf32, #tpu.memory_space<vmem>>, vector<16xf32>,
        tpu.vector_store %arg15[%swap3A_136, %swap3A_137], %mul3A_135 {strides = array<i32>} : memref<320x128xf32, #tpu.memory_space<vmem>>, vector<16xf32>,
        %get3A_139 = arith.index_cast %add3A_92 : i32 to index
        %get3A_140 = arith.constant 96 : index
        %get3A_141 = tpu.vector_load %arg15[%get3A_139, %get3A_140] {strides = array<i32>} : memref<320x128xf32, #tpu.memory_space<vmem>>, vector<16xf32>,
        %mul3A_142 = arith.mulf %get3A_141, %broadcast_in_dim3A_97 : vector<16xf32>
        %swap3A_143 = arith.index_cast %add3A_92 : i32 to index
        %swap3A_144 = arith.constant 96 : index
        %swap3A_145 = tpu.vector_load %arg15[%swap3A_143, %swap3A_144] {strides = array<i32>} : memref<320x128xf32, #tpu.memory_space<vmem>>, vector<16xf32>,
        tpu.vector_store %arg15[%swap3A_143, %swap3A_144], %mul3A_142 {strides = array<i32>} : memref<320x128xf32, #tpu.memory_space<vmem>>, vector<16xf32>,
        %get3A_146 = arith.index_cast %add3A_92 : i32 to index
        %get3A_147 = arith.constant 112 : index
        %get3A_148 = tpu.vector_load %arg15[%get3A_146, %get3A_147] {strides = array<i32>} : memref<320x128xf32, #tpu.memory_space<vmem>>, vector<16xf32>,
        %mul3A_149 = arith.mulf %get3A_148, %broadcast_in_dim3A_97 : vector<16xf32>
        %swap3A_150 = arith.index_cast %add3A_92 : i32 to index
        %swap3A_151 = arith.constant 112 : index
        %swap3A_152 = tpu.vector_load %arg15[%swap3A_150, %swap3A_151] {strides = array<i32>} : memref<320x128xf32, #tpu.memory_space<vmem>>, vector<16xf32>,
        tpu.vector_store %arg15[%swap3A_150, %swap3A_151], %mul3A_149 {strides = array<i32>} : memref<320x128xf32, #tpu.memory_space<vmem>>, vector<16xf32>,
      }
      %scan3A_87 = arith.constant 80 : i32
      "tpu.region"() ({
        %run_scoped3A_88 = tpu.sem_alloc : memref<!tpu.dma_semaphore, #tpu.memory_space<semaphore_mem>>
        %dma_start3A = arith.constant 0 : i32
        %dma_start3A_89 = arith.constant 0 : i32
        %dma_start3A_90 = tpu.memref_slice %arg15[%dma_start3A, %dma_start3A_89] : memref<320x128xf32, #tpu.memory_space<vmem>> -> memref<80x128xf32, #tpu.memory_space<vmem>>
        %dma_start3A_91 = arith.constant 0 : i32
        %dma_start3A_92 = tpu.memref_slice %arg5[%add3A_72, %dma_start3A_91] : memref<10240x128xf32, #tpu.memory_space<hbm>> -> memref<80x128xf32, #tpu.memory_space<hbm>>
        %dma_start3A_93 = arith.constant 0 : i32
        %dma_start3A_94 = tpu.memref_slice %arg5[%add3A_72, %dma_start3A_93] : memref<10240x128xf32, #tpu.memory_space<hbm>> -> memref<80x128xf32, #tpu.memory_space<hbm>>
        %dma_start3A_95 = arith.constant 0 : i32
        %dma_start3A_96 = arith.constant 0 : i32
        %dma_start3A_97 = tpu.memref_slice %arg15[%dma_start3A_95, %dma_start3A_96] : memref<320x128xf32, #tpu.memory_space<vmem>> -> memref<80x128xf32, #tpu.memory_space<vmem>>
        tpu.enqueue_dma source(%dma_start3A_97 : memref<80x128xf32, #tpu.memory_space<vmem>>) target(%dma_start3A_94 : memref<80x128xf32, #tpu.memory_space<hbm>>) target_semaphore(%run_scoped3A_88 : memref<!tpu.dma_semaphore, #tpu.memory_space<semaphore_mem>>)
        %dma_wait3A = arith.constant 0 : i32
        %dma_wait3A_98 = arith.constant 0 : i32
        %dma_wait3A_99 = tpu.memref_slice %arg15[%dma_wait3A, %dma_wait3A_98] : memref<320x128xf32, #tpu.memory_space<vmem>> -> memref<80x128xf32, #tpu.memory_space<vmem>>
        %dma_wait3A_100 = arith.constant 0 : i32
        %dma_wait3A_101 = tpu.memref_slice %arg5[%add3A_72, %dma_wait3A_100] : memref<10240x128xf32, #tpu.memory_space<hbm>> -> memref<80x128xf32, #tpu.memory_space<hbm>>
        %dma_wait3A_102 = arith.constant 0 : i32
        %dma_wait3A_103 = tpu.memref_slice %arg5[%add3A_72, %dma_wait3A_102] : memref<10240x128xf32, #tpu.memory_space<hbm>> -> memref<80x128xf32, #tpu.memory_space<hbm>>
        %dma_wait3A_104 = arith.constant 0 : i32
        %dma_wait3A_105 = arith.constant 0 : i32
        %dma_wait3A_106 = tpu.memref_slice %arg15[%dma_wait3A_104, %dma_wait3A_105] : memref<320x128xf32, #tpu.memory_space<vmem>> -> memref<80x128xf32, #tpu.memory_space<vmem>>
        tpu.wait_dma2 semaphore(%run_scoped3A_88 : memref<!tpu.dma_semaphore, #tpu.memory_space<semaphore_mem>>) src(%dma_wait3A_106 : memref<80x128xf32, #tpu.memory_space<vmem>>) dst(%dma_wait3A_103 : memref<80x128xf32, #tpu.memory_space<hbm>>)
        tpu.yield
      }) : () -> ()
    } else {
    }
    return
  }
}

#map = affine_map<(d0, d1) -> (0, 0)>
#map1 = affine_map<(d0, d1) -> (0, 0, 0, 0)>
#map2 = affine_map<(d0, d1) -> (0, 0, 0)>
module attributes {stable_mosaic.version = 14 : i64} {
  func.func @_agg_body(%arg0: i32, %arg1: i32, %arg2: memref<10240x128xf32, #tpu.memory_space<hbm>>, %arg3: memref<32x4x32x80xi32, #tpu.memory_space<hbm>>, %arg4: memref<32x4x32x80xi32, #tpu.memory_space<hbm>>, %arg5: memref<2x10240x128xf32, #tpu.memory_space<hbm>>, %arg6: memref<32x80xi32, #tpu.memory_space<vmem>>, %arg7: memref<32x80xi32, #tpu.memory_space<vmem>>, %arg8: memref<80x128xf32, #tpu.memory_space<vmem>>, %arg9: memref<80x128xf32, #tpu.memory_space<vmem>>, %arg10: memref<80x128xf32, #tpu.memory_space<vmem>>, %arg11: memref<80x128xf32, #tpu.memory_space<vmem>>, %arg12: memref<!tpu.dma_semaphore, #tpu.memory_space<semaphore_mem>>, %arg13: memref<!tpu.dma_semaphore, #tpu.memory_space<semaphore_mem>>, %arg14: memref<!tpu.dma_semaphore, #tpu.memory_space<semaphore_mem>>, %arg15: memref<!tpu.dma_semaphore, #tpu.memory_space<semaphore_mem>>, %arg16: memref<!tpu.dma_semaphore, #tpu.memory_space<semaphore_mem>>, %arg17: memref<!tpu.dma_semaphore, #tpu.memory_space<semaphore_mem>>, %arg18: memref<!tpu.dma_semaphore, #tpu.memory_space<semaphore_mem>>, %arg19: memref<!tpu.dma_semaphore, #tpu.memory_space<semaphore_mem>>, %arg20: memref<10240x128xf32, #tpu.memory_space<vmem_shared>>) attributes {dimension_semantics = [#tpu.dimension_semantics<core_parallel>, #tpu.dimension_semantics<subcore_parallel>], iteration_bounds = array<i64: 2, 16>, scalar_prefetch = 0 : i64, scratch_operands = 15 : i64, tpu.core_type = #tpu.core_type<sc_vector_subcore>, window_params = [{transform_indices = #map}, {transform_indices = #map1}, {transform_indices = #map1}, {transform_indices = #map2}]} {
    %mul3A = arith.constant 2 : i32
    %mul3A_0 = arith.muli %arg1, %mul3A : i32
    %add3A = arith.addi %mul3A_0, %arg0 : i32
    %scan3A = arith.constant 0 : i32
    %scan3A_1 = arith.constant 80 : i32
    %scan3A_2 = arith.addi %scan3A, %scan3A_1 : i32
    %scan3A_3 = arith.constant 1 : i32
    scf.for %scan3A_497 = %scan3A to %scan3A_2 step %scan3A_3  : i32 {
      %mul3A_498 = arith.constant 1 : i32
      %mul3A_499 = arith.muli %scan3A_497, %mul3A_498 : i32
      %add3A_500 = arith.constant 0 : i32
      %add3A_501 = arith.addi %add3A_500, %mul3A_499 : i32
      %broadcast_in_dim3A = arith.constant 0.000000e+00 : f32
      %broadcast_in_dim3A_502 = vector.broadcast %broadcast_in_dim3A : f32 to vector<16xf32>
      %swap3A = arith.index_cast %add3A_501 : i32 to index
      %swap3A_503 = arith.constant 0 : index
      %swap3A_504 = tpu.vector_load %arg8[%swap3A, %swap3A_503] {strides = array<i32>} : memref<80x128xf32, #tpu.memory_space<vmem>>, vector<16xf32>,
      tpu.vector_store %arg8[%swap3A, %swap3A_503], %broadcast_in_dim3A_502 {strides = array<i32>} : memref<80x128xf32, #tpu.memory_space<vmem>>, vector<16xf32>,
      %broadcast_in_dim3A_505 = arith.constant 0.000000e+00 : f32
      %broadcast_in_dim3A_506 = vector.broadcast %broadcast_in_dim3A_505 : f32 to vector<16xf32>
      %swap3A_507 = arith.index_cast %add3A_501 : i32 to index
      %swap3A_508 = arith.constant 16 : index
      %swap3A_509 = tpu.vector_load %arg8[%swap3A_507, %swap3A_508] {strides = array<i32>} : memref<80x128xf32, #tpu.memory_space<vmem>>, vector<16xf32>,
      tpu.vector_store %arg8[%swap3A_507, %swap3A_508], %broadcast_in_dim3A_506 {strides = array<i32>} : memref<80x128xf32, #tpu.memory_space<vmem>>, vector<16xf32>,
      %broadcast_in_dim3A_510 = arith.constant 0.000000e+00 : f32
      %broadcast_in_dim3A_511 = vector.broadcast %broadcast_in_dim3A_510 : f32 to vector<16xf32>
      %swap3A_512 = arith.index_cast %add3A_501 : i32 to index
      %swap3A_513 = arith.constant 32 : index
      %swap3A_514 = tpu.vector_load %arg8[%swap3A_512, %swap3A_513] {strides = array<i32>} : memref<80x128xf32, #tpu.memory_space<vmem>>, vector<16xf32>,
      tpu.vector_store %arg8[%swap3A_512, %swap3A_513], %broadcast_in_dim3A_511 {strides = array<i32>} : memref<80x128xf32, #tpu.memory_space<vmem>>, vector<16xf32>,
      %broadcast_in_dim3A_515 = arith.constant 0.000000e+00 : f32
      %broadcast_in_dim3A_516 = vector.broadcast %broadcast_in_dim3A_515 : f32 to vector<16xf32>
      %swap3A_517 = arith.index_cast %add3A_501 : i32 to index
      %swap3A_518 = arith.constant 48 : index
      %swap3A_519 = tpu.vector_load %arg8[%swap3A_517, %swap3A_518] {strides = array<i32>} : memref<80x128xf32, #tpu.memory_space<vmem>>, vector<16xf32>,
      tpu.vector_store %arg8[%swap3A_517, %swap3A_518], %broadcast_in_dim3A_516 {strides = array<i32>} : memref<80x128xf32, #tpu.memory_space<vmem>>, vector<16xf32>,
      %broadcast_in_dim3A_520 = arith.constant 0.000000e+00 : f32
      %broadcast_in_dim3A_521 = vector.broadcast %broadcast_in_dim3A_520 : f32 to vector<16xf32>
      %swap3A_522 = arith.index_cast %add3A_501 : i32 to index
      %swap3A_523 = arith.constant 64 : index
      %swap3A_524 = tpu.vector_load %arg8[%swap3A_522, %swap3A_523] {strides = array<i32>} : memref<80x128xf32, #tpu.memory_space<vmem>>, vector<16xf32>,
      tpu.vector_store %arg8[%swap3A_522, %swap3A_523], %broadcast_in_dim3A_521 {strides = array<i32>} : memref<80x128xf32, #tpu.memory_space<vmem>>, vector<16xf32>,
      %broadcast_in_dim3A_525 = arith.constant 0.000000e+00 : f32
      %broadcast_in_dim3A_526 = vector.broadcast %broadcast_in_dim3A_525 : f32 to vector<16xf32>
      %swap3A_527 = arith.index_cast %add3A_501 : i32 to index
      %swap3A_528 = arith.constant 80 : index
      %swap3A_529 = tpu.vector_load %arg8[%swap3A_527, %swap3A_528] {strides = array<i32>} : memref<80x128xf32, #tpu.memory_space<vmem>>, vector<16xf32>,
      tpu.vector_store %arg8[%swap3A_527, %swap3A_528], %broadcast_in_dim3A_526 {strides = array<i32>} : memref<80x128xf32, #tpu.memory_space<vmem>>, vector<16xf32>,
      %broadcast_in_dim3A_530 = arith.constant 0.000000e+00 : f32
      %broadcast_in_dim3A_531 = vector.broadcast %broadcast_in_dim3A_530 : f32 to vector<16xf32>
      %swap3A_532 = arith.index_cast %add3A_501 : i32 to index
      %swap3A_533 = arith.constant 96 : index
      %swap3A_534 = tpu.vector_load %arg8[%swap3A_532, %swap3A_533] {strides = array<i32>} : memref<80x128xf32, #tpu.memory_space<vmem>>, vector<16xf32>,
      tpu.vector_store %arg8[%swap3A_532, %swap3A_533], %broadcast_in_dim3A_531 {strides = array<i32>} : memref<80x128xf32, #tpu.memory_space<vmem>>, vector<16xf32>,
      %broadcast_in_dim3A_535 = arith.constant 0.000000e+00 : f32
      %broadcast_in_dim3A_536 = vector.broadcast %broadcast_in_dim3A_535 : f32 to vector<16xf32>
      %swap3A_537 = arith.index_cast %add3A_501 : i32 to index
      %swap3A_538 = arith.constant 112 : index
      %swap3A_539 = tpu.vector_load %arg8[%swap3A_537, %swap3A_538] {strides = array<i32>} : memref<80x128xf32, #tpu.memory_space<vmem>>, vector<16xf32>,
      tpu.vector_store %arg8[%swap3A_537, %swap3A_538], %broadcast_in_dim3A_536 {strides = array<i32>} : memref<80x128xf32, #tpu.memory_space<vmem>>, vector<16xf32>,
    }
    %scan3A_4 = arith.constant 80 : i32
    %mul3A_5 = arith.constant 640 : i32
    %mul3A_6 = arith.muli %arg1, %mul3A_5 : i32
    %add3A_7 = arith.constant 0 : i32
    %add3A_8 = arith.addi %mul3A_6, %add3A_7 : i32
    "tpu.region"() ({
      %run_scoped3A_497 = tpu.sem_alloc : memref<!tpu.dma_semaphore, #tpu.memory_space<semaphore_mem>>
      %dma_start3A_498 = arith.constant 0 : i32
      %dma_start3A_499 = tpu.memref_slice %arg20[%add3A_8, %dma_start3A_498] : memref<10240x128xf32, #tpu.memory_space<vmem_shared>> -> memref<80x128xf32, #tpu.memory_space<vmem_shared>>
      %dma_start3A_500 = arith.constant 0 : i32
      %dma_start3A_501 = tpu.memref_slice %arg20[%add3A_8, %dma_start3A_500] : memref<10240x128xf32, #tpu.memory_space<vmem_shared>> -> memref<80x128xf32, #tpu.memory_space<vmem_shared>>
      tpu.enqueue_dma source(%arg8 : memref<80x128xf32, #tpu.memory_space<vmem>>) target(%dma_start3A_501 : memref<80x128xf32, #tpu.memory_space<vmem_shared>>) target_semaphore(%run_scoped3A_497 : memref<!tpu.dma_semaphore, #tpu.memory_space<semaphore_mem>>)
      %dma_wait3A_502 = arith.constant 0 : i32
      %dma_wait3A_503 = tpu.memref_slice %arg20[%add3A_8, %dma_wait3A_502] : memref<10240x128xf32, #tpu.memory_space<vmem_shared>> -> memref<80x128xf32, #tpu.memory_space<vmem_shared>>
      %dma_wait3A_504 = arith.constant 0 : i32
      %dma_wait3A_505 = tpu.memref_slice %arg20[%add3A_8, %dma_wait3A_504] : memref<10240x128xf32, #tpu.memory_space<vmem_shared>> -> memref<80x128xf32, #tpu.memory_space<vmem_shared>>
      tpu.wait_dma2 semaphore(%run_scoped3A_497 : memref<!tpu.dma_semaphore, #tpu.memory_space<semaphore_mem>>) src(%arg8 : memref<80x128xf32, #tpu.memory_space<vmem>>) dst(%dma_wait3A_505 : memref<80x128xf32, #tpu.memory_space<vmem_shared>>)
      tpu.yield
    }) : () -> ()
    %add3A_9 = arith.constant 80 : i32
    %add3A_10 = arith.addi %mul3A_6, %add3A_9 : i32
    "tpu.region"() ({
      %run_scoped3A_497 = tpu.sem_alloc : memref<!tpu.dma_semaphore, #tpu.memory_space<semaphore_mem>>
      %dma_start3A_498 = arith.constant 0 : i32
      %dma_start3A_499 = tpu.memref_slice %arg20[%add3A_10, %dma_start3A_498] : memref<10240x128xf32, #tpu.memory_space<vmem_shared>> -> memref<80x128xf32, #tpu.memory_space<vmem_shared>>
      %dma_start3A_500 = arith.constant 0 : i32
      %dma_start3A_501 = tpu.memref_slice %arg20[%add3A_10, %dma_start3A_500] : memref<10240x128xf32, #tpu.memory_space<vmem_shared>> -> memref<80x128xf32, #tpu.memory_space<vmem_shared>>
      tpu.enqueue_dma source(%arg8 : memref<80x128xf32, #tpu.memory_space<vmem>>) target(%dma_start3A_501 : memref<80x128xf32, #tpu.memory_space<vmem_shared>>) target_semaphore(%run_scoped3A_497 : memref<!tpu.dma_semaphore, #tpu.memory_space<semaphore_mem>>)
      %dma_wait3A_502 = arith.constant 0 : i32
      %dma_wait3A_503 = tpu.memref_slice %arg20[%add3A_10, %dma_wait3A_502] : memref<10240x128xf32, #tpu.memory_space<vmem_shared>> -> memref<80x128xf32, #tpu.memory_space<vmem_shared>>
      %dma_wait3A_504 = arith.constant 0 : i32
      %dma_wait3A_505 = tpu.memref_slice %arg20[%add3A_10, %dma_wait3A_504] : memref<10240x128xf32, #tpu.memory_space<vmem_shared>> -> memref<80x128xf32, #tpu.memory_space<vmem_shared>>
      tpu.wait_dma2 semaphore(%run_scoped3A_497 : memref<!tpu.dma_semaphore, #tpu.memory_space<semaphore_mem>>) src(%arg8 : memref<80x128xf32, #tpu.memory_space<vmem>>) dst(%dma_wait3A_505 : memref<80x128xf32, #tpu.memory_space<vmem_shared>>)
      tpu.yield
    }) : () -> ()
    %add3A_11 = arith.constant 160 : i32
    %add3A_12 = arith.addi %mul3A_6, %add3A_11 : i32
    "tpu.region"() ({
      %run_scoped3A_497 = tpu.sem_alloc : memref<!tpu.dma_semaphore, #tpu.memory_space<semaphore_mem>>
      %dma_start3A_498 = arith.constant 0 : i32
      %dma_start3A_499 = tpu.memref_slice %arg20[%add3A_12, %dma_start3A_498] : memref<10240x128xf32, #tpu.memory_space<vmem_shared>> -> memref<80x128xf32, #tpu.memory_space<vmem_shared>>
      %dma_start3A_500 = arith.constant 0 : i32
      %dma_start3A_501 = tpu.memref_slice %arg20[%add3A_12, %dma_start3A_500] : memref<10240x128xf32, #tpu.memory_space<vmem_shared>> -> memref<80x128xf32, #tpu.memory_space<vmem_shared>>
      tpu.enqueue_dma source(%arg8 : memref<80x128xf32, #tpu.memory_space<vmem>>) target(%dma_start3A_501 : memref<80x128xf32, #tpu.memory_space<vmem_shared>>) target_semaphore(%run_scoped3A_497 : memref<!tpu.dma_semaphore, #tpu.memory_space<semaphore_mem>>)
      %dma_wait3A_502 = arith.constant 0 : i32
      %dma_wait3A_503 = tpu.memref_slice %arg20[%add3A_12, %dma_wait3A_502] : memref<10240x128xf32, #tpu.memory_space<vmem_shared>> -> memref<80x128xf32, #tpu.memory_space<vmem_shared>>
      %dma_wait3A_504 = arith.constant 0 : i32
      %dma_wait3A_505 = tpu.memref_slice %arg20[%add3A_12, %dma_wait3A_504] : memref<10240x128xf32, #tpu.memory_space<vmem_shared>> -> memref<80x128xf32, #tpu.memory_space<vmem_shared>>
      tpu.wait_dma2 semaphore(%run_scoped3A_497 : memref<!tpu.dma_semaphore, #tpu.memory_space<semaphore_mem>>) src(%arg8 : memref<80x128xf32, #tpu.memory_space<vmem>>) dst(%dma_wait3A_505 : memref<80x128xf32, #tpu.memory_space<vmem_shared>>)
      tpu.yield
    }) : () -> ()
    %add3A_13 = arith.constant 240 : i32
    %add3A_14 = arith.addi %mul3A_6, %add3A_13 : i32
    "tpu.region"() ({
      %run_scoped3A_497 = tpu.sem_alloc : memref<!tpu.dma_semaphore, #tpu.memory_space<semaphore_mem>>
      %dma_start3A_498 = arith.constant 0 : i32
      %dma_start3A_499 = tpu.memref_slice %arg20[%add3A_14, %dma_start3A_498] : memref<10240x128xf32, #tpu.memory_space<vmem_shared>> -> memref<80x128xf32, #tpu.memory_space<vmem_shared>>
      %dma_start3A_500 = arith.constant 0 : i32
      %dma_start3A_501 = tpu.memref_slice %arg20[%add3A_14, %dma_start3A_500] : memref<10240x128xf32, #tpu.memory_space<vmem_shared>> -> memref<80x128xf32, #tpu.memory_space<vmem_shared>>
      tpu.enqueue_dma source(%arg8 : memref<80x128xf32, #tpu.memory_space<vmem>>) target(%dma_start3A_501 : memref<80x128xf32, #tpu.memory_space<vmem_shared>>) target_semaphore(%run_scoped3A_497 : memref<!tpu.dma_semaphore, #tpu.memory_space<semaphore_mem>>)
      %dma_wait3A_502 = arith.constant 0 : i32
      %dma_wait3A_503 = tpu.memref_slice %arg20[%add3A_14, %dma_wait3A_502] : memref<10240x128xf32, #tpu.memory_space<vmem_shared>> -> memref<80x128xf32, #tpu.memory_space<vmem_shared>>
      %dma_wait3A_504 = arith.constant 0 : i32
      %dma_wait3A_505 = tpu.memref_slice %arg20[%add3A_14, %dma_wait3A_504] : memref<10240x128xf32, #tpu.memory_space<vmem_shared>> -> memref<80x128xf32, #tpu.memory_space<vmem_shared>>
      tpu.wait_dma2 semaphore(%run_scoped3A_497 : memref<!tpu.dma_semaphore, #tpu.memory_space<semaphore_mem>>) src(%arg8 : memref<80x128xf32, #tpu.memory_space<vmem>>) dst(%dma_wait3A_505 : memref<80x128xf32, #tpu.memory_space<vmem_shared>>)
      tpu.yield
    }) : () -> ()
    %add3A_15 = arith.constant 320 : i32
    %add3A_16 = arith.addi %mul3A_6, %add3A_15 : i32
    "tpu.region"() ({
      %run_scoped3A_497 = tpu.sem_alloc : memref<!tpu.dma_semaphore, #tpu.memory_space<semaphore_mem>>
      %dma_start3A_498 = arith.constant 0 : i32
      %dma_start3A_499 = tpu.memref_slice %arg20[%add3A_16, %dma_start3A_498] : memref<10240x128xf32, #tpu.memory_space<vmem_shared>> -> memref<80x128xf32, #tpu.memory_space<vmem_shared>>
      %dma_start3A_500 = arith.constant 0 : i32
      %dma_start3A_501 = tpu.memref_slice %arg20[%add3A_16, %dma_start3A_500] : memref<10240x128xf32, #tpu.memory_space<vmem_shared>> -> memref<80x128xf32, #tpu.memory_space<vmem_shared>>
      tpu.enqueue_dma source(%arg8 : memref<80x128xf32, #tpu.memory_space<vmem>>) target(%dma_start3A_501 : memref<80x128xf32, #tpu.memory_space<vmem_shared>>) target_semaphore(%run_scoped3A_497 : memref<!tpu.dma_semaphore, #tpu.memory_space<semaphore_mem>>)
      %dma_wait3A_502 = arith.constant 0 : i32
      %dma_wait3A_503 = tpu.memref_slice %arg20[%add3A_16, %dma_wait3A_502] : memref<10240x128xf32, #tpu.memory_space<vmem_shared>> -> memref<80x128xf32, #tpu.memory_space<vmem_shared>>
      %dma_wait3A_504 = arith.constant 0 : i32
      %dma_wait3A_505 = tpu.memref_slice %arg20[%add3A_16, %dma_wait3A_504] : memref<10240x128xf32, #tpu.memory_space<vmem_shared>> -> memref<80x128xf32, #tpu.memory_space<vmem_shared>>
      tpu.wait_dma2 semaphore(%run_scoped3A_497 : memref<!tpu.dma_semaphore, #tpu.memory_space<semaphore_mem>>) src(%arg8 : memref<80x128xf32, #tpu.memory_space<vmem>>) dst(%dma_wait3A_505 : memref<80x128xf32, #tpu.memory_space<vmem_shared>>)
      tpu.yield
    }) : () -> ()
    %add3A_17 = arith.constant 400 : i32
    %add3A_18 = arith.addi %mul3A_6, %add3A_17 : i32
    "tpu.region"() ({
      %run_scoped3A_497 = tpu.sem_alloc : memref<!tpu.dma_semaphore, #tpu.memory_space<semaphore_mem>>
      %dma_start3A_498 = arith.constant 0 : i32
      %dma_start3A_499 = tpu.memref_slice %arg20[%add3A_18, %dma_start3A_498] : memref<10240x128xf32, #tpu.memory_space<vmem_shared>> -> memref<80x128xf32, #tpu.memory_space<vmem_shared>>
      %dma_start3A_500 = arith.constant 0 : i32
      %dma_start3A_501 = tpu.memref_slice %arg20[%add3A_18, %dma_start3A_500] : memref<10240x128xf32, #tpu.memory_space<vmem_shared>> -> memref<80x128xf32, #tpu.memory_space<vmem_shared>>
      tpu.enqueue_dma source(%arg8 : memref<80x128xf32, #tpu.memory_space<vmem>>) target(%dma_start3A_501 : memref<80x128xf32, #tpu.memory_space<vmem_shared>>) target_semaphore(%run_scoped3A_497 : memref<!tpu.dma_semaphore, #tpu.memory_space<semaphore_mem>>)
      %dma_wait3A_502 = arith.constant 0 : i32
      %dma_wait3A_503 = tpu.memref_slice %arg20[%add3A_18, %dma_wait3A_502] : memref<10240x128xf32, #tpu.memory_space<vmem_shared>> -> memref<80x128xf32, #tpu.memory_space<vmem_shared>>
      %dma_wait3A_504 = arith.constant 0 : i32
      %dma_wait3A_505 = tpu.memref_slice %arg20[%add3A_18, %dma_wait3A_504] : memref<10240x128xf32, #tpu.memory_space<vmem_shared>> -> memref<80x128xf32, #tpu.memory_space<vmem_shared>>
      tpu.wait_dma2 semaphore(%run_scoped3A_497 : memref<!tpu.dma_semaphore, #tpu.memory_space<semaphore_mem>>) src(%arg8 : memref<80x128xf32, #tpu.memory_space<vmem>>) dst(%dma_wait3A_505 : memref<80x128xf32, #tpu.memory_space<vmem_shared>>)
      tpu.yield
    }) : () -> ()
    %add3A_19 = arith.constant 480 : i32
    %add3A_20 = arith.addi %mul3A_6, %add3A_19 : i32
    "tpu.region"() ({
      %run_scoped3A_497 = tpu.sem_alloc : memref<!tpu.dma_semaphore, #tpu.memory_space<semaphore_mem>>
      %dma_start3A_498 = arith.constant 0 : i32
      %dma_start3A_499 = tpu.memref_slice %arg20[%add3A_20, %dma_start3A_498] : memref<10240x128xf32, #tpu.memory_space<vmem_shared>> -> memref<80x128xf32, #tpu.memory_space<vmem_shared>>
      %dma_start3A_500 = arith.constant 0 : i32
      %dma_start3A_501 = tpu.memref_slice %arg20[%add3A_20, %dma_start3A_500] : memref<10240x128xf32, #tpu.memory_space<vmem_shared>> -> memref<80x128xf32, #tpu.memory_space<vmem_shared>>
      tpu.enqueue_dma source(%arg8 : memref<80x128xf32, #tpu.memory_space<vmem>>) target(%dma_start3A_501 : memref<80x128xf32, #tpu.memory_space<vmem_shared>>) target_semaphore(%run_scoped3A_497 : memref<!tpu.dma_semaphore, #tpu.memory_space<semaphore_mem>>)
      %dma_wait3A_502 = arith.constant 0 : i32
      %dma_wait3A_503 = tpu.memref_slice %arg20[%add3A_20, %dma_wait3A_502] : memref<10240x128xf32, #tpu.memory_space<vmem_shared>> -> memref<80x128xf32, #tpu.memory_space<vmem_shared>>
      %dma_wait3A_504 = arith.constant 0 : i32
      %dma_wait3A_505 = tpu.memref_slice %arg20[%add3A_20, %dma_wait3A_504] : memref<10240x128xf32, #tpu.memory_space<vmem_shared>> -> memref<80x128xf32, #tpu.memory_space<vmem_shared>>
      tpu.wait_dma2 semaphore(%run_scoped3A_497 : memref<!tpu.dma_semaphore, #tpu.memory_space<semaphore_mem>>) src(%arg8 : memref<80x128xf32, #tpu.memory_space<vmem>>) dst(%dma_wait3A_505 : memref<80x128xf32, #tpu.memory_space<vmem_shared>>)
      tpu.yield
    }) : () -> ()
    %add3A_21 = arith.constant 560 : i32
    %add3A_22 = arith.addi %mul3A_6, %add3A_21 : i32
    "tpu.region"() ({
      %run_scoped3A_497 = tpu.sem_alloc : memref<!tpu.dma_semaphore, #tpu.memory_space<semaphore_mem>>
      %dma_start3A_498 = arith.constant 0 : i32
      %dma_start3A_499 = tpu.memref_slice %arg20[%add3A_22, %dma_start3A_498] : memref<10240x128xf32, #tpu.memory_space<vmem_shared>> -> memref<80x128xf32, #tpu.memory_space<vmem_shared>>
      %dma_start3A_500 = arith.constant 0 : i32
      %dma_start3A_501 = tpu.memref_slice %arg20[%add3A_22, %dma_start3A_500] : memref<10240x128xf32, #tpu.memory_space<vmem_shared>> -> memref<80x128xf32, #tpu.memory_space<vmem_shared>>
      tpu.enqueue_dma source(%arg8 : memref<80x128xf32, #tpu.memory_space<vmem>>) target(%dma_start3A_501 : memref<80x128xf32, #tpu.memory_space<vmem_shared>>) target_semaphore(%run_scoped3A_497 : memref<!tpu.dma_semaphore, #tpu.memory_space<semaphore_mem>>)
      %dma_wait3A_502 = arith.constant 0 : i32
      %dma_wait3A_503 = tpu.memref_slice %arg20[%add3A_22, %dma_wait3A_502] : memref<10240x128xf32, #tpu.memory_space<vmem_shared>> -> memref<80x128xf32, #tpu.memory_space<vmem_shared>>
      %dma_wait3A_504 = arith.constant 0 : i32
      %dma_wait3A_505 = tpu.memref_slice %arg20[%add3A_22, %dma_wait3A_504] : memref<10240x128xf32, #tpu.memory_space<vmem_shared>> -> memref<80x128xf32, #tpu.memory_space<vmem_shared>>
      tpu.wait_dma2 semaphore(%run_scoped3A_497 : memref<!tpu.dma_semaphore, #tpu.memory_space<semaphore_mem>>) src(%arg8 : memref<80x128xf32, #tpu.memory_space<vmem>>) dst(%dma_wait3A_505 : memref<80x128xf32, #tpu.memory_space<vmem_shared>>)
      tpu.yield
    }) : () -> ()
    %barrier3A = arith.constant 0 : index
    tpu.barrier barrier_id(%barrier3A)
    %run_scoped3A = arith.constant 0 : i32
    "tpu.region"() ({
      %run_scoped3A_497 = tpu.sem_alloc : memref<!tpu.dma_semaphore, #tpu.memory_space<semaphore_mem>>
      %dma_start3A_498 = arith.constant 0 : i32
      %dma_start3A_499 = arith.constant 0 : i32
      %dma_start3A_500 = tpu.memref_slice %arg3[%add3A, %run_scoped3A, %dma_start3A_498, %dma_start3A_499] : memref<32x4x32x80xi32, #tpu.memory_space<hbm>> -> memref<1x1x32x80xi32, #tpu.memory_space<hbm>>
      %dma_start3A_501 = tpu.memref_squeeze %dma_start3A_500 : memref<1x1x32x80xi32, #tpu.memory_space<hbm>> -> memref<32x80xi32, #tpu.memory_space<hbm>>
      %dma_start3A_502 = arith.constant 0 : i32
      %dma_start3A_503 = arith.constant 0 : i32
      %dma_start3A_504 = tpu.memref_slice %arg3[%add3A, %run_scoped3A, %dma_start3A_502, %dma_start3A_503] : memref<32x4x32x80xi32, #tpu.memory_space<hbm>> -> memref<1x1x32x80xi32, #tpu.memory_space<hbm>>
      %dma_start3A_505 = tpu.memref_squeeze %dma_start3A_504 : memref<1x1x32x80xi32, #tpu.memory_space<hbm>> -> memref<32x80xi32, #tpu.memory_space<hbm>>
      tpu.enqueue_dma source(%dma_start3A_505 : memref<32x80xi32, #tpu.memory_space<hbm>>) target(%arg6 : memref<32x80xi32, #tpu.memory_space<vmem>>) target_semaphore(%run_scoped3A_497 : memref<!tpu.dma_semaphore, #tpu.memory_space<semaphore_mem>>)
      %dma_wait3A_506 = arith.constant 0 : i32
      %dma_wait3A_507 = arith.constant 0 : i32
      %dma_wait3A_508 = tpu.memref_slice %arg3[%add3A, %run_scoped3A, %dma_wait3A_506, %dma_wait3A_507] : memref<32x4x32x80xi32, #tpu.memory_space<hbm>> -> memref<1x1x32x80xi32, #tpu.memory_space<hbm>>
      %dma_wait3A_509 = tpu.memref_squeeze %dma_wait3A_508 : memref<1x1x32x80xi32, #tpu.memory_space<hbm>> -> memref<32x80xi32, #tpu.memory_space<hbm>>
      %dma_wait3A_510 = arith.constant 0 : i32
      %dma_wait3A_511 = arith.constant 0 : i32
      %dma_wait3A_512 = tpu.memref_slice %arg3[%add3A, %run_scoped3A, %dma_wait3A_510, %dma_wait3A_511] : memref<32x4x32x80xi32, #tpu.memory_space<hbm>> -> memref<1x1x32x80xi32, #tpu.memory_space<hbm>>
      %dma_wait3A_513 = tpu.memref_squeeze %dma_wait3A_512 : memref<1x1x32x80xi32, #tpu.memory_space<hbm>> -> memref<32x80xi32, #tpu.memory_space<hbm>>
      tpu.wait_dma2 semaphore(%run_scoped3A_497 : memref<!tpu.dma_semaphore, #tpu.memory_space<semaphore_mem>>) src(%dma_wait3A_513 : memref<32x80xi32, #tpu.memory_space<hbm>>) dst(%arg6 : memref<32x80xi32, #tpu.memory_space<vmem>>)
      tpu.yield
    }) : () -> ()
    %run_scoped3A_23 = arith.constant 0 : i32
    "tpu.region"() ({
      %run_scoped3A_497 = tpu.sem_alloc : memref<!tpu.dma_semaphore, #tpu.memory_space<semaphore_mem>>
      %dma_start3A_498 = arith.constant 0 : i32
      %dma_start3A_499 = arith.constant 0 : i32
      %dma_start3A_500 = tpu.memref_slice %arg4[%add3A, %run_scoped3A_23, %dma_start3A_498, %dma_start3A_499] : memref<32x4x32x80xi32, #tpu.memory_space<hbm>> -> memref<1x1x32x80xi32, #tpu.memory_space<hbm>>
      %dma_start3A_501 = tpu.memref_squeeze %dma_start3A_500 : memref<1x1x32x80xi32, #tpu.memory_space<hbm>> -> memref<32x80xi32, #tpu.memory_space<hbm>>
      %dma_start3A_502 = arith.constant 0 : i32
      %dma_start3A_503 = arith.constant 0 : i32
      %dma_start3A_504 = tpu.memref_slice %arg4[%add3A, %run_scoped3A_23, %dma_start3A_502, %dma_start3A_503] : memref<32x4x32x80xi32, #tpu.memory_space<hbm>> -> memref<1x1x32x80xi32, #tpu.memory_space<hbm>>
      %dma_start3A_505 = tpu.memref_squeeze %dma_start3A_504 : memref<1x1x32x80xi32, #tpu.memory_space<hbm>> -> memref<32x80xi32, #tpu.memory_space<hbm>>
      tpu.enqueue_dma source(%dma_start3A_505 : memref<32x80xi32, #tpu.memory_space<hbm>>) target(%arg7 : memref<32x80xi32, #tpu.memory_space<vmem>>) target_semaphore(%run_scoped3A_497 : memref<!tpu.dma_semaphore, #tpu.memory_space<semaphore_mem>>)
      %dma_wait3A_506 = arith.constant 0 : i32
      %dma_wait3A_507 = arith.constant 0 : i32
      %dma_wait3A_508 = tpu.memref_slice %arg4[%add3A, %run_scoped3A_23, %dma_wait3A_506, %dma_wait3A_507] : memref<32x4x32x80xi32, #tpu.memory_space<hbm>> -> memref<1x1x32x80xi32, #tpu.memory_space<hbm>>
      %dma_wait3A_509 = tpu.memref_squeeze %dma_wait3A_508 : memref<1x1x32x80xi32, #tpu.memory_space<hbm>> -> memref<32x80xi32, #tpu.memory_space<hbm>>
      %dma_wait3A_510 = arith.constant 0 : i32
      %dma_wait3A_511 = arith.constant 0 : i32
      %dma_wait3A_512 = tpu.memref_slice %arg4[%add3A, %run_scoped3A_23, %dma_wait3A_510, %dma_wait3A_511] : memref<32x4x32x80xi32, #tpu.memory_space<hbm>> -> memref<1x1x32x80xi32, #tpu.memory_space<hbm>>
      %dma_wait3A_513 = tpu.memref_squeeze %dma_wait3A_512 : memref<1x1x32x80xi32, #tpu.memory_space<hbm>> -> memref<32x80xi32, #tpu.memory_space<hbm>>
      tpu.wait_dma2 semaphore(%run_scoped3A_497 : memref<!tpu.dma_semaphore, #tpu.memory_space<semaphore_mem>>) src(%dma_wait3A_513 : memref<32x80xi32, #tpu.memory_space<hbm>>) dst(%arg7 : memref<32x80xi32, #tpu.memory_space<vmem>>)
      tpu.yield
    }) : () -> ()
    %dma_start3A = arith.constant 0 : i32
    %dma_start3A_24 = arith.constant 0 : i32
    %dma_start3A_25 = tpu.memref_slice %arg6[%dma_start3A, %dma_start3A_24] : memref<32x80xi32, #tpu.memory_space<vmem>> -> memref<1x80xi32, #tpu.memory_space<vmem>>
    %dma_start3A_26 = tpu.memref_squeeze %dma_start3A_25 : memref<1x80xi32, #tpu.memory_space<vmem>> -> memref<80xi32, #tpu.memory_space<vmem>>
    %dma_start3A_27 = arith.constant 0 : i32
    %dma_start3A_28 = arith.constant 0 : i32
    %dma_start3A_29 = tpu.memref_slice %arg2[%dma_start3A_27, %dma_start3A_28] : memref<10240x128xf32, #tpu.memory_space<hbm>> -> memref<10240x128xf32, #tpu.memory_space<hbm>>
    tpu.enqueue_indirect_dma source(%dma_start3A_29 : memref<10240x128xf32, #tpu.memory_space<hbm>>) target(%arg8 : memref<80x128xf32, #tpu.memory_space<vmem>>) offsets(%dma_start3A_26 : memref<80xi32, #tpu.memory_space<vmem>>) semaphore(%arg12 : memref<!tpu.dma_semaphore, #tpu.memory_space<semaphore_mem>>)
    %dma_start3A_30 = arith.constant 1 : i32
    %dma_start3A_31 = arith.constant 0 : i32
    %dma_start3A_32 = tpu.memref_slice %arg6[%dma_start3A_30, %dma_start3A_31] : memref<32x80xi32, #tpu.memory_space<vmem>> -> memref<1x80xi32, #tpu.memory_space<vmem>>
    %dma_start3A_33 = tpu.memref_squeeze %dma_start3A_32 : memref<1x80xi32, #tpu.memory_space<vmem>> -> memref<80xi32, #tpu.memory_space<vmem>>
    %dma_start3A_34 = arith.constant 0 : i32
    %dma_start3A_35 = arith.constant 0 : i32
    %dma_start3A_36 = tpu.memref_slice %arg2[%dma_start3A_34, %dma_start3A_35] : memref<10240x128xf32, #tpu.memory_space<hbm>> -> memref<10240x128xf32, #tpu.memory_space<hbm>>
    tpu.enqueue_indirect_dma source(%dma_start3A_36 : memref<10240x128xf32, #tpu.memory_space<hbm>>) target(%arg9 : memref<80x128xf32, #tpu.memory_space<vmem>>) offsets(%dma_start3A_33 : memref<80xi32, #tpu.memory_space<vmem>>) semaphore(%arg13 : memref<!tpu.dma_semaphore, #tpu.memory_space<semaphore_mem>>)
    %dma_start3A_37 = arith.constant 2 : i32
    %dma_start3A_38 = arith.constant 0 : i32
    %dma_start3A_39 = tpu.memref_slice %arg6[%dma_start3A_37, %dma_start3A_38] : memref<32x80xi32, #tpu.memory_space<vmem>> -> memref<1x80xi32, #tpu.memory_space<vmem>>
    %dma_start3A_40 = tpu.memref_squeeze %dma_start3A_39 : memref<1x80xi32, #tpu.memory_space<vmem>> -> memref<80xi32, #tpu.memory_space<vmem>>
    %dma_start3A_41 = arith.constant 0 : i32
    %dma_start3A_42 = arith.constant 0 : i32
    %dma_start3A_43 = tpu.memref_slice %arg2[%dma_start3A_41, %dma_start3A_42] : memref<10240x128xf32, #tpu.memory_space<hbm>> -> memref<10240x128xf32, #tpu.memory_space<hbm>>
    tpu.enqueue_indirect_dma source(%dma_start3A_43 : memref<10240x128xf32, #tpu.memory_space<hbm>>) target(%arg10 : memref<80x128xf32, #tpu.memory_space<vmem>>) offsets(%dma_start3A_40 : memref<80xi32, #tpu.memory_space<vmem>>) semaphore(%arg14 : memref<!tpu.dma_semaphore, #tpu.memory_space<semaphore_mem>>)
    %dma_start3A_44 = arith.constant 3 : i32
    %dma_start3A_45 = arith.constant 0 : i32
    %dma_start3A_46 = tpu.memref_slice %arg6[%dma_start3A_44, %dma_start3A_45] : memref<32x80xi32, #tpu.memory_space<vmem>> -> memref<1x80xi32, #tpu.memory_space<vmem>>
    %dma_start3A_47 = tpu.memref_squeeze %dma_start3A_46 : memref<1x80xi32, #tpu.memory_space<vmem>> -> memref<80xi32, #tpu.memory_space<vmem>>
    %dma_start3A_48 = arith.constant 0 : i32
    %dma_start3A_49 = arith.constant 0 : i32
    %dma_start3A_50 = tpu.memref_slice %arg2[%dma_start3A_48, %dma_start3A_49] : memref<10240x128xf32, #tpu.memory_space<hbm>> -> memref<10240x128xf32, #tpu.memory_space<hbm>>
    tpu.enqueue_indirect_dma source(%dma_start3A_50 : memref<10240x128xf32, #tpu.memory_space<hbm>>) target(%arg11 : memref<80x128xf32, #tpu.memory_space<vmem>>) offsets(%dma_start3A_47 : memref<80xi32, #tpu.memory_space<vmem>>) semaphore(%arg15 : memref<!tpu.dma_semaphore, #tpu.memory_space<semaphore_mem>>)
    %scan3A_51 = arith.constant 0 : i32
    %scan3A_52 = arith.constant 7 : i32
    %scan3A_53 = arith.addi %scan3A_51, %scan3A_52 : i32
    %scan3A_54 = arith.constant 1 : i32
    scf.for %scan3A_497 = %scan3A_51 to %scan3A_53 step %scan3A_54  : i32 {
      %mul3A_498 = arith.constant 1 : i32
      %mul3A_499 = arith.muli %scan3A_497, %mul3A_498 : i32
      %add3A_500 = arith.constant 0 : i32
      %add3A_501 = arith.addi %add3A_500, %mul3A_499 : i32
      %mul3A_502 = arith.constant 4 : i32
      %mul3A_503 = arith.muli %add3A_501, %mul3A_502 : i32
      %add3A_504 = arith.constant 0 : i32
      %add3A_505 = arith.addi %mul3A_503, %add3A_504 : i32
      %dma_wait3A_506 = arith.constant 0 : i32
      %dma_wait3A_507 = tpu.memref_slice %arg6[%add3A_505, %dma_wait3A_506] : memref<32x80xi32, #tpu.memory_space<vmem>> -> memref<1x80xi32, #tpu.memory_space<vmem>>
      %dma_wait3A_508 = tpu.memref_squeeze %dma_wait3A_507 : memref<1x80xi32, #tpu.memory_space<vmem>> -> memref<80xi32, #tpu.memory_space<vmem>>
      %dma_wait3A_509 = arith.constant 0 : i32
      %dma_wait3A_510 = arith.constant 0 : i32
      %dma_wait3A_511 = tpu.memref_slice %arg2[%dma_wait3A_509, %dma_wait3A_510] : memref<10240x128xf32, #tpu.memory_space<hbm>> -> memref<10240x128xf32, #tpu.memory_space<hbm>>
      tpu.wait_indirect_dma semaphore(%arg12 : memref<!tpu.dma_semaphore, #tpu.memory_space<semaphore_mem>>) src(%dma_wait3A_511 : memref<10240x128xf32, #tpu.memory_space<hbm>>) dst(%arg8 : memref<80x128xf32, #tpu.memory_space<vmem>>)
      %dma_start3A_512 = arith.constant 0 : i32
      %dma_start3A_513 = tpu.memref_slice %arg7[%add3A_505, %dma_start3A_512] : memref<32x80xi32, #tpu.memory_space<vmem>> -> memref<1x80xi32, #tpu.memory_space<vmem>>
      %dma_start3A_514 = tpu.memref_squeeze %dma_start3A_513 : memref<1x80xi32, #tpu.memory_space<vmem>> -> memref<80xi32, #tpu.memory_space<vmem>>
      %dma_start3A_515 = arith.constant 0 : i32
      %dma_start3A_516 = arith.constant 0 : i32
      %dma_start3A_517 = tpu.memref_slice %arg20[%dma_start3A_515, %dma_start3A_516] : memref<10240x128xf32, #tpu.memory_space<vmem_shared>> -> memref<10240x128xf32, #tpu.memory_space<vmem_shared>>
      tpu.enqueue_indirect_dma source(%arg8 : memref<80x128xf32, #tpu.memory_space<vmem>>) target(%dma_start3A_517 : memref<10240x128xf32, #tpu.memory_space<vmem_shared>>) offsets(%dma_start3A_514 : memref<80xi32, #tpu.memory_space<vmem>>) semaphore(%arg16 : memref<!tpu.dma_semaphore, #tpu.memory_space<semaphore_mem>>) {add = true}
      %add3A_518 = arith.constant 1 : i32
      %add3A_519 = arith.addi %mul3A_503, %add3A_518 : i32
      %dma_wait3A_520 = arith.constant 0 : i32
      %dma_wait3A_521 = tpu.memref_slice %arg6[%add3A_519, %dma_wait3A_520] : memref<32x80xi32, #tpu.memory_space<vmem>> -> memref<1x80xi32, #tpu.memory_space<vmem>>
      %dma_wait3A_522 = tpu.memref_squeeze %dma_wait3A_521 : memref<1x80xi32, #tpu.memory_space<vmem>> -> memref<80xi32, #tpu.memory_space<vmem>>
      %dma_wait3A_523 = arith.constant 0 : i32
      %dma_wait3A_524 = arith.constant 0 : i32
      %dma_wait3A_525 = tpu.memref_slice %arg2[%dma_wait3A_523, %dma_wait3A_524] : memref<10240x128xf32, #tpu.memory_space<hbm>> -> memref<10240x128xf32, #tpu.memory_space<hbm>>
      tpu.wait_indirect_dma semaphore(%arg13 : memref<!tpu.dma_semaphore, #tpu.memory_space<semaphore_mem>>) src(%dma_wait3A_525 : memref<10240x128xf32, #tpu.memory_space<hbm>>) dst(%arg9 : memref<80x128xf32, #tpu.memory_space<vmem>>)
      %dma_start3A_526 = arith.constant 0 : i32
      %dma_start3A_527 = tpu.memref_slice %arg7[%add3A_519, %dma_start3A_526] : memref<32x80xi32, #tpu.memory_space<vmem>> -> memref<1x80xi32, #tpu.memory_space<vmem>>
      %dma_start3A_528 = tpu.memref_squeeze %dma_start3A_527 : memref<1x80xi32, #tpu.memory_space<vmem>> -> memref<80xi32, #tpu.memory_space<vmem>>
      %dma_start3A_529 = arith.constant 0 : i32
      %dma_start3A_530 = arith.constant 0 : i32
      %dma_start3A_531 = tpu.memref_slice %arg20[%dma_start3A_529, %dma_start3A_530] : memref<10240x128xf32, #tpu.memory_space<vmem_shared>> -> memref<10240x128xf32, #tpu.memory_space<vmem_shared>>
      tpu.enqueue_indirect_dma source(%arg9 : memref<80x128xf32, #tpu.memory_space<vmem>>) target(%dma_start3A_531 : memref<10240x128xf32, #tpu.memory_space<vmem_shared>>) offsets(%dma_start3A_528 : memref<80xi32, #tpu.memory_space<vmem>>) semaphore(%arg17 : memref<!tpu.dma_semaphore, #tpu.memory_space<semaphore_mem>>) {add = true}
      %add3A_532 = arith.constant 2 : i32
      %add3A_533 = arith.addi %mul3A_503, %add3A_532 : i32
      %dma_wait3A_534 = arith.constant 0 : i32
      %dma_wait3A_535 = tpu.memref_slice %arg6[%add3A_533, %dma_wait3A_534] : memref<32x80xi32, #tpu.memory_space<vmem>> -> memref<1x80xi32, #tpu.memory_space<vmem>>
      %dma_wait3A_536 = tpu.memref_squeeze %dma_wait3A_535 : memref<1x80xi32, #tpu.memory_space<vmem>> -> memref<80xi32, #tpu.memory_space<vmem>>
      %dma_wait3A_537 = arith.constant 0 : i32
      %dma_wait3A_538 = arith.constant 0 : i32
      %dma_wait3A_539 = tpu.memref_slice %arg2[%dma_wait3A_537, %dma_wait3A_538] : memref<10240x128xf32, #tpu.memory_space<hbm>> -> memref<10240x128xf32, #tpu.memory_space<hbm>>
      tpu.wait_indirect_dma semaphore(%arg14 : memref<!tpu.dma_semaphore, #tpu.memory_space<semaphore_mem>>) src(%dma_wait3A_539 : memref<10240x128xf32, #tpu.memory_space<hbm>>) dst(%arg10 : memref<80x128xf32, #tpu.memory_space<vmem>>)
      %dma_start3A_540 = arith.constant 0 : i32
      %dma_start3A_541 = tpu.memref_slice %arg7[%add3A_533, %dma_start3A_540] : memref<32x80xi32, #tpu.memory_space<vmem>> -> memref<1x80xi32, #tpu.memory_space<vmem>>
      %dma_start3A_542 = tpu.memref_squeeze %dma_start3A_541 : memref<1x80xi32, #tpu.memory_space<vmem>> -> memref<80xi32, #tpu.memory_space<vmem>>
      %dma_start3A_543 = arith.constant 0 : i32
      %dma_start3A_544 = arith.constant 0 : i32
      %dma_start3A_545 = tpu.memref_slice %arg20[%dma_start3A_543, %dma_start3A_544] : memref<10240x128xf32, #tpu.memory_space<vmem_shared>> -> memref<10240x128xf32, #tpu.memory_space<vmem_shared>>
      tpu.enqueue_indirect_dma source(%arg10 : memref<80x128xf32, #tpu.memory_space<vmem>>) target(%dma_start3A_545 : memref<10240x128xf32, #tpu.memory_space<vmem_shared>>) offsets(%dma_start3A_542 : memref<80xi32, #tpu.memory_space<vmem>>) semaphore(%arg18 : memref<!tpu.dma_semaphore, #tpu.memory_space<semaphore_mem>>) {add = true}
      %add3A_546 = arith.constant 3 : i32
      %add3A_547 = arith.addi %mul3A_503, %add3A_546 : i32
      %dma_wait3A_548 = arith.constant 0 : i32
      %dma_wait3A_549 = tpu.memref_slice %arg6[%add3A_547, %dma_wait3A_548] : memref<32x80xi32, #tpu.memory_space<vmem>> -> memref<1x80xi32, #tpu.memory_space<vmem>>
      %dma_wait3A_550 = tpu.memref_squeeze %dma_wait3A_549 : memref<1x80xi32, #tpu.memory_space<vmem>> -> memref<80xi32, #tpu.memory_space<vmem>>
      %dma_wait3A_551 = arith.constant 0 : i32
      %dma_wait3A_552 = arith.constant 0 : i32
      %dma_wait3A_553 = tpu.memref_slice %arg2[%dma_wait3A_551, %dma_wait3A_552] : memref<10240x128xf32, #tpu.memory_space<hbm>> -> memref<10240x128xf32, #tpu.memory_space<hbm>>
      tpu.wait_indirect_dma semaphore(%arg15 : memref<!tpu.dma_semaphore, #tpu.memory_space<semaphore_mem>>) src(%dma_wait3A_553 : memref<10240x128xf32, #tpu.memory_space<hbm>>) dst(%arg11 : memref<80x128xf32, #tpu.memory_space<vmem>>)
      %dma_start3A_554 = arith.constant 0 : i32
      %dma_start3A_555 = tpu.memref_slice %arg7[%add3A_547, %dma_start3A_554] : memref<32x80xi32, #tpu.memory_space<vmem>> -> memref<1x80xi32, #tpu.memory_space<vmem>>
      %dma_start3A_556 = tpu.memref_squeeze %dma_start3A_555 : memref<1x80xi32, #tpu.memory_space<vmem>> -> memref<80xi32, #tpu.memory_space<vmem>>
      %dma_start3A_557 = arith.constant 0 : i32
      %dma_start3A_558 = arith.constant 0 : i32
      %dma_start3A_559 = tpu.memref_slice %arg20[%dma_start3A_557, %dma_start3A_558] : memref<10240x128xf32, #tpu.memory_space<vmem_shared>> -> memref<10240x128xf32, #tpu.memory_space<vmem_shared>>
      tpu.enqueue_indirect_dma source(%arg11 : memref<80x128xf32, #tpu.memory_space<vmem>>) target(%dma_start3A_559 : memref<10240x128xf32, #tpu.memory_space<vmem_shared>>) offsets(%dma_start3A_556 : memref<80xi32, #tpu.memory_space<vmem>>) semaphore(%arg19 : memref<!tpu.dma_semaphore, #tpu.memory_space<semaphore_mem>>) {add = true}
      %add3A_560 = arith.constant 0 : i32
      %add3A_561 = arith.addi %mul3A_503, %add3A_560 : i32
      %dma_wait3A_562 = arith.constant 0 : i32
      %dma_wait3A_563 = tpu.memref_slice %arg7[%add3A_561, %dma_wait3A_562] : memref<32x80xi32, #tpu.memory_space<vmem>> -> memref<1x80xi32, #tpu.memory_space<vmem>>
      %dma_wait3A_564 = tpu.memref_squeeze %dma_wait3A_563 : memref<1x80xi32, #tpu.memory_space<vmem>> -> memref<80xi32, #tpu.memory_space<vmem>>
      %dma_wait3A_565 = arith.constant 0 : i32
      %dma_wait3A_566 = arith.constant 0 : i32
      %dma_wait3A_567 = tpu.memref_slice %arg20[%dma_wait3A_565, %dma_wait3A_566] : memref<10240x128xf32, #tpu.memory_space<vmem_shared>> -> memref<10240x128xf32, #tpu.memory_space<vmem_shared>>
      tpu.wait_indirect_dma semaphore(%arg16 : memref<!tpu.dma_semaphore, #tpu.memory_space<semaphore_mem>>) src(%arg8 : memref<80x128xf32, #tpu.memory_space<vmem>>) dst(%dma_wait3A_567 : memref<10240x128xf32, #tpu.memory_space<vmem_shared>>)
      %add3A_568 = arith.constant 4 : i32
      %add3A_569 = arith.addi %add3A_561, %add3A_568 : i32
      %dma_start3A_570 = arith.constant 0 : i32
      %dma_start3A_571 = tpu.memref_slice %arg6[%add3A_569, %dma_start3A_570] : memref<32x80xi32, #tpu.memory_space<vmem>> -> memref<1x80xi32, #tpu.memory_space<vmem>>
      %dma_start3A_572 = tpu.memref_squeeze %dma_start3A_571 : memref<1x80xi32, #tpu.memory_space<vmem>> -> memref<80xi32, #tpu.memory_space<vmem>>
      %dma_start3A_573 = arith.constant 0 : i32
      %dma_start3A_574 = arith.constant 0 : i32
      %dma_start3A_575 = tpu.memref_slice %arg2[%dma_start3A_573, %dma_start3A_574] : memref<10240x128xf32, #tpu.memory_space<hbm>> -> memref<10240x128xf32, #tpu.memory_space<hbm>>
      tpu.enqueue_indirect_dma source(%dma_start3A_575 : memref<10240x128xf32, #tpu.memory_space<hbm>>) target(%arg8 : memref<80x128xf32, #tpu.memory_space<vmem>>) offsets(%dma_start3A_572 : memref<80xi32, #tpu.memory_space<vmem>>) semaphore(%arg12 : memref<!tpu.dma_semaphore, #tpu.memory_space<semaphore_mem>>)
      %add3A_576 = arith.constant 1 : i32
      %add3A_577 = arith.addi %mul3A_503, %add3A_576 : i32
      %dma_wait3A_578 = arith.constant 0 : i32
      %dma_wait3A_579 = tpu.memref_slice %arg7[%add3A_577, %dma_wait3A_578] : memref<32x80xi32, #tpu.memory_space<vmem>> -> memref<1x80xi32, #tpu.memory_space<vmem>>
      %dma_wait3A_580 = tpu.memref_squeeze %dma_wait3A_579 : memref<1x80xi32, #tpu.memory_space<vmem>> -> memref<80xi32, #tpu.memory_space<vmem>>
      %dma_wait3A_581 = arith.constant 0 : i32
      %dma_wait3A_582 = arith.constant 0 : i32
      %dma_wait3A_583 = tpu.memref_slice %arg20[%dma_wait3A_581, %dma_wait3A_582] : memref<10240x128xf32, #tpu.memory_space<vmem_shared>> -> memref<10240x128xf32, #tpu.memory_space<vmem_shared>>
      tpu.wait_indirect_dma semaphore(%arg17 : memref<!tpu.dma_semaphore, #tpu.memory_space<semaphore_mem>>) src(%arg9 : memref<80x128xf32, #tpu.memory_space<vmem>>) dst(%dma_wait3A_583 : memref<10240x128xf32, #tpu.memory_space<vmem_shared>>)
      %add3A_584 = arith.constant 4 : i32
      %add3A_585 = arith.addi %add3A_577, %add3A_584 : i32
      %dma_start3A_586 = arith.constant 0 : i32
      %dma_start3A_587 = tpu.memref_slice %arg6[%add3A_585, %dma_start3A_586] : memref<32x80xi32, #tpu.memory_space<vmem>> -> memref<1x80xi32, #tpu.memory_space<vmem>>
      %dma_start3A_588 = tpu.memref_squeeze %dma_start3A_587 : memref<1x80xi32, #tpu.memory_space<vmem>> -> memref<80xi32, #tpu.memory_space<vmem>>
      %dma_start3A_589 = arith.constant 0 : i32
      %dma_start3A_590 = arith.constant 0 : i32
      %dma_start3A_591 = tpu.memref_slice %arg2[%dma_start3A_589, %dma_start3A_590] : memref<10240x128xf32, #tpu.memory_space<hbm>> -> memref<10240x128xf32, #tpu.memory_space<hbm>>
      tpu.enqueue_indirect_dma source(%dma_start3A_591 : memref<10240x128xf32, #tpu.memory_space<hbm>>) target(%arg9 : memref<80x128xf32, #tpu.memory_space<vmem>>) offsets(%dma_start3A_588 : memref<80xi32, #tpu.memory_space<vmem>>) semaphore(%arg13 : memref<!tpu.dma_semaphore, #tpu.memory_space<semaphore_mem>>)
      %add3A_592 = arith.constant 2 : i32
      %add3A_593 = arith.addi %mul3A_503, %add3A_592 : i32
      %dma_wait3A_594 = arith.constant 0 : i32
      %dma_wait3A_595 = tpu.memref_slice %arg7[%add3A_593, %dma_wait3A_594] : memref<32x80xi32, #tpu.memory_space<vmem>> -> memref<1x80xi32, #tpu.memory_space<vmem>>
      %dma_wait3A_596 = tpu.memref_squeeze %dma_wait3A_595 : memref<1x80xi32, #tpu.memory_space<vmem>> -> memref<80xi32, #tpu.memory_space<vmem>>
      %dma_wait3A_597 = arith.constant 0 : i32
      %dma_wait3A_598 = arith.constant 0 : i32
      %dma_wait3A_599 = tpu.memref_slice %arg20[%dma_wait3A_597, %dma_wait3A_598] : memref<10240x128xf32, #tpu.memory_space<vmem_shared>> -> memref<10240x128xf32, #tpu.memory_space<vmem_shared>>
      tpu.wait_indirect_dma semaphore(%arg18 : memref<!tpu.dma_semaphore, #tpu.memory_space<semaphore_mem>>) src(%arg10 : memref<80x128xf32, #tpu.memory_space<vmem>>) dst(%dma_wait3A_599 : memref<10240x128xf32, #tpu.memory_space<vmem_shared>>)
      %add3A_600 = arith.constant 4 : i32
      %add3A_601 = arith.addi %add3A_593, %add3A_600 : i32
      %dma_start3A_602 = arith.constant 0 : i32
      %dma_start3A_603 = tpu.memref_slice %arg6[%add3A_601, %dma_start3A_602] : memref<32x80xi32, #tpu.memory_space<vmem>> -> memref<1x80xi32, #tpu.memory_space<vmem>>
      %dma_start3A_604 = tpu.memref_squeeze %dma_start3A_603 : memref<1x80xi32, #tpu.memory_space<vmem>> -> memref<80xi32, #tpu.memory_space<vmem>>
      %dma_start3A_605 = arith.constant 0 : i32
      %dma_start3A_606 = arith.constant 0 : i32
      %dma_start3A_607 = tpu.memref_slice %arg2[%dma_start3A_605, %dma_start3A_606] : memref<10240x128xf32, #tpu.memory_space<hbm>> -> memref<10240x128xf32, #tpu.memory_space<hbm>>
      tpu.enqueue_indirect_dma source(%dma_start3A_607 : memref<10240x128xf32, #tpu.memory_space<hbm>>) target(%arg10 : memref<80x128xf32, #tpu.memory_space<vmem>>) offsets(%dma_start3A_604 : memref<80xi32, #tpu.memory_space<vmem>>) semaphore(%arg14 : memref<!tpu.dma_semaphore, #tpu.memory_space<semaphore_mem>>)
      %add3A_608 = arith.constant 3 : i32
      %add3A_609 = arith.addi %mul3A_503, %add3A_608 : i32
      %dma_wait3A_610 = arith.constant 0 : i32
      %dma_wait3A_611 = tpu.memref_slice %arg7[%add3A_609, %dma_wait3A_610] : memref<32x80xi32, #tpu.memory_space<vmem>> -> memref<1x80xi32, #tpu.memory_space<vmem>>
      %dma_wait3A_612 = tpu.memref_squeeze %dma_wait3A_611 : memref<1x80xi32, #tpu.memory_space<vmem>> -> memref<80xi32, #tpu.memory_space<vmem>>
      %dma_wait3A_613 = arith.constant 0 : i32
      %dma_wait3A_614 = arith.constant 0 : i32
      %dma_wait3A_615 = tpu.memref_slice %arg20[%dma_wait3A_613, %dma_wait3A_614] : memref<10240x128xf32, #tpu.memory_space<vmem_shared>> -> memref<10240x128xf32, #tpu.memory_space<vmem_shared>>
      tpu.wait_indirect_dma semaphore(%arg19 : memref<!tpu.dma_semaphore, #tpu.memory_space<semaphore_mem>>) src(%arg11 : memref<80x128xf32, #tpu.memory_space<vmem>>) dst(%dma_wait3A_615 : memref<10240x128xf32, #tpu.memory_space<vmem_shared>>)
      %add3A_616 = arith.constant 4 : i32
      %add3A_617 = arith.addi %add3A_609, %add3A_616 : i32
      %dma_start3A_618 = arith.constant 0 : i32
      %dma_start3A_619 = tpu.memref_slice %arg6[%add3A_617, %dma_start3A_618] : memref<32x80xi32, #tpu.memory_space<vmem>> -> memref<1x80xi32, #tpu.memory_space<vmem>>
      %dma_start3A_620 = tpu.memref_squeeze %dma_start3A_619 : memref<1x80xi32, #tpu.memory_space<vmem>> -> memref<80xi32, #tpu.memory_space<vmem>>
      %dma_start3A_621 = arith.constant 0 : i32
      %dma_start3A_622 = arith.constant 0 : i32
      %dma_start3A_623 = tpu.memref_slice %arg2[%dma_start3A_621, %dma_start3A_622] : memref<10240x128xf32, #tpu.memory_space<hbm>> -> memref<10240x128xf32, #tpu.memory_space<hbm>>
      tpu.enqueue_indirect_dma source(%dma_start3A_623 : memref<10240x128xf32, #tpu.memory_space<hbm>>) target(%arg11 : memref<80x128xf32, #tpu.memory_space<vmem>>) offsets(%dma_start3A_620 : memref<80xi32, #tpu.memory_space<vmem>>) semaphore(%arg15 : memref<!tpu.dma_semaphore, #tpu.memory_space<semaphore_mem>>)
    }
    %scan3A_55 = arith.constant 7 : i32
    %dma_wait3A = arith.constant 28 : i32
    %dma_wait3A_56 = arith.constant 0 : i32
    %dma_wait3A_57 = tpu.memref_slice %arg6[%dma_wait3A, %dma_wait3A_56] : memref<32x80xi32, #tpu.memory_space<vmem>> -> memref<1x80xi32, #tpu.memory_space<vmem>>
    %dma_wait3A_58 = tpu.memref_squeeze %dma_wait3A_57 : memref<1x80xi32, #tpu.memory_space<vmem>> -> memref<80xi32, #tpu.memory_space<vmem>>
    %dma_wait3A_59 = arith.constant 0 : i32
    %dma_wait3A_60 = arith.constant 0 : i32
    %dma_wait3A_61 = tpu.memref_slice %arg2[%dma_wait3A_59, %dma_wait3A_60] : memref<10240x128xf32, #tpu.memory_space<hbm>> -> memref<10240x128xf32, #tpu.memory_space<hbm>>
    tpu.wait_indirect_dma semaphore(%arg12 : memref<!tpu.dma_semaphore, #tpu.memory_space<semaphore_mem>>) src(%dma_wait3A_61 : memref<10240x128xf32, #tpu.memory_space<hbm>>) dst(%arg8 : memref<80x128xf32, #tpu.memory_space<vmem>>)
    %dma_start3A_62 = arith.constant 28 : i32
    %dma_start3A_63 = arith.constant 0 : i32
    %dma_start3A_64 = tpu.memref_slice %arg7[%dma_start3A_62, %dma_start3A_63] : memref<32x80xi32, #tpu.memory_space<vmem>> -> memref<1x80xi32, #tpu.memory_space<vmem>>
    %dma_start3A_65 = tpu.memref_squeeze %dma_start3A_64 : memref<1x80xi32, #tpu.memory_space<vmem>> -> memref<80xi32, #tpu.memory_space<vmem>>
    %dma_start3A_66 = arith.constant 0 : i32
    %dma_start3A_67 = arith.constant 0 : i32
    %dma_start3A_68 = tpu.memref_slice %arg20[%dma_start3A_66, %dma_start3A_67] : memref<10240x128xf32, #tpu.memory_space<vmem_shared>> -> memref<10240x128xf32, #tpu.memory_space<vmem_shared>>
    tpu.enqueue_indirect_dma source(%arg8 : memref<80x128xf32, #tpu.memory_space<vmem>>) target(%dma_start3A_68 : memref<10240x128xf32, #tpu.memory_space<vmem_shared>>) offsets(%dma_start3A_65 : memref<80xi32, #tpu.memory_space<vmem>>) semaphore(%arg16 : memref<!tpu.dma_semaphore, #tpu.memory_space<semaphore_mem>>) {add = true}
    %dma_wait3A_69 = arith.constant 29 : i32
    %dma_wait3A_70 = arith.constant 0 : i32
    %dma_wait3A_71 = tpu.memref_slice %arg6[%dma_wait3A_69, %dma_wait3A_70] : memref<32x80xi32, #tpu.memory_space<vmem>> -> memref<1x80xi32, #tpu.memory_space<vmem>>
    %dma_wait3A_72 = tpu.memref_squeeze %dma_wait3A_71 : memref<1x80xi32, #tpu.memory_space<vmem>> -> memref<80xi32, #tpu.memory_space<vmem>>
    %dma_wait3A_73 = arith.constant 0 : i32
    %dma_wait3A_74 = arith.constant 0 : i32
    %dma_wait3A_75 = tpu.memref_slice %arg2[%dma_wait3A_73, %dma_wait3A_74] : memref<10240x128xf32, #tpu.memory_space<hbm>> -> memref<10240x128xf32, #tpu.memory_space<hbm>>
    tpu.wait_indirect_dma semaphore(%arg13 : memref<!tpu.dma_semaphore, #tpu.memory_space<semaphore_mem>>) src(%dma_wait3A_75 : memref<10240x128xf32, #tpu.memory_space<hbm>>) dst(%arg9 : memref<80x128xf32, #tpu.memory_space<vmem>>)
    %dma_start3A_76 = arith.constant 29 : i32
    %dma_start3A_77 = arith.constant 0 : i32
    %dma_start3A_78 = tpu.memref_slice %arg7[%dma_start3A_76, %dma_start3A_77] : memref<32x80xi32, #tpu.memory_space<vmem>> -> memref<1x80xi32, #tpu.memory_space<vmem>>
    %dma_start3A_79 = tpu.memref_squeeze %dma_start3A_78 : memref<1x80xi32, #tpu.memory_space<vmem>> -> memref<80xi32, #tpu.memory_space<vmem>>
    %dma_start3A_80 = arith.constant 0 : i32
    %dma_start3A_81 = arith.constant 0 : i32
    %dma_start3A_82 = tpu.memref_slice %arg20[%dma_start3A_80, %dma_start3A_81] : memref<10240x128xf32, #tpu.memory_space<vmem_shared>> -> memref<10240x128xf32, #tpu.memory_space<vmem_shared>>
    tpu.enqueue_indirect_dma source(%arg9 : memref<80x128xf32, #tpu.memory_space<vmem>>) target(%dma_start3A_82 : memref<10240x128xf32, #tpu.memory_space<vmem_shared>>) offsets(%dma_start3A_79 : memref<80xi32, #tpu.memory_space<vmem>>) semaphore(%arg17 : memref<!tpu.dma_semaphore, #tpu.memory_space<semaphore_mem>>) {add = true}
    %dma_wait3A_83 = arith.constant 30 : i32
    %dma_wait3A_84 = arith.constant 0 : i32
    %dma_wait3A_85 = tpu.memref_slice %arg6[%dma_wait3A_83, %dma_wait3A_84] : memref<32x80xi32, #tpu.memory_space<vmem>> -> memref<1x80xi32, #tpu.memory_space<vmem>>
    %dma_wait3A_86 = tpu.memref_squeeze %dma_wait3A_85 : memref<1x80xi32, #tpu.memory_space<vmem>> -> memref<80xi32, #tpu.memory_space<vmem>>
    %dma_wait3A_87 = arith.constant 0 : i32
    %dma_wait3A_88 = arith.constant 0 : i32
    %dma_wait3A_89 = tpu.memref_slice %arg2[%dma_wait3A_87, %dma_wait3A_88] : memref<10240x128xf32, #tpu.memory_space<hbm>> -> memref<10240x128xf32, #tpu.memory_space<hbm>>
    tpu.wait_indirect_dma semaphore(%arg14 : memref<!tpu.dma_semaphore, #tpu.memory_space<semaphore_mem>>) src(%dma_wait3A_89 : memref<10240x128xf32, #tpu.memory_space<hbm>>) dst(%arg10 : memref<80x128xf32, #tpu.memory_space<vmem>>)
    %dma_start3A_90 = arith.constant 30 : i32
    %dma_start3A_91 = arith.constant 0 : i32
    %dma_start3A_92 = tpu.memref_slice %arg7[%dma_start3A_90, %dma_start3A_91] : memref<32x80xi32, #tpu.memory_space<vmem>> -> memref<1x80xi32, #tpu.memory_space<vmem>>
    %dma_start3A_93 = tpu.memref_squeeze %dma_start3A_92 : memref<1x80xi32, #tpu.memory_space<vmem>> -> memref<80xi32, #tpu.memory_space<vmem>>
    %dma_start3A_94 = arith.constant 0 : i32
    %dma_start3A_95 = arith.constant 0 : i32
    %dma_start3A_96 = tpu.memref_slice %arg20[%dma_start3A_94, %dma_start3A_95] : memref<10240x128xf32, #tpu.memory_space<vmem_shared>> -> memref<10240x128xf32, #tpu.memory_space<vmem_shared>>
    tpu.enqueue_indirect_dma source(%arg10 : memref<80x128xf32, #tpu.memory_space<vmem>>) target(%dma_start3A_96 : memref<10240x128xf32, #tpu.memory_space<vmem_shared>>) offsets(%dma_start3A_93 : memref<80xi32, #tpu.memory_space<vmem>>) semaphore(%arg18 : memref<!tpu.dma_semaphore, #tpu.memory_space<semaphore_mem>>) {add = true}
    %dma_wait3A_97 = arith.constant 31 : i32
    %dma_wait3A_98 = arith.constant 0 : i32
    %dma_wait3A_99 = tpu.memref_slice %arg6[%dma_wait3A_97, %dma_wait3A_98] : memref<32x80xi32, #tpu.memory_space<vmem>> -> memref<1x80xi32, #tpu.memory_space<vmem>>
    %dma_wait3A_100 = tpu.memref_squeeze %dma_wait3A_99 : memref<1x80xi32, #tpu.memory_space<vmem>> -> memref<80xi32, #tpu.memory_space<vmem>>
    %dma_wait3A_101 = arith.constant 0 : i32
    %dma_wait3A_102 = arith.constant 0 : i32
    %dma_wait3A_103 = tpu.memref_slice %arg2[%dma_wait3A_101, %dma_wait3A_102] : memref<10240x128xf32, #tpu.memory_space<hbm>> -> memref<10240x128xf32, #tpu.memory_space<hbm>>
    tpu.wait_indirect_dma semaphore(%arg15 : memref<!tpu.dma_semaphore, #tpu.memory_space<semaphore_mem>>) src(%dma_wait3A_103 : memref<10240x128xf32, #tpu.memory_space<hbm>>) dst(%arg11 : memref<80x128xf32, #tpu.memory_space<vmem>>)
    %dma_start3A_104 = arith.constant 31 : i32
    %dma_start3A_105 = arith.constant 0 : i32
    %dma_start3A_106 = tpu.memref_slice %arg7[%dma_start3A_104, %dma_start3A_105] : memref<32x80xi32, #tpu.memory_space<vmem>> -> memref<1x80xi32, #tpu.memory_space<vmem>>
    %dma_start3A_107 = tpu.memref_squeeze %dma_start3A_106 : memref<1x80xi32, #tpu.memory_space<vmem>> -> memref<80xi32, #tpu.memory_space<vmem>>
    %dma_start3A_108 = arith.constant 0 : i32
    %dma_start3A_109 = arith.constant 0 : i32
    %dma_start3A_110 = tpu.memref_slice %arg20[%dma_start3A_108, %dma_start3A_109] : memref<10240x128xf32, #tpu.memory_space<vmem_shared>> -> memref<10240x128xf32, #tpu.memory_space<vmem_shared>>
    tpu.enqueue_indirect_dma source(%arg11 : memref<80x128xf32, #tpu.memory_space<vmem>>) target(%dma_start3A_110 : memref<10240x128xf32, #tpu.memory_space<vmem_shared>>) offsets(%dma_start3A_107 : memref<80xi32, #tpu.memory_space<vmem>>) semaphore(%arg19 : memref<!tpu.dma_semaphore, #tpu.memory_space<semaphore_mem>>) {add = true}
    %dma_wait3A_111 = arith.constant 28 : i32
    %dma_wait3A_112 = arith.constant 0 : i32
    %dma_wait3A_113 = tpu.memref_slice %arg7[%dma_wait3A_111, %dma_wait3A_112] : memref<32x80xi32, #tpu.memory_space<vmem>> -> memref<1x80xi32, #tpu.memory_space<vmem>>
    %dma_wait3A_114 = tpu.memref_squeeze %dma_wait3A_113 : memref<1x80xi32, #tpu.memory_space<vmem>> -> memref<80xi32, #tpu.memory_space<vmem>>
    %dma_wait3A_115 = arith.constant 0 : i32
    %dma_wait3A_116 = arith.constant 0 : i32
    %dma_wait3A_117 = tpu.memref_slice %arg20[%dma_wait3A_115, %dma_wait3A_116] : memref<10240x128xf32, #tpu.memory_space<vmem_shared>> -> memref<10240x128xf32, #tpu.memory_space<vmem_shared>>
    tpu.wait_indirect_dma semaphore(%arg16 : memref<!tpu.dma_semaphore, #tpu.memory_space<semaphore_mem>>) src(%arg8 : memref<80x128xf32, #tpu.memory_space<vmem>>) dst(%dma_wait3A_117 : memref<10240x128xf32, #tpu.memory_space<vmem_shared>>)
    %dma_wait3A_118 = arith.constant 29 : i32
    %dma_wait3A_119 = arith.constant 0 : i32
    %dma_wait3A_120 = tpu.memref_slice %arg7[%dma_wait3A_118, %dma_wait3A_119] : memref<32x80xi32, #tpu.memory_space<vmem>> -> memref<1x80xi32, #tpu.memory_space<vmem>>
    %dma_wait3A_121 = tpu.memref_squeeze %dma_wait3A_120 : memref<1x80xi32, #tpu.memory_space<vmem>> -> memref<80xi32, #tpu.memory_space<vmem>>
    %dma_wait3A_122 = arith.constant 0 : i32
    %dma_wait3A_123 = arith.constant 0 : i32
    %dma_wait3A_124 = tpu.memref_slice %arg20[%dma_wait3A_122, %dma_wait3A_123] : memref<10240x128xf32, #tpu.memory_space<vmem_shared>> -> memref<10240x128xf32, #tpu.memory_space<vmem_shared>>
    tpu.wait_indirect_dma semaphore(%arg17 : memref<!tpu.dma_semaphore, #tpu.memory_space<semaphore_mem>>) src(%arg9 : memref<80x128xf32, #tpu.memory_space<vmem>>) dst(%dma_wait3A_124 : memref<10240x128xf32, #tpu.memory_space<vmem_shared>>)
    %dma_wait3A_125 = arith.constant 30 : i32
    %dma_wait3A_126 = arith.constant 0 : i32
    %dma_wait3A_127 = tpu.memref_slice %arg7[%dma_wait3A_125, %dma_wait3A_126] : memref<32x80xi32, #tpu.memory_space<vmem>> -> memref<1x80xi32, #tpu.memory_space<vmem>>
    %dma_wait3A_128 = tpu.memref_squeeze %dma_wait3A_127 : memref<1x80xi32, #tpu.memory_space<vmem>> -> memref<80xi32, #tpu.memory_space<vmem>>
    %dma_wait3A_129 = arith.constant 0 : i32
    %dma_wait3A_130 = arith.constant 0 : i32
    %dma_wait3A_131 = tpu.memref_slice %arg20[%dma_wait3A_129, %dma_wait3A_130] : memref<10240x128xf32, #tpu.memory_space<vmem_shared>> -> memref<10240x128xf32, #tpu.memory_space<vmem_shared>>
    tpu.wait_indirect_dma semaphore(%arg18 : memref<!tpu.dma_semaphore, #tpu.memory_space<semaphore_mem>>) src(%arg10 : memref<80x128xf32, #tpu.memory_space<vmem>>) dst(%dma_wait3A_131 : memref<10240x128xf32, #tpu.memory_space<vmem_shared>>)
    %dma_wait3A_132 = arith.constant 31 : i32
    %dma_wait3A_133 = arith.constant 0 : i32
    %dma_wait3A_134 = tpu.memref_slice %arg7[%dma_wait3A_132, %dma_wait3A_133] : memref<32x80xi32, #tpu.memory_space<vmem>> -> memref<1x80xi32, #tpu.memory_space<vmem>>
    %dma_wait3A_135 = tpu.memref_squeeze %dma_wait3A_134 : memref<1x80xi32, #tpu.memory_space<vmem>> -> memref<80xi32, #tpu.memory_space<vmem>>
    %dma_wait3A_136 = arith.constant 0 : i32
    %dma_wait3A_137 = arith.constant 0 : i32
    %dma_wait3A_138 = tpu.memref_slice %arg20[%dma_wait3A_136, %dma_wait3A_137] : memref<10240x128xf32, #tpu.memory_space<vmem_shared>> -> memref<10240x128xf32, #tpu.memory_space<vmem_shared>>
    tpu.wait_indirect_dma semaphore(%arg19 : memref<!tpu.dma_semaphore, #tpu.memory_space<semaphore_mem>>) src(%arg11 : memref<80x128xf32, #tpu.memory_space<vmem>>) dst(%dma_wait3A_138 : memref<10240x128xf32, #tpu.memory_space<vmem_shared>>)
    %run_scoped3A_139 = arith.constant 1 : i32
    "tpu.region"() ({
      %run_scoped3A_497 = tpu.sem_alloc : memref<!tpu.dma_semaphore, #tpu.memory_space<semaphore_mem>>
      %dma_start3A_498 = arith.constant 0 : i32
      %dma_start3A_499 = arith.constant 0 : i32
      %dma_start3A_500 = tpu.memref_slice %arg3[%add3A, %run_scoped3A_139, %dma_start3A_498, %dma_start3A_499] : memref<32x4x32x80xi32, #tpu.memory_space<hbm>> -> memref<1x1x32x80xi32, #tpu.memory_space<hbm>>
      %dma_start3A_501 = tpu.memref_squeeze %dma_start3A_500 : memref<1x1x32x80xi32, #tpu.memory_space<hbm>> -> memref<32x80xi32, #tpu.memory_space<hbm>>
      %dma_start3A_502 = arith.constant 0 : i32
      %dma_start3A_503 = arith.constant 0 : i32
      %dma_start3A_504 = tpu.memref_slice %arg3[%add3A, %run_scoped3A_139, %dma_start3A_502, %dma_start3A_503] : memref<32x4x32x80xi32, #tpu.memory_space<hbm>> -> memref<1x1x32x80xi32, #tpu.memory_space<hbm>>
      %dma_start3A_505 = tpu.memref_squeeze %dma_start3A_504 : memref<1x1x32x80xi32, #tpu.memory_space<hbm>> -> memref<32x80xi32, #tpu.memory_space<hbm>>
      tpu.enqueue_dma source(%dma_start3A_505 : memref<32x80xi32, #tpu.memory_space<hbm>>) target(%arg6 : memref<32x80xi32, #tpu.memory_space<vmem>>) target_semaphore(%run_scoped3A_497 : memref<!tpu.dma_semaphore, #tpu.memory_space<semaphore_mem>>)
      %dma_wait3A_506 = arith.constant 0 : i32
      %dma_wait3A_507 = arith.constant 0 : i32
      %dma_wait3A_508 = tpu.memref_slice %arg3[%add3A, %run_scoped3A_139, %dma_wait3A_506, %dma_wait3A_507] : memref<32x4x32x80xi32, #tpu.memory_space<hbm>> -> memref<1x1x32x80xi32, #tpu.memory_space<hbm>>
      %dma_wait3A_509 = tpu.memref_squeeze %dma_wait3A_508 : memref<1x1x32x80xi32, #tpu.memory_space<hbm>> -> memref<32x80xi32, #tpu.memory_space<hbm>>
      %dma_wait3A_510 = arith.constant 0 : i32
      %dma_wait3A_511 = arith.constant 0 : i32
      %dma_wait3A_512 = tpu.memref_slice %arg3[%add3A, %run_scoped3A_139, %dma_wait3A_510, %dma_wait3A_511] : memref<32x4x32x80xi32, #tpu.memory_space<hbm>> -> memref<1x1x32x80xi32, #tpu.memory_space<hbm>>
      %dma_wait3A_513 = tpu.memref_squeeze %dma_wait3A_512 : memref<1x1x32x80xi32, #tpu.memory_space<hbm>> -> memref<32x80xi32, #tpu.memory_space<hbm>>
      tpu.wait_dma2 semaphore(%run_scoped3A_497 : memref<!tpu.dma_semaphore, #tpu.memory_space<semaphore_mem>>) src(%dma_wait3A_513 : memref<32x80xi32, #tpu.memory_space<hbm>>) dst(%arg6 : memref<32x80xi32, #tpu.memory_space<vmem>>)
      tpu.yield
    }) : () -> ()
    %run_scoped3A_140 = arith.constant 1 : i32
    "tpu.region"() ({
      %run_scoped3A_497 = tpu.sem_alloc : memref<!tpu.dma_semaphore, #tpu.memory_space<semaphore_mem>>
      %dma_start3A_498 = arith.constant 0 : i32
      %dma_start3A_499 = arith.constant 0 : i32
      %dma_start3A_500 = tpu.memref_slice %arg4[%add3A, %run_scoped3A_140, %dma_start3A_498, %dma_start3A_499] : memref<32x4x32x80xi32, #tpu.memory_space<hbm>> -> memref<1x1x32x80xi32, #tpu.memory_space<hbm>>
      %dma_start3A_501 = tpu.memref_squeeze %dma_start3A_500 : memref<1x1x32x80xi32, #tpu.memory_space<hbm>> -> memref<32x80xi32, #tpu.memory_space<hbm>>
      %dma_start3A_502 = arith.constant 0 : i32
      %dma_start3A_503 = arith.constant 0 : i32
      %dma_start3A_504 = tpu.memref_slice %arg4[%add3A, %run_scoped3A_140, %dma_start3A_502, %dma_start3A_503] : memref<32x4x32x80xi32, #tpu.memory_space<hbm>> -> memref<1x1x32x80xi32, #tpu.memory_space<hbm>>
      %dma_start3A_505 = tpu.memref_squeeze %dma_start3A_504 : memref<1x1x32x80xi32, #tpu.memory_space<hbm>> -> memref<32x80xi32, #tpu.memory_space<hbm>>
      tpu.enqueue_dma source(%dma_start3A_505 : memref<32x80xi32, #tpu.memory_space<hbm>>) target(%arg7 : memref<32x80xi32, #tpu.memory_space<vmem>>) target_semaphore(%run_scoped3A_497 : memref<!tpu.dma_semaphore, #tpu.memory_space<semaphore_mem>>)
      %dma_wait3A_506 = arith.constant 0 : i32
      %dma_wait3A_507 = arith.constant 0 : i32
      %dma_wait3A_508 = tpu.memref_slice %arg4[%add3A, %run_scoped3A_140, %dma_wait3A_506, %dma_wait3A_507] : memref<32x4x32x80xi32, #tpu.memory_space<hbm>> -> memref<1x1x32x80xi32, #tpu.memory_space<hbm>>
      %dma_wait3A_509 = tpu.memref_squeeze %dma_wait3A_508 : memref<1x1x32x80xi32, #tpu.memory_space<hbm>> -> memref<32x80xi32, #tpu.memory_space<hbm>>
      %dma_wait3A_510 = arith.constant 0 : i32
      %dma_wait3A_511 = arith.constant 0 : i32
      %dma_wait3A_512 = tpu.memref_slice %arg4[%add3A, %run_scoped3A_140, %dma_wait3A_510, %dma_wait3A_511] : memref<32x4x32x80xi32, #tpu.memory_space<hbm>> -> memref<1x1x32x80xi32, #tpu.memory_space<hbm>>
      %dma_wait3A_513 = tpu.memref_squeeze %dma_wait3A_512 : memref<1x1x32x80xi32, #tpu.memory_space<hbm>> -> memref<32x80xi32, #tpu.memory_space<hbm>>
      tpu.wait_dma2 semaphore(%run_scoped3A_497 : memref<!tpu.dma_semaphore, #tpu.memory_space<semaphore_mem>>) src(%dma_wait3A_513 : memref<32x80xi32, #tpu.memory_space<hbm>>) dst(%arg7 : memref<32x80xi32, #tpu.memory_space<vmem>>)
      tpu.yield
    }) : () -> ()
    %dma_start3A_141 = arith.constant 0 : i32
    %dma_start3A_142 = arith.constant 0 : i32
    %dma_start3A_143 = tpu.memref_slice %arg6[%dma_start3A_141, %dma_start3A_142] : memref<32x80xi32, #tpu.memory_space<vmem>> -> memref<1x80xi32, #tpu.memory_space<vmem>>
    %dma_start3A_144 = tpu.memref_squeeze %dma_start3A_143 : memref<1x80xi32, #tpu.memory_space<vmem>> -> memref<80xi32, #tpu.memory_space<vmem>>
    %dma_start3A_145 = arith.constant 0 : i32
    %dma_start3A_146 = arith.constant 0 : i32
    %dma_start3A_147 = tpu.memref_slice %arg2[%dma_start3A_145, %dma_start3A_146] : memref<10240x128xf32, #tpu.memory_space<hbm>> -> memref<10240x128xf32, #tpu.memory_space<hbm>>
    tpu.enqueue_indirect_dma source(%dma_start3A_147 : memref<10240x128xf32, #tpu.memory_space<hbm>>) target(%arg8 : memref<80x128xf32, #tpu.memory_space<vmem>>) offsets(%dma_start3A_144 : memref<80xi32, #tpu.memory_space<vmem>>) semaphore(%arg12 : memref<!tpu.dma_semaphore, #tpu.memory_space<semaphore_mem>>)
    %dma_start3A_148 = arith.constant 1 : i32
    %dma_start3A_149 = arith.constant 0 : i32
    %dma_start3A_150 = tpu.memref_slice %arg6[%dma_start3A_148, %dma_start3A_149] : memref<32x80xi32, #tpu.memory_space<vmem>> -> memref<1x80xi32, #tpu.memory_space<vmem>>
    %dma_start3A_151 = tpu.memref_squeeze %dma_start3A_150 : memref<1x80xi32, #tpu.memory_space<vmem>> -> memref<80xi32, #tpu.memory_space<vmem>>
    %dma_start3A_152 = arith.constant 0 : i32
    %dma_start3A_153 = arith.constant 0 : i32
    %dma_start3A_154 = tpu.memref_slice %arg2[%dma_start3A_152, %dma_start3A_153] : memref<10240x128xf32, #tpu.memory_space<hbm>> -> memref<10240x128xf32, #tpu.memory_space<hbm>>
    tpu.enqueue_indirect_dma source(%dma_start3A_154 : memref<10240x128xf32, #tpu.memory_space<hbm>>) target(%arg9 : memref<80x128xf32, #tpu.memory_space<vmem>>) offsets(%dma_start3A_151 : memref<80xi32, #tpu.memory_space<vmem>>) semaphore(%arg13 : memref<!tpu.dma_semaphore, #tpu.memory_space<semaphore_mem>>)
    %dma_start3A_155 = arith.constant 2 : i32
    %dma_start3A_156 = arith.constant 0 : i32
    %dma_start3A_157 = tpu.memref_slice %arg6[%dma_start3A_155, %dma_start3A_156] : memref<32x80xi32, #tpu.memory_space<vmem>> -> memref<1x80xi32, #tpu.memory_space<vmem>>
    %dma_start3A_158 = tpu.memref_squeeze %dma_start3A_157 : memref<1x80xi32, #tpu.memory_space<vmem>> -> memref<80xi32, #tpu.memory_space<vmem>>
    %dma_start3A_159 = arith.constant 0 : i32
    %dma_start3A_160 = arith.constant 0 : i32
    %dma_start3A_161 = tpu.memref_slice %arg2[%dma_start3A_159, %dma_start3A_160] : memref<10240x128xf32, #tpu.memory_space<hbm>> -> memref<10240x128xf32, #tpu.memory_space<hbm>>
    tpu.enqueue_indirect_dma source(%dma_start3A_161 : memref<10240x128xf32, #tpu.memory_space<hbm>>) target(%arg10 : memref<80x128xf32, #tpu.memory_space<vmem>>) offsets(%dma_start3A_158 : memref<80xi32, #tpu.memory_space<vmem>>) semaphore(%arg14 : memref<!tpu.dma_semaphore, #tpu.memory_space<semaphore_mem>>)
    %dma_start3A_162 = arith.constant 3 : i32
    %dma_start3A_163 = arith.constant 0 : i32
    %dma_start3A_164 = tpu.memref_slice %arg6[%dma_start3A_162, %dma_start3A_163] : memref<32x80xi32, #tpu.memory_space<vmem>> -> memref<1x80xi32, #tpu.memory_space<vmem>>
    %dma_start3A_165 = tpu.memref_squeeze %dma_start3A_164 : memref<1x80xi32, #tpu.memory_space<vmem>> -> memref<80xi32, #tpu.memory_space<vmem>>
    %dma_start3A_166 = arith.constant 0 : i32
    %dma_start3A_167 = arith.constant 0 : i32
    %dma_start3A_168 = tpu.memref_slice %arg2[%dma_start3A_166, %dma_start3A_167] : memref<10240x128xf32, #tpu.memory_space<hbm>> -> memref<10240x128xf32, #tpu.memory_space<hbm>>
    tpu.enqueue_indirect_dma source(%dma_start3A_168 : memref<10240x128xf32, #tpu.memory_space<hbm>>) target(%arg11 : memref<80x128xf32, #tpu.memory_space<vmem>>) offsets(%dma_start3A_165 : memref<80xi32, #tpu.memory_space<vmem>>) semaphore(%arg15 : memref<!tpu.dma_semaphore, #tpu.memory_space<semaphore_mem>>)
    %scan3A_169 = arith.constant 0 : i32
    %scan3A_170 = arith.constant 7 : i32
    %scan3A_171 = arith.addi %scan3A_169, %scan3A_170 : i32
    %scan3A_172 = arith.constant 1 : i32
    scf.for %scan3A_497 = %scan3A_169 to %scan3A_171 step %scan3A_172  : i32 {
      %mul3A_498 = arith.constant 1 : i32
      %mul3A_499 = arith.muli %scan3A_497, %mul3A_498 : i32
      %add3A_500 = arith.constant 0 : i32
      %add3A_501 = arith.addi %add3A_500, %mul3A_499 : i32
      %mul3A_502 = arith.constant 4 : i32
      %mul3A_503 = arith.muli %add3A_501, %mul3A_502 : i32
      %add3A_504 = arith.constant 0 : i32
      %add3A_505 = arith.addi %mul3A_503, %add3A_504 : i32
      %dma_wait3A_506 = arith.constant 0 : i32
      %dma_wait3A_507 = tpu.memref_slice %arg6[%add3A_505, %dma_wait3A_506] : memref<32x80xi32, #tpu.memory_space<vmem>> -> memref<1x80xi32, #tpu.memory_space<vmem>>
      %dma_wait3A_508 = tpu.memref_squeeze %dma_wait3A_507 : memref<1x80xi32, #tpu.memory_space<vmem>> -> memref<80xi32, #tpu.memory_space<vmem>>
      %dma_wait3A_509 = arith.constant 0 : i32
      %dma_wait3A_510 = arith.constant 0 : i32
      %dma_wait3A_511 = tpu.memref_slice %arg2[%dma_wait3A_509, %dma_wait3A_510] : memref<10240x128xf32, #tpu.memory_space<hbm>> -> memref<10240x128xf32, #tpu.memory_space<hbm>>
      tpu.wait_indirect_dma semaphore(%arg12 : memref<!tpu.dma_semaphore, #tpu.memory_space<semaphore_mem>>) src(%dma_wait3A_511 : memref<10240x128xf32, #tpu.memory_space<hbm>>) dst(%arg8 : memref<80x128xf32, #tpu.memory_space<vmem>>)
      %dma_start3A_512 = arith.constant 0 : i32
      %dma_start3A_513 = tpu.memref_slice %arg7[%add3A_505, %dma_start3A_512] : memref<32x80xi32, #tpu.memory_space<vmem>> -> memref<1x80xi32, #tpu.memory_space<vmem>>
      %dma_start3A_514 = tpu.memref_squeeze %dma_start3A_513 : memref<1x80xi32, #tpu.memory_space<vmem>> -> memref<80xi32, #tpu.memory_space<vmem>>
      %dma_start3A_515 = arith.constant 0 : i32
      %dma_start3A_516 = arith.constant 0 : i32
      %dma_start3A_517 = tpu.memref_slice %arg20[%dma_start3A_515, %dma_start3A_516] : memref<10240x128xf32, #tpu.memory_space<vmem_shared>> -> memref<10240x128xf32, #tpu.memory_space<vmem_shared>>
      tpu.enqueue_indirect_dma source(%arg8 : memref<80x128xf32, #tpu.memory_space<vmem>>) target(%dma_start3A_517 : memref<10240x128xf32, #tpu.memory_space<vmem_shared>>) offsets(%dma_start3A_514 : memref<80xi32, #tpu.memory_space<vmem>>) semaphore(%arg16 : memref<!tpu.dma_semaphore, #tpu.memory_space<semaphore_mem>>) {add = true}
      %add3A_518 = arith.constant 1 : i32
      %add3A_519 = arith.addi %mul3A_503, %add3A_518 : i32
      %dma_wait3A_520 = arith.constant 0 : i32
      %dma_wait3A_521 = tpu.memref_slice %arg6[%add3A_519, %dma_wait3A_520] : memref<32x80xi32, #tpu.memory_space<vmem>> -> memref<1x80xi32, #tpu.memory_space<vmem>>
      %dma_wait3A_522 = tpu.memref_squeeze %dma_wait3A_521 : memref<1x80xi32, #tpu.memory_space<vmem>> -> memref<80xi32, #tpu.memory_space<vmem>>
      %dma_wait3A_523 = arith.constant 0 : i32
      %dma_wait3A_524 = arith.constant 0 : i32
      %dma_wait3A_525 = tpu.memref_slice %arg2[%dma_wait3A_523, %dma_wait3A_524] : memref<10240x128xf32, #tpu.memory_space<hbm>> -> memref<10240x128xf32, #tpu.memory_space<hbm>>
      tpu.wait_indirect_dma semaphore(%arg13 : memref<!tpu.dma_semaphore, #tpu.memory_space<semaphore_mem>>) src(%dma_wait3A_525 : memref<10240x128xf32, #tpu.memory_space<hbm>>) dst(%arg9 : memref<80x128xf32, #tpu.memory_space<vmem>>)
      %dma_start3A_526 = arith.constant 0 : i32
      %dma_start3A_527 = tpu.memref_slice %arg7[%add3A_519, %dma_start3A_526] : memref<32x80xi32, #tpu.memory_space<vmem>> -> memref<1x80xi32, #tpu.memory_space<vmem>>
      %dma_start3A_528 = tpu.memref_squeeze %dma_start3A_527 : memref<1x80xi32, #tpu.memory_space<vmem>> -> memref<80xi32, #tpu.memory_space<vmem>>
      %dma_start3A_529 = arith.constant 0 : i32
      %dma_start3A_530 = arith.constant 0 : i32
      %dma_start3A_531 = tpu.memref_slice %arg20[%dma_start3A_529, %dma_start3A_530] : memref<10240x128xf32, #tpu.memory_space<vmem_shared>> -> memref<10240x128xf32, #tpu.memory_space<vmem_shared>>
      tpu.enqueue_indirect_dma source(%arg9 : memref<80x128xf32, #tpu.memory_space<vmem>>) target(%dma_start3A_531 : memref<10240x128xf32, #tpu.memory_space<vmem_shared>>) offsets(%dma_start3A_528 : memref<80xi32, #tpu.memory_space<vmem>>) semaphore(%arg17 : memref<!tpu.dma_semaphore, #tpu.memory_space<semaphore_mem>>) {add = true}
      %add3A_532 = arith.constant 2 : i32
      %add3A_533 = arith.addi %mul3A_503, %add3A_532 : i32
      %dma_wait3A_534 = arith.constant 0 : i32
      %dma_wait3A_535 = tpu.memref_slice %arg6[%add3A_533, %dma_wait3A_534] : memref<32x80xi32, #tpu.memory_space<vmem>> -> memref<1x80xi32, #tpu.memory_space<vmem>>
      %dma_wait3A_536 = tpu.memref_squeeze %dma_wait3A_535 : memref<1x80xi32, #tpu.memory_space<vmem>> -> memref<80xi32, #tpu.memory_space<vmem>>
      %dma_wait3A_537 = arith.constant 0 : i32
      %dma_wait3A_538 = arith.constant 0 : i32
      %dma_wait3A_539 = tpu.memref_slice %arg2[%dma_wait3A_537, %dma_wait3A_538] : memref<10240x128xf32, #tpu.memory_space<hbm>> -> memref<10240x128xf32, #tpu.memory_space<hbm>>
      tpu.wait_indirect_dma semaphore(%arg14 : memref<!tpu.dma_semaphore, #tpu.memory_space<semaphore_mem>>) src(%dma_wait3A_539 : memref<10240x128xf32, #tpu.memory_space<hbm>>) dst(%arg10 : memref<80x128xf32, #tpu.memory_space<vmem>>)
      %dma_start3A_540 = arith.constant 0 : i32
      %dma_start3A_541 = tpu.memref_slice %arg7[%add3A_533, %dma_start3A_540] : memref<32x80xi32, #tpu.memory_space<vmem>> -> memref<1x80xi32, #tpu.memory_space<vmem>>
      %dma_start3A_542 = tpu.memref_squeeze %dma_start3A_541 : memref<1x80xi32, #tpu.memory_space<vmem>> -> memref<80xi32, #tpu.memory_space<vmem>>
      %dma_start3A_543 = arith.constant 0 : i32
      %dma_start3A_544 = arith.constant 0 : i32
      %dma_start3A_545 = tpu.memref_slice %arg20[%dma_start3A_543, %dma_start3A_544] : memref<10240x128xf32, #tpu.memory_space<vmem_shared>> -> memref<10240x128xf32, #tpu.memory_space<vmem_shared>>
      tpu.enqueue_indirect_dma source(%arg10 : memref<80x128xf32, #tpu.memory_space<vmem>>) target(%dma_start3A_545 : memref<10240x128xf32, #tpu.memory_space<vmem_shared>>) offsets(%dma_start3A_542 : memref<80xi32, #tpu.memory_space<vmem>>) semaphore(%arg18 : memref<!tpu.dma_semaphore, #tpu.memory_space<semaphore_mem>>) {add = true}
      %add3A_546 = arith.constant 3 : i32
      %add3A_547 = arith.addi %mul3A_503, %add3A_546 : i32
      %dma_wait3A_548 = arith.constant 0 : i32
      %dma_wait3A_549 = tpu.memref_slice %arg6[%add3A_547, %dma_wait3A_548] : memref<32x80xi32, #tpu.memory_space<vmem>> -> memref<1x80xi32, #tpu.memory_space<vmem>>
      %dma_wait3A_550 = tpu.memref_squeeze %dma_wait3A_549 : memref<1x80xi32, #tpu.memory_space<vmem>> -> memref<80xi32, #tpu.memory_space<vmem>>
      %dma_wait3A_551 = arith.constant 0 : i32
      %dma_wait3A_552 = arith.constant 0 : i32
      %dma_wait3A_553 = tpu.memref_slice %arg2[%dma_wait3A_551, %dma_wait3A_552] : memref<10240x128xf32, #tpu.memory_space<hbm>> -> memref<10240x128xf32, #tpu.memory_space<hbm>>
      tpu.wait_indirect_dma semaphore(%arg15 : memref<!tpu.dma_semaphore, #tpu.memory_space<semaphore_mem>>) src(%dma_wait3A_553 : memref<10240x128xf32, #tpu.memory_space<hbm>>) dst(%arg11 : memref<80x128xf32, #tpu.memory_space<vmem>>)
      %dma_start3A_554 = arith.constant 0 : i32
      %dma_start3A_555 = tpu.memref_slice %arg7[%add3A_547, %dma_start3A_554] : memref<32x80xi32, #tpu.memory_space<vmem>> -> memref<1x80xi32, #tpu.memory_space<vmem>>
      %dma_start3A_556 = tpu.memref_squeeze %dma_start3A_555 : memref<1x80xi32, #tpu.memory_space<vmem>> -> memref<80xi32, #tpu.memory_space<vmem>>
      %dma_start3A_557 = arith.constant 0 : i32
      %dma_start3A_558 = arith.constant 0 : i32
      %dma_start3A_559 = tpu.memref_slice %arg20[%dma_start3A_557, %dma_start3A_558] : memref<10240x128xf32, #tpu.memory_space<vmem_shared>> -> memref<10240x128xf32, #tpu.memory_space<vmem_shared>>
      tpu.enqueue_indirect_dma source(%arg11 : memref<80x128xf32, #tpu.memory_space<vmem>>) target(%dma_start3A_559 : memref<10240x128xf32, #tpu.memory_space<vmem_shared>>) offsets(%dma_start3A_556 : memref<80xi32, #tpu.memory_space<vmem>>) semaphore(%arg19 : memref<!tpu.dma_semaphore, #tpu.memory_space<semaphore_mem>>) {add = true}
      %add3A_560 = arith.constant 0 : i32
      %add3A_561 = arith.addi %mul3A_503, %add3A_560 : i32
      %dma_wait3A_562 = arith.constant 0 : i32
      %dma_wait3A_563 = tpu.memref_slice %arg7[%add3A_561, %dma_wait3A_562] : memref<32x80xi32, #tpu.memory_space<vmem>> -> memref<1x80xi32, #tpu.memory_space<vmem>>
      %dma_wait3A_564 = tpu.memref_squeeze %dma_wait3A_563 : memref<1x80xi32, #tpu.memory_space<vmem>> -> memref<80xi32, #tpu.memory_space<vmem>>
      %dma_wait3A_565 = arith.constant 0 : i32
      %dma_wait3A_566 = arith.constant 0 : i32
      %dma_wait3A_567 = tpu.memref_slice %arg20[%dma_wait3A_565, %dma_wait3A_566] : memref<10240x128xf32, #tpu.memory_space<vmem_shared>> -> memref<10240x128xf32, #tpu.memory_space<vmem_shared>>
      tpu.wait_indirect_dma semaphore(%arg16 : memref<!tpu.dma_semaphore, #tpu.memory_space<semaphore_mem>>) src(%arg8 : memref<80x128xf32, #tpu.memory_space<vmem>>) dst(%dma_wait3A_567 : memref<10240x128xf32, #tpu.memory_space<vmem_shared>>)
      %add3A_568 = arith.constant 4 : i32
      %add3A_569 = arith.addi %add3A_561, %add3A_568 : i32
      %dma_start3A_570 = arith.constant 0 : i32
      %dma_start3A_571 = tpu.memref_slice %arg6[%add3A_569, %dma_start3A_570] : memref<32x80xi32, #tpu.memory_space<vmem>> -> memref<1x80xi32, #tpu.memory_space<vmem>>
      %dma_start3A_572 = tpu.memref_squeeze %dma_start3A_571 : memref<1x80xi32, #tpu.memory_space<vmem>> -> memref<80xi32, #tpu.memory_space<vmem>>
      %dma_start3A_573 = arith.constant 0 : i32
      %dma_start3A_574 = arith.constant 0 : i32
      %dma_start3A_575 = tpu.memref_slice %arg2[%dma_start3A_573, %dma_start3A_574] : memref<10240x128xf32, #tpu.memory_space<hbm>> -> memref<10240x128xf32, #tpu.memory_space<hbm>>
      tpu.enqueue_indirect_dma source(%dma_start3A_575 : memref<10240x128xf32, #tpu.memory_space<hbm>>) target(%arg8 : memref<80x128xf32, #tpu.memory_space<vmem>>) offsets(%dma_start3A_572 : memref<80xi32, #tpu.memory_space<vmem>>) semaphore(%arg12 : memref<!tpu.dma_semaphore, #tpu.memory_space<semaphore_mem>>)
      %add3A_576 = arith.constant 1 : i32
      %add3A_577 = arith.addi %mul3A_503, %add3A_576 : i32
      %dma_wait3A_578 = arith.constant 0 : i32
      %dma_wait3A_579 = tpu.memref_slice %arg7[%add3A_577, %dma_wait3A_578] : memref<32x80xi32, #tpu.memory_space<vmem>> -> memref<1x80xi32, #tpu.memory_space<vmem>>
      %dma_wait3A_580 = tpu.memref_squeeze %dma_wait3A_579 : memref<1x80xi32, #tpu.memory_space<vmem>> -> memref<80xi32, #tpu.memory_space<vmem>>
      %dma_wait3A_581 = arith.constant 0 : i32
      %dma_wait3A_582 = arith.constant 0 : i32
      %dma_wait3A_583 = tpu.memref_slice %arg20[%dma_wait3A_581, %dma_wait3A_582] : memref<10240x128xf32, #tpu.memory_space<vmem_shared>> -> memref<10240x128xf32, #tpu.memory_space<vmem_shared>>
      tpu.wait_indirect_dma semaphore(%arg17 : memref<!tpu.dma_semaphore, #tpu.memory_space<semaphore_mem>>) src(%arg9 : memref<80x128xf32, #tpu.memory_space<vmem>>) dst(%dma_wait3A_583 : memref<10240x128xf32, #tpu.memory_space<vmem_shared>>)
      %add3A_584 = arith.constant 4 : i32
      %add3A_585 = arith.addi %add3A_577, %add3A_584 : i32
      %dma_start3A_586 = arith.constant 0 : i32
      %dma_start3A_587 = tpu.memref_slice %arg6[%add3A_585, %dma_start3A_586] : memref<32x80xi32, #tpu.memory_space<vmem>> -> memref<1x80xi32, #tpu.memory_space<vmem>>
      %dma_start3A_588 = tpu.memref_squeeze %dma_start3A_587 : memref<1x80xi32, #tpu.memory_space<vmem>> -> memref<80xi32, #tpu.memory_space<vmem>>
      %dma_start3A_589 = arith.constant 0 : i32
      %dma_start3A_590 = arith.constant 0 : i32
      %dma_start3A_591 = tpu.memref_slice %arg2[%dma_start3A_589, %dma_start3A_590] : memref<10240x128xf32, #tpu.memory_space<hbm>> -> memref<10240x128xf32, #tpu.memory_space<hbm>>
      tpu.enqueue_indirect_dma source(%dma_start3A_591 : memref<10240x128xf32, #tpu.memory_space<hbm>>) target(%arg9 : memref<80x128xf32, #tpu.memory_space<vmem>>) offsets(%dma_start3A_588 : memref<80xi32, #tpu.memory_space<vmem>>) semaphore(%arg13 : memref<!tpu.dma_semaphore, #tpu.memory_space<semaphore_mem>>)
      %add3A_592 = arith.constant 2 : i32
      %add3A_593 = arith.addi %mul3A_503, %add3A_592 : i32
      %dma_wait3A_594 = arith.constant 0 : i32
      %dma_wait3A_595 = tpu.memref_slice %arg7[%add3A_593, %dma_wait3A_594] : memref<32x80xi32, #tpu.memory_space<vmem>> -> memref<1x80xi32, #tpu.memory_space<vmem>>
      %dma_wait3A_596 = tpu.memref_squeeze %dma_wait3A_595 : memref<1x80xi32, #tpu.memory_space<vmem>> -> memref<80xi32, #tpu.memory_space<vmem>>
      %dma_wait3A_597 = arith.constant 0 : i32
      %dma_wait3A_598 = arith.constant 0 : i32
      %dma_wait3A_599 = tpu.memref_slice %arg20[%dma_wait3A_597, %dma_wait3A_598] : memref<10240x128xf32, #tpu.memory_space<vmem_shared>> -> memref<10240x128xf32, #tpu.memory_space<vmem_shared>>
      tpu.wait_indirect_dma semaphore(%arg18 : memref<!tpu.dma_semaphore, #tpu.memory_space<semaphore_mem>>) src(%arg10 : memref<80x128xf32, #tpu.memory_space<vmem>>) dst(%dma_wait3A_599 : memref<10240x128xf32, #tpu.memory_space<vmem_shared>>)
      %add3A_600 = arith.constant 4 : i32
      %add3A_601 = arith.addi %add3A_593, %add3A_600 : i32
      %dma_start3A_602 = arith.constant 0 : i32
      %dma_start3A_603 = tpu.memref_slice %arg6[%add3A_601, %dma_start3A_602] : memref<32x80xi32, #tpu.memory_space<vmem>> -> memref<1x80xi32, #tpu.memory_space<vmem>>
      %dma_start3A_604 = tpu.memref_squeeze %dma_start3A_603 : memref<1x80xi32, #tpu.memory_space<vmem>> -> memref<80xi32, #tpu.memory_space<vmem>>
      %dma_start3A_605 = arith.constant 0 : i32
      %dma_start3A_606 = arith.constant 0 : i32
      %dma_start3A_607 = tpu.memref_slice %arg2[%dma_start3A_605, %dma_start3A_606] : memref<10240x128xf32, #tpu.memory_space<hbm>> -> memref<10240x128xf32, #tpu.memory_space<hbm>>
      tpu.enqueue_indirect_dma source(%dma_start3A_607 : memref<10240x128xf32, #tpu.memory_space<hbm>>) target(%arg10 : memref<80x128xf32, #tpu.memory_space<vmem>>) offsets(%dma_start3A_604 : memref<80xi32, #tpu.memory_space<vmem>>) semaphore(%arg14 : memref<!tpu.dma_semaphore, #tpu.memory_space<semaphore_mem>>)
      %add3A_608 = arith.constant 3 : i32
      %add3A_609 = arith.addi %mul3A_503, %add3A_608 : i32
      %dma_wait3A_610 = arith.constant 0 : i32
      %dma_wait3A_611 = tpu.memref_slice %arg7[%add3A_609, %dma_wait3A_610] : memref<32x80xi32, #tpu.memory_space<vmem>> -> memref<1x80xi32, #tpu.memory_space<vmem>>
      %dma_wait3A_612 = tpu.memref_squeeze %dma_wait3A_611 : memref<1x80xi32, #tpu.memory_space<vmem>> -> memref<80xi32, #tpu.memory_space<vmem>>
      %dma_wait3A_613 = arith.constant 0 : i32
      %dma_wait3A_614 = arith.constant 0 : i32
      %dma_wait3A_615 = tpu.memref_slice %arg20[%dma_wait3A_613, %dma_wait3A_614] : memref<10240x128xf32, #tpu.memory_space<vmem_shared>> -> memref<10240x128xf32, #tpu.memory_space<vmem_shared>>
      tpu.wait_indirect_dma semaphore(%arg19 : memref<!tpu.dma_semaphore, #tpu.memory_space<semaphore_mem>>) src(%arg11 : memref<80x128xf32, #tpu.memory_space<vmem>>) dst(%dma_wait3A_615 : memref<10240x128xf32, #tpu.memory_space<vmem_shared>>)
      %add3A_616 = arith.constant 4 : i32
      %add3A_617 = arith.addi %add3A_609, %add3A_616 : i32
      %dma_start3A_618 = arith.constant 0 : i32
      %dma_start3A_619 = tpu.memref_slice %arg6[%add3A_617, %dma_start3A_618] : memref<32x80xi32, #tpu.memory_space<vmem>> -> memref<1x80xi32, #tpu.memory_space<vmem>>
      %dma_start3A_620 = tpu.memref_squeeze %dma_start3A_619 : memref<1x80xi32, #tpu.memory_space<vmem>> -> memref<80xi32, #tpu.memory_space<vmem>>
      %dma_start3A_621 = arith.constant 0 : i32
      %dma_start3A_622 = arith.constant 0 : i32
      %dma_start3A_623 = tpu.memref_slice %arg2[%dma_start3A_621, %dma_start3A_622] : memref<10240x128xf32, #tpu.memory_space<hbm>> -> memref<10240x128xf32, #tpu.memory_space<hbm>>
      tpu.enqueue_indirect_dma source(%dma_start3A_623 : memref<10240x128xf32, #tpu.memory_space<hbm>>) target(%arg11 : memref<80x128xf32, #tpu.memory_space<vmem>>) offsets(%dma_start3A_620 : memref<80xi32, #tpu.memory_space<vmem>>) semaphore(%arg15 : memref<!tpu.dma_semaphore, #tpu.memory_space<semaphore_mem>>)
    }
    %scan3A_173 = arith.constant 7 : i32
    %dma_wait3A_174 = arith.constant 28 : i32
    %dma_wait3A_175 = arith.constant 0 : i32
    %dma_wait3A_176 = tpu.memref_slice %arg6[%dma_wait3A_174, %dma_wait3A_175] : memref<32x80xi32, #tpu.memory_space<vmem>> -> memref<1x80xi32, #tpu.memory_space<vmem>>
    %dma_wait3A_177 = tpu.memref_squeeze %dma_wait3A_176 : memref<1x80xi32, #tpu.memory_space<vmem>> -> memref<80xi32, #tpu.memory_space<vmem>>
    %dma_wait3A_178 = arith.constant 0 : i32
    %dma_wait3A_179 = arith.constant 0 : i32
    %dma_wait3A_180 = tpu.memref_slice %arg2[%dma_wait3A_178, %dma_wait3A_179] : memref<10240x128xf32, #tpu.memory_space<hbm>> -> memref<10240x128xf32, #tpu.memory_space<hbm>>
    tpu.wait_indirect_dma semaphore(%arg12 : memref<!tpu.dma_semaphore, #tpu.memory_space<semaphore_mem>>) src(%dma_wait3A_180 : memref<10240x128xf32, #tpu.memory_space<hbm>>) dst(%arg8 : memref<80x128xf32, #tpu.memory_space<vmem>>)
    %dma_start3A_181 = arith.constant 28 : i32
    %dma_start3A_182 = arith.constant 0 : i32
    %dma_start3A_183 = tpu.memref_slice %arg7[%dma_start3A_181, %dma_start3A_182] : memref<32x80xi32, #tpu.memory_space<vmem>> -> memref<1x80xi32, #tpu.memory_space<vmem>>
    %dma_start3A_184 = tpu.memref_squeeze %dma_start3A_183 : memref<1x80xi32, #tpu.memory_space<vmem>> -> memref<80xi32, #tpu.memory_space<vmem>>
    %dma_start3A_185 = arith.constant 0 : i32
    %dma_start3A_186 = arith.constant 0 : i32
    %dma_start3A_187 = tpu.memref_slice %arg20[%dma_start3A_185, %dma_start3A_186] : memref<10240x128xf32, #tpu.memory_space<vmem_shared>> -> memref<10240x128xf32, #tpu.memory_space<vmem_shared>>
    tpu.enqueue_indirect_dma source(%arg8 : memref<80x128xf32, #tpu.memory_space<vmem>>) target(%dma_start3A_187 : memref<10240x128xf32, #tpu.memory_space<vmem_shared>>) offsets(%dma_start3A_184 : memref<80xi32, #tpu.memory_space<vmem>>) semaphore(%arg16 : memref<!tpu.dma_semaphore, #tpu.memory_space<semaphore_mem>>) {add = true}
    %dma_wait3A_188 = arith.constant 29 : i32
    %dma_wait3A_189 = arith.constant 0 : i32
    %dma_wait3A_190 = tpu.memref_slice %arg6[%dma_wait3A_188, %dma_wait3A_189] : memref<32x80xi32, #tpu.memory_space<vmem>> -> memref<1x80xi32, #tpu.memory_space<vmem>>
    %dma_wait3A_191 = tpu.memref_squeeze %dma_wait3A_190 : memref<1x80xi32, #tpu.memory_space<vmem>> -> memref<80xi32, #tpu.memory_space<vmem>>
    %dma_wait3A_192 = arith.constant 0 : i32
    %dma_wait3A_193 = arith.constant 0 : i32
    %dma_wait3A_194 = tpu.memref_slice %arg2[%dma_wait3A_192, %dma_wait3A_193] : memref<10240x128xf32, #tpu.memory_space<hbm>> -> memref<10240x128xf32, #tpu.memory_space<hbm>>
    tpu.wait_indirect_dma semaphore(%arg13 : memref<!tpu.dma_semaphore, #tpu.memory_space<semaphore_mem>>) src(%dma_wait3A_194 : memref<10240x128xf32, #tpu.memory_space<hbm>>) dst(%arg9 : memref<80x128xf32, #tpu.memory_space<vmem>>)
    %dma_start3A_195 = arith.constant 29 : i32
    %dma_start3A_196 = arith.constant 0 : i32
    %dma_start3A_197 = tpu.memref_slice %arg7[%dma_start3A_195, %dma_start3A_196] : memref<32x80xi32, #tpu.memory_space<vmem>> -> memref<1x80xi32, #tpu.memory_space<vmem>>
    %dma_start3A_198 = tpu.memref_squeeze %dma_start3A_197 : memref<1x80xi32, #tpu.memory_space<vmem>> -> memref<80xi32, #tpu.memory_space<vmem>>
    %dma_start3A_199 = arith.constant 0 : i32
    %dma_start3A_200 = arith.constant 0 : i32
    %dma_start3A_201 = tpu.memref_slice %arg20[%dma_start3A_199, %dma_start3A_200] : memref<10240x128xf32, #tpu.memory_space<vmem_shared>> -> memref<10240x128xf32, #tpu.memory_space<vmem_shared>>
    tpu.enqueue_indirect_dma source(%arg9 : memref<80x128xf32, #tpu.memory_space<vmem>>) target(%dma_start3A_201 : memref<10240x128xf32, #tpu.memory_space<vmem_shared>>) offsets(%dma_start3A_198 : memref<80xi32, #tpu.memory_space<vmem>>) semaphore(%arg17 : memref<!tpu.dma_semaphore, #tpu.memory_space<semaphore_mem>>) {add = true}
    %dma_wait3A_202 = arith.constant 30 : i32
    %dma_wait3A_203 = arith.constant 0 : i32
    %dma_wait3A_204 = tpu.memref_slice %arg6[%dma_wait3A_202, %dma_wait3A_203] : memref<32x80xi32, #tpu.memory_space<vmem>> -> memref<1x80xi32, #tpu.memory_space<vmem>>
    %dma_wait3A_205 = tpu.memref_squeeze %dma_wait3A_204 : memref<1x80xi32, #tpu.memory_space<vmem>> -> memref<80xi32, #tpu.memory_space<vmem>>
    %dma_wait3A_206 = arith.constant 0 : i32
    %dma_wait3A_207 = arith.constant 0 : i32
    %dma_wait3A_208 = tpu.memref_slice %arg2[%dma_wait3A_206, %dma_wait3A_207] : memref<10240x128xf32, #tpu.memory_space<hbm>> -> memref<10240x128xf32, #tpu.memory_space<hbm>>
    tpu.wait_indirect_dma semaphore(%arg14 : memref<!tpu.dma_semaphore, #tpu.memory_space<semaphore_mem>>) src(%dma_wait3A_208 : memref<10240x128xf32, #tpu.memory_space<hbm>>) dst(%arg10 : memref<80x128xf32, #tpu.memory_space<vmem>>)
    %dma_start3A_209 = arith.constant 30 : i32
    %dma_start3A_210 = arith.constant 0 : i32
    %dma_start3A_211 = tpu.memref_slice %arg7[%dma_start3A_209, %dma_start3A_210] : memref<32x80xi32, #tpu.memory_space<vmem>> -> memref<1x80xi32, #tpu.memory_space<vmem>>
    %dma_start3A_212 = tpu.memref_squeeze %dma_start3A_211 : memref<1x80xi32, #tpu.memory_space<vmem>> -> memref<80xi32, #tpu.memory_space<vmem>>
    %dma_start3A_213 = arith.constant 0 : i32
    %dma_start3A_214 = arith.constant 0 : i32
    %dma_start3A_215 = tpu.memref_slice %arg20[%dma_start3A_213, %dma_start3A_214] : memref<10240x128xf32, #tpu.memory_space<vmem_shared>> -> memref<10240x128xf32, #tpu.memory_space<vmem_shared>>
    tpu.enqueue_indirect_dma source(%arg10 : memref<80x128xf32, #tpu.memory_space<vmem>>) target(%dma_start3A_215 : memref<10240x128xf32, #tpu.memory_space<vmem_shared>>) offsets(%dma_start3A_212 : memref<80xi32, #tpu.memory_space<vmem>>) semaphore(%arg18 : memref<!tpu.dma_semaphore, #tpu.memory_space<semaphore_mem>>) {add = true}
    %dma_wait3A_216 = arith.constant 31 : i32
    %dma_wait3A_217 = arith.constant 0 : i32
    %dma_wait3A_218 = tpu.memref_slice %arg6[%dma_wait3A_216, %dma_wait3A_217] : memref<32x80xi32, #tpu.memory_space<vmem>> -> memref<1x80xi32, #tpu.memory_space<vmem>>
    %dma_wait3A_219 = tpu.memref_squeeze %dma_wait3A_218 : memref<1x80xi32, #tpu.memory_space<vmem>> -> memref<80xi32, #tpu.memory_space<vmem>>
    %dma_wait3A_220 = arith.constant 0 : i32
    %dma_wait3A_221 = arith.constant 0 : i32
    %dma_wait3A_222 = tpu.memref_slice %arg2[%dma_wait3A_220, %dma_wait3A_221] : memref<10240x128xf32, #tpu.memory_space<hbm>> -> memref<10240x128xf32, #tpu.memory_space<hbm>>
    tpu.wait_indirect_dma semaphore(%arg15 : memref<!tpu.dma_semaphore, #tpu.memory_space<semaphore_mem>>) src(%dma_wait3A_222 : memref<10240x128xf32, #tpu.memory_space<hbm>>) dst(%arg11 : memref<80x128xf32, #tpu.memory_space<vmem>>)
    %dma_start3A_223 = arith.constant 31 : i32
    %dma_start3A_224 = arith.constant 0 : i32
    %dma_start3A_225 = tpu.memref_slice %arg7[%dma_start3A_223, %dma_start3A_224] : memref<32x80xi32, #tpu.memory_space<vmem>> -> memref<1x80xi32, #tpu.memory_space<vmem>>
    %dma_start3A_226 = tpu.memref_squeeze %dma_start3A_225 : memref<1x80xi32, #tpu.memory_space<vmem>> -> memref<80xi32, #tpu.memory_space<vmem>>
    %dma_start3A_227 = arith.constant 0 : i32
    %dma_start3A_228 = arith.constant 0 : i32
    %dma_start3A_229 = tpu.memref_slice %arg20[%dma_start3A_227, %dma_start3A_228] : memref<10240x128xf32, #tpu.memory_space<vmem_shared>> -> memref<10240x128xf32, #tpu.memory_space<vmem_shared>>
    tpu.enqueue_indirect_dma source(%arg11 : memref<80x128xf32, #tpu.memory_space<vmem>>) target(%dma_start3A_229 : memref<10240x128xf32, #tpu.memory_space<vmem_shared>>) offsets(%dma_start3A_226 : memref<80xi32, #tpu.memory_space<vmem>>) semaphore(%arg19 : memref<!tpu.dma_semaphore, #tpu.memory_space<semaphore_mem>>) {add = true}
    %dma_wait3A_230 = arith.constant 28 : i32
    %dma_wait3A_231 = arith.constant 0 : i32
    %dma_wait3A_232 = tpu.memref_slice %arg7[%dma_wait3A_230, %dma_wait3A_231] : memref<32x80xi32, #tpu.memory_space<vmem>> -> memref<1x80xi32, #tpu.memory_space<vmem>>
    %dma_wait3A_233 = tpu.memref_squeeze %dma_wait3A_232 : memref<1x80xi32, #tpu.memory_space<vmem>> -> memref<80xi32, #tpu.memory_space<vmem>>
    %dma_wait3A_234 = arith.constant 0 : i32
    %dma_wait3A_235 = arith.constant 0 : i32
    %dma_wait3A_236 = tpu.memref_slice %arg20[%dma_wait3A_234, %dma_wait3A_235] : memref<10240x128xf32, #tpu.memory_space<vmem_shared>> -> memref<10240x128xf32, #tpu.memory_space<vmem_shared>>
    tpu.wait_indirect_dma semaphore(%arg16 : memref<!tpu.dma_semaphore, #tpu.memory_space<semaphore_mem>>) src(%arg8 : memref<80x128xf32, #tpu.memory_space<vmem>>) dst(%dma_wait3A_236 : memref<10240x128xf32, #tpu.memory_space<vmem_shared>>)
    %dma_wait3A_237 = arith.constant 29 : i32
    %dma_wait3A_238 = arith.constant 0 : i32
    %dma_wait3A_239 = tpu.memref_slice %arg7[%dma_wait3A_237, %dma_wait3A_238] : memref<32x80xi32, #tpu.memory_space<vmem>> -> memref<1x80xi32, #tpu.memory_space<vmem>>
    %dma_wait3A_240 = tpu.memref_squeeze %dma_wait3A_239 : memref<1x80xi32, #tpu.memory_space<vmem>> -> memref<80xi32, #tpu.memory_space<vmem>>
    %dma_wait3A_241 = arith.constant 0 : i32
    %dma_wait3A_242 = arith.constant 0 : i32
    %dma_wait3A_243 = tpu.memref_slice %arg20[%dma_wait3A_241, %dma_wait3A_242] : memref<10240x128xf32, #tpu.memory_space<vmem_shared>> -> memref<10240x128xf32, #tpu.memory_space<vmem_shared>>
    tpu.wait_indirect_dma semaphore(%arg17 : memref<!tpu.dma_semaphore, #tpu.memory_space<semaphore_mem>>) src(%arg9 : memref<80x128xf32, #tpu.memory_space<vmem>>) dst(%dma_wait3A_243 : memref<10240x128xf32, #tpu.memory_space<vmem_shared>>)
    %dma_wait3A_244 = arith.constant 30 : i32
    %dma_wait3A_245 = arith.constant 0 : i32
    %dma_wait3A_246 = tpu.memref_slice %arg7[%dma_wait3A_244, %dma_wait3A_245] : memref<32x80xi32, #tpu.memory_space<vmem>> -> memref<1x80xi32, #tpu.memory_space<vmem>>
    %dma_wait3A_247 = tpu.memref_squeeze %dma_wait3A_246 : memref<1x80xi32, #tpu.memory_space<vmem>> -> memref<80xi32, #tpu.memory_space<vmem>>
    %dma_wait3A_248 = arith.constant 0 : i32
    %dma_wait3A_249 = arith.constant 0 : i32
    %dma_wait3A_250 = tpu.memref_slice %arg20[%dma_wait3A_248, %dma_wait3A_249] : memref<10240x128xf32, #tpu.memory_space<vmem_shared>> -> memref<10240x128xf32, #tpu.memory_space<vmem_shared>>
    tpu.wait_indirect_dma semaphore(%arg18 : memref<!tpu.dma_semaphore, #tpu.memory_space<semaphore_mem>>) src(%arg10 : memref<80x128xf32, #tpu.memory_space<vmem>>) dst(%dma_wait3A_250 : memref<10240x128xf32, #tpu.memory_space<vmem_shared>>)
    %dma_wait3A_251 = arith.constant 31 : i32
    %dma_wait3A_252 = arith.constant 0 : i32
    %dma_wait3A_253 = tpu.memref_slice %arg7[%dma_wait3A_251, %dma_wait3A_252] : memref<32x80xi32, #tpu.memory_space<vmem>> -> memref<1x80xi32, #tpu.memory_space<vmem>>
    %dma_wait3A_254 = tpu.memref_squeeze %dma_wait3A_253 : memref<1x80xi32, #tpu.memory_space<vmem>> -> memref<80xi32, #tpu.memory_space<vmem>>
    %dma_wait3A_255 = arith.constant 0 : i32
    %dma_wait3A_256 = arith.constant 0 : i32
    %dma_wait3A_257 = tpu.memref_slice %arg20[%dma_wait3A_255, %dma_wait3A_256] : memref<10240x128xf32, #tpu.memory_space<vmem_shared>> -> memref<10240x128xf32, #tpu.memory_space<vmem_shared>>
    tpu.wait_indirect_dma semaphore(%arg19 : memref<!tpu.dma_semaphore, #tpu.memory_space<semaphore_mem>>) src(%arg11 : memref<80x128xf32, #tpu.memory_space<vmem>>) dst(%dma_wait3A_257 : memref<10240x128xf32, #tpu.memory_space<vmem_shared>>)
    %run_scoped3A_258 = arith.constant 2 : i32
    "tpu.region"() ({
      %run_scoped3A_497 = tpu.sem_alloc : memref<!tpu.dma_semaphore, #tpu.memory_space<semaphore_mem>>
      %dma_start3A_498 = arith.constant 0 : i32
      %dma_start3A_499 = arith.constant 0 : i32
      %dma_start3A_500 = tpu.memref_slice %arg3[%add3A, %run_scoped3A_258, %dma_start3A_498, %dma_start3A_499] : memref<32x4x32x80xi32, #tpu.memory_space<hbm>> -> memref<1x1x32x80xi32, #tpu.memory_space<hbm>>
      %dma_start3A_501 = tpu.memref_squeeze %dma_start3A_500 : memref<1x1x32x80xi32, #tpu.memory_space<hbm>> -> memref<32x80xi32, #tpu.memory_space<hbm>>
      %dma_start3A_502 = arith.constant 0 : i32
      %dma_start3A_503 = arith.constant 0 : i32
      %dma_start3A_504 = tpu.memref_slice %arg3[%add3A, %run_scoped3A_258, %dma_start3A_502, %dma_start3A_503] : memref<32x4x32x80xi32, #tpu.memory_space<hbm>> -> memref<1x1x32x80xi32, #tpu.memory_space<hbm>>
      %dma_start3A_505 = tpu.memref_squeeze %dma_start3A_504 : memref<1x1x32x80xi32, #tpu.memory_space<hbm>> -> memref<32x80xi32, #tpu.memory_space<hbm>>
      tpu.enqueue_dma source(%dma_start3A_505 : memref<32x80xi32, #tpu.memory_space<hbm>>) target(%arg6 : memref<32x80xi32, #tpu.memory_space<vmem>>) target_semaphore(%run_scoped3A_497 : memref<!tpu.dma_semaphore, #tpu.memory_space<semaphore_mem>>)
      %dma_wait3A_506 = arith.constant 0 : i32
      %dma_wait3A_507 = arith.constant 0 : i32
      %dma_wait3A_508 = tpu.memref_slice %arg3[%add3A, %run_scoped3A_258, %dma_wait3A_506, %dma_wait3A_507] : memref<32x4x32x80xi32, #tpu.memory_space<hbm>> -> memref<1x1x32x80xi32, #tpu.memory_space<hbm>>
      %dma_wait3A_509 = tpu.memref_squeeze %dma_wait3A_508 : memref<1x1x32x80xi32, #tpu.memory_space<hbm>> -> memref<32x80xi32, #tpu.memory_space<hbm>>
      %dma_wait3A_510 = arith.constant 0 : i32
      %dma_wait3A_511 = arith.constant 0 : i32
      %dma_wait3A_512 = tpu.memref_slice %arg3[%add3A, %run_scoped3A_258, %dma_wait3A_510, %dma_wait3A_511] : memref<32x4x32x80xi32, #tpu.memory_space<hbm>> -> memref<1x1x32x80xi32, #tpu.memory_space<hbm>>
      %dma_wait3A_513 = tpu.memref_squeeze %dma_wait3A_512 : memref<1x1x32x80xi32, #tpu.memory_space<hbm>> -> memref<32x80xi32, #tpu.memory_space<hbm>>
      tpu.wait_dma2 semaphore(%run_scoped3A_497 : memref<!tpu.dma_semaphore, #tpu.memory_space<semaphore_mem>>) src(%dma_wait3A_513 : memref<32x80xi32, #tpu.memory_space<hbm>>) dst(%arg6 : memref<32x80xi32, #tpu.memory_space<vmem>>)
      tpu.yield
    }) : () -> ()
    %run_scoped3A_259 = arith.constant 2 : i32
    "tpu.region"() ({
      %run_scoped3A_497 = tpu.sem_alloc : memref<!tpu.dma_semaphore, #tpu.memory_space<semaphore_mem>>
      %dma_start3A_498 = arith.constant 0 : i32
      %dma_start3A_499 = arith.constant 0 : i32
      %dma_start3A_500 = tpu.memref_slice %arg4[%add3A, %run_scoped3A_259, %dma_start3A_498, %dma_start3A_499] : memref<32x4x32x80xi32, #tpu.memory_space<hbm>> -> memref<1x1x32x80xi32, #tpu.memory_space<hbm>>
      %dma_start3A_501 = tpu.memref_squeeze %dma_start3A_500 : memref<1x1x32x80xi32, #tpu.memory_space<hbm>> -> memref<32x80xi32, #tpu.memory_space<hbm>>
      %dma_start3A_502 = arith.constant 0 : i32
      %dma_start3A_503 = arith.constant 0 : i32
      %dma_start3A_504 = tpu.memref_slice %arg4[%add3A, %run_scoped3A_259, %dma_start3A_502, %dma_start3A_503] : memref<32x4x32x80xi32, #tpu.memory_space<hbm>> -> memref<1x1x32x80xi32, #tpu.memory_space<hbm>>
      %dma_start3A_505 = tpu.memref_squeeze %dma_start3A_504 : memref<1x1x32x80xi32, #tpu.memory_space<hbm>> -> memref<32x80xi32, #tpu.memory_space<hbm>>
      tpu.enqueue_dma source(%dma_start3A_505 : memref<32x80xi32, #tpu.memory_space<hbm>>) target(%arg7 : memref<32x80xi32, #tpu.memory_space<vmem>>) target_semaphore(%run_scoped3A_497 : memref<!tpu.dma_semaphore, #tpu.memory_space<semaphore_mem>>)
      %dma_wait3A_506 = arith.constant 0 : i32
      %dma_wait3A_507 = arith.constant 0 : i32
      %dma_wait3A_508 = tpu.memref_slice %arg4[%add3A, %run_scoped3A_259, %dma_wait3A_506, %dma_wait3A_507] : memref<32x4x32x80xi32, #tpu.memory_space<hbm>> -> memref<1x1x32x80xi32, #tpu.memory_space<hbm>>
      %dma_wait3A_509 = tpu.memref_squeeze %dma_wait3A_508 : memref<1x1x32x80xi32, #tpu.memory_space<hbm>> -> memref<32x80xi32, #tpu.memory_space<hbm>>
      %dma_wait3A_510 = arith.constant 0 : i32
      %dma_wait3A_511 = arith.constant 0 : i32
      %dma_wait3A_512 = tpu.memref_slice %arg4[%add3A, %run_scoped3A_259, %dma_wait3A_510, %dma_wait3A_511] : memref<32x4x32x80xi32, #tpu.memory_space<hbm>> -> memref<1x1x32x80xi32, #tpu.memory_space<hbm>>
      %dma_wait3A_513 = tpu.memref_squeeze %dma_wait3A_512 : memref<1x1x32x80xi32, #tpu.memory_space<hbm>> -> memref<32x80xi32, #tpu.memory_space<hbm>>
      tpu.wait_dma2 semaphore(%run_scoped3A_497 : memref<!tpu.dma_semaphore, #tpu.memory_space<semaphore_mem>>) src(%dma_wait3A_513 : memref<32x80xi32, #tpu.memory_space<hbm>>) dst(%arg7 : memref<32x80xi32, #tpu.memory_space<vmem>>)
      tpu.yield
    }) : () -> ()
    %dma_start3A_260 = arith.constant 0 : i32
    %dma_start3A_261 = arith.constant 0 : i32
    %dma_start3A_262 = tpu.memref_slice %arg6[%dma_start3A_260, %dma_start3A_261] : memref<32x80xi32, #tpu.memory_space<vmem>> -> memref<1x80xi32, #tpu.memory_space<vmem>>
    %dma_start3A_263 = tpu.memref_squeeze %dma_start3A_262 : memref<1x80xi32, #tpu.memory_space<vmem>> -> memref<80xi32, #tpu.memory_space<vmem>>
    %dma_start3A_264 = arith.constant 0 : i32
    %dma_start3A_265 = arith.constant 0 : i32
    %dma_start3A_266 = tpu.memref_slice %arg2[%dma_start3A_264, %dma_start3A_265] : memref<10240x128xf32, #tpu.memory_space<hbm>> -> memref<10240x128xf32, #tpu.memory_space<hbm>>
    tpu.enqueue_indirect_dma source(%dma_start3A_266 : memref<10240x128xf32, #tpu.memory_space<hbm>>) target(%arg8 : memref<80x128xf32, #tpu.memory_space<vmem>>) offsets(%dma_start3A_263 : memref<80xi32, #tpu.memory_space<vmem>>) semaphore(%arg12 : memref<!tpu.dma_semaphore, #tpu.memory_space<semaphore_mem>>)
    %dma_start3A_267 = arith.constant 1 : i32
    %dma_start3A_268 = arith.constant 0 : i32
    %dma_start3A_269 = tpu.memref_slice %arg6[%dma_start3A_267, %dma_start3A_268] : memref<32x80xi32, #tpu.memory_space<vmem>> -> memref<1x80xi32, #tpu.memory_space<vmem>>
    %dma_start3A_270 = tpu.memref_squeeze %dma_start3A_269 : memref<1x80xi32, #tpu.memory_space<vmem>> -> memref<80xi32, #tpu.memory_space<vmem>>
    %dma_start3A_271 = arith.constant 0 : i32
    %dma_start3A_272 = arith.constant 0 : i32
    %dma_start3A_273 = tpu.memref_slice %arg2[%dma_start3A_271, %dma_start3A_272] : memref<10240x128xf32, #tpu.memory_space<hbm>> -> memref<10240x128xf32, #tpu.memory_space<hbm>>
    tpu.enqueue_indirect_dma source(%dma_start3A_273 : memref<10240x128xf32, #tpu.memory_space<hbm>>) target(%arg9 : memref<80x128xf32, #tpu.memory_space<vmem>>) offsets(%dma_start3A_270 : memref<80xi32, #tpu.memory_space<vmem>>) semaphore(%arg13 : memref<!tpu.dma_semaphore, #tpu.memory_space<semaphore_mem>>)
    %dma_start3A_274 = arith.constant 2 : i32
    %dma_start3A_275 = arith.constant 0 : i32
    %dma_start3A_276 = tpu.memref_slice %arg6[%dma_start3A_274, %dma_start3A_275] : memref<32x80xi32, #tpu.memory_space<vmem>> -> memref<1x80xi32, #tpu.memory_space<vmem>>
    %dma_start3A_277 = tpu.memref_squeeze %dma_start3A_276 : memref<1x80xi32, #tpu.memory_space<vmem>> -> memref<80xi32, #tpu.memory_space<vmem>>
    %dma_start3A_278 = arith.constant 0 : i32
    %dma_start3A_279 = arith.constant 0 : i32
    %dma_start3A_280 = tpu.memref_slice %arg2[%dma_start3A_278, %dma_start3A_279] : memref<10240x128xf32, #tpu.memory_space<hbm>> -> memref<10240x128xf32, #tpu.memory_space<hbm>>
    tpu.enqueue_indirect_dma source(%dma_start3A_280 : memref<10240x128xf32, #tpu.memory_space<hbm>>) target(%arg10 : memref<80x128xf32, #tpu.memory_space<vmem>>) offsets(%dma_start3A_277 : memref<80xi32, #tpu.memory_space<vmem>>) semaphore(%arg14 : memref<!tpu.dma_semaphore, #tpu.memory_space<semaphore_mem>>)
    %dma_start3A_281 = arith.constant 3 : i32
    %dma_start3A_282 = arith.constant 0 : i32
    %dma_start3A_283 = tpu.memref_slice %arg6[%dma_start3A_281, %dma_start3A_282] : memref<32x80xi32, #tpu.memory_space<vmem>> -> memref<1x80xi32, #tpu.memory_space<vmem>>
    %dma_start3A_284 = tpu.memref_squeeze %dma_start3A_283 : memref<1x80xi32, #tpu.memory_space<vmem>> -> memref<80xi32, #tpu.memory_space<vmem>>
    %dma_start3A_285 = arith.constant 0 : i32
    %dma_start3A_286 = arith.constant 0 : i32
    %dma_start3A_287 = tpu.memref_slice %arg2[%dma_start3A_285, %dma_start3A_286] : memref<10240x128xf32, #tpu.memory_space<hbm>> -> memref<10240x128xf32, #tpu.memory_space<hbm>>
    tpu.enqueue_indirect_dma source(%dma_start3A_287 : memref<10240x128xf32, #tpu.memory_space<hbm>>) target(%arg11 : memref<80x128xf32, #tpu.memory_space<vmem>>) offsets(%dma_start3A_284 : memref<80xi32, #tpu.memory_space<vmem>>) semaphore(%arg15 : memref<!tpu.dma_semaphore, #tpu.memory_space<semaphore_mem>>)
    %scan3A_288 = arith.constant 0 : i32
    %scan3A_289 = arith.constant 7 : i32
    %scan3A_290 = arith.addi %scan3A_288, %scan3A_289 : i32
    %scan3A_291 = arith.constant 1 : i32
    scf.for %scan3A_497 = %scan3A_288 to %scan3A_290 step %scan3A_291  : i32 {
      %mul3A_498 = arith.constant 1 : i32
      %mul3A_499 = arith.muli %scan3A_497, %mul3A_498 : i32
      %add3A_500 = arith.constant 0 : i32
      %add3A_501 = arith.addi %add3A_500, %mul3A_499 : i32
      %mul3A_502 = arith.constant 4 : i32
      %mul3A_503 = arith.muli %add3A_501, %mul3A_502 : i32
      %add3A_504 = arith.constant 0 : i32
      %add3A_505 = arith.addi %mul3A_503, %add3A_504 : i32
      %dma_wait3A_506 = arith.constant 0 : i32
      %dma_wait3A_507 = tpu.memref_slice %arg6[%add3A_505, %dma_wait3A_506] : memref<32x80xi32, #tpu.memory_space<vmem>> -> memref<1x80xi32, #tpu.memory_space<vmem>>
      %dma_wait3A_508 = tpu.memref_squeeze %dma_wait3A_507 : memref<1x80xi32, #tpu.memory_space<vmem>> -> memref<80xi32, #tpu.memory_space<vmem>>
      %dma_wait3A_509 = arith.constant 0 : i32
      %dma_wait3A_510 = arith.constant 0 : i32
      %dma_wait3A_511 = tpu.memref_slice %arg2[%dma_wait3A_509, %dma_wait3A_510] : memref<10240x128xf32, #tpu.memory_space<hbm>> -> memref<10240x128xf32, #tpu.memory_space<hbm>>
      tpu.wait_indirect_dma semaphore(%arg12 : memref<!tpu.dma_semaphore, #tpu.memory_space<semaphore_mem>>) src(%dma_wait3A_511 : memref<10240x128xf32, #tpu.memory_space<hbm>>) dst(%arg8 : memref<80x128xf32, #tpu.memory_space<vmem>>)
      %dma_start3A_512 = arith.constant 0 : i32
      %dma_start3A_513 = tpu.memref_slice %arg7[%add3A_505, %dma_start3A_512] : memref<32x80xi32, #tpu.memory_space<vmem>> -> memref<1x80xi32, #tpu.memory_space<vmem>>
      %dma_start3A_514 = tpu.memref_squeeze %dma_start3A_513 : memref<1x80xi32, #tpu.memory_space<vmem>> -> memref<80xi32, #tpu.memory_space<vmem>>
      %dma_start3A_515 = arith.constant 0 : i32
      %dma_start3A_516 = arith.constant 0 : i32
      %dma_start3A_517 = tpu.memref_slice %arg20[%dma_start3A_515, %dma_start3A_516] : memref<10240x128xf32, #tpu.memory_space<vmem_shared>> -> memref<10240x128xf32, #tpu.memory_space<vmem_shared>>
      tpu.enqueue_indirect_dma source(%arg8 : memref<80x128xf32, #tpu.memory_space<vmem>>) target(%dma_start3A_517 : memref<10240x128xf32, #tpu.memory_space<vmem_shared>>) offsets(%dma_start3A_514 : memref<80xi32, #tpu.memory_space<vmem>>) semaphore(%arg16 : memref<!tpu.dma_semaphore, #tpu.memory_space<semaphore_mem>>) {add = true}
      %add3A_518 = arith.constant 1 : i32
      %add3A_519 = arith.addi %mul3A_503, %add3A_518 : i32
      %dma_wait3A_520 = arith.constant 0 : i32
      %dma_wait3A_521 = tpu.memref_slice %arg6[%add3A_519, %dma_wait3A_520] : memref<32x80xi32, #tpu.memory_space<vmem>> -> memref<1x80xi32, #tpu.memory_space<vmem>>
      %dma_wait3A_522 = tpu.memref_squeeze %dma_wait3A_521 : memref<1x80xi32, #tpu.memory_space<vmem>> -> memref<80xi32, #tpu.memory_space<vmem>>
      %dma_wait3A_523 = arith.constant 0 : i32
      %dma_wait3A_524 = arith.constant 0 : i32
      %dma_wait3A_525 = tpu.memref_slice %arg2[%dma_wait3A_523, %dma_wait3A_524] : memref<10240x128xf32, #tpu.memory_space<hbm>> -> memref<10240x128xf32, #tpu.memory_space<hbm>>
      tpu.wait_indirect_dma semaphore(%arg13 : memref<!tpu.dma_semaphore, #tpu.memory_space<semaphore_mem>>) src(%dma_wait3A_525 : memref<10240x128xf32, #tpu.memory_space<hbm>>) dst(%arg9 : memref<80x128xf32, #tpu.memory_space<vmem>>)
      %dma_start3A_526 = arith.constant 0 : i32
      %dma_start3A_527 = tpu.memref_slice %arg7[%add3A_519, %dma_start3A_526] : memref<32x80xi32, #tpu.memory_space<vmem>> -> memref<1x80xi32, #tpu.memory_space<vmem>>
      %dma_start3A_528 = tpu.memref_squeeze %dma_start3A_527 : memref<1x80xi32, #tpu.memory_space<vmem>> -> memref<80xi32, #tpu.memory_space<vmem>>
      %dma_start3A_529 = arith.constant 0 : i32
      %dma_start3A_530 = arith.constant 0 : i32
      %dma_start3A_531 = tpu.memref_slice %arg20[%dma_start3A_529, %dma_start3A_530] : memref<10240x128xf32, #tpu.memory_space<vmem_shared>> -> memref<10240x128xf32, #tpu.memory_space<vmem_shared>>
      tpu.enqueue_indirect_dma source(%arg9 : memref<80x128xf32, #tpu.memory_space<vmem>>) target(%dma_start3A_531 : memref<10240x128xf32, #tpu.memory_space<vmem_shared>>) offsets(%dma_start3A_528 : memref<80xi32, #tpu.memory_space<vmem>>) semaphore(%arg17 : memref<!tpu.dma_semaphore, #tpu.memory_space<semaphore_mem>>) {add = true}
      %add3A_532 = arith.constant 2 : i32
      %add3A_533 = arith.addi %mul3A_503, %add3A_532 : i32
      %dma_wait3A_534 = arith.constant 0 : i32
      %dma_wait3A_535 = tpu.memref_slice %arg6[%add3A_533, %dma_wait3A_534] : memref<32x80xi32, #tpu.memory_space<vmem>> -> memref<1x80xi32, #tpu.memory_space<vmem>>
      %dma_wait3A_536 = tpu.memref_squeeze %dma_wait3A_535 : memref<1x80xi32, #tpu.memory_space<vmem>> -> memref<80xi32, #tpu.memory_space<vmem>>
      %dma_wait3A_537 = arith.constant 0 : i32
      %dma_wait3A_538 = arith.constant 0 : i32
      %dma_wait3A_539 = tpu.memref_slice %arg2[%dma_wait3A_537, %dma_wait3A_538] : memref<10240x128xf32, #tpu.memory_space<hbm>> -> memref<10240x128xf32, #tpu.memory_space<hbm>>
      tpu.wait_indirect_dma semaphore(%arg14 : memref<!tpu.dma_semaphore, #tpu.memory_space<semaphore_mem>>) src(%dma_wait3A_539 : memref<10240x128xf32, #tpu.memory_space<hbm>>) dst(%arg10 : memref<80x128xf32, #tpu.memory_space<vmem>>)
      %dma_start3A_540 = arith.constant 0 : i32
      %dma_start3A_541 = tpu.memref_slice %arg7[%add3A_533, %dma_start3A_540] : memref<32x80xi32, #tpu.memory_space<vmem>> -> memref<1x80xi32, #tpu.memory_space<vmem>>
      %dma_start3A_542 = tpu.memref_squeeze %dma_start3A_541 : memref<1x80xi32, #tpu.memory_space<vmem>> -> memref<80xi32, #tpu.memory_space<vmem>>
      %dma_start3A_543 = arith.constant 0 : i32
      %dma_start3A_544 = arith.constant 0 : i32
      %dma_start3A_545 = tpu.memref_slice %arg20[%dma_start3A_543, %dma_start3A_544] : memref<10240x128xf32, #tpu.memory_space<vmem_shared>> -> memref<10240x128xf32, #tpu.memory_space<vmem_shared>>
      tpu.enqueue_indirect_dma source(%arg10 : memref<80x128xf32, #tpu.memory_space<vmem>>) target(%dma_start3A_545 : memref<10240x128xf32, #tpu.memory_space<vmem_shared>>) offsets(%dma_start3A_542 : memref<80xi32, #tpu.memory_space<vmem>>) semaphore(%arg18 : memref<!tpu.dma_semaphore, #tpu.memory_space<semaphore_mem>>) {add = true}
      %add3A_546 = arith.constant 3 : i32
      %add3A_547 = arith.addi %mul3A_503, %add3A_546 : i32
      %dma_wait3A_548 = arith.constant 0 : i32
      %dma_wait3A_549 = tpu.memref_slice %arg6[%add3A_547, %dma_wait3A_548] : memref<32x80xi32, #tpu.memory_space<vmem>> -> memref<1x80xi32, #tpu.memory_space<vmem>>
      %dma_wait3A_550 = tpu.memref_squeeze %dma_wait3A_549 : memref<1x80xi32, #tpu.memory_space<vmem>> -> memref<80xi32, #tpu.memory_space<vmem>>
      %dma_wait3A_551 = arith.constant 0 : i32
      %dma_wait3A_552 = arith.constant 0 : i32
      %dma_wait3A_553 = tpu.memref_slice %arg2[%dma_wait3A_551, %dma_wait3A_552] : memref<10240x128xf32, #tpu.memory_space<hbm>> -> memref<10240x128xf32, #tpu.memory_space<hbm>>
      tpu.wait_indirect_dma semaphore(%arg15 : memref<!tpu.dma_semaphore, #tpu.memory_space<semaphore_mem>>) src(%dma_wait3A_553 : memref<10240x128xf32, #tpu.memory_space<hbm>>) dst(%arg11 : memref<80x128xf32, #tpu.memory_space<vmem>>)
      %dma_start3A_554 = arith.constant 0 : i32
      %dma_start3A_555 = tpu.memref_slice %arg7[%add3A_547, %dma_start3A_554] : memref<32x80xi32, #tpu.memory_space<vmem>> -> memref<1x80xi32, #tpu.memory_space<vmem>>
      %dma_start3A_556 = tpu.memref_squeeze %dma_start3A_555 : memref<1x80xi32, #tpu.memory_space<vmem>> -> memref<80xi32, #tpu.memory_space<vmem>>
      %dma_start3A_557 = arith.constant 0 : i32
      %dma_start3A_558 = arith.constant 0 : i32
      %dma_start3A_559 = tpu.memref_slice %arg20[%dma_start3A_557, %dma_start3A_558] : memref<10240x128xf32, #tpu.memory_space<vmem_shared>> -> memref<10240x128xf32, #tpu.memory_space<vmem_shared>>
      tpu.enqueue_indirect_dma source(%arg11 : memref<80x128xf32, #tpu.memory_space<vmem>>) target(%dma_start3A_559 : memref<10240x128xf32, #tpu.memory_space<vmem_shared>>) offsets(%dma_start3A_556 : memref<80xi32, #tpu.memory_space<vmem>>) semaphore(%arg19 : memref<!tpu.dma_semaphore, #tpu.memory_space<semaphore_mem>>) {add = true}
      %add3A_560 = arith.constant 0 : i32
      %add3A_561 = arith.addi %mul3A_503, %add3A_560 : i32
      %dma_wait3A_562 = arith.constant 0 : i32
      %dma_wait3A_563 = tpu.memref_slice %arg7[%add3A_561, %dma_wait3A_562] : memref<32x80xi32, #tpu.memory_space<vmem>> -> memref<1x80xi32, #tpu.memory_space<vmem>>
      %dma_wait3A_564 = tpu.memref_squeeze %dma_wait3A_563 : memref<1x80xi32, #tpu.memory_space<vmem>> -> memref<80xi32, #tpu.memory_space<vmem>>
      %dma_wait3A_565 = arith.constant 0 : i32
      %dma_wait3A_566 = arith.constant 0 : i32
      %dma_wait3A_567 = tpu.memref_slice %arg20[%dma_wait3A_565, %dma_wait3A_566] : memref<10240x128xf32, #tpu.memory_space<vmem_shared>> -> memref<10240x128xf32, #tpu.memory_space<vmem_shared>>
      tpu.wait_indirect_dma semaphore(%arg16 : memref<!tpu.dma_semaphore, #tpu.memory_space<semaphore_mem>>) src(%arg8 : memref<80x128xf32, #tpu.memory_space<vmem>>) dst(%dma_wait3A_567 : memref<10240x128xf32, #tpu.memory_space<vmem_shared>>)
      %add3A_568 = arith.constant 4 : i32
      %add3A_569 = arith.addi %add3A_561, %add3A_568 : i32
      %dma_start3A_570 = arith.constant 0 : i32
      %dma_start3A_571 = tpu.memref_slice %arg6[%add3A_569, %dma_start3A_570] : memref<32x80xi32, #tpu.memory_space<vmem>> -> memref<1x80xi32, #tpu.memory_space<vmem>>
      %dma_start3A_572 = tpu.memref_squeeze %dma_start3A_571 : memref<1x80xi32, #tpu.memory_space<vmem>> -> memref<80xi32, #tpu.memory_space<vmem>>
      %dma_start3A_573 = arith.constant 0 : i32
      %dma_start3A_574 = arith.constant 0 : i32
      %dma_start3A_575 = tpu.memref_slice %arg2[%dma_start3A_573, %dma_start3A_574] : memref<10240x128xf32, #tpu.memory_space<hbm>> -> memref<10240x128xf32, #tpu.memory_space<hbm>>
      tpu.enqueue_indirect_dma source(%dma_start3A_575 : memref<10240x128xf32, #tpu.memory_space<hbm>>) target(%arg8 : memref<80x128xf32, #tpu.memory_space<vmem>>) offsets(%dma_start3A_572 : memref<80xi32, #tpu.memory_space<vmem>>) semaphore(%arg12 : memref<!tpu.dma_semaphore, #tpu.memory_space<semaphore_mem>>)
      %add3A_576 = arith.constant 1 : i32
      %add3A_577 = arith.addi %mul3A_503, %add3A_576 : i32
      %dma_wait3A_578 = arith.constant 0 : i32
      %dma_wait3A_579 = tpu.memref_slice %arg7[%add3A_577, %dma_wait3A_578] : memref<32x80xi32, #tpu.memory_space<vmem>> -> memref<1x80xi32, #tpu.memory_space<vmem>>
      %dma_wait3A_580 = tpu.memref_squeeze %dma_wait3A_579 : memref<1x80xi32, #tpu.memory_space<vmem>> -> memref<80xi32, #tpu.memory_space<vmem>>
      %dma_wait3A_581 = arith.constant 0 : i32
      %dma_wait3A_582 = arith.constant 0 : i32
      %dma_wait3A_583 = tpu.memref_slice %arg20[%dma_wait3A_581, %dma_wait3A_582] : memref<10240x128xf32, #tpu.memory_space<vmem_shared>> -> memref<10240x128xf32, #tpu.memory_space<vmem_shared>>
      tpu.wait_indirect_dma semaphore(%arg17 : memref<!tpu.dma_semaphore, #tpu.memory_space<semaphore_mem>>) src(%arg9 : memref<80x128xf32, #tpu.memory_space<vmem>>) dst(%dma_wait3A_583 : memref<10240x128xf32, #tpu.memory_space<vmem_shared>>)
      %add3A_584 = arith.constant 4 : i32
      %add3A_585 = arith.addi %add3A_577, %add3A_584 : i32
      %dma_start3A_586 = arith.constant 0 : i32
      %dma_start3A_587 = tpu.memref_slice %arg6[%add3A_585, %dma_start3A_586] : memref<32x80xi32, #tpu.memory_space<vmem>> -> memref<1x80xi32, #tpu.memory_space<vmem>>
      %dma_start3A_588 = tpu.memref_squeeze %dma_start3A_587 : memref<1x80xi32, #tpu.memory_space<vmem>> -> memref<80xi32, #tpu.memory_space<vmem>>
      %dma_start3A_589 = arith.constant 0 : i32
      %dma_start3A_590 = arith.constant 0 : i32
      %dma_start3A_591 = tpu.memref_slice %arg2[%dma_start3A_589, %dma_start3A_590] : memref<10240x128xf32, #tpu.memory_space<hbm>> -> memref<10240x128xf32, #tpu.memory_space<hbm>>
      tpu.enqueue_indirect_dma source(%dma_start3A_591 : memref<10240x128xf32, #tpu.memory_space<hbm>>) target(%arg9 : memref<80x128xf32, #tpu.memory_space<vmem>>) offsets(%dma_start3A_588 : memref<80xi32, #tpu.memory_space<vmem>>) semaphore(%arg13 : memref<!tpu.dma_semaphore, #tpu.memory_space<semaphore_mem>>)
      %add3A_592 = arith.constant 2 : i32
      %add3A_593 = arith.addi %mul3A_503, %add3A_592 : i32
      %dma_wait3A_594 = arith.constant 0 : i32
      %dma_wait3A_595 = tpu.memref_slice %arg7[%add3A_593, %dma_wait3A_594] : memref<32x80xi32, #tpu.memory_space<vmem>> -> memref<1x80xi32, #tpu.memory_space<vmem>>
      %dma_wait3A_596 = tpu.memref_squeeze %dma_wait3A_595 : memref<1x80xi32, #tpu.memory_space<vmem>> -> memref<80xi32, #tpu.memory_space<vmem>>
      %dma_wait3A_597 = arith.constant 0 : i32
      %dma_wait3A_598 = arith.constant 0 : i32
      %dma_wait3A_599 = tpu.memref_slice %arg20[%dma_wait3A_597, %dma_wait3A_598] : memref<10240x128xf32, #tpu.memory_space<vmem_shared>> -> memref<10240x128xf32, #tpu.memory_space<vmem_shared>>
      tpu.wait_indirect_dma semaphore(%arg18 : memref<!tpu.dma_semaphore, #tpu.memory_space<semaphore_mem>>) src(%arg10 : memref<80x128xf32, #tpu.memory_space<vmem>>) dst(%dma_wait3A_599 : memref<10240x128xf32, #tpu.memory_space<vmem_shared>>)
      %add3A_600 = arith.constant 4 : i32
      %add3A_601 = arith.addi %add3A_593, %add3A_600 : i32
      %dma_start3A_602 = arith.constant 0 : i32
      %dma_start3A_603 = tpu.memref_slice %arg6[%add3A_601, %dma_start3A_602] : memref<32x80xi32, #tpu.memory_space<vmem>> -> memref<1x80xi32, #tpu.memory_space<vmem>>
      %dma_start3A_604 = tpu.memref_squeeze %dma_start3A_603 : memref<1x80xi32, #tpu.memory_space<vmem>> -> memref<80xi32, #tpu.memory_space<vmem>>
      %dma_start3A_605 = arith.constant 0 : i32
      %dma_start3A_606 = arith.constant 0 : i32
      %dma_start3A_607 = tpu.memref_slice %arg2[%dma_start3A_605, %dma_start3A_606] : memref<10240x128xf32, #tpu.memory_space<hbm>> -> memref<10240x128xf32, #tpu.memory_space<hbm>>
      tpu.enqueue_indirect_dma source(%dma_start3A_607 : memref<10240x128xf32, #tpu.memory_space<hbm>>) target(%arg10 : memref<80x128xf32, #tpu.memory_space<vmem>>) offsets(%dma_start3A_604 : memref<80xi32, #tpu.memory_space<vmem>>) semaphore(%arg14 : memref<!tpu.dma_semaphore, #tpu.memory_space<semaphore_mem>>)
      %add3A_608 = arith.constant 3 : i32
      %add3A_609 = arith.addi %mul3A_503, %add3A_608 : i32
      %dma_wait3A_610 = arith.constant 0 : i32
      %dma_wait3A_611 = tpu.memref_slice %arg7[%add3A_609, %dma_wait3A_610] : memref<32x80xi32, #tpu.memory_space<vmem>> -> memref<1x80xi32, #tpu.memory_space<vmem>>
      %dma_wait3A_612 = tpu.memref_squeeze %dma_wait3A_611 : memref<1x80xi32, #tpu.memory_space<vmem>> -> memref<80xi32, #tpu.memory_space<vmem>>
      %dma_wait3A_613 = arith.constant 0 : i32
      %dma_wait3A_614 = arith.constant 0 : i32
      %dma_wait3A_615 = tpu.memref_slice %arg20[%dma_wait3A_613, %dma_wait3A_614] : memref<10240x128xf32, #tpu.memory_space<vmem_shared>> -> memref<10240x128xf32, #tpu.memory_space<vmem_shared>>
      tpu.wait_indirect_dma semaphore(%arg19 : memref<!tpu.dma_semaphore, #tpu.memory_space<semaphore_mem>>) src(%arg11 : memref<80x128xf32, #tpu.memory_space<vmem>>) dst(%dma_wait3A_615 : memref<10240x128xf32, #tpu.memory_space<vmem_shared>>)
      %add3A_616 = arith.constant 4 : i32
      %add3A_617 = arith.addi %add3A_609, %add3A_616 : i32
      %dma_start3A_618 = arith.constant 0 : i32
      %dma_start3A_619 = tpu.memref_slice %arg6[%add3A_617, %dma_start3A_618] : memref<32x80xi32, #tpu.memory_space<vmem>> -> memref<1x80xi32, #tpu.memory_space<vmem>>
      %dma_start3A_620 = tpu.memref_squeeze %dma_start3A_619 : memref<1x80xi32, #tpu.memory_space<vmem>> -> memref<80xi32, #tpu.memory_space<vmem>>
      %dma_start3A_621 = arith.constant 0 : i32
      %dma_start3A_622 = arith.constant 0 : i32
      %dma_start3A_623 = tpu.memref_slice %arg2[%dma_start3A_621, %dma_start3A_622] : memref<10240x128xf32, #tpu.memory_space<hbm>> -> memref<10240x128xf32, #tpu.memory_space<hbm>>
      tpu.enqueue_indirect_dma source(%dma_start3A_623 : memref<10240x128xf32, #tpu.memory_space<hbm>>) target(%arg11 : memref<80x128xf32, #tpu.memory_space<vmem>>) offsets(%dma_start3A_620 : memref<80xi32, #tpu.memory_space<vmem>>) semaphore(%arg15 : memref<!tpu.dma_semaphore, #tpu.memory_space<semaphore_mem>>)
    }
    %scan3A_292 = arith.constant 7 : i32
    %dma_wait3A_293 = arith.constant 28 : i32
    %dma_wait3A_294 = arith.constant 0 : i32
    %dma_wait3A_295 = tpu.memref_slice %arg6[%dma_wait3A_293, %dma_wait3A_294] : memref<32x80xi32, #tpu.memory_space<vmem>> -> memref<1x80xi32, #tpu.memory_space<vmem>>
    %dma_wait3A_296 = tpu.memref_squeeze %dma_wait3A_295 : memref<1x80xi32, #tpu.memory_space<vmem>> -> memref<80xi32, #tpu.memory_space<vmem>>
    %dma_wait3A_297 = arith.constant 0 : i32
    %dma_wait3A_298 = arith.constant 0 : i32
    %dma_wait3A_299 = tpu.memref_slice %arg2[%dma_wait3A_297, %dma_wait3A_298] : memref<10240x128xf32, #tpu.memory_space<hbm>> -> memref<10240x128xf32, #tpu.memory_space<hbm>>
    tpu.wait_indirect_dma semaphore(%arg12 : memref<!tpu.dma_semaphore, #tpu.memory_space<semaphore_mem>>) src(%dma_wait3A_299 : memref<10240x128xf32, #tpu.memory_space<hbm>>) dst(%arg8 : memref<80x128xf32, #tpu.memory_space<vmem>>)
    %dma_start3A_300 = arith.constant 28 : i32
    %dma_start3A_301 = arith.constant 0 : i32
    %dma_start3A_302 = tpu.memref_slice %arg7[%dma_start3A_300, %dma_start3A_301] : memref<32x80xi32, #tpu.memory_space<vmem>> -> memref<1x80xi32, #tpu.memory_space<vmem>>
    %dma_start3A_303 = tpu.memref_squeeze %dma_start3A_302 : memref<1x80xi32, #tpu.memory_space<vmem>> -> memref<80xi32, #tpu.memory_space<vmem>>
    %dma_start3A_304 = arith.constant 0 : i32
    %dma_start3A_305 = arith.constant 0 : i32
    %dma_start3A_306 = tpu.memref_slice %arg20[%dma_start3A_304, %dma_start3A_305] : memref<10240x128xf32, #tpu.memory_space<vmem_shared>> -> memref<10240x128xf32, #tpu.memory_space<vmem_shared>>
    tpu.enqueue_indirect_dma source(%arg8 : memref<80x128xf32, #tpu.memory_space<vmem>>) target(%dma_start3A_306 : memref<10240x128xf32, #tpu.memory_space<vmem_shared>>) offsets(%dma_start3A_303 : memref<80xi32, #tpu.memory_space<vmem>>) semaphore(%arg16 : memref<!tpu.dma_semaphore, #tpu.memory_space<semaphore_mem>>) {add = true}
    %dma_wait3A_307 = arith.constant 29 : i32
    %dma_wait3A_308 = arith.constant 0 : i32
    %dma_wait3A_309 = tpu.memref_slice %arg6[%dma_wait3A_307, %dma_wait3A_308] : memref<32x80xi32, #tpu.memory_space<vmem>> -> memref<1x80xi32, #tpu.memory_space<vmem>>
    %dma_wait3A_310 = tpu.memref_squeeze %dma_wait3A_309 : memref<1x80xi32, #tpu.memory_space<vmem>> -> memref<80xi32, #tpu.memory_space<vmem>>
    %dma_wait3A_311 = arith.constant 0 : i32
    %dma_wait3A_312 = arith.constant 0 : i32
    %dma_wait3A_313 = tpu.memref_slice %arg2[%dma_wait3A_311, %dma_wait3A_312] : memref<10240x128xf32, #tpu.memory_space<hbm>> -> memref<10240x128xf32, #tpu.memory_space<hbm>>
    tpu.wait_indirect_dma semaphore(%arg13 : memref<!tpu.dma_semaphore, #tpu.memory_space<semaphore_mem>>) src(%dma_wait3A_313 : memref<10240x128xf32, #tpu.memory_space<hbm>>) dst(%arg9 : memref<80x128xf32, #tpu.memory_space<vmem>>)
    %dma_start3A_314 = arith.constant 29 : i32
    %dma_start3A_315 = arith.constant 0 : i32
    %dma_start3A_316 = tpu.memref_slice %arg7[%dma_start3A_314, %dma_start3A_315] : memref<32x80xi32, #tpu.memory_space<vmem>> -> memref<1x80xi32, #tpu.memory_space<vmem>>
    %dma_start3A_317 = tpu.memref_squeeze %dma_start3A_316 : memref<1x80xi32, #tpu.memory_space<vmem>> -> memref<80xi32, #tpu.memory_space<vmem>>
    %dma_start3A_318 = arith.constant 0 : i32
    %dma_start3A_319 = arith.constant 0 : i32
    %dma_start3A_320 = tpu.memref_slice %arg20[%dma_start3A_318, %dma_start3A_319] : memref<10240x128xf32, #tpu.memory_space<vmem_shared>> -> memref<10240x128xf32, #tpu.memory_space<vmem_shared>>
    tpu.enqueue_indirect_dma source(%arg9 : memref<80x128xf32, #tpu.memory_space<vmem>>) target(%dma_start3A_320 : memref<10240x128xf32, #tpu.memory_space<vmem_shared>>) offsets(%dma_start3A_317 : memref<80xi32, #tpu.memory_space<vmem>>) semaphore(%arg17 : memref<!tpu.dma_semaphore, #tpu.memory_space<semaphore_mem>>) {add = true}
    %dma_wait3A_321 = arith.constant 30 : i32
    %dma_wait3A_322 = arith.constant 0 : i32
    %dma_wait3A_323 = tpu.memref_slice %arg6[%dma_wait3A_321, %dma_wait3A_322] : memref<32x80xi32, #tpu.memory_space<vmem>> -> memref<1x80xi32, #tpu.memory_space<vmem>>
    %dma_wait3A_324 = tpu.memref_squeeze %dma_wait3A_323 : memref<1x80xi32, #tpu.memory_space<vmem>> -> memref<80xi32, #tpu.memory_space<vmem>>
    %dma_wait3A_325 = arith.constant 0 : i32
    %dma_wait3A_326 = arith.constant 0 : i32
    %dma_wait3A_327 = tpu.memref_slice %arg2[%dma_wait3A_325, %dma_wait3A_326] : memref<10240x128xf32, #tpu.memory_space<hbm>> -> memref<10240x128xf32, #tpu.memory_space<hbm>>
    tpu.wait_indirect_dma semaphore(%arg14 : memref<!tpu.dma_semaphore, #tpu.memory_space<semaphore_mem>>) src(%dma_wait3A_327 : memref<10240x128xf32, #tpu.memory_space<hbm>>) dst(%arg10 : memref<80x128xf32, #tpu.memory_space<vmem>>)
    %dma_start3A_328 = arith.constant 30 : i32
    %dma_start3A_329 = arith.constant 0 : i32
    %dma_start3A_330 = tpu.memref_slice %arg7[%dma_start3A_328, %dma_start3A_329] : memref<32x80xi32, #tpu.memory_space<vmem>> -> memref<1x80xi32, #tpu.memory_space<vmem>>
    %dma_start3A_331 = tpu.memref_squeeze %dma_start3A_330 : memref<1x80xi32, #tpu.memory_space<vmem>> -> memref<80xi32, #tpu.memory_space<vmem>>
    %dma_start3A_332 = arith.constant 0 : i32
    %dma_start3A_333 = arith.constant 0 : i32
    %dma_start3A_334 = tpu.memref_slice %arg20[%dma_start3A_332, %dma_start3A_333] : memref<10240x128xf32, #tpu.memory_space<vmem_shared>> -> memref<10240x128xf32, #tpu.memory_space<vmem_shared>>
    tpu.enqueue_indirect_dma source(%arg10 : memref<80x128xf32, #tpu.memory_space<vmem>>) target(%dma_start3A_334 : memref<10240x128xf32, #tpu.memory_space<vmem_shared>>) offsets(%dma_start3A_331 : memref<80xi32, #tpu.memory_space<vmem>>) semaphore(%arg18 : memref<!tpu.dma_semaphore, #tpu.memory_space<semaphore_mem>>) {add = true}
    %dma_wait3A_335 = arith.constant 31 : i32
    %dma_wait3A_336 = arith.constant 0 : i32
    %dma_wait3A_337 = tpu.memref_slice %arg6[%dma_wait3A_335, %dma_wait3A_336] : memref<32x80xi32, #tpu.memory_space<vmem>> -> memref<1x80xi32, #tpu.memory_space<vmem>>
    %dma_wait3A_338 = tpu.memref_squeeze %dma_wait3A_337 : memref<1x80xi32, #tpu.memory_space<vmem>> -> memref<80xi32, #tpu.memory_space<vmem>>
    %dma_wait3A_339 = arith.constant 0 : i32
    %dma_wait3A_340 = arith.constant 0 : i32
    %dma_wait3A_341 = tpu.memref_slice %arg2[%dma_wait3A_339, %dma_wait3A_340] : memref<10240x128xf32, #tpu.memory_space<hbm>> -> memref<10240x128xf32, #tpu.memory_space<hbm>>
    tpu.wait_indirect_dma semaphore(%arg15 : memref<!tpu.dma_semaphore, #tpu.memory_space<semaphore_mem>>) src(%dma_wait3A_341 : memref<10240x128xf32, #tpu.memory_space<hbm>>) dst(%arg11 : memref<80x128xf32, #tpu.memory_space<vmem>>)
    %dma_start3A_342 = arith.constant 31 : i32
    %dma_start3A_343 = arith.constant 0 : i32
    %dma_start3A_344 = tpu.memref_slice %arg7[%dma_start3A_342, %dma_start3A_343] : memref<32x80xi32, #tpu.memory_space<vmem>> -> memref<1x80xi32, #tpu.memory_space<vmem>>
    %dma_start3A_345 = tpu.memref_squeeze %dma_start3A_344 : memref<1x80xi32, #tpu.memory_space<vmem>> -> memref<80xi32, #tpu.memory_space<vmem>>
    %dma_start3A_346 = arith.constant 0 : i32
    %dma_start3A_347 = arith.constant 0 : i32
    %dma_start3A_348 = tpu.memref_slice %arg20[%dma_start3A_346, %dma_start3A_347] : memref<10240x128xf32, #tpu.memory_space<vmem_shared>> -> memref<10240x128xf32, #tpu.memory_space<vmem_shared>>
    tpu.enqueue_indirect_dma source(%arg11 : memref<80x128xf32, #tpu.memory_space<vmem>>) target(%dma_start3A_348 : memref<10240x128xf32, #tpu.memory_space<vmem_shared>>) offsets(%dma_start3A_345 : memref<80xi32, #tpu.memory_space<vmem>>) semaphore(%arg19 : memref<!tpu.dma_semaphore, #tpu.memory_space<semaphore_mem>>) {add = true}
    %dma_wait3A_349 = arith.constant 28 : i32
    %dma_wait3A_350 = arith.constant 0 : i32
    %dma_wait3A_351 = tpu.memref_slice %arg7[%dma_wait3A_349, %dma_wait3A_350] : memref<32x80xi32, #tpu.memory_space<vmem>> -> memref<1x80xi32, #tpu.memory_space<vmem>>
    %dma_wait3A_352 = tpu.memref_squeeze %dma_wait3A_351 : memref<1x80xi32, #tpu.memory_space<vmem>> -> memref<80xi32, #tpu.memory_space<vmem>>
    %dma_wait3A_353 = arith.constant 0 : i32
    %dma_wait3A_354 = arith.constant 0 : i32
    %dma_wait3A_355 = tpu.memref_slice %arg20[%dma_wait3A_353, %dma_wait3A_354] : memref<10240x128xf32, #tpu.memory_space<vmem_shared>> -> memref<10240x128xf32, #tpu.memory_space<vmem_shared>>
    tpu.wait_indirect_dma semaphore(%arg16 : memref<!tpu.dma_semaphore, #tpu.memory_space<semaphore_mem>>) src(%arg8 : memref<80x128xf32, #tpu.memory_space<vmem>>) dst(%dma_wait3A_355 : memref<10240x128xf32, #tpu.memory_space<vmem_shared>>)
    %dma_wait3A_356 = arith.constant 29 : i32
    %dma_wait3A_357 = arith.constant 0 : i32
    %dma_wait3A_358 = tpu.memref_slice %arg7[%dma_wait3A_356, %dma_wait3A_357] : memref<32x80xi32, #tpu.memory_space<vmem>> -> memref<1x80xi32, #tpu.memory_space<vmem>>
    %dma_wait3A_359 = tpu.memref_squeeze %dma_wait3A_358 : memref<1x80xi32, #tpu.memory_space<vmem>> -> memref<80xi32, #tpu.memory_space<vmem>>
    %dma_wait3A_360 = arith.constant 0 : i32
    %dma_wait3A_361 = arith.constant 0 : i32
    %dma_wait3A_362 = tpu.memref_slice %arg20[%dma_wait3A_360, %dma_wait3A_361] : memref<10240x128xf32, #tpu.memory_space<vmem_shared>> -> memref<10240x128xf32, #tpu.memory_space<vmem_shared>>
    tpu.wait_indirect_dma semaphore(%arg17 : memref<!tpu.dma_semaphore, #tpu.memory_space<semaphore_mem>>) src(%arg9 : memref<80x128xf32, #tpu.memory_space<vmem>>) dst(%dma_wait3A_362 : memref<10240x128xf32, #tpu.memory_space<vmem_shared>>)
    %dma_wait3A_363 = arith.constant 30 : i32
    %dma_wait3A_364 = arith.constant 0 : i32
    %dma_wait3A_365 = tpu.memref_slice %arg7[%dma_wait3A_363, %dma_wait3A_364] : memref<32x80xi32, #tpu.memory_space<vmem>> -> memref<1x80xi32, #tpu.memory_space<vmem>>
    %dma_wait3A_366 = tpu.memref_squeeze %dma_wait3A_365 : memref<1x80xi32, #tpu.memory_space<vmem>> -> memref<80xi32, #tpu.memory_space<vmem>>
    %dma_wait3A_367 = arith.constant 0 : i32
    %dma_wait3A_368 = arith.constant 0 : i32
    %dma_wait3A_369 = tpu.memref_slice %arg20[%dma_wait3A_367, %dma_wait3A_368] : memref<10240x128xf32, #tpu.memory_space<vmem_shared>> -> memref<10240x128xf32, #tpu.memory_space<vmem_shared>>
    tpu.wait_indirect_dma semaphore(%arg18 : memref<!tpu.dma_semaphore, #tpu.memory_space<semaphore_mem>>) src(%arg10 : memref<80x128xf32, #tpu.memory_space<vmem>>) dst(%dma_wait3A_369 : memref<10240x128xf32, #tpu.memory_space<vmem_shared>>)
    %dma_wait3A_370 = arith.constant 31 : i32
    %dma_wait3A_371 = arith.constant 0 : i32
    %dma_wait3A_372 = tpu.memref_slice %arg7[%dma_wait3A_370, %dma_wait3A_371] : memref<32x80xi32, #tpu.memory_space<vmem>> -> memref<1x80xi32, #tpu.memory_space<vmem>>
    %dma_wait3A_373 = tpu.memref_squeeze %dma_wait3A_372 : memref<1x80xi32, #tpu.memory_space<vmem>> -> memref<80xi32, #tpu.memory_space<vmem>>
    %dma_wait3A_374 = arith.constant 0 : i32
    %dma_wait3A_375 = arith.constant 0 : i32
    %dma_wait3A_376 = tpu.memref_slice %arg20[%dma_wait3A_374, %dma_wait3A_375] : memref<10240x128xf32, #tpu.memory_space<vmem_shared>> -> memref<10240x128xf32, #tpu.memory_space<vmem_shared>>
    tpu.wait_indirect_dma semaphore(%arg19 : memref<!tpu.dma_semaphore, #tpu.memory_space<semaphore_mem>>) src(%arg11 : memref<80x128xf32, #tpu.memory_space<vmem>>) dst(%dma_wait3A_376 : memref<10240x128xf32, #tpu.memory_space<vmem_shared>>)
    %run_scoped3A_377 = arith.constant 3 : i32
    "tpu.region"() ({
      %run_scoped3A_497 = tpu.sem_alloc : memref<!tpu.dma_semaphore, #tpu.memory_space<semaphore_mem>>
      %dma_start3A_498 = arith.constant 0 : i32
      %dma_start3A_499 = arith.constant 0 : i32
      %dma_start3A_500 = tpu.memref_slice %arg3[%add3A, %run_scoped3A_377, %dma_start3A_498, %dma_start3A_499] : memref<32x4x32x80xi32, #tpu.memory_space<hbm>> -> memref<1x1x32x80xi32, #tpu.memory_space<hbm>>
      %dma_start3A_501 = tpu.memref_squeeze %dma_start3A_500 : memref<1x1x32x80xi32, #tpu.memory_space<hbm>> -> memref<32x80xi32, #tpu.memory_space<hbm>>
      %dma_start3A_502 = arith.constant 0 : i32
      %dma_start3A_503 = arith.constant 0 : i32
      %dma_start3A_504 = tpu.memref_slice %arg3[%add3A, %run_scoped3A_377, %dma_start3A_502, %dma_start3A_503] : memref<32x4x32x80xi32, #tpu.memory_space<hbm>> -> memref<1x1x32x80xi32, #tpu.memory_space<hbm>>
      %dma_start3A_505 = tpu.memref_squeeze %dma_start3A_504 : memref<1x1x32x80xi32, #tpu.memory_space<hbm>> -> memref<32x80xi32, #tpu.memory_space<hbm>>
      tpu.enqueue_dma source(%dma_start3A_505 : memref<32x80xi32, #tpu.memory_space<hbm>>) target(%arg6 : memref<32x80xi32, #tpu.memory_space<vmem>>) target_semaphore(%run_scoped3A_497 : memref<!tpu.dma_semaphore, #tpu.memory_space<semaphore_mem>>)
      %dma_wait3A_506 = arith.constant 0 : i32
      %dma_wait3A_507 = arith.constant 0 : i32
      %dma_wait3A_508 = tpu.memref_slice %arg3[%add3A, %run_scoped3A_377, %dma_wait3A_506, %dma_wait3A_507] : memref<32x4x32x80xi32, #tpu.memory_space<hbm>> -> memref<1x1x32x80xi32, #tpu.memory_space<hbm>>
      %dma_wait3A_509 = tpu.memref_squeeze %dma_wait3A_508 : memref<1x1x32x80xi32, #tpu.memory_space<hbm>> -> memref<32x80xi32, #tpu.memory_space<hbm>>
      %dma_wait3A_510 = arith.constant 0 : i32
      %dma_wait3A_511 = arith.constant 0 : i32
      %dma_wait3A_512 = tpu.memref_slice %arg3[%add3A, %run_scoped3A_377, %dma_wait3A_510, %dma_wait3A_511] : memref<32x4x32x80xi32, #tpu.memory_space<hbm>> -> memref<1x1x32x80xi32, #tpu.memory_space<hbm>>
      %dma_wait3A_513 = tpu.memref_squeeze %dma_wait3A_512 : memref<1x1x32x80xi32, #tpu.memory_space<hbm>> -> memref<32x80xi32, #tpu.memory_space<hbm>>
      tpu.wait_dma2 semaphore(%run_scoped3A_497 : memref<!tpu.dma_semaphore, #tpu.memory_space<semaphore_mem>>) src(%dma_wait3A_513 : memref<32x80xi32, #tpu.memory_space<hbm>>) dst(%arg6 : memref<32x80xi32, #tpu.memory_space<vmem>>)
      tpu.yield
    }) : () -> ()
    %run_scoped3A_378 = arith.constant 3 : i32
    "tpu.region"() ({
      %run_scoped3A_497 = tpu.sem_alloc : memref<!tpu.dma_semaphore, #tpu.memory_space<semaphore_mem>>
      %dma_start3A_498 = arith.constant 0 : i32
      %dma_start3A_499 = arith.constant 0 : i32
      %dma_start3A_500 = tpu.memref_slice %arg4[%add3A, %run_scoped3A_378, %dma_start3A_498, %dma_start3A_499] : memref<32x4x32x80xi32, #tpu.memory_space<hbm>> -> memref<1x1x32x80xi32, #tpu.memory_space<hbm>>
      %dma_start3A_501 = tpu.memref_squeeze %dma_start3A_500 : memref<1x1x32x80xi32, #tpu.memory_space<hbm>> -> memref<32x80xi32, #tpu.memory_space<hbm>>
      %dma_start3A_502 = arith.constant 0 : i32
      %dma_start3A_503 = arith.constant 0 : i32
      %dma_start3A_504 = tpu.memref_slice %arg4[%add3A, %run_scoped3A_378, %dma_start3A_502, %dma_start3A_503] : memref<32x4x32x80xi32, #tpu.memory_space<hbm>> -> memref<1x1x32x80xi32, #tpu.memory_space<hbm>>
      %dma_start3A_505 = tpu.memref_squeeze %dma_start3A_504 : memref<1x1x32x80xi32, #tpu.memory_space<hbm>> -> memref<32x80xi32, #tpu.memory_space<hbm>>
      tpu.enqueue_dma source(%dma_start3A_505 : memref<32x80xi32, #tpu.memory_space<hbm>>) target(%arg7 : memref<32x80xi32, #tpu.memory_space<vmem>>) target_semaphore(%run_scoped3A_497 : memref<!tpu.dma_semaphore, #tpu.memory_space<semaphore_mem>>)
      %dma_wait3A_506 = arith.constant 0 : i32
      %dma_wait3A_507 = arith.constant 0 : i32
      %dma_wait3A_508 = tpu.memref_slice %arg4[%add3A, %run_scoped3A_378, %dma_wait3A_506, %dma_wait3A_507] : memref<32x4x32x80xi32, #tpu.memory_space<hbm>> -> memref<1x1x32x80xi32, #tpu.memory_space<hbm>>
      %dma_wait3A_509 = tpu.memref_squeeze %dma_wait3A_508 : memref<1x1x32x80xi32, #tpu.memory_space<hbm>> -> memref<32x80xi32, #tpu.memory_space<hbm>>
      %dma_wait3A_510 = arith.constant 0 : i32
      %dma_wait3A_511 = arith.constant 0 : i32
      %dma_wait3A_512 = tpu.memref_slice %arg4[%add3A, %run_scoped3A_378, %dma_wait3A_510, %dma_wait3A_511] : memref<32x4x32x80xi32, #tpu.memory_space<hbm>> -> memref<1x1x32x80xi32, #tpu.memory_space<hbm>>
      %dma_wait3A_513 = tpu.memref_squeeze %dma_wait3A_512 : memref<1x1x32x80xi32, #tpu.memory_space<hbm>> -> memref<32x80xi32, #tpu.memory_space<hbm>>
      tpu.wait_dma2 semaphore(%run_scoped3A_497 : memref<!tpu.dma_semaphore, #tpu.memory_space<semaphore_mem>>) src(%dma_wait3A_513 : memref<32x80xi32, #tpu.memory_space<hbm>>) dst(%arg7 : memref<32x80xi32, #tpu.memory_space<vmem>>)
      tpu.yield
    }) : () -> ()
    %dma_start3A_379 = arith.constant 0 : i32
    %dma_start3A_380 = arith.constant 0 : i32
    %dma_start3A_381 = tpu.memref_slice %arg6[%dma_start3A_379, %dma_start3A_380] : memref<32x80xi32, #tpu.memory_space<vmem>> -> memref<1x80xi32, #tpu.memory_space<vmem>>
    %dma_start3A_382 = tpu.memref_squeeze %dma_start3A_381 : memref<1x80xi32, #tpu.memory_space<vmem>> -> memref<80xi32, #tpu.memory_space<vmem>>
    %dma_start3A_383 = arith.constant 0 : i32
    %dma_start3A_384 = arith.constant 0 : i32
    %dma_start3A_385 = tpu.memref_slice %arg2[%dma_start3A_383, %dma_start3A_384] : memref<10240x128xf32, #tpu.memory_space<hbm>> -> memref<10240x128xf32, #tpu.memory_space<hbm>>
    tpu.enqueue_indirect_dma source(%dma_start3A_385 : memref<10240x128xf32, #tpu.memory_space<hbm>>) target(%arg8 : memref<80x128xf32, #tpu.memory_space<vmem>>) offsets(%dma_start3A_382 : memref<80xi32, #tpu.memory_space<vmem>>) semaphore(%arg12 : memref<!tpu.dma_semaphore, #tpu.memory_space<semaphore_mem>>)
    %dma_start3A_386 = arith.constant 1 : i32
    %dma_start3A_387 = arith.constant 0 : i32
    %dma_start3A_388 = tpu.memref_slice %arg6[%dma_start3A_386, %dma_start3A_387] : memref<32x80xi32, #tpu.memory_space<vmem>> -> memref<1x80xi32, #tpu.memory_space<vmem>>
    %dma_start3A_389 = tpu.memref_squeeze %dma_start3A_388 : memref<1x80xi32, #tpu.memory_space<vmem>> -> memref<80xi32, #tpu.memory_space<vmem>>
    %dma_start3A_390 = arith.constant 0 : i32
    %dma_start3A_391 = arith.constant 0 : i32
    %dma_start3A_392 = tpu.memref_slice %arg2[%dma_start3A_390, %dma_start3A_391] : memref<10240x128xf32, #tpu.memory_space<hbm>> -> memref<10240x128xf32, #tpu.memory_space<hbm>>
    tpu.enqueue_indirect_dma source(%dma_start3A_392 : memref<10240x128xf32, #tpu.memory_space<hbm>>) target(%arg9 : memref<80x128xf32, #tpu.memory_space<vmem>>) offsets(%dma_start3A_389 : memref<80xi32, #tpu.memory_space<vmem>>) semaphore(%arg13 : memref<!tpu.dma_semaphore, #tpu.memory_space<semaphore_mem>>)
    %dma_start3A_393 = arith.constant 2 : i32
    %dma_start3A_394 = arith.constant 0 : i32
    %dma_start3A_395 = tpu.memref_slice %arg6[%dma_start3A_393, %dma_start3A_394] : memref<32x80xi32, #tpu.memory_space<vmem>> -> memref<1x80xi32, #tpu.memory_space<vmem>>
    %dma_start3A_396 = tpu.memref_squeeze %dma_start3A_395 : memref<1x80xi32, #tpu.memory_space<vmem>> -> memref<80xi32, #tpu.memory_space<vmem>>
    %dma_start3A_397 = arith.constant 0 : i32
    %dma_start3A_398 = arith.constant 0 : i32
    %dma_start3A_399 = tpu.memref_slice %arg2[%dma_start3A_397, %dma_start3A_398] : memref<10240x128xf32, #tpu.memory_space<hbm>> -> memref<10240x128xf32, #tpu.memory_space<hbm>>
    tpu.enqueue_indirect_dma source(%dma_start3A_399 : memref<10240x128xf32, #tpu.memory_space<hbm>>) target(%arg10 : memref<80x128xf32, #tpu.memory_space<vmem>>) offsets(%dma_start3A_396 : memref<80xi32, #tpu.memory_space<vmem>>) semaphore(%arg14 : memref<!tpu.dma_semaphore, #tpu.memory_space<semaphore_mem>>)
    %dma_start3A_400 = arith.constant 3 : i32
    %dma_start3A_401 = arith.constant 0 : i32
    %dma_start3A_402 = tpu.memref_slice %arg6[%dma_start3A_400, %dma_start3A_401] : memref<32x80xi32, #tpu.memory_space<vmem>> -> memref<1x80xi32, #tpu.memory_space<vmem>>
    %dma_start3A_403 = tpu.memref_squeeze %dma_start3A_402 : memref<1x80xi32, #tpu.memory_space<vmem>> -> memref<80xi32, #tpu.memory_space<vmem>>
    %dma_start3A_404 = arith.constant 0 : i32
    %dma_start3A_405 = arith.constant 0 : i32
    %dma_start3A_406 = tpu.memref_slice %arg2[%dma_start3A_404, %dma_start3A_405] : memref<10240x128xf32, #tpu.memory_space<hbm>> -> memref<10240x128xf32, #tpu.memory_space<hbm>>
    tpu.enqueue_indirect_dma source(%dma_start3A_406 : memref<10240x128xf32, #tpu.memory_space<hbm>>) target(%arg11 : memref<80x128xf32, #tpu.memory_space<vmem>>) offsets(%dma_start3A_403 : memref<80xi32, #tpu.memory_space<vmem>>) semaphore(%arg15 : memref<!tpu.dma_semaphore, #tpu.memory_space<semaphore_mem>>)
    %scan3A_407 = arith.constant 0 : i32
    %scan3A_408 = arith.constant 7 : i32
    %scan3A_409 = arith.addi %scan3A_407, %scan3A_408 : i32
    %scan3A_410 = arith.constant 1 : i32
    scf.for %scan3A_497 = %scan3A_407 to %scan3A_409 step %scan3A_410  : i32 {
      %mul3A_498 = arith.constant 1 : i32
      %mul3A_499 = arith.muli %scan3A_497, %mul3A_498 : i32
      %add3A_500 = arith.constant 0 : i32
      %add3A_501 = arith.addi %add3A_500, %mul3A_499 : i32
      %mul3A_502 = arith.constant 4 : i32
      %mul3A_503 = arith.muli %add3A_501, %mul3A_502 : i32
      %add3A_504 = arith.constant 0 : i32
      %add3A_505 = arith.addi %mul3A_503, %add3A_504 : i32
      %dma_wait3A_506 = arith.constant 0 : i32
      %dma_wait3A_507 = tpu.memref_slice %arg6[%add3A_505, %dma_wait3A_506] : memref<32x80xi32, #tpu.memory_space<vmem>> -> memref<1x80xi32, #tpu.memory_space<vmem>>
      %dma_wait3A_508 = tpu.memref_squeeze %dma_wait3A_507 : memref<1x80xi32, #tpu.memory_space<vmem>> -> memref<80xi32, #tpu.memory_space<vmem>>
      %dma_wait3A_509 = arith.constant 0 : i32
      %dma_wait3A_510 = arith.constant 0 : i32
      %dma_wait3A_511 = tpu.memref_slice %arg2[%dma_wait3A_509, %dma_wait3A_510] : memref<10240x128xf32, #tpu.memory_space<hbm>> -> memref<10240x128xf32, #tpu.memory_space<hbm>>
      tpu.wait_indirect_dma semaphore(%arg12 : memref<!tpu.dma_semaphore, #tpu.memory_space<semaphore_mem>>) src(%dma_wait3A_511 : memref<10240x128xf32, #tpu.memory_space<hbm>>) dst(%arg8 : memref<80x128xf32, #tpu.memory_space<vmem>>)
      %dma_start3A_512 = arith.constant 0 : i32
      %dma_start3A_513 = tpu.memref_slice %arg7[%add3A_505, %dma_start3A_512] : memref<32x80xi32, #tpu.memory_space<vmem>> -> memref<1x80xi32, #tpu.memory_space<vmem>>
      %dma_start3A_514 = tpu.memref_squeeze %dma_start3A_513 : memref<1x80xi32, #tpu.memory_space<vmem>> -> memref<80xi32, #tpu.memory_space<vmem>>
      %dma_start3A_515 = arith.constant 0 : i32
      %dma_start3A_516 = arith.constant 0 : i32
      %dma_start3A_517 = tpu.memref_slice %arg20[%dma_start3A_515, %dma_start3A_516] : memref<10240x128xf32, #tpu.memory_space<vmem_shared>> -> memref<10240x128xf32, #tpu.memory_space<vmem_shared>>
      tpu.enqueue_indirect_dma source(%arg8 : memref<80x128xf32, #tpu.memory_space<vmem>>) target(%dma_start3A_517 : memref<10240x128xf32, #tpu.memory_space<vmem_shared>>) offsets(%dma_start3A_514 : memref<80xi32, #tpu.memory_space<vmem>>) semaphore(%arg16 : memref<!tpu.dma_semaphore, #tpu.memory_space<semaphore_mem>>) {add = true}
      %add3A_518 = arith.constant 1 : i32
      %add3A_519 = arith.addi %mul3A_503, %add3A_518 : i32
      %dma_wait3A_520 = arith.constant 0 : i32
      %dma_wait3A_521 = tpu.memref_slice %arg6[%add3A_519, %dma_wait3A_520] : memref<32x80xi32, #tpu.memory_space<vmem>> -> memref<1x80xi32, #tpu.memory_space<vmem>>
      %dma_wait3A_522 = tpu.memref_squeeze %dma_wait3A_521 : memref<1x80xi32, #tpu.memory_space<vmem>> -> memref<80xi32, #tpu.memory_space<vmem>>
      %dma_wait3A_523 = arith.constant 0 : i32
      %dma_wait3A_524 = arith.constant 0 : i32
      %dma_wait3A_525 = tpu.memref_slice %arg2[%dma_wait3A_523, %dma_wait3A_524] : memref<10240x128xf32, #tpu.memory_space<hbm>> -> memref<10240x128xf32, #tpu.memory_space<hbm>>
      tpu.wait_indirect_dma semaphore(%arg13 : memref<!tpu.dma_semaphore, #tpu.memory_space<semaphore_mem>>) src(%dma_wait3A_525 : memref<10240x128xf32, #tpu.memory_space<hbm>>) dst(%arg9 : memref<80x128xf32, #tpu.memory_space<vmem>>)
      %dma_start3A_526 = arith.constant 0 : i32
      %dma_start3A_527 = tpu.memref_slice %arg7[%add3A_519, %dma_start3A_526] : memref<32x80xi32, #tpu.memory_space<vmem>> -> memref<1x80xi32, #tpu.memory_space<vmem>>
      %dma_start3A_528 = tpu.memref_squeeze %dma_start3A_527 : memref<1x80xi32, #tpu.memory_space<vmem>> -> memref<80xi32, #tpu.memory_space<vmem>>
      %dma_start3A_529 = arith.constant 0 : i32
      %dma_start3A_530 = arith.constant 0 : i32
      %dma_start3A_531 = tpu.memref_slice %arg20[%dma_start3A_529, %dma_start3A_530] : memref<10240x128xf32, #tpu.memory_space<vmem_shared>> -> memref<10240x128xf32, #tpu.memory_space<vmem_shared>>
      tpu.enqueue_indirect_dma source(%arg9 : memref<80x128xf32, #tpu.memory_space<vmem>>) target(%dma_start3A_531 : memref<10240x128xf32, #tpu.memory_space<vmem_shared>>) offsets(%dma_start3A_528 : memref<80xi32, #tpu.memory_space<vmem>>) semaphore(%arg17 : memref<!tpu.dma_semaphore, #tpu.memory_space<semaphore_mem>>) {add = true}
      %add3A_532 = arith.constant 2 : i32
      %add3A_533 = arith.addi %mul3A_503, %add3A_532 : i32
      %dma_wait3A_534 = arith.constant 0 : i32
      %dma_wait3A_535 = tpu.memref_slice %arg6[%add3A_533, %dma_wait3A_534] : memref<32x80xi32, #tpu.memory_space<vmem>> -> memref<1x80xi32, #tpu.memory_space<vmem>>
      %dma_wait3A_536 = tpu.memref_squeeze %dma_wait3A_535 : memref<1x80xi32, #tpu.memory_space<vmem>> -> memref<80xi32, #tpu.memory_space<vmem>>
      %dma_wait3A_537 = arith.constant 0 : i32
      %dma_wait3A_538 = arith.constant 0 : i32
      %dma_wait3A_539 = tpu.memref_slice %arg2[%dma_wait3A_537, %dma_wait3A_538] : memref<10240x128xf32, #tpu.memory_space<hbm>> -> memref<10240x128xf32, #tpu.memory_space<hbm>>
      tpu.wait_indirect_dma semaphore(%arg14 : memref<!tpu.dma_semaphore, #tpu.memory_space<semaphore_mem>>) src(%dma_wait3A_539 : memref<10240x128xf32, #tpu.memory_space<hbm>>) dst(%arg10 : memref<80x128xf32, #tpu.memory_space<vmem>>)
      %dma_start3A_540 = arith.constant 0 : i32
      %dma_start3A_541 = tpu.memref_slice %arg7[%add3A_533, %dma_start3A_540] : memref<32x80xi32, #tpu.memory_space<vmem>> -> memref<1x80xi32, #tpu.memory_space<vmem>>
      %dma_start3A_542 = tpu.memref_squeeze %dma_start3A_541 : memref<1x80xi32, #tpu.memory_space<vmem>> -> memref<80xi32, #tpu.memory_space<vmem>>
      %dma_start3A_543 = arith.constant 0 : i32
      %dma_start3A_544 = arith.constant 0 : i32
      %dma_start3A_545 = tpu.memref_slice %arg20[%dma_start3A_543, %dma_start3A_544] : memref<10240x128xf32, #tpu.memory_space<vmem_shared>> -> memref<10240x128xf32, #tpu.memory_space<vmem_shared>>
      tpu.enqueue_indirect_dma source(%arg10 : memref<80x128xf32, #tpu.memory_space<vmem>>) target(%dma_start3A_545 : memref<10240x128xf32, #tpu.memory_space<vmem_shared>>) offsets(%dma_start3A_542 : memref<80xi32, #tpu.memory_space<vmem>>) semaphore(%arg18 : memref<!tpu.dma_semaphore, #tpu.memory_space<semaphore_mem>>) {add = true}
      %add3A_546 = arith.constant 3 : i32
      %add3A_547 = arith.addi %mul3A_503, %add3A_546 : i32
      %dma_wait3A_548 = arith.constant 0 : i32
      %dma_wait3A_549 = tpu.memref_slice %arg6[%add3A_547, %dma_wait3A_548] : memref<32x80xi32, #tpu.memory_space<vmem>> -> memref<1x80xi32, #tpu.memory_space<vmem>>
      %dma_wait3A_550 = tpu.memref_squeeze %dma_wait3A_549 : memref<1x80xi32, #tpu.memory_space<vmem>> -> memref<80xi32, #tpu.memory_space<vmem>>
      %dma_wait3A_551 = arith.constant 0 : i32
      %dma_wait3A_552 = arith.constant 0 : i32
      %dma_wait3A_553 = tpu.memref_slice %arg2[%dma_wait3A_551, %dma_wait3A_552] : memref<10240x128xf32, #tpu.memory_space<hbm>> -> memref<10240x128xf32, #tpu.memory_space<hbm>>
      tpu.wait_indirect_dma semaphore(%arg15 : memref<!tpu.dma_semaphore, #tpu.memory_space<semaphore_mem>>) src(%dma_wait3A_553 : memref<10240x128xf32, #tpu.memory_space<hbm>>) dst(%arg11 : memref<80x128xf32, #tpu.memory_space<vmem>>)
      %dma_start3A_554 = arith.constant 0 : i32
      %dma_start3A_555 = tpu.memref_slice %arg7[%add3A_547, %dma_start3A_554] : memref<32x80xi32, #tpu.memory_space<vmem>> -> memref<1x80xi32, #tpu.memory_space<vmem>>
      %dma_start3A_556 = tpu.memref_squeeze %dma_start3A_555 : memref<1x80xi32, #tpu.memory_space<vmem>> -> memref<80xi32, #tpu.memory_space<vmem>>
      %dma_start3A_557 = arith.constant 0 : i32
      %dma_start3A_558 = arith.constant 0 : i32
      %dma_start3A_559 = tpu.memref_slice %arg20[%dma_start3A_557, %dma_start3A_558] : memref<10240x128xf32, #tpu.memory_space<vmem_shared>> -> memref<10240x128xf32, #tpu.memory_space<vmem_shared>>
      tpu.enqueue_indirect_dma source(%arg11 : memref<80x128xf32, #tpu.memory_space<vmem>>) target(%dma_start3A_559 : memref<10240x128xf32, #tpu.memory_space<vmem_shared>>) offsets(%dma_start3A_556 : memref<80xi32, #tpu.memory_space<vmem>>) semaphore(%arg19 : memref<!tpu.dma_semaphore, #tpu.memory_space<semaphore_mem>>) {add = true}
      %add3A_560 = arith.constant 0 : i32
      %add3A_561 = arith.addi %mul3A_503, %add3A_560 : i32
      %dma_wait3A_562 = arith.constant 0 : i32
      %dma_wait3A_563 = tpu.memref_slice %arg7[%add3A_561, %dma_wait3A_562] : memref<32x80xi32, #tpu.memory_space<vmem>> -> memref<1x80xi32, #tpu.memory_space<vmem>>
      %dma_wait3A_564 = tpu.memref_squeeze %dma_wait3A_563 : memref<1x80xi32, #tpu.memory_space<vmem>> -> memref<80xi32, #tpu.memory_space<vmem>>
      %dma_wait3A_565 = arith.constant 0 : i32
      %dma_wait3A_566 = arith.constant 0 : i32
      %dma_wait3A_567 = tpu.memref_slice %arg20[%dma_wait3A_565, %dma_wait3A_566] : memref<10240x128xf32, #tpu.memory_space<vmem_shared>> -> memref<10240x128xf32, #tpu.memory_space<vmem_shared>>
      tpu.wait_indirect_dma semaphore(%arg16 : memref<!tpu.dma_semaphore, #tpu.memory_space<semaphore_mem>>) src(%arg8 : memref<80x128xf32, #tpu.memory_space<vmem>>) dst(%dma_wait3A_567 : memref<10240x128xf32, #tpu.memory_space<vmem_shared>>)
      %add3A_568 = arith.constant 4 : i32
      %add3A_569 = arith.addi %add3A_561, %add3A_568 : i32
      %dma_start3A_570 = arith.constant 0 : i32
      %dma_start3A_571 = tpu.memref_slice %arg6[%add3A_569, %dma_start3A_570] : memref<32x80xi32, #tpu.memory_space<vmem>> -> memref<1x80xi32, #tpu.memory_space<vmem>>
      %dma_start3A_572 = tpu.memref_squeeze %dma_start3A_571 : memref<1x80xi32, #tpu.memory_space<vmem>> -> memref<80xi32, #tpu.memory_space<vmem>>
      %dma_start3A_573 = arith.constant 0 : i32
      %dma_start3A_574 = arith.constant 0 : i32
      %dma_start3A_575 = tpu.memref_slice %arg2[%dma_start3A_573, %dma_start3A_574] : memref<10240x128xf32, #tpu.memory_space<hbm>> -> memref<10240x128xf32, #tpu.memory_space<hbm>>
      tpu.enqueue_indirect_dma source(%dma_start3A_575 : memref<10240x128xf32, #tpu.memory_space<hbm>>) target(%arg8 : memref<80x128xf32, #tpu.memory_space<vmem>>) offsets(%dma_start3A_572 : memref<80xi32, #tpu.memory_space<vmem>>) semaphore(%arg12 : memref<!tpu.dma_semaphore, #tpu.memory_space<semaphore_mem>>)
      %add3A_576 = arith.constant 1 : i32
      %add3A_577 = arith.addi %mul3A_503, %add3A_576 : i32
      %dma_wait3A_578 = arith.constant 0 : i32
      %dma_wait3A_579 = tpu.memref_slice %arg7[%add3A_577, %dma_wait3A_578] : memref<32x80xi32, #tpu.memory_space<vmem>> -> memref<1x80xi32, #tpu.memory_space<vmem>>
      %dma_wait3A_580 = tpu.memref_squeeze %dma_wait3A_579 : memref<1x80xi32, #tpu.memory_space<vmem>> -> memref<80xi32, #tpu.memory_space<vmem>>
      %dma_wait3A_581 = arith.constant 0 : i32
      %dma_wait3A_582 = arith.constant 0 : i32
      %dma_wait3A_583 = tpu.memref_slice %arg20[%dma_wait3A_581, %dma_wait3A_582] : memref<10240x128xf32, #tpu.memory_space<vmem_shared>> -> memref<10240x128xf32, #tpu.memory_space<vmem_shared>>
      tpu.wait_indirect_dma semaphore(%arg17 : memref<!tpu.dma_semaphore, #tpu.memory_space<semaphore_mem>>) src(%arg9 : memref<80x128xf32, #tpu.memory_space<vmem>>) dst(%dma_wait3A_583 : memref<10240x128xf32, #tpu.memory_space<vmem_shared>>)
      %add3A_584 = arith.constant 4 : i32
      %add3A_585 = arith.addi %add3A_577, %add3A_584 : i32
      %dma_start3A_586 = arith.constant 0 : i32
      %dma_start3A_587 = tpu.memref_slice %arg6[%add3A_585, %dma_start3A_586] : memref<32x80xi32, #tpu.memory_space<vmem>> -> memref<1x80xi32, #tpu.memory_space<vmem>>
      %dma_start3A_588 = tpu.memref_squeeze %dma_start3A_587 : memref<1x80xi32, #tpu.memory_space<vmem>> -> memref<80xi32, #tpu.memory_space<vmem>>
      %dma_start3A_589 = arith.constant 0 : i32
      %dma_start3A_590 = arith.constant 0 : i32
      %dma_start3A_591 = tpu.memref_slice %arg2[%dma_start3A_589, %dma_start3A_590] : memref<10240x128xf32, #tpu.memory_space<hbm>> -> memref<10240x128xf32, #tpu.memory_space<hbm>>
      tpu.enqueue_indirect_dma source(%dma_start3A_591 : memref<10240x128xf32, #tpu.memory_space<hbm>>) target(%arg9 : memref<80x128xf32, #tpu.memory_space<vmem>>) offsets(%dma_start3A_588 : memref<80xi32, #tpu.memory_space<vmem>>) semaphore(%arg13 : memref<!tpu.dma_semaphore, #tpu.memory_space<semaphore_mem>>)
      %add3A_592 = arith.constant 2 : i32
      %add3A_593 = arith.addi %mul3A_503, %add3A_592 : i32
      %dma_wait3A_594 = arith.constant 0 : i32
      %dma_wait3A_595 = tpu.memref_slice %arg7[%add3A_593, %dma_wait3A_594] : memref<32x80xi32, #tpu.memory_space<vmem>> -> memref<1x80xi32, #tpu.memory_space<vmem>>
      %dma_wait3A_596 = tpu.memref_squeeze %dma_wait3A_595 : memref<1x80xi32, #tpu.memory_space<vmem>> -> memref<80xi32, #tpu.memory_space<vmem>>
      %dma_wait3A_597 = arith.constant 0 : i32
      %dma_wait3A_598 = arith.constant 0 : i32
      %dma_wait3A_599 = tpu.memref_slice %arg20[%dma_wait3A_597, %dma_wait3A_598] : memref<10240x128xf32, #tpu.memory_space<vmem_shared>> -> memref<10240x128xf32, #tpu.memory_space<vmem_shared>>
      tpu.wait_indirect_dma semaphore(%arg18 : memref<!tpu.dma_semaphore, #tpu.memory_space<semaphore_mem>>) src(%arg10 : memref<80x128xf32, #tpu.memory_space<vmem>>) dst(%dma_wait3A_599 : memref<10240x128xf32, #tpu.memory_space<vmem_shared>>)
      %add3A_600 = arith.constant 4 : i32
      %add3A_601 = arith.addi %add3A_593, %add3A_600 : i32
      %dma_start3A_602 = arith.constant 0 : i32
      %dma_start3A_603 = tpu.memref_slice %arg6[%add3A_601, %dma_start3A_602] : memref<32x80xi32, #tpu.memory_space<vmem>> -> memref<1x80xi32, #tpu.memory_space<vmem>>
      %dma_start3A_604 = tpu.memref_squeeze %dma_start3A_603 : memref<1x80xi32, #tpu.memory_space<vmem>> -> memref<80xi32, #tpu.memory_space<vmem>>
      %dma_start3A_605 = arith.constant 0 : i32
      %dma_start3A_606 = arith.constant 0 : i32
      %dma_start3A_607 = tpu.memref_slice %arg2[%dma_start3A_605, %dma_start3A_606] : memref<10240x128xf32, #tpu.memory_space<hbm>> -> memref<10240x128xf32, #tpu.memory_space<hbm>>
      tpu.enqueue_indirect_dma source(%dma_start3A_607 : memref<10240x128xf32, #tpu.memory_space<hbm>>) target(%arg10 : memref<80x128xf32, #tpu.memory_space<vmem>>) offsets(%dma_start3A_604 : memref<80xi32, #tpu.memory_space<vmem>>) semaphore(%arg14 : memref<!tpu.dma_semaphore, #tpu.memory_space<semaphore_mem>>)
      %add3A_608 = arith.constant 3 : i32
      %add3A_609 = arith.addi %mul3A_503, %add3A_608 : i32
      %dma_wait3A_610 = arith.constant 0 : i32
      %dma_wait3A_611 = tpu.memref_slice %arg7[%add3A_609, %dma_wait3A_610] : memref<32x80xi32, #tpu.memory_space<vmem>> -> memref<1x80xi32, #tpu.memory_space<vmem>>
      %dma_wait3A_612 = tpu.memref_squeeze %dma_wait3A_611 : memref<1x80xi32, #tpu.memory_space<vmem>> -> memref<80xi32, #tpu.memory_space<vmem>>
      %dma_wait3A_613 = arith.constant 0 : i32
      %dma_wait3A_614 = arith.constant 0 : i32
      %dma_wait3A_615 = tpu.memref_slice %arg20[%dma_wait3A_613, %dma_wait3A_614] : memref<10240x128xf32, #tpu.memory_space<vmem_shared>> -> memref<10240x128xf32, #tpu.memory_space<vmem_shared>>
      tpu.wait_indirect_dma semaphore(%arg19 : memref<!tpu.dma_semaphore, #tpu.memory_space<semaphore_mem>>) src(%arg11 : memref<80x128xf32, #tpu.memory_space<vmem>>) dst(%dma_wait3A_615 : memref<10240x128xf32, #tpu.memory_space<vmem_shared>>)
      %add3A_616 = arith.constant 4 : i32
      %add3A_617 = arith.addi %add3A_609, %add3A_616 : i32
      %dma_start3A_618 = arith.constant 0 : i32
      %dma_start3A_619 = tpu.memref_slice %arg6[%add3A_617, %dma_start3A_618] : memref<32x80xi32, #tpu.memory_space<vmem>> -> memref<1x80xi32, #tpu.memory_space<vmem>>
      %dma_start3A_620 = tpu.memref_squeeze %dma_start3A_619 : memref<1x80xi32, #tpu.memory_space<vmem>> -> memref<80xi32, #tpu.memory_space<vmem>>
      %dma_start3A_621 = arith.constant 0 : i32
      %dma_start3A_622 = arith.constant 0 : i32
      %dma_start3A_623 = tpu.memref_slice %arg2[%dma_start3A_621, %dma_start3A_622] : memref<10240x128xf32, #tpu.memory_space<hbm>> -> memref<10240x128xf32, #tpu.memory_space<hbm>>
      tpu.enqueue_indirect_dma source(%dma_start3A_623 : memref<10240x128xf32, #tpu.memory_space<hbm>>) target(%arg11 : memref<80x128xf32, #tpu.memory_space<vmem>>) offsets(%dma_start3A_620 : memref<80xi32, #tpu.memory_space<vmem>>) semaphore(%arg15 : memref<!tpu.dma_semaphore, #tpu.memory_space<semaphore_mem>>)
    }
    %scan3A_411 = arith.constant 7 : i32
    %dma_wait3A_412 = arith.constant 28 : i32
    %dma_wait3A_413 = arith.constant 0 : i32
    %dma_wait3A_414 = tpu.memref_slice %arg6[%dma_wait3A_412, %dma_wait3A_413] : memref<32x80xi32, #tpu.memory_space<vmem>> -> memref<1x80xi32, #tpu.memory_space<vmem>>
    %dma_wait3A_415 = tpu.memref_squeeze %dma_wait3A_414 : memref<1x80xi32, #tpu.memory_space<vmem>> -> memref<80xi32, #tpu.memory_space<vmem>>
    %dma_wait3A_416 = arith.constant 0 : i32
    %dma_wait3A_417 = arith.constant 0 : i32
    %dma_wait3A_418 = tpu.memref_slice %arg2[%dma_wait3A_416, %dma_wait3A_417] : memref<10240x128xf32, #tpu.memory_space<hbm>> -> memref<10240x128xf32, #tpu.memory_space<hbm>>
    tpu.wait_indirect_dma semaphore(%arg12 : memref<!tpu.dma_semaphore, #tpu.memory_space<semaphore_mem>>) src(%dma_wait3A_418 : memref<10240x128xf32, #tpu.memory_space<hbm>>) dst(%arg8 : memref<80x128xf32, #tpu.memory_space<vmem>>)
    %dma_start3A_419 = arith.constant 28 : i32
    %dma_start3A_420 = arith.constant 0 : i32
    %dma_start3A_421 = tpu.memref_slice %arg7[%dma_start3A_419, %dma_start3A_420] : memref<32x80xi32, #tpu.memory_space<vmem>> -> memref<1x80xi32, #tpu.memory_space<vmem>>
    %dma_start3A_422 = tpu.memref_squeeze %dma_start3A_421 : memref<1x80xi32, #tpu.memory_space<vmem>> -> memref<80xi32, #tpu.memory_space<vmem>>
    %dma_start3A_423 = arith.constant 0 : i32
    %dma_start3A_424 = arith.constant 0 : i32
    %dma_start3A_425 = tpu.memref_slice %arg20[%dma_start3A_423, %dma_start3A_424] : memref<10240x128xf32, #tpu.memory_space<vmem_shared>> -> memref<10240x128xf32, #tpu.memory_space<vmem_shared>>
    tpu.enqueue_indirect_dma source(%arg8 : memref<80x128xf32, #tpu.memory_space<vmem>>) target(%dma_start3A_425 : memref<10240x128xf32, #tpu.memory_space<vmem_shared>>) offsets(%dma_start3A_422 : memref<80xi32, #tpu.memory_space<vmem>>) semaphore(%arg16 : memref<!tpu.dma_semaphore, #tpu.memory_space<semaphore_mem>>) {add = true}
    %dma_wait3A_426 = arith.constant 29 : i32
    %dma_wait3A_427 = arith.constant 0 : i32
    %dma_wait3A_428 = tpu.memref_slice %arg6[%dma_wait3A_426, %dma_wait3A_427] : memref<32x80xi32, #tpu.memory_space<vmem>> -> memref<1x80xi32, #tpu.memory_space<vmem>>
    %dma_wait3A_429 = tpu.memref_squeeze %dma_wait3A_428 : memref<1x80xi32, #tpu.memory_space<vmem>> -> memref<80xi32, #tpu.memory_space<vmem>>
    %dma_wait3A_430 = arith.constant 0 : i32
    %dma_wait3A_431 = arith.constant 0 : i32
    %dma_wait3A_432 = tpu.memref_slice %arg2[%dma_wait3A_430, %dma_wait3A_431] : memref<10240x128xf32, #tpu.memory_space<hbm>> -> memref<10240x128xf32, #tpu.memory_space<hbm>>
    tpu.wait_indirect_dma semaphore(%arg13 : memref<!tpu.dma_semaphore, #tpu.memory_space<semaphore_mem>>) src(%dma_wait3A_432 : memref<10240x128xf32, #tpu.memory_space<hbm>>) dst(%arg9 : memref<80x128xf32, #tpu.memory_space<vmem>>)
    %dma_start3A_433 = arith.constant 29 : i32
    %dma_start3A_434 = arith.constant 0 : i32
    %dma_start3A_435 = tpu.memref_slice %arg7[%dma_start3A_433, %dma_start3A_434] : memref<32x80xi32, #tpu.memory_space<vmem>> -> memref<1x80xi32, #tpu.memory_space<vmem>>
    %dma_start3A_436 = tpu.memref_squeeze %dma_start3A_435 : memref<1x80xi32, #tpu.memory_space<vmem>> -> memref<80xi32, #tpu.memory_space<vmem>>
    %dma_start3A_437 = arith.constant 0 : i32
    %dma_start3A_438 = arith.constant 0 : i32
    %dma_start3A_439 = tpu.memref_slice %arg20[%dma_start3A_437, %dma_start3A_438] : memref<10240x128xf32, #tpu.memory_space<vmem_shared>> -> memref<10240x128xf32, #tpu.memory_space<vmem_shared>>
    tpu.enqueue_indirect_dma source(%arg9 : memref<80x128xf32, #tpu.memory_space<vmem>>) target(%dma_start3A_439 : memref<10240x128xf32, #tpu.memory_space<vmem_shared>>) offsets(%dma_start3A_436 : memref<80xi32, #tpu.memory_space<vmem>>) semaphore(%arg17 : memref<!tpu.dma_semaphore, #tpu.memory_space<semaphore_mem>>) {add = true}
    %dma_wait3A_440 = arith.constant 30 : i32
    %dma_wait3A_441 = arith.constant 0 : i32
    %dma_wait3A_442 = tpu.memref_slice %arg6[%dma_wait3A_440, %dma_wait3A_441] : memref<32x80xi32, #tpu.memory_space<vmem>> -> memref<1x80xi32, #tpu.memory_space<vmem>>
    %dma_wait3A_443 = tpu.memref_squeeze %dma_wait3A_442 : memref<1x80xi32, #tpu.memory_space<vmem>> -> memref<80xi32, #tpu.memory_space<vmem>>
    %dma_wait3A_444 = arith.constant 0 : i32
    %dma_wait3A_445 = arith.constant 0 : i32
    %dma_wait3A_446 = tpu.memref_slice %arg2[%dma_wait3A_444, %dma_wait3A_445] : memref<10240x128xf32, #tpu.memory_space<hbm>> -> memref<10240x128xf32, #tpu.memory_space<hbm>>
    tpu.wait_indirect_dma semaphore(%arg14 : memref<!tpu.dma_semaphore, #tpu.memory_space<semaphore_mem>>) src(%dma_wait3A_446 : memref<10240x128xf32, #tpu.memory_space<hbm>>) dst(%arg10 : memref<80x128xf32, #tpu.memory_space<vmem>>)
    %dma_start3A_447 = arith.constant 30 : i32
    %dma_start3A_448 = arith.constant 0 : i32
    %dma_start3A_449 = tpu.memref_slice %arg7[%dma_start3A_447, %dma_start3A_448] : memref<32x80xi32, #tpu.memory_space<vmem>> -> memref<1x80xi32, #tpu.memory_space<vmem>>
    %dma_start3A_450 = tpu.memref_squeeze %dma_start3A_449 : memref<1x80xi32, #tpu.memory_space<vmem>> -> memref<80xi32, #tpu.memory_space<vmem>>
    %dma_start3A_451 = arith.constant 0 : i32
    %dma_start3A_452 = arith.constant 0 : i32
    %dma_start3A_453 = tpu.memref_slice %arg20[%dma_start3A_451, %dma_start3A_452] : memref<10240x128xf32, #tpu.memory_space<vmem_shared>> -> memref<10240x128xf32, #tpu.memory_space<vmem_shared>>
    tpu.enqueue_indirect_dma source(%arg10 : memref<80x128xf32, #tpu.memory_space<vmem>>) target(%dma_start3A_453 : memref<10240x128xf32, #tpu.memory_space<vmem_shared>>) offsets(%dma_start3A_450 : memref<80xi32, #tpu.memory_space<vmem>>) semaphore(%arg18 : memref<!tpu.dma_semaphore, #tpu.memory_space<semaphore_mem>>) {add = true}
    %dma_wait3A_454 = arith.constant 31 : i32
    %dma_wait3A_455 = arith.constant 0 : i32
    %dma_wait3A_456 = tpu.memref_slice %arg6[%dma_wait3A_454, %dma_wait3A_455] : memref<32x80xi32, #tpu.memory_space<vmem>> -> memref<1x80xi32, #tpu.memory_space<vmem>>
    %dma_wait3A_457 = tpu.memref_squeeze %dma_wait3A_456 : memref<1x80xi32, #tpu.memory_space<vmem>> -> memref<80xi32, #tpu.memory_space<vmem>>
    %dma_wait3A_458 = arith.constant 0 : i32
    %dma_wait3A_459 = arith.constant 0 : i32
    %dma_wait3A_460 = tpu.memref_slice %arg2[%dma_wait3A_458, %dma_wait3A_459] : memref<10240x128xf32, #tpu.memory_space<hbm>> -> memref<10240x128xf32, #tpu.memory_space<hbm>>
    tpu.wait_indirect_dma semaphore(%arg15 : memref<!tpu.dma_semaphore, #tpu.memory_space<semaphore_mem>>) src(%dma_wait3A_460 : memref<10240x128xf32, #tpu.memory_space<hbm>>) dst(%arg11 : memref<80x128xf32, #tpu.memory_space<vmem>>)
    %dma_start3A_461 = arith.constant 31 : i32
    %dma_start3A_462 = arith.constant 0 : i32
    %dma_start3A_463 = tpu.memref_slice %arg7[%dma_start3A_461, %dma_start3A_462] : memref<32x80xi32, #tpu.memory_space<vmem>> -> memref<1x80xi32, #tpu.memory_space<vmem>>
    %dma_start3A_464 = tpu.memref_squeeze %dma_start3A_463 : memref<1x80xi32, #tpu.memory_space<vmem>> -> memref<80xi32, #tpu.memory_space<vmem>>
    %dma_start3A_465 = arith.constant 0 : i32
    %dma_start3A_466 = arith.constant 0 : i32
    %dma_start3A_467 = tpu.memref_slice %arg20[%dma_start3A_465, %dma_start3A_466] : memref<10240x128xf32, #tpu.memory_space<vmem_shared>> -> memref<10240x128xf32, #tpu.memory_space<vmem_shared>>
    tpu.enqueue_indirect_dma source(%arg11 : memref<80x128xf32, #tpu.memory_space<vmem>>) target(%dma_start3A_467 : memref<10240x128xf32, #tpu.memory_space<vmem_shared>>) offsets(%dma_start3A_464 : memref<80xi32, #tpu.memory_space<vmem>>) semaphore(%arg19 : memref<!tpu.dma_semaphore, #tpu.memory_space<semaphore_mem>>) {add = true}
    %dma_wait3A_468 = arith.constant 28 : i32
    %dma_wait3A_469 = arith.constant 0 : i32
    %dma_wait3A_470 = tpu.memref_slice %arg7[%dma_wait3A_468, %dma_wait3A_469] : memref<32x80xi32, #tpu.memory_space<vmem>> -> memref<1x80xi32, #tpu.memory_space<vmem>>
    %dma_wait3A_471 = tpu.memref_squeeze %dma_wait3A_470 : memref<1x80xi32, #tpu.memory_space<vmem>> -> memref<80xi32, #tpu.memory_space<vmem>>
    %dma_wait3A_472 = arith.constant 0 : i32
    %dma_wait3A_473 = arith.constant 0 : i32
    %dma_wait3A_474 = tpu.memref_slice %arg20[%dma_wait3A_472, %dma_wait3A_473] : memref<10240x128xf32, #tpu.memory_space<vmem_shared>> -> memref<10240x128xf32, #tpu.memory_space<vmem_shared>>
    tpu.wait_indirect_dma semaphore(%arg16 : memref<!tpu.dma_semaphore, #tpu.memory_space<semaphore_mem>>) src(%arg8 : memref<80x128xf32, #tpu.memory_space<vmem>>) dst(%dma_wait3A_474 : memref<10240x128xf32, #tpu.memory_space<vmem_shared>>)
    %dma_wait3A_475 = arith.constant 29 : i32
    %dma_wait3A_476 = arith.constant 0 : i32
    %dma_wait3A_477 = tpu.memref_slice %arg7[%dma_wait3A_475, %dma_wait3A_476] : memref<32x80xi32, #tpu.memory_space<vmem>> -> memref<1x80xi32, #tpu.memory_space<vmem>>
    %dma_wait3A_478 = tpu.memref_squeeze %dma_wait3A_477 : memref<1x80xi32, #tpu.memory_space<vmem>> -> memref<80xi32, #tpu.memory_space<vmem>>
    %dma_wait3A_479 = arith.constant 0 : i32
    %dma_wait3A_480 = arith.constant 0 : i32
    %dma_wait3A_481 = tpu.memref_slice %arg20[%dma_wait3A_479, %dma_wait3A_480] : memref<10240x128xf32, #tpu.memory_space<vmem_shared>> -> memref<10240x128xf32, #tpu.memory_space<vmem_shared>>
    tpu.wait_indirect_dma semaphore(%arg17 : memref<!tpu.dma_semaphore, #tpu.memory_space<semaphore_mem>>) src(%arg9 : memref<80x128xf32, #tpu.memory_space<vmem>>) dst(%dma_wait3A_481 : memref<10240x128xf32, #tpu.memory_space<vmem_shared>>)
    %dma_wait3A_482 = arith.constant 30 : i32
    %dma_wait3A_483 = arith.constant 0 : i32
    %dma_wait3A_484 = tpu.memref_slice %arg7[%dma_wait3A_482, %dma_wait3A_483] : memref<32x80xi32, #tpu.memory_space<vmem>> -> memref<1x80xi32, #tpu.memory_space<vmem>>
    %dma_wait3A_485 = tpu.memref_squeeze %dma_wait3A_484 : memref<1x80xi32, #tpu.memory_space<vmem>> -> memref<80xi32, #tpu.memory_space<vmem>>
    %dma_wait3A_486 = arith.constant 0 : i32
    %dma_wait3A_487 = arith.constant 0 : i32
    %dma_wait3A_488 = tpu.memref_slice %arg20[%dma_wait3A_486, %dma_wait3A_487] : memref<10240x128xf32, #tpu.memory_space<vmem_shared>> -> memref<10240x128xf32, #tpu.memory_space<vmem_shared>>
    tpu.wait_indirect_dma semaphore(%arg18 : memref<!tpu.dma_semaphore, #tpu.memory_space<semaphore_mem>>) src(%arg10 : memref<80x128xf32, #tpu.memory_space<vmem>>) dst(%dma_wait3A_488 : memref<10240x128xf32, #tpu.memory_space<vmem_shared>>)
    %dma_wait3A_489 = arith.constant 31 : i32
    %dma_wait3A_490 = arith.constant 0 : i32
    %dma_wait3A_491 = tpu.memref_slice %arg7[%dma_wait3A_489, %dma_wait3A_490] : memref<32x80xi32, #tpu.memory_space<vmem>> -> memref<1x80xi32, #tpu.memory_space<vmem>>
    %dma_wait3A_492 = tpu.memref_squeeze %dma_wait3A_491 : memref<1x80xi32, #tpu.memory_space<vmem>> -> memref<80xi32, #tpu.memory_space<vmem>>
    %dma_wait3A_493 = arith.constant 0 : i32
    %dma_wait3A_494 = arith.constant 0 : i32
    %dma_wait3A_495 = tpu.memref_slice %arg20[%dma_wait3A_493, %dma_wait3A_494] : memref<10240x128xf32, #tpu.memory_space<vmem_shared>> -> memref<10240x128xf32, #tpu.memory_space<vmem_shared>>
    tpu.wait_indirect_dma semaphore(%arg19 : memref<!tpu.dma_semaphore, #tpu.memory_space<semaphore_mem>>) src(%arg11 : memref<80x128xf32, #tpu.memory_space<vmem>>) dst(%dma_wait3A_495 : memref<10240x128xf32, #tpu.memory_space<vmem_shared>>)
    %barrier3A_496 = arith.constant 0 : index
    tpu.barrier barrier_id(%barrier3A_496)
    "tpu.region"() ({
      %run_scoped3A_497 = tpu.sem_alloc : memref<!tpu.dma_semaphore, #tpu.memory_space<semaphore_mem>>
      %dma_start3A_498 = arith.constant 0 : i32
      %dma_start3A_499 = tpu.memref_slice %arg5[%arg0, %mul3A_6, %dma_start3A_498] : memref<2x10240x128xf32, #tpu.memory_space<hbm>> -> memref<1x640x128xf32, #tpu.memory_space<hbm>>
      %dma_start3A_500 = tpu.memref_squeeze %dma_start3A_499 : memref<1x640x128xf32, #tpu.memory_space<hbm>> -> memref<640x128xf32, #tpu.memory_space<hbm>>
      %dma_start3A_501 = arith.constant 0 : i32
      %dma_start3A_502 = tpu.memref_slice %arg20[%mul3A_6, %dma_start3A_501] : memref<10240x128xf32, #tpu.memory_space<vmem_shared>> -> memref<640x128xf32, #tpu.memory_space<vmem_shared>>
      tpu.enqueue_dma source(%dma_start3A_502 : memref<640x128xf32, #tpu.memory_space<vmem_shared>>) target(%dma_start3A_500 : memref<640x128xf32, #tpu.memory_space<hbm>>) target_semaphore(%run_scoped3A_497 : memref<!tpu.dma_semaphore, #tpu.memory_space<semaphore_mem>>)
      %dma_wait3A_503 = arith.constant 0 : i32
      %dma_wait3A_504 = tpu.memref_slice %arg5[%arg0, %mul3A_6, %dma_wait3A_503] : memref<2x10240x128xf32, #tpu.memory_space<hbm>> -> memref<1x640x128xf32, #tpu.memory_space<hbm>>
      %dma_wait3A_505 = tpu.memref_squeeze %dma_wait3A_504 : memref<1x640x128xf32, #tpu.memory_space<hbm>> -> memref<640x128xf32, #tpu.memory_space<hbm>>
      %dma_wait3A_506 = arith.constant 0 : i32
      %dma_wait3A_507 = tpu.memref_slice %arg20[%mul3A_6, %dma_wait3A_506] : memref<10240x128xf32, #tpu.memory_space<vmem_shared>> -> memref<640x128xf32, #tpu.memory_space<vmem_shared>>
      tpu.wait_dma2 semaphore(%run_scoped3A_497 : memref<!tpu.dma_semaphore, #tpu.memory_space<semaphore_mem>>) src(%dma_wait3A_507 : memref<640x128xf32, #tpu.memory_space<vmem_shared>>) dst(%dma_wait3A_505 : memref<640x128xf32, #tpu.memory_space<hbm>>)
      tpu.yield
    }) : () -> ()
    return
  }
}

module attributes {stable_mosaic.version = 14 : i64} {
  func.func @_mm_body(%arg0: i32, %arg1: memref<2x1000x128xf32, #tpu.memory_space<vmem>>, %arg2: memref<128x128xf32, #tpu.memory_space<vmem>>, %arg3: memref<8x128xf32, #tpu.memory_space<vmem>>, %arg4: memref<1000x128xf32, #tpu.memory_space<vmem>>) attributes {dimension_semantics = [#tpu.dimension_semantics<arbitrary>], iteration_bounds = array<i64: 10>, scalar_prefetch = 0 : i64, scratch_operands = 0 : i64, tpu.core_type = #tpu.core_type<tc>, window_params = [{transform_indices = @transform_0, window_bounds = array<i64: 2, 1000, 128>}, {pipeline_mode = #tpu.pipeline_mode<synchronous>, transform_indices = @transform_1, window_bounds = array<i64: 128, 128>}, {pipeline_mode = #tpu.pipeline_mode<synchronous>, transform_indices = @transform_2, window_bounds = array<i64: 8, 128>}, {transform_indices = @transform_3, window_bounds = array<i64: 1000, 128>}]} {
    %get3A = arith.constant 0 : index
    %get3A_0 = arith.constant 0 : index
    %get3A_1 = arith.constant 0 : index
    %get3A_2 = vector.load %arg1[%get3A, %get3A_0, %get3A_1] : memref<2x1000x128xf32, #tpu.memory_space<vmem>>, vector<1x1000x128xf32>
    %get3A_3 = vector.shape_cast %get3A_2 : vector<1x1000x128xf32> to vector<1000x128xf32>
    %get3A_4 = arith.constant 1 : index
    %get3A_5 = arith.constant 0 : index
    %get3A_6 = arith.constant 0 : index
    %get3A_7 = vector.load %arg1[%get3A_4, %get3A_5, %get3A_6] : memref<2x1000x128xf32, #tpu.memory_space<vmem>>, vector<1x1000x128xf32>
    %get3A_8 = vector.shape_cast %get3A_7 : vector<1x1000x128xf32> to vector<1000x128xf32>
    %add3A = arith.addf %get3A_3, %get3A_8 : vector<1000x128xf32>
    %get3A_9 = arith.constant 0 : index
    %get3A_10 = arith.constant 0 : index
    %get3A_11 = vector.load %arg2[%get3A_9, %get3A_10] : memref<128x128xf32, #tpu.memory_space<vmem>>, vector<128x128xf32>
    %dot_general3A = arith.constant dense<0.000000e+00> : vector<1000x128xf32>
    %dot_general3A_12 = tpu.matmul %add3A, %get3A_11, %dot_general3A {dimension_numbers = #tpu.dot_dimension_numbers<[1], [0], [0], [1], [0, 0, 1, 1], [], []>, transpose_lhs_hint = false} : vector<1000x128xf32>, vector<128x128xf32>, vector<1000x128xf32> -> vector<1000x128xf32>
    %get3A_13 = arith.constant 0 : index
    %get3A_14 = arith.constant 0 : index
    %get3A_15 = vector.load %arg3[%get3A_13, %get3A_14] : memref<8x128xf32, #tpu.memory_space<vmem>>, vector<1x128xf32>
    %add3A_16 = vector.broadcast %get3A_15 : vector<1x128xf32> to vector<1000x128xf32>
    %add3A_17 = arith.addf %dot_general3A_12, %add3A_16 : vector<1000x128xf32>
    %swap3A = arith.constant 0 : index
    %swap3A_18 = arith.constant 0 : index
    %swap3A_19 = vector.load %arg4[%swap3A, %swap3A_18] : memref<1000x128xf32, #tpu.memory_space<vmem>>, vector<1000x128xf32>
    tpu.vector_store %arg4[%swap3A, %swap3A_18], %add3A_17 {strides = array<i32>} : memref<1000x128xf32, #tpu.memory_space<vmem>>, vector<1000x128xf32>,
    return
  }
  func.func @transform_0(%arg0: i32) -> (i32, i32, i32) {
    %c0_i32 = arith.constant 0 : i32
    %c0_i32_0 = arith.constant 0 : i32
    %c0_i32_1 = arith.constant 0 : i32
    return %c0_i32, %arg0, %c0_i32_0 : i32, i32, i32
  }
  func.func @transform_1(%arg0: i32) -> (i32, i32) {
    %c0_i32 = arith.constant 0 : i32
    %c0_i32_0 = arith.constant 0 : i32
    %c0_i32_1 = arith.constant 0 : i32
    return %c0_i32, %c0_i32_0 : i32, i32
  }
  func.func @transform_2(%arg0: i32) -> (i32, i32) {
    %c0_i32 = arith.constant 0 : i32
    %c0_i32_0 = arith.constant 0 : i32
    %c0_i32_1 = arith.constant 0 : i32
    return %c0_i32, %c0_i32_0 : i32, i32
  }
  func.func @transform_3(%arg0: i32) -> (i32, i32) {
    %c0_i32 = arith.constant 0 : i32
    %c0_i32_0 = arith.constant 0 : i32
    return %arg0, %c0_i32 : i32, i32
  }
}

</mosaic_0001>

<sc_bundles>
// kernel: kernel.5.cloned.1.call-start
scs
__scs_entry_jumppad:
0x0: {  	(pc) =	sbr.rel $0x88, $3  }
0x1: {  	(tag) =	ssettag $0x0;
	lr =	simm.s32 $0x1  }
0x2: {  	[smem:$0x3F9D] =	sst lr;
	_ =	strace $0xD0000000  }
0x3: {  	_ = 	snop  }
0x4: {  	_ = 	snop  }
0x5: {  	_ = 	snop  }
0x6: {  	_ = 	snop  }
0x7: {  	_ = 	snop  }
__scs_overlays_trampoline_lowered:
0x8: {  	[smem:$0x3FAC] =	sst s0  }
0x9: {  	[smem:$0x3FAD] =	sst s1  }
0xa: {  	[smem:$0x3FAE] =	sst s2  }
0xb: {  	[smem:$0x3FAF] =	sst s3  }
0xc: {  	[smem:$0x3FB0] =	sst s4  }
0xd: {  	[smem:$0x3FB1] =	sst s5  }
0xe: {  	[smem:$0x3FB2] =	sst s6  }
0xf: {  	[smem:$0x3FB3] =	sst s7  }
0x10: {  	[smem:$0x3FB4] =	sst s8  }
0x11: {  	[smem:$0x3FB5] =	sst s9;
	s0 =	simm.s32 @!p0 $0x0  }
0x12: {  	s1 =	sld [smem:$0x3F9B];
	s0 =	simm.s32 @p0 $0x1  }
0x13: {  	[smem:$0x3FB6] =	sst s0;
	s0 =	simm.s32 @!p1 $0x0  }
0x14: {  	s2 =	sld [smem:$0x3F9A];
	s0 =	simm.s32 @p1 $0x1  }
0x15: {  	[smem:$0x3FB7] =	sst s0;
	s0 =	simm.s32 @!p2 $0x0  }
0x16: {  	s3 =	sld [smem:$0x3FDB];
	s0 =	simm.s32 @p2 $0x1  }
0x17: {  	s4 =	simm.s32 $0x1BF5;
	[smem:$0x3FB9] =	sst s0  }
0x18: {  	s0 =	sld [smem:$0x3F9C];
	_ =	swait.ge [sflag:s4], $0x0  }
0x19: {  	s7 =	sld [smem:$0x3F9D]  }
0x1a: {  	s8 =	sadd.s32 $0xFFFFE003, lr  }
0x1b: {  	s9 =	sadd.s32 $0xFFFFFEF7, lr;
	s5 =	simm.s32 $0xFFFFFFFF;
	p2 =	slt.u32 s8, $0xFFFFF086  }
0x1c: {  	p1 =	slt.u32 s9, $0xF7A;
	s5 =	simm.s32 @!p2 $0x0  }
0x1d: {  	s5 =	simm.s32 @p1 $0x1;
	p0 =	seq.s32 s7, s2  }
0x1e: {  	s7 =	smul.u32 @!p0 $0xF7A, s2;
	p2 =	seq.s32 @!p0 s5, $0x0  }
0x1f: {  	s9 =	smul.u32 $0xF7A, s1;
	s8 =	simm.s32 @!p0 $0x1BF5;
	p2 =	por !p2, p0  }
0x20: {  	[sflag:s8] =	ssyncset.s32 @!p0 $0xFFFFF086;
	s6 =	sadd.s32 @!p0 s3, s7;
	s7 =	simm.s32 @!p0 $0x108  }
0x21: {  	s3 =	sadd.s32 s3, s9;
	s6 =	sadd.s32 @!p0 $0x88, s6;
	s7 =	simm.s32 @p2 $0x1082  }
0x22: {  	[simem:s7], [sflag:s8] =	dma.local @!p0 [hbm:s6], $0xF7A  }
0x23: {  	s9 =	sor.u32 $0xD0000000, s2;
	s6 =	simm.s32 $0x108;
	_ =	swait.ge @!p0 [sflag:s8], $0x0  }
0x24: {  	s3 =	sadd.s32 $0x88, s3;
	s6 =	simm.s32 @!p1 $0x1082;
	[sflag:s4] =	ssyncset.s32 $0xFFFFF086  }
0x25: {  	[simem:s6], [sflag:s4] =	dma.local [hbm:s3], $0xF7A  }
0x26: {  	[smem:$0x3F9D] =	sst s1;
	(tag) =	ssettag s2;
	_ =	strace s9  }
0x27: {  	s1 =	sld [smem:$0x3FAD]  }
0x28: {  	s2 =	sld [smem:$0x3FAE]  }
0x29: {  	s4 =	sld [smem:$0x3FB0]  }
0x2a: {  	p0 =	seq.s32 s5, $0x0;
	s5 =	sld [smem:$0x3FB1]  }
0x2b: {  	s6 =	sld [smem:$0x3FB2]  }
0x2c: {  	s7 =	sld [smem:$0x3FB3]  }
0x2d: {  	s3 =	simm.s32 $0x108;
	s8 =	sld [smem:$0x3FB4]  }
0x2e: {  	s3 =	simm.s32 @!p0 $0x1082;
	s9 =	sld [smem:$0x3FB5]  }
0x2f: {  	lr =	sadd.s32 s0, s3;
	s0 =	sld [smem:$0x3FAC]  }
0x30: {  	s3 =	sld [smem:$0x3FAF]  }
0x31: {  	[smem:$0x3FB8] =	sst s10  }
0x32: {  	s10 =	sld [smem:$0x3FB6];
	_ =	sdelay $0x3  }
0x33: {  	p0 =	seq.s32 s10, $0x1;
	s10 =	sld [smem:$0x3FB8];
	_ =	sdelay $0x3  }
0x34: {  	[smem:$0x3FB8] =	sst s10  }
0x35: {  	s10 =	sld [smem:$0x3FB7];
	_ =	sdelay $0x3  }
0x36: {  	p1 =	seq.s32 s10, $0x1;
	s10 =	sld [smem:$0x3FB8];
	_ =	sdelay $0x3  }
0x37: {  	[smem:$0x3FB8] =	sst s10  }
0x38: {  	s10 =	sld [smem:$0x3FB9]  }
0x39: {  	_ = 	snop;
	(pc) =	sbr.ind lr, $3  }
0x3a: {  	_ = 	snop  }
0x3b: {  	_ = 	snop  }
0x3c: {  	p2 =	seq.s32 s10, $0x1;
	s10 =	sld [smem:$0x3FB8]  }
0x3d: {  	_ =	shalt  }
0x3e: {  	_ =	shalt  }
0x3f: {  	_ =	shalt  }
0x40: {  	_ =	shalt  }
0x41: {  	_ =	shalt  }
0x42: {  	_ =	shalt  }
0x43: {  	_ =	shalt  }
0x44: {  	_ =	shalt  }
0x45: {  	_ =	shalt  }
0x46: {  	_ =	shalt  }
0x47: {  	_ =	shalt  }
0x48: {  	_ =	shalt  }
0x49: {  	_ =	shalt  }
0x4a: {  	_ =	shalt  }
0x4b: {  	_ =	shalt  }
0x4c: {  	_ =	shalt  }
0x4d: {  	_ =	shalt  }
0x4e: {  	_ =	shalt  }
0x4f: {  	_ =	shalt  }
0x50: {  	_ =	shalt  }
0x51: {  	_ =	shalt  }
0x52: {  	_ =	shalt  }
0x53: {  	_ =	shalt  }
0x54: {  	_ =	shalt  }
0x55: {  	_ =	shalt  }
0x56: {  	_ =	shalt  }
0x57: {  	_ =	shalt  }
0x58: {  	_ =	shalt  }
0x59: {  	_ =	shalt  }
0x5a: {  	_ =	shalt  }
0x5b: {  	_ =	shalt  }
0x5c: {  	_ =	shalt  }
0x5d: {  	_ =	shalt  }
0x5e: {  	_ =	shalt  }
0x5f: {  	_ =	shalt  }
0x60: {  	_ =	shalt  }
0x61: {  	_ =	shalt  }
0x62: {  	_ =	shalt  }
0x63: {  	_ =	shalt  }
0x64: {  	_ =	shalt  }
0x65: {  	_ =	shalt  }
0x66: {  	_ =	shalt  }
0x67: {  	_ =	shalt  }
0x68: {  	_ =	shalt  }
0x69: {  	_ =	shalt  }
0x6a: {  	_ =	shalt  }
0x6b: {  	_ =	shalt  }
0x6c: {  	_ =	shalt  }
0x6d: {  	_ =	shalt  }
0x6e: {  	_ =	shalt  }
0x6f: {  	_ =	shalt  }
0x70: {  	_ =	shalt  }
0x71: {  	_ =	shalt  }
0x72: {  	_ =	shalt  }
0x73: {  	_ =	shalt  }
0x74: {  	_ =	shalt  }
0x75: {  	_ =	shalt  }
0x76: {  	_ =	shalt  }
0x77: {  	_ =	shalt  }
0x78: {  	_ =	shalt  }
0x79: {  	_ =	shalt  }
0x7a: {  	_ =	shalt  }
0x7b: {  	_ =	shalt  }
0x7c: {  	_ =	shalt  }
0x7d: {  	_ =	shalt  }
0x7e: {  	_ =	shalt  }
0x7f: {  	_ =	shalt  }
0x80: {  	_ =	shalt  }
0x81: {  	_ =	shalt  }
0x82: {  	_ =	shalt  }
0x83: {  	_ =	shalt  }
0x84: {  	_ =	shalt  }
0x85: {  	_ =	shalt  }
0x86: {  	_ =	shalt  }
0x87: {  	_ =	shalt  }
.Lfunc_end0:
.L_simem_size_0:
called_computation_lowered:
.L_overlay_start_0:
0x88: {  	s2 =	sld [smem:$0x3FD9]  }
0x89: {  	s3 =	sld [smem:$0x3FFE];
	_ =	sdelay $0x1  }
0x8a: {  	s1 =	srdreg.scid  }
0x8b: {  	s0 =	sand.u32 $0x1, s1  }
0x8c: {  	s17 =	sshll.u32 s0, $0xA;
	s2 =	sadd.s32 s3, s2  }
0x8d: {  	s2 =	sadd.s32 s2, s17  }
0x8e: {  	[smem:$0x3FC4] =	sst s2  }
0x8f: {  	_ = 	snop  }
0x90: {  	s2 =	sld [smem:$0x3FC9];
	(tm) =	ssettm $0x1  }
0x91: {  	s18 =	sld [smem:$0x3FFB];
	_ =	sdelay $0x3  }
0x92: {  	_ =	strace s18  }
0x93: {  	s3 =	sld [smem:$0x3FFC];
	_ =	sdelay $0x3  }
0x94: {  	_ =	strace s3  }
0x95: {  	s3 =	sld [smem:$0x3FFD];
	_ =	sdelay $0x3  }
0x96: {  	_ =	strace s3  }
0x97: {  	_ =	strace $0x8FFFFFFF  }
0x98: {  	s19 =	sld [smem:$0x3FDB];
	_ =	sdelay $0x1  }
0x99: {  	s4 =	simm.s32 $_scs_section_size  }
0x9a: {  	s5 =	simm.s32 $_size__tile_overlayer_lowered;
	s6 =	simm.s32 $_tile_overlayer_lowered  }
0x9b: {  	s22 =	simm.s32 $0x1BFF;
	s21 =	sshll.u32 s6, $0x1;
	s3 =	sadd.s32 s4, s19  }
0x9c: {  	s7 =	simm.s32 $0x0;
	s20 =	sshll.u32 s5, $0x1;
	s5 =	sadd.s32 s21, s3  }
0x9d: {  	[timem:s7], [sflag:s22] =	dma.local [hbm:s5], s20  }
0x9e: {  	_ =	swait.ge [sflag:s22], s20  }
0x9f: {  	s4 =	ssub.s32 $0x0, s20;
	[sflag:s22] =	ssyncset.done $0x0  }
0xa0: {  	[sflag:s22] =	ssyncadd.s32 s4;
	_ =	sdelay $0x1  }
0xa1: {  	s23 =	simm.s32 $0x1B8B  }
0xa2: {  	_ =	swait.ge [sflag:s23], $0x1  }
0xa3: {  	[sflag:s23] =	ssyncset.done $0x0  }
0xa4: {  	s25 =	simm.s32 $0x1B8E;
	s24 =	sld [smem:$0x3FFE];
	[sflag:s23] =	ssyncadd.s32 $0xFFFFFFFF  }
0xa5: {  	s26 =	simm.s32 $execute0_lowered;
	[smem:$0x3FD2] =	sst s25  }
0xa6: {  	s5 =	sshll.u32 s26, $0x1;
	_ =	strace $0x80000046;
	[dreg:$0x1] =	wrdreg $0xFFFFFFFF  }
0xa7: {  	s28 =	simm.s32 $_size_execute0_lowered;
	s3 =	sadd.s32 s3, s5;
	[dreg:$0x0] =	wrdreg $0x0  }
0xa8: {  	s5 =	sshll.u32 s28, $0x1;
	[dreg:$0x2] =	wrdreg s3  }
0xa9: {  	[dreg:$0x3] =	wrdreg s5  }
0xaa: {  	[dreg:$0x4] =	wrdreg $0xC0  }
0xab: {  	_ =	task [dreg:s7], $0x5FFFF  }
0xac: {  	[dreg:$0x1] =	wrdreg $0xFFFFFFFF  }
0xad: {  	[dreg:$0x0] =	wrdreg $0x60  }
0xae: {  	[dreg:$0x2] =	wrdreg s2  }
0xaf: {  	[dreg:$0x3] =	wrdreg s24  }
0xb0: {  	[dreg:$0x4] =	wrdreg $0x70000  }
0xb1: {  	[dreg:$0x5] =	wrdreg $0x9  }
0xb2: {  	_ =	task.clear_ibuf [dreg:s7], $0x6FFFF;
	_ =	strace $0x90000046  }
0xb3: {  	s29 =	simm.s32 $0x9;
	_ =	strace $0x80000048  }
0xb4: {  	_ =	swait.ge [sflag:s29], $0x1  }
0xb5: {  	[sflag:s29] =	ssyncadd.s32 $0xFFFFFFFF  }
0xb6: {  	_ =	strace $0x90000048  }
0xb7: {  	_ =	sfence  }
0xb8: {  	s30 =	sld [smem:$0x0];
	_ =	sdelay $0x2  }
0xb9: {  	s31 =	sshll.u32 s1, $0xD;
	s1 =	sshrl.u32 s1, $0x2  }
0xba: {  	s3 =	sand.u32 $0x4000, s31;
	s1 =	sadd.s32 s1, s30  }
0xbb: {  	s0 =	sor.u32 s3, s0;
	s1 =	sshll.u32 s1, $0x11  }
0xbc: {  	s0 =	sor.u32 s1, s0  }
0xbd: {  	s0 =	sadd.s32 $0x8F2B, s0  }
0xbe: {  	[sflag:s0] =	ssyncadd.remote.s32 $0x1  }
0xbf: {  	_ =	sfence.sel $0xFFFF  }
0xc0: {  	[dreg:$0x0] =	wrdreg $0xFFFFFFFF;
	(pc) =	sbr.abs _section_cstart, $3  }
0xc1: {  	[dreg:$0x1] =	wrdreg $0xFFFFFFFF  }
0xc2: {  	_ =	task.clear_ibuf [dreg:s7], $0x2FFFF;
	_ =	strace $0x9FFFFFFF  }
0xc3: {  	(tm) =	ssettm $0x7FFFFFFF  }
tec
execute0_lowered:
.L_overlay_start_1:
0x0: {  	(tag) =	ssettag $0x1  }
0x1: {  	s0 =	rddreg [dreg:$0x0]  }
0x2: {  	s1 =	rddreg [dreg:$0x1]  }
0x3: {  	s2 =	rddreg [dreg:$0x2];
	s3 =	srdreg.scid  }
0x4: {  	s17 =	stileid.u32;
	s5 =	simm.s32 $0x0;
	s20 =	simm.s32 $0x1  }
0x5: {  	s21 =	simm.s32 $0x1000;
	s22 =	simm.s32 $0x2000;
	s4 =	smul.u32 $0x280, s17  }
0x6: {  	s23 =	simm.s32 $0x4800;
	s28 =	simm.s32 $0xCA80;
	s6 =	smul.u32 $0x4E20, s17  }
0x7: {  	s29 =	simm.s32 $0x0;
	s3 =	sand.u32 $0x1, s3;
	s14 =	smul.u32 $0x14000, s17  }
0x8: {  	[smem:$0x7FF] =	sst s5;
	s11 =	sadd.s32 $0xAA00, s1;
	s17 =	smul.u32 $0x1400, s17  }
0x9: {  	s13 =	sadd.s32 $0xC00, s1;
	s24 =	smul.u32 $0x140, s3;
	s3 =	ssub.s32 $0x2, s3  }
0xa: {  	_ =	strace $0x80000047;
	s7 =	sshrl.u32 s3, $0x1;
	s10 =	sshrl.u32 s6, $0x3  }
0xb: {  	s14 =	sshrl.u32 s14, $0x2;
	s31 =	sshrl.u32 s17, $0x2;
	s4 =	sadd.s32 s24, s4  }
0xc: {  	s3 =	ssub.s32 s3, s7;
	s6 =	sadd.s32 s11, s10;
	s25 =	sadd.s32 $0x1F4, s10  }
0xd: {  	s26 =	sadd.s32 s13, s10;
	s8 =	sadd.s32 $0x3E8, s10;
	s12 =	sadd.s32 $0x5DC, s10  }
0xe: {  	s15 =	sadd.s32 $0x7D0, s10;
	s17 =	sadd.s32 $0xC280, s24;
	[dreg:$0x4] =	wrdreg s6  }
0xf: {  	s24 =	simm.s32 $0x80;
	s16 =	sshll.u32 s4, $0x4;
	[dreg:$0x5] =	wrdreg s26  }
0x10: {  	s30 =	sadd.s32 s11, s25;
	s6 =	sadd.s32 s13, s25;
	s7 =	sadd.s32 s11, s8  }
0x11: {  	s8 =	sadd.s32 s13, s8;
	s9 =	sadd.s32 s11, s12;
	s10 =	sadd.s32 s13, s12  }
.Ltmp0:
0x12: {  	s11 =	sadd.s32 s11, s15;
	s12 =	sadd.s32 s14, s2;
	(pc) =	sbr.rel .LBB2_1-.Ltmp0, $4  }
0x13: {  	s13 =	sadd.s32 s13, s15;
	s15 =	sadd.s32 s31, s2;
	s19 =	smax.u32 s3, $0x1  }
0x14: {  	p0 =	sgt.u32 s4, $0x25D0;
	s25 =	simm.s32 $0x100;
	[dreg:$0x6] =	wrdreg s30  }
0x15: {  	s26 =	simm.s32 $0xC000;
	s1 =	sadd.s32 s16, s1;
	[dreg:$0x7] =	wrdreg s6  }
0x16: {  	v0 =	vimm.f32 $0.0e+00;
	v1 =	vimm.f32 $1.000000000e+00;
	s14 =	sadd.s32 $0x80, s12;
	s16 =	sadd.s32 s0, s16;
	s18 =	sadd.s32 $0x14800, s1  }
.LBB2_30:
0x17: {  	s29 =	sadd.s32 $0x1, s29  }
0x18: {  	p1 =	sne.s32 s29, s19  }
.Ltmp1:
0x19: {  	_ = 	snop;
	(pc) =	sbr.rel @!p1 .LBB2_31-.Ltmp1, $1  }
0x1a: {  	_ =	sdelay $0x3  }
.LBB2_1:
0x1b: {  	s0 =	simm.s32 $0x40;
	s1 =	simm.s32 $0x0  }
.LBB2_2:
0x1c: {  	p1 =	sne.s32 s0, $0x9FC0;
	[tilespmem:s1+$0x2000] =	vst v0;
	s2 =	smov.u32 s0;
	s0 =	sadd.s32 $0x40, s0  }
.Ltmp2:
0x1d: {  	[tilespmem:s1+$0x4800] =	vst v0;
	(pc) =	sbr.rel @p1 .LBB2_2-.Ltmp2, $2  }
0x1e: {  	_ =	sdelay $0x2  }
0x1f: {  	s1 =	sshra.s32 s2, $0x2  }
0x20: {  	[tilespmem:s1+$0x2000] =	vst v0  }
0x21: {  	[tilespmem:s1+$0x4800] =	vst v0;
	s0 =	simm.s32 $0x0;
	s30 =	rddreg [dreg:$0x4]  }
0x22: {  	[tilespmem:s0], [sflag:$0x1] =	stream.linear.gather [hbm4b:s30+s0], $0xFA0, $0x38;
	[tilespmem:$0x16A80] =	vst v63  }
0x23: {  	_ =	swait.ge [sflag:s20], $0xFA0  }
0x24: {  	[sflag:s20] =	ssyncset.done $0x0  }
0x25: {  	s31 =	rddreg [dreg:$0x5];
	[sflag:s20] =	ssyncadd.s32 $0xFFFFF060  }
0x26: {  	[tilespmem:s21], [sflag:$0x1] =	stream.linear.gather [hbm4b:s31+s0], $0xFA0, $0x38;
	[tilespmem:$0x16A80] =	vst v63  }
0x27: {  	_ =	swait.ge [sflag:s20], $0xFA0  }
0x28: {  	[sflag:s20] =	ssyncset.done $0x0  }
0x29: {  	s1 =	simm.s32 $0x0;
	[sflag:s20] =	ssyncadd.s32 $0xFFFFF060  }
0x2a: {  	s0 =	simm.s32 $0x40;
	v2 =	vld [tilespmem:s1+$0x0]  }
.LBB2_4:
0x2b: {  	p1 =	sne.s32 s0, $0x3E40;
	v3 =	vld [tilespmem:s1+$0x1000];
	_ =	sdelay $0x4  }
.Ltmp3:
0x2c: {  	(pc) =	sbr.rel @p1 .LBB2_4-.Ltmp3, $4  }
0x2d: {  	_ = 	snop  }
0x2e: {  	[tilespmem:v2+s22+$0x0] =	vst.idx.add.f32.msk $0xffff, v1  }
0x2f: {  	s1 =	sshra.s32 s0, $0x2;
	[tilespmem:v3+s23+$0x0] =	vst.idx.add.f32.msk $0xffff, v1  }
0x30: {  	s0 =	sadd.s32 $0x40, s0;
	v2 =	vld [tilespmem:s1+$0x0]  }
0x31: {  	_ = 	snop  }
0x32: {  	v3 =	vld [tilespmem:s1+$0x1000];
	_ =	sdelay $0x6  }
0x33: {  	[tilespmem:v2+s22+$0x0] =	vst.idx.add.f32.msk $0xffff, v1  }
0x34: {  	s0 =	simm.s32 $0x0;
	s30 =	rddreg [dreg:$0x6];
	[tilespmem:v3+s23+$0x0] =	vst.idx.add.f32.msk $0xffff, v1  }
0x35: {  	[tilespmem:s0], [sflag:$0x1] =	stream.linear.gather [hbm4b:s30+s0], $0xFA0, $0x38;
	[tilespmem:$0x16A80] =	vst v63  }
0x36: {  	_ =	swait.ge [sflag:s20], $0xFA0  }
0x37: {  	[sflag:s20] =	ssyncset.done $0x0  }
0x38: {  	s31 =	rddreg [dreg:$0x7];
	[sflag:s20] =	ssyncadd.s32 $0xFFFFF060  }
0x39: {  	[tilespmem:s21], [sflag:$0x1] =	stream.linear.gather [hbm4b:s31+s0], $0xFA0, $0x38;
	[tilespmem:$0x16A80] =	vst v63  }
0x3a: {  	_ =	swait.ge [sflag:s20], $0xFA0  }
0x3b: {  	[sflag:s20] =	ssyncset.done $0x0  }
0x3c: {  	s1 =	simm.s32 $0x0;
	[sflag:s20] =	ssyncadd.s32 $0xFFFFF060  }
0x3d: {  	s0 =	simm.s32 $0x40;
	v2 =	vld [tilespmem:s1+$0x0]  }
.LBB2_6:
0x3e: {  	p1 =	sne.s32 s0, $0x3E40;
	v3 =	vld [tilespmem:s1+$0x1000];
	_ =	sdelay $0x4  }
.Ltmp4:
0x3f: {  	(pc) =	sbr.rel @p1 .LBB2_6-.Ltmp4, $4  }
0x40: {  	_ = 	snop  }
0x41: {  	[tilespmem:v2+s22+$0x0] =	vst.idx.add.f32.msk $0xffff, v1  }
0x42: {  	s1 =	sshra.s32 s0, $0x2;
	[tilespmem:v3+s23+$0x0] =	vst.idx.add.f32.msk $0xffff, v1  }
0x43: {  	s0 =	sadd.s32 $0x40, s0;
	v2 =	vld [tilespmem:s1+$0x0]  }
0x44: {  	_ = 	snop  }
0x45: {  	v3 =	vld [tilespmem:s1+$0x1000];
	_ =	sdelay $0x6  }
0x46: {  	[tilespmem:v2+s22+$0x0] =	vst.idx.add.f32.msk $0xffff, v1  }
0x47: {  	s0 =	simm.s32 $0x0;
	[tilespmem:v3+s23+$0x0] =	vst.idx.add.f32.msk $0xffff, v1  }
0x48: {  	[tilespmem:s0], [sflag:$0x1] =	stream.linear.gather [hbm4b:s7+s0], $0xFA0, $0x38;
	[tilespmem:$0x16A80] =	vst v63  }
0x49: {  	_ =	swait.ge [sflag:s20], $0xFA0  }
0x4a: {  	[sflag:s20] =	ssyncset.done $0x0  }
0x4b: {  	[sflag:s20] =	ssyncadd.s32 $0xFFFFF060  }
0x4c: {  	[tilespmem:s21], [sflag:$0x1] =	stream.linear.gather [hbm4b:s8+s0], $0xFA0, $0x38;
	[tilespmem:$0x16A80] =	vst v63  }
0x4d: {  	_ =	swait.ge [sflag:s20], $0xFA0  }
0x4e: {  	[sflag:s20] =	ssyncset.done $0x0  }
0x4f: {  	s1 =	simm.s32 $0x0;
	[sflag:s20] =	ssyncadd.s32 $0xFFFFF060  }
0x50: {  	s0 =	simm.s32 $0x40;
	v2 =	vld [tilespmem:s1+$0x0]  }
.LBB2_8:
0x51: {  	p1 =	sne.s32 s0, $0x3E40;
	v3 =	vld [tilespmem:s1+$0x1000];
	_ =	sdelay $0x4  }
.Ltmp5:
0x52: {  	(pc) =	sbr.rel @p1 .LBB2_8-.Ltmp5, $4  }
0x53: {  	_ = 	snop  }
0x54: {  	[tilespmem:v2+s22+$0x0] =	vst.idx.add.f32.msk $0xffff, v1  }
0x55: {  	s1 =	sshra.s32 s0, $0x2;
	[tilespmem:v3+s23+$0x0] =	vst.idx.add.f32.msk $0xffff, v1  }
0x56: {  	s0 =	sadd.s32 $0x40, s0;
	v2 =	vld [tilespmem:s1+$0x0]  }
0x57: {  	_ = 	snop  }
0x58: {  	v3 =	vld [tilespmem:s1+$0x1000];
	_ =	sdelay $0x6  }
0x59: {  	[tilespmem:v2+s22+$0x0] =	vst.idx.add.f32.msk $0xffff, v1  }
0x5a: {  	s0 =	simm.s32 $0x0;
	[tilespmem:v3+s23+$0x0] =	vst.idx.add.f32.msk $0xffff, v1  }
0x5b: {  	[tilespmem:s0], [sflag:$0x1] =	stream.linear.gather [hbm4b:s9+s0], $0xFA0, $0x38;
	[tilespmem:$0x16A80] =	vst v63  }
0x5c: {  	_ =	swait.ge [sflag:s20], $0xFA0  }
0x5d: {  	[sflag:s20] =	ssyncset.done $0x0  }
0x5e: {  	[sflag:s20] =	ssyncadd.s32 $0xFFFFF060  }
0x5f: {  	[tilespmem:s21], [sflag:$0x1] =	stream.linear.gather [hbm4b:s10+s0], $0xFA0, $0x38;
	[tilespmem:$0x16A80] =	vst v63  }
0x60: {  	_ =	swait.ge [sflag:s20], $0xFA0  }
0x61: {  	[sflag:s20] =	ssyncset.done $0x0  }
0x62: {  	s1 =	simm.s32 $0x0;
	[sflag:s20] =	ssyncadd.s32 $0xFFFFF060  }
0x63: {  	s0 =	simm.s32 $0x40;
	v2 =	vld [tilespmem:s1+$0x0]  }
.LBB2_10:
0x64: {  	p1 =	sne.s32 s0, $0x3E40;
	v3 =	vld [tilespmem:s1+$0x1000];
	_ =	sdelay $0x4  }
.Ltmp6:
0x65: {  	(pc) =	sbr.rel @p1 .LBB2_10-.Ltmp6, $4  }
0x66: {  	_ = 	snop  }
0x67: {  	[tilespmem:v2+s22+$0x0] =	vst.idx.add.f32.msk $0xffff, v1  }
0x68: {  	s1 =	sshra.s32 s0, $0x2;
	[tilespmem:v3+s23+$0x0] =	vst.idx.add.f32.msk $0xffff, v1  }
0x69: {  	s0 =	sadd.s32 $0x40, s0;
	v2 =	vld [tilespmem:s1+$0x0]  }
0x6a: {  	_ = 	snop  }
0x6b: {  	v3 =	vld [tilespmem:s1+$0x1000];
	_ =	sdelay $0x6  }
0x6c: {  	[tilespmem:v2+s22+$0x0] =	vst.idx.add.f32.msk $0xffff, v1  }
0x6d: {  	s0 =	simm.s32 $0x0;
	[tilespmem:v3+s23+$0x0] =	vst.idx.add.f32.msk $0xffff, v1  }
0x6e: {  	[tilespmem:s0], [sflag:$0x1] =	stream.linear.gather [hbm4b:s11+s0], $0xFA0, $0x38;
	[tilespmem:$0x16A80] =	vst v63  }
0x6f: {  	_ =	swait.ge [sflag:s20], $0xFA0  }
0x70: {  	[sflag:s20] =	ssyncset.done $0x0  }
0x71: {  	[sflag:s20] =	ssyncadd.s32 $0xFFFFF060  }
0x72: {  	[tilespmem:s21], [sflag:$0x1] =	stream.linear.gather [hbm4b:s13+s0], $0xFA0, $0x38;
	[tilespmem:$0x16A80] =	vst v63  }
0x73: {  	_ =	swait.ge [sflag:s20], $0xFA0  }
0x74: {  	[sflag:s20] =	ssyncset.done $0x0  }
0x75: {  	s1 =	simm.s32 $0x0;
	[sflag:s20] =	ssyncadd.s32 $0xFFFFF060  }
0x76: {  	s0 =	simm.s32 $0x40;
	v2 =	vld [tilespmem:s1+$0x0]  }
.LBB2_12:
0x77: {  	p1 =	sne.s32 s0, $0x3E40;
	v3 =	vld [tilespmem:s1+$0x1000];
	_ =	sdelay $0x4  }
.Ltmp7:
0x78: {  	(pc) =	sbr.rel @p1 .LBB2_12-.Ltmp7, $4  }
0x79: {  	_ = 	snop  }
0x7a: {  	[tilespmem:v2+s22+$0x0] =	vst.idx.add.f32.msk $0xffff, v1  }
0x7b: {  	s1 =	sshra.s32 s0, $0x2;
	[tilespmem:v3+s23+$0x0] =	vst.idx.add.f32.msk $0xffff, v1  }
0x7c: {  	s0 =	sadd.s32 $0x40, s0;
	v2 =	vld [tilespmem:s1+$0x0]  }
0x7d: {  	_ = 	snop  }
0x7e: {  	v3 =	vld [tilespmem:s1+$0x1000];
	_ =	sdelay $0x6  }
0x7f: {  	[tilespmem:v2+s22+$0x0] =	vst.idx.add.f32.msk $0xffff, v1  }
0x80: {  	[tilespmem:v3+s23+$0x0] =	vst.idx.add.f32.msk $0xffff, v1  }
0x81: {  	[spmem:s12] =	stream.strided.scatter [tilespmem:s22], [sflag:$0x1], $0x2800, s25, s24, $0x38;
	[tilespmem:$0x16A80] =	vst v63  }
0x82: {  	_ =	swait.ge [sflag:s20], $0x2800  }
0x83: {  	[sflag:s20] =	ssyncset.done $0x0  }
0x84: {  	[sflag:s20] =	ssyncadd.s32 $0xFFFFD800  }
0x85: {  	[spmem:s14] =	stream.strided.scatter [tilespmem:s23], [sflag:$0x1], $0x2800, s25, s24, $0x38;
	[tilespmem:$0x16A80] =	vst v63  }
0x86: {  	_ =	swait.ge [sflag:s20], $0x2800  }
0x87: {  	[sflag:s20] =	ssyncset.done $0x0  }
0x88: {  	s0 =	simm.s32 $0x0;
	[sflag:s20] =	ssyncadd.s32 $0xFFFFD800  }
0x89: {  	s1 =	simm.s32 $0x40;
	s2 =	simm.s32 $0x0;
	[bflag:$0x0] =	sbarrier.arrive $0xFFFF  }
.LBB2_14:
0x8a: {  	p1 =	sne.s32 s1, $0x9C0;
	[tilespmem:s2+$0xC580] =	vst v0;
	s3 =	smov.u32 s1;
	s1 =	sadd.s32 $0x40, s1  }
.Ltmp8:
0x8b: {  	[tilespmem:s2+$0xC800] =	vst v0;
	(pc) =	sbr.rel @p1 .LBB2_14-.Ltmp8, $2  }
0x8c: {  	_ =	sdelay $0x2  }
0x8d: {  	s2 =	sshra.s32 s3, $0x2  }
0x8e: {  	[tilespmem:s2+$0xC580] =	vst v0  }
0x8f: {  	[tilespmem:s2+$0xC800] =	vst v0  }
.LBB2_16:
0x90: {  	s1 =	smul.u32 $0x14000, s0;
	_ =	sdelay $0x1  }
0x91: {  	s1 =	sshra.s32 s1, $0x2  }
0x92: {  	s1 =	sadd.s32 s1, s15  }
0x93: {  	[tilespmem:s26], [sflag:$0x1] =	stream.strided.gather [spmem:s1], $0x280, s25, s24, $0x38;
	[tilespmem:$0x16A80] =	vst v63  }
0x94: {  	_ =	swait.ge [sflag:s20], $0x280  }
0x95: {  	[sflag:s20] =	ssyncset.done $0x0  }
0x96: {  	s2 =	simm.s32 $0x0;
	[sflag:s20] =	ssyncadd.s32 $0xFFFFFD80  }
0x97: {  	s3 =	simm.s32 $0x40;
	v2 =	vld [tilespmem:s2+$0xC000]  }
.LBB2_17:
0x98: {  	p1 =	sne.s32 s3, $0x9C0;
	v3 =	vld [tilespmem:s2+$0xC580];
	_ =	sdelay $0x2  }
.Ltmp9:
0x99: {  	(pc) =	sbr.rel @p1 .LBB2_17-.Ltmp9, $4  }
0x9a: {  	_ = 	snop  }
0x9b: {  	v3 =	vadd.f32 v2, v3  }
0x9c: {  	s4 =	sshra.s32 s3, $0x2  }
0x9d: {  	s3 =	sadd.s32 $0x40, s3;
	v2 =	vld [tilespmem:s4+$0xC000];
	[tilespmem:s2+$0xC580] =	vst v3;
	s2 =	smov.u32 s4  }
0x9e: {  	v3 =	vld [tilespmem:s2+$0xC580];
	_ =	sdelay $0x4  }
0x9f: {  	v2 =	vadd.f32 v2, v3;
	_ =	sdelay $0x1  }
0xa0: {  	s1 =	sadd.s32 $0x80, s1;
	[tilespmem:s2+$0xC580] =	vst v2  }
0xa1: {  	[tilespmem:s26], [sflag:$0x1] =	stream.strided.gather [spmem:s1], $0x280, s25, s24, $0x38;
	[tilespmem:$0x16A80] =	vst v63  }
0xa2: {  	_ =	swait.ge [sflag:s20], $0x280  }
0xa3: {  	[sflag:s20] =	ssyncset.done $0x0  }
0xa4: {  	s1 =	simm.s32 $0x0;
	[sflag:s20] =	ssyncadd.s32 $0xFFFFFD80  }
0xa5: {  	s2 =	simm.s32 $0x40;
	v2 =	vld [tilespmem:s1+$0xC000]  }
.LBB2_19:
0xa6: {  	p1 =	sne.s32 s2, $0x9C0;
	v3 =	vld [tilespmem:s1+$0xC800];
	_ =	sdelay $0x2  }
.Ltmp10:
0xa7: {  	(pc) =	sbr.rel @p1 .LBB2_19-.Ltmp10, $4  }
0xa8: {  	_ = 	snop  }
0xa9: {  	v3 =	vadd.f32 v2, v3  }
0xaa: {  	s3 =	sshra.s32 s2, $0x2  }
0xab: {  	s2 =	sadd.s32 $0x40, s2;
	v2 =	vld [tilespmem:s3+$0xC000];
	[tilespmem:s1+$0xC800] =	vst v3;
	s1 =	smov.u32 s3  }
0xac: {  	v3 =	vld [tilespmem:s1+$0xC800]  }
0xad: {  	s0 =	sadd.s32 $0x1, s0  }
0xae: {  	p1 =	sne.s32 s0, $0x10  }
.Ltmp11:
0xaf: {  	_ = 	snop;
	(pc) =	sbr.rel @p1 .LBB2_16-.Ltmp11, $3  }
0xb0: {  	_ = 	snop  }
0xb1: {  	v2 =	vadd.f32 v2, v3;
	_ =	sdelay $0x1  }
0xb2: {  	[tilespmem:s1+$0xC800] =	vst v2  }
0xb3: {  	s31 =	simm.s32 $0x0  }
0xb4: {  	v2 =	vld [tilespmem:s31+$0xC580]  }
0xb5: {  	v3 =	vld [tilespmem:s31+$0xC800];
	_ =	sdelay $0x1  }
0xb6: {  	s30 =	simm.s32 $0x10  }
0xb7: {  	v4 =	vld [tilespmem:s30+$0xC580]  }
0xb8: {  	v5 =	vld [tilespmem:s30+$0xC800]  }
0xb9: {  	v2 =	vmax.f32 v2, $1.000000000e+00;
	v3 =	vmax.f32 v3, $1.000000000e+00  }
0xba: {  	s0 =	simm.s32 $0x20;
	v2 =	vmul.f32 v3, v2  }
0xbb: {  	v6 =	vld [tilespmem:s0+$0xC580]  }
0xbc: {  	v7 =	vld [tilespmem:s0+$0xC800];
	v3 =	vshra.s32 v2, $0x1;
	v8 =	vmul.f32 $5.000000000e-01, v2  }
0xbd: {  	v2 =	vmax.f32 v4, $1.000000000e+00;
	v4 =	vmax.f32 v5, $1.000000000e+00;
	v3 =	vsub.s32 $0x5F3759DF, v3  }
0xbe: {  	s1 =	simm.s32 $0x30;
	v2 =	vmul.f32 v4, v2;
	v5 =	vmul.f32 v3, v8  }
0xbf: {  	v10 =	vld [tilespmem:s1+$0xC800]  }
0xc0: {  	v9 =	vld [tilespmem:s1+$0xC580];
	v4 =	vmul.f32 v3, v5;
	v5 =	vshra.s32 v2, $0x1;
	v2 =	vmul.f32 $5.000000000e-01, v2  }
0xc1: {  	s2 =	simm.s32 $0x40;
	v6 =	vmax.f32 v6, $1.000000000e+00;
	v7 =	vmax.f32 v7, $1.000000000e+00;
	v5 =	vsub.s32 $0x5F3759DF, v5  }
0xc2: {  	v12 =	vld [tilespmem:s2+$0xC580];
	v6 =	vmul.f32 v7, v6;
	v4 =	vsub.f32 $1.500000000e+00, v4;
	v7 =	vmul.f32 v5, v2  }
0xc3: {  	v13 =	vld [tilespmem:s2+$0xC800]  }
0xc4: {  	v10 =	vmax.f32 v10, $1.000000000e+00;
	v11 =	vmul.f32 v3, v4;
	v7 =	vmul.f32 v5, v7  }
0xc5: {  	v4 =	vshra.s32 v6, $0x1;
	v3 =	vmul.f32 $5.000000000e-01, v6;
	v6 =	vmax.f32 v9, $1.000000000e+00  }
0xc6: {  	v14 =	vsub.s32 $0x5F3759DF, v4;
	v9 =	vmul.f32 v11, v8;
	v7 =	vsub.f32 $1.500000000e+00, v7  }
0xc7: {  	s3 =	simm.s32 $0x50;
	v12 =	vmax.f32 v12, $1.000000000e+00;
	v4 =	vmul.f32 v10, v6;
	v6 =	vmul.f32 v14, v3  }
0xc8: {  	v15 =	vld [tilespmem:s3+$0xC580];
	v13 =	vmax.f32 v13, $1.000000000e+00;
	v9 =	vmul.f32 v9, v11;
	v10 =	vmul.f32 v5, v7  }
0xc9: {  	v16 =	vld [tilespmem:s3+$0xC800];
	v12 =	vmul.f32 v13, v12;
	v5 =	vshra.s32 v4, $0x1;
	v6 =	vmul.f32 v14, v6  }
0xca: {  	v4 =	vmul.f32 $5.000000000e-01, v4;
	v7 =	vsub.f32 $1.500000000e+00, v9;
	v9 =	vmul.f32 v10, v2  }
0xcb: {  	v18 =	vsub.s32 $0x5F3759DF, v5;
	v5 =	vmul.f32 $5.000000000e-01, v12;
	v6 =	vsub.f32 $1.500000000e+00, v6  }
0xcc: {  	v13 =	vmul.f32 v18, v4;
	v9 =	vmul.f32 v9, v10  }
0xcd: {  	v7 =	vmul.f32 v7, v11;
	v6 =	vmul.f32 v14, v6;
	v11 =	vshra.s32 v12, $0x1  }
0xce: {  	v12 =	vmul.f32 v18, v13;
	v13 =	vmax.f32 v15, $1.000000000e+00;
	v15 =	vmax.f32 v16, $1.000000000e+00  }
0xcf: {  	s4 =	simm.s32 $0x60;
	v11 =	vsub.s32 $0x5F3759DF, v11;
	v8 =	vmul.f32 v7, v8;
	v14 =	vmul.f32 v6, v3  }
0xd0: {  	v20 =	vmul.f32 v15, v13;
	v13 =	vld [tilespmem:s4+$0xC580];
	v9 =	vsub.f32 $1.500000000e+00, v9;
	v17 =	vmul.f32 v11, v5  }
0xd1: {  	v15 =	vld [tilespmem:s4+$0xC800];
	v19 =	vsub.f32 $1.500000000e+00, v12;
	v16 =	vmul.f32 v8, v7;
	v12 =	vmul.f32 v14, v6  }
0xd2: {  	v8 =	vmul.f32 v9, v10;
	v10 =	vmul.f32 $5.000000000e-01, v20  }
0xd3: {  	s5 =	simm.s32 $0x1C0;
	v9 =	vmul.f32 v18, v19;
	v14 =	vsub.f32 $1.500000000e+00, v16;
	v16 =	vshra.s32 v20, $0x1  }
.LBB2_22:
0xd4: {  	p1 =	sne.s32 s5, $0x9C0;
	v17 =	vmul.f32 v11, v17;
	v18 =	vsub.f32 $1.500000000e+00, v12;
	v12 =	vmul.f32 v8, v2;
	v2 =	vmovc v3;
	v3 =	vmovc v4;
	s6 =	smov.u32 s5;
	s5 =	sadd.s32 $0x40, s5  }
.Ltmp12:
0xd5: {  	v14 =	vmul.f32 v14, v7;
	v7 =	vmovc v8;
	v4 =	vmovc v5;
	s6 =	sshra.s32 s6, $0x2;
	v19 =	vmax.f32 v13, $1.000000000e+00;
	v20 =	vmul.f32 v9, v3;
	(pc) =	sbr.rel @p1 .LBB2_22-.Ltmp12, $4  }
0xd6: {  	v5 =	vmovc v10;
	v13 =	vld [tilespmem:s6+$0xC580];
	v8 =	vmax.f32 v15, $1.000000000e+00;
	v21 =	vsub.f32 $1.500000000e+00, v17;
	v22 =	vmul.f32 v12, v7  }
0xd7: {  	v15 =	vld [tilespmem:s6+$0xC800];
	v10 =	vmul.f32 v8, v19;
	v19 =	vsub.s32 $0x5F3759DF, v16;
	v12 =	vmul.f32 v20, v9;
	[tilespmem:s31+$0xC280] =	vst v14;
	s31 =	smov.u32 s30;
	s30 =	smov.u32 s0;
	s0 =	smov.u32 s1  }
0xd8: {  	v8 =	vmul.f32 v18, v6;
	v6 =	vmovc v9;
	s1 =	smov.u32 s2;
	s2 =	smov.u32 s3;
	s3 =	smov.u32 s4;
	v17 =	vmul.f32 v19, v5;
	v14 =	vsub.f32 $1.500000000e+00, v22  }
0xd9: {  	s4 =	smov.u32 s6;
	v9 =	vmul.f32 v11, v21;
	v11 =	vmovc v19;
	v16 =	vshra.s32 v10, $0x1;
	v10 =	vmul.f32 $5.000000000e-01, v10  }
0xda: {  	_ =	sdelay $0x1  }
0xdb: {  	v13 =	vmax.f32 v13, $1.000000000e+00;
	v15 =	vmax.f32 v15, $1.000000000e+00  }
0xdc: {  	v13 =	vmul.f32 v15, v13;
	_ =	sdelay $0x1  }
0xdd: {  	v46 =	vsub.s32 $0x5F3759DF, v16;
	v47 =	vshra.s32 v13, $0x1;
	v13 =	vmul.f32 $5.000000000e-01, v13  }
0xde: {  	v18 =	vmul.f32 v46, v10;
	v16 =	vsub.s32 $0x5F3759DF, v47  }
0xdf: {  	v17 =	vmul.f32 v11, v17;
	v19 =	vmul.f32 v16, v13  }
0xe0: {  	v18 =	vmul.f32 v46, v18  }
0xe1: {  	v17 =	vsub.f32 $1.500000000e+00, v17;
	v19 =	vmul.f32 v16, v19  }
0xe2: {  	v7 =	vmul.f32 v14, v7;
	v12 =	vsub.f32 $1.500000000e+00, v12;
	v18 =	vsub.f32 $1.500000000e+00, v18  }
0xe3: {  	v20 =	vmul.f32 v9, v4;
	v48 =	vmul.f32 v11, v17;
	v49 =	vsub.f32 $1.500000000e+00, v19  }
0xe4: {  	v6 =	vmul.f32 v12, v6;
	v15 =	vmul.f32 v46, v18  }
0xe5: {  	v51 =	vmul.f32 v48, v5;
	v14 =	vmul.f32 v16, v49  }
0xe6: {  	v50 =	vmul.f32 v20, v9;
	v52 =	vmul.f32 v15, v10  }
0xe7: {  	v53 =	vmul.f32 v51, v48;
	v54 =	vmul.f32 v14, v13  }
0xe8: {  	v2 =	vmul.f32 v8, v2;
	v17 =	vsub.f32 $1.500000000e+00, v50;
	v12 =	vmul.f32 v52, v15  }
0xe9: {  	v3 =	vmul.f32 v6, v3;
	v16 =	vsub.f32 $1.500000000e+00, v53;
	v18 =	vmul.f32 v54, v14  }
0xea: {  	v2 =	vmul.f32 v2, v8;
	v55 =	vmul.f32 v17, v9;
	v12 =	vsub.f32 $1.500000000e+00, v12  }
0xeb: {  	v3 =	vmul.f32 v3, v6;
	v11 =	vmul.f32 v16, v48;
	v56 =	vsub.f32 $1.500000000e+00, v18  }
0xec: {  	v57 =	vmul.f32 v55, v4;
	v12 =	vmul.f32 v12, v15  }
0xed: {  	v58 =	vmul.f32 v11, v5;
	v14 =	vmul.f32 v56, v14  }
0xee: {  	v2 =	vsub.f32 $1.500000000e+00, v2;
	v4 =	vmul.f32 v57, v55;
	v59 =	vmul.f32 v12, v10  }
0xef: {  	v3 =	vsub.f32 $1.500000000e+00, v3;
	v5 =	vmul.f32 v58, v11;
	v13 =	vmul.f32 v14, v13  }
0xf0: {  	v2 =	vmul.f32 v2, v8;
	v4 =	vsub.f32 $1.500000000e+00, v4;
	v60 =	vmul.f32 v59, v12  }
0xf1: {  	[tilespmem:s31+$0xC280] =	vst v7;
	v3 =	vmul.f32 v3, v6;
	v5 =	vsub.f32 $1.500000000e+00, v5;
	v61 =	vmul.f32 v13, v14  }
0xf2: {  	[tilespmem:s30+$0xC280] =	vst v2;
	v2 =	vmul.f32 v4, v55;
	v62 =	vsub.f32 $1.500000000e+00, v60  }
.Ltmp13:
0xf3: {  	[tilespmem:s0+$0xC280] =	vst v3;
	v3 =	vmul.f32 v5, v11;
	v63 =	vsub.f32 $1.500000000e+00, v61;
	(pc) =	sbr.rel @p0 .LBB2_27-.Ltmp13, $4  }
0xf4: {  	[tilespmem:s1+$0xC280] =	vst v2;
	v2 =	vmul.f32 v62, v12  }
0xf5: {  	[tilespmem:s2+$0xC280] =	vst v3;
	v3 =	vmul.f32 v63, v14  }
0xf6: {  	[tilespmem:s3+$0xC280] =	vst v2  }
0xf7: {  	s0 =	simm.s32 $0x0;
	[tilespmem:s4+$0xC280] =	vst v3  }
0xf8: {  	[tilespmem:s28], [sflag:$0x1] =	stream.linear.gather [hbm4b:s16+s0], $0xA000, $0x38;
	[tilespmem:$0x16A80] =	vst v63  }
0xf9: {  	_ =	swait.ge [sflag:s20], $0xA000  }
0xfa: {  	[sflag:s20] =	ssyncset.done $0x0  }
0xfb: {  	s0 =	simm.s32 $0xCAC0;
	[sflag:s20] =	ssyncadd.s32 $0xFFFF6000  }
0xfc: {  	v6 =	vld [tilespmem:s0+$0x30]  }
0xfd: {  	v9 =	vld [tilespmem:s0+$0x10]  }
0xfe: {  	s1 =	sadd.s32 $0x0, s17;
	v7 =	vld [tilespmem:s0+$0xFFFFFFC0]  }
0xff: {  	v3 =	vld.msk [tilespmem:s1+$0x0 ss:$0x0], $0xffff  }
0x100: {  	v11 =	vld [tilespmem:s0+$0xFFFFFFE0]  }
0x101: {  	v2 =	vld [tilespmem:s0+$0xFFFFFFF0]  }
0x102: {  	v4 =	vld [tilespmem:s0+$0x20]  }
0x103: {  	v5 =	vld [tilespmem:s0+$0xFFFFFFD0]  }
0x104: {  	v10 =	vmul.f32 v6, v3;
	v6 =	vld [tilespmem:s0+$0x0]  }
0x105: {  	v8 =	vmul.f32 v3, v7  }
0x106: {  	s2 =	simm.s32 $0xCAC0;
	s1 =	simm.s32 $0x4;
	v7 =	vmul.f32 v11, v3;
	v9 =	vmul.f32 v9, v3  }
.LBB2_25:
0x107: {  	p1 =	sne.s32 s1, $0x4FC  }
0x108: {  	v5 =	vmul.f32 v5, v3;
	v4 =	vmul.f32 v4, v3;
	[tilespmem:s0+$0x30] =	vst v10;
	s2 =	sadd.s32 $0x80, s2;
	s3 =	smov.u32 s1;
	s1 =	sadd.s32 $0x4, s1  }
0x109: {  	[tilespmem:s0+$0xFFFFFFC0] =	vst v8;
	v8 =	vmul.f32 v2, v3;
	v3 =	vmul.f32 v6, v3  }
0x10a: {  	[tilespmem:s0+$0x10] =	vst v9  }
0x10b: {  	[tilespmem:s0+$0xFFFFFFE0] =	vst v7  }
0x10c: {  	v2 =	vld [tilespmem:s2+$0xFFFFFFF0];
	[tilespmem:s0+$0xFFFFFFF0] =	vst v8  }
0x10d: {  	v7 =	vld [tilespmem:s2+$0x30];
	[tilespmem:s0+$0x0] =	vst v3  }
0x10e: {  	s3 =	sshra.s32 s3, $0x2;
	v9 =	vld [tilespmem:s2+$0x10];
	[tilespmem:s0+$0x20] =	vst v4  }
0x10f: {  	s3 =	sadd.s32 s3, s17;
	v8 =	vld [tilespmem:s2+$0xFFFFFFC0];
	[tilespmem:s0+$0xFFFFFFD0] =	vst v5;
	s0 =	smov.u32 s2  }
0x110: {  	v3 =	vld.msk [tilespmem:s3+$0x0 ss:$0x0], $0xffff  }
0x111: {  	v11 =	vld [tilespmem:s2+$0xFFFFFFE0]  }
0x112: {  	v4 =	vld [tilespmem:s2+$0x20]  }
.Ltmp14:
0x113: {  	v5 =	vld [tilespmem:s2+$0xFFFFFFD0];
	(pc) =	sbr.rel @p1 .LBB2_25-.Ltmp14, $3  }
0x114: {  	v6 =	vld [tilespmem:s2+$0x0];
	_ =	sdelay $0x1  }
0x115: {  	v8 =	vmul.f32 v3, v8;
	v10 =	vmul.f32 v7, v3  }
0x116: {  	v9 =	vmul.f32 v9, v3;
	v7 =	vmul.f32 v11, v3  }
0x117: {  	[tilespmem:s0+$0x30] =	vst v10  }
0x118: {  	[tilespmem:s0+$0xFFFFFFC0] =	vst v8  }
0x119: {  	v2 =	vmul.f32 v2, v3;
	[tilespmem:s0+$0x10] =	vst v9  }
0x11a: {  	v4 =	vmul.f32 v4, v3;
	[tilespmem:s0+$0xFFFFFFE0] =	vst v7  }
0x11b: {  	v6 =	vmul.f32 v6, v3;
	[tilespmem:s0+$0xFFFFFFF0] =	vst v2  }
0x11c: {  	v2 =	vmul.f32 v5, v3;
	[tilespmem:s0+$0x20] =	vst v4  }
0x11d: {  	[tilespmem:s0+$0x0] =	vst v6  }
.Ltmp15:
0x11e: {  	s31 =	simm.s32 $0x0;
	[tilespmem:s0+$0xFFFFFFD0] =	vst v2;
	(pc) =	sbr.rel .LBB2_30-.Ltmp15, $4  }
0x11f: {  	[hbm4b:s18+s31] =	stream.linear.scatter [tilespmem:s28], [sflag:$0x1], $0xA000, $0x38;
	[tilespmem:$0x16A80] =	vst v63  }
0x120: {  	_ =	swait.ge [sflag:s20], $0xA000  }
0x121: {  	[sflag:s20] =	ssyncset.done $0x0  }
0x122: {  	[sflag:s20] =	ssyncadd.s32 $0xFFFF6000  }
.LBB2_27:
0x123: {  	[tilespmem:s28], [sflag:$0x1] =	stream.linear.gather [hbm4b:s16+s0], $0x2800, $0x38;
	[tilespmem:$0x16A80] =	vst v63  }
0x124: {  	_ =	swait.ge [sflag:s20], $0x2800  }
0x125: {  	[sflag:s20] =	ssyncset.done $0x0  }
0x126: {  	s0 =	simm.s32 $0xCAC0;
	[sflag:s20] =	ssyncadd.s32 $0xFFFFD800  }
0x127: {  	v6 =	vld [tilespmem:s0+$0x30]  }
0x128: {  	v9 =	vld [tilespmem:s0+$0x10]  }
0x129: {  	s1 =	sadd.s32 $0x0, s17;
	v7 =	vld [tilespmem:s0+$0xFFFFFFC0]  }
0x12a: {  	v3 =	vld.msk [tilespmem:s1+$0x0 ss:$0x0], $0xffff  }
0x12b: {  	v11 =	vld [tilespmem:s0+$0xFFFFFFE0]  }
0x12c: {  	v2 =	vld [tilespmem:s0+$0xFFFFFFF0]  }
0x12d: {  	v4 =	vld [tilespmem:s0+$0x20]  }
0x12e: {  	v5 =	vld [tilespmem:s0+$0xFFFFFFD0]  }
0x12f: {  	v10 =	vmul.f32 v6, v3;
	v6 =	vld [tilespmem:s0+$0x0]  }
0x130: {  	v8 =	vmul.f32 v3, v7  }
0x131: {  	s2 =	simm.s32 $0xCAC0;
	s1 =	simm.s32 $0x4;
	v7 =	vmul.f32 v11, v3;
	v9 =	vmul.f32 v9, v3  }
.LBB2_28:
0x132: {  	p1 =	sne.s32 s1, $0x13C  }
0x133: {  	v5 =	vmul.f32 v5, v3;
	v4 =	vmul.f32 v4, v3;
	[tilespmem:s0+$0x30] =	vst v10;
	s2 =	sadd.s32 $0x80, s2;
	s3 =	smov.u32 s1;
	s1 =	sadd.s32 $0x4, s1  }
0x134: {  	[tilespmem:s0+$0xFFFFFFC0] =	vst v8;
	v8 =	vmul.f32 v2, v3;
	v3 =	vmul.f32 v6, v3  }
0x135: {  	[tilespmem:s0+$0x10] =	vst v9  }
0x136: {  	[tilespmem:s0+$0xFFFFFFE0] =	vst v7  }
0x137: {  	v2 =	vld [tilespmem:s2+$0xFFFFFFF0];
	[tilespmem:s0+$0xFFFFFFF0] =	vst v8  }
0x138: {  	v7 =	vld [tilespmem:s2+$0x30];
	[tilespmem:s0+$0x0] =	vst v3  }
0x139: {  	s3 =	sshra.s32 s3, $0x2;
	v9 =	vld [tilespmem:s2+$0x10];
	[tilespmem:s0+$0x20] =	vst v4  }
0x13a: {  	s3 =	sadd.s32 s3, s17;
	v8 =	vld [tilespmem:s2+$0xFFFFFFC0];
	[tilespmem:s0+$0xFFFFFFD0] =	vst v5;
	s0 =	smov.u32 s2  }
0x13b: {  	v3 =	vld.msk [tilespmem:s3+$0x0 ss:$0x0], $0xffff  }
0x13c: {  	v11 =	vld [tilespmem:s2+$0xFFFFFFE0]  }
0x13d: {  	v4 =	vld [tilespmem:s2+$0x20]  }
.Ltmp16:
0x13e: {  	v5 =	vld [tilespmem:s2+$0xFFFFFFD0];
	(pc) =	sbr.rel @p1 .LBB2_28-.Ltmp16, $3  }
0x13f: {  	v6 =	vld [tilespmem:s2+$0x0];
	_ =	sdelay $0x1  }
0x140: {  	v8 =	vmul.f32 v3, v8;
	v10 =	vmul.f32 v7, v3  }
0x141: {  	v9 =	vmul.f32 v9, v3;
	v7 =	vmul.f32 v11, v3  }
0x142: {  	[tilespmem:s0+$0x30] =	vst v10  }
0x143: {  	[tilespmem:s0+$0xFFFFFFC0] =	vst v8  }
0x144: {  	v2 =	vmul.f32 v2, v3;
	[tilespmem:s0+$0x10] =	vst v9  }
0x145: {  	v4 =	vmul.f32 v4, v3;
	[tilespmem:s0+$0xFFFFFFE0] =	vst v7  }
0x146: {  	v6 =	vmul.f32 v6, v3;
	[tilespmem:s0+$0xFFFFFFF0] =	vst v2  }
0x147: {  	v2 =	vmul.f32 v5, v3;
	[tilespmem:s0+$0x20] =	vst v4  }
0x148: {  	[tilespmem:s0+$0x0] =	vst v6  }
.Ltmp17:
0x149: {  	s31 =	simm.s32 $0x0;
	[tilespmem:s0+$0xFFFFFFD0] =	vst v2;
	(pc) =	sbr.rel .LBB2_30-.Ltmp17, $4  }
0x14a: {  	[hbm4b:s18+s31] =	stream.linear.scatter [tilespmem:s28], [sflag:$0x1], $0x2800, $0x38;
	[tilespmem:$0x16A80] =	vst v63  }
0x14b: {  	_ =	swait.ge [sflag:s20], $0x2800  }
0x14c: {  	[sflag:s20] =	ssyncset.done $0x0  }
0x14d: {  	[sflag:s20] =	ssyncadd.s32 $0xFFFFD800  }
.LBB2_31:
0x14e: {  	_ =	sfence.sel $0x180000  }
0x14f: {  	[bflag:$0x0] =	sbarrier.arrive $0xFFFF  }
0x150: {  	_ =	strace $0x90000047  }
0x151: {  	s0 =	stileid.u32;
	[bflag:$0x2] =	sbarrier.arrive $0xFFFF  }
0x152: {  	p0 =	sne.s32 s0, $0x0;
	s0 =	rddreg [dreg:$0x3]  }
0x153: {  	s0 =	sadd.s32 @!p0 $0x100000, s0  }
0x154: {  	[sflag:s0] =	ssyncadd.tile.s32 @!p0 $0x1;
	_ =	shalt  }
.Lfunc_end2:
_tile_overlayer_lowered:
.L_overlay_start_2:
0x155: {  	(tag) =	ssettag $0x2  }
0x156: {  	s0 =	rddreg [dreg:$0x0];
	s2 =	stileid.u32  }
0x157: {  	s1 =	rddreg [dreg:$0x1];
	p0 =	sne.s32 s2, $0x0  }
0x158: {  	s3 =	rddreg [dreg:$0x2];
	[bflag:$0x3] =	sbarrier.arrive $0xFFFF;
	s2 =	simm.s32 @!p0 $0x1C01  }
0x159: {  	[timem:s3], [sflag:s2] =	dma.local @!p0 [hbm:s0], s1  }
0x15a: {  	s0 =	simm.s32 @!p0 $0x1  }
0x15b: {  	_ =	swait.ge @!p0 [sflag:s0], s1  }
0x15c: {  	s1 =	ssub.s32 @!p0 $0x0, s1;
	[sflag:s0] =	ssyncset.done @!p0 $0x0  }
0x15d: {  	[sflag:s0] =	ssyncadd.s32 @!p0 s1  }
0x15e: {  	[bflag:$0x3] =	sbarrier.arrive $0xFFFF  }
0x15f: {  	_ =	shalt  }

// kernel: kernel.8.cloned.1.call-start
scs
__scs_entry_jumppad:
0x0: {  	(pc) =	sbr.rel $0x88, $3  }
0x1: {  	(tag) =	ssettag $0x0;
	lr =	simm.s32 $0x1  }
0x2: {  	[smem:$0x3F9D] =	sst lr;
	_ =	strace $0xD0000000  }
0x3: {  	_ = 	snop  }
0x4: {  	_ = 	snop  }
0x5: {  	_ = 	snop  }
0x6: {  	_ = 	snop  }
0x7: {  	_ = 	snop  }
__scs_overlays_trampoline_lowered:
0x8: {  	[smem:$0x3FAC] =	sst s0  }
0x9: {  	[smem:$0x3FAD] =	sst s1  }
0xa: {  	[smem:$0x3FAE] =	sst s2  }
0xb: {  	[smem:$0x3FAF] =	sst s3  }
0xc: {  	[smem:$0x3FB0] =	sst s4  }
0xd: {  	[smem:$0x3FB1] =	sst s5  }
0xe: {  	[smem:$0x3FB2] =	sst s6  }
0xf: {  	[smem:$0x3FB3] =	sst s7  }
0x10: {  	[smem:$0x3FB4] =	sst s8  }
0x11: {  	[smem:$0x3FB5] =	sst s9;
	s0 =	simm.s32 @!p0 $0x0  }
0x12: {  	s1 =	sld [smem:$0x3F9B];
	s0 =	simm.s32 @p0 $0x1  }
0x13: {  	[smem:$0x3FB6] =	sst s0;
	s0 =	simm.s32 @!p1 $0x0  }
0x14: {  	s2 =	sld [smem:$0x3F9A];
	s0 =	simm.s32 @p1 $0x1  }
0x15: {  	[smem:$0x3FB7] =	sst s0;
	s0 =	simm.s32 @!p2 $0x0  }
0x16: {  	s3 =	sld [smem:$0x3FDB];
	s0 =	simm.s32 @p2 $0x1  }
0x17: {  	s4 =	simm.s32 $0x1BF5;
	[smem:$0x3FB9] =	sst s0  }
0x18: {  	s0 =	sld [smem:$0x3F9C];
	_ =	swait.ge [sflag:s4], $0x0  }
0x19: {  	s7 =	sld [smem:$0x3F9D]  }
0x1a: {  	s8 =	sadd.s32 $0xFFFFE003, lr  }
0x1b: {  	s9 =	sadd.s32 $0xFFFFFEF7, lr;
	s5 =	simm.s32 $0xFFFFFFFF;
	p2 =	slt.u32 s8, $0xFFFFF086  }
0x1c: {  	p1 =	slt.u32 s9, $0xF7A;
	s5 =	simm.s32 @!p2 $0x0  }
0x1d: {  	s5 =	simm.s32 @p1 $0x1;
	p0 =	seq.s32 s7, s2  }
0x1e: {  	s7 =	smul.u32 @!p0 $0xF7A, s2;
	p2 =	seq.s32 @!p0 s5, $0x0  }
0x1f: {  	s9 =	smul.u32 $0xF7A, s1;
	s8 =	simm.s32 @!p0 $0x1BF5;
	p2 =	por !p2, p0  }
0x20: {  	[sflag:s8] =	ssyncset.s32 @!p0 $0xFFFFF086;
	s6 =	sadd.s32 @!p0 s3, s7;
	s7 =	simm.s32 @!p0 $0x108  }
0x21: {  	s3 =	sadd.s32 s3, s9;
	s6 =	sadd.s32 @!p0 $0x88, s6;
	s7 =	simm.s32 @p2 $0x1082  }
0x22: {  	[simem:s7], [sflag:s8] =	dma.local @!p0 [hbm:s6], $0xF7A  }
0x23: {  	s9 =	sor.u32 $0xD0000000, s2;
	s6 =	simm.s32 $0x108;
	_ =	swait.ge @!p0 [sflag:s8], $0x0  }
0x24: {  	s3 =	sadd.s32 $0x88, s3;
	s6 =	simm.s32 @!p1 $0x1082;
	[sflag:s4] =	ssyncset.s32 $0xFFFFF086  }
0x25: {  	[simem:s6], [sflag:s4] =	dma.local [hbm:s3], $0xF7A  }
0x26: {  	[smem:$0x3F9D] =	sst s1;
	(tag) =	ssettag s2;
	_ =	strace s9  }
0x27: {  	s1 =	sld [smem:$0x3FAD]  }
0x28: {  	s2 =	sld [smem:$0x3FAE]  }
0x29: {  	s4 =	sld [smem:$0x3FB0]  }
0x2a: {  	p0 =	seq.s32 s5, $0x0;
	s5 =	sld [smem:$0x3FB1]  }
0x2b: {  	s6 =	sld [smem:$0x3FB2]  }
0x2c: {  	s7 =	sld [smem:$0x3FB3]  }
0x2d: {  	s3 =	simm.s32 $0x108;
	s8 =	sld [smem:$0x3FB4]  }
0x2e: {  	s3 =	simm.s32 @!p0 $0x1082;
	s9 =	sld [smem:$0x3FB5]  }
0x2f: {  	lr =	sadd.s32 s0, s3;
	s0 =	sld [smem:$0x3FAC]  }
0x30: {  	s3 =	sld [smem:$0x3FAF]  }
0x31: {  	[smem:$0x3FB8] =	sst s10  }
0x32: {  	s10 =	sld [smem:$0x3FB6];
	_ =	sdelay $0x3  }
0x33: {  	p0 =	seq.s32 s10, $0x1;
	s10 =	sld [smem:$0x3FB8];
	_ =	sdelay $0x3  }
0x34: {  	[smem:$0x3FB8] =	sst s10  }
0x35: {  	s10 =	sld [smem:$0x3FB7];
	_ =	sdelay $0x3  }
0x36: {  	p1 =	seq.s32 s10, $0x1;
	s10 =	sld [smem:$0x3FB8];
	_ =	sdelay $0x3  }
0x37: {  	[smem:$0x3FB8] =	sst s10  }
0x38: {  	s10 =	sld [smem:$0x3FB9]  }
0x39: {  	_ = 	snop;
	(pc) =	sbr.ind lr, $3  }
0x3a: {  	_ = 	snop  }
0x3b: {  	_ = 	snop  }
0x3c: {  	p2 =	seq.s32 s10, $0x1;
	s10 =	sld [smem:$0x3FB8]  }
0x3d: {  	_ =	shalt  }
0x3e: {  	_ =	shalt  }
0x3f: {  	_ =	shalt  }
0x40: {  	_ =	shalt  }
0x41: {  	_ =	shalt  }
0x42: {  	_ =	shalt  }
0x43: {  	_ =	shalt  }
0x44: {  	_ =	shalt  }
0x45: {  	_ =	shalt  }
0x46: {  	_ =	shalt  }
0x47: {  	_ =	shalt  }
0x48: {  	_ =	shalt  }
0x49: {  	_ =	shalt  }
0x4a: {  	_ =	shalt  }
0x4b: {  	_ =	shalt  }
0x4c: {  	_ =	shalt  }
0x4d: {  	_ =	shalt  }
0x4e: {  	_ =	shalt  }
0x4f: {  	_ =	shalt  }
0x50: {  	_ =	shalt  }
0x51: {  	_ =	shalt  }
0x52: {  	_ =	shalt  }
0x53: {  	_ =	shalt  }
0x54: {  	_ =	shalt  }
0x55: {  	_ =	shalt  }
0x56: {  	_ =	shalt  }
0x57: {  	_ =	shalt  }
0x58: {  	_ =	shalt  }
0x59: {  	_ =	shalt  }
0x5a: {  	_ =	shalt  }
0x5b: {  	_ =	shalt  }
0x5c: {  	_ =	shalt  }
0x5d: {  	_ =	shalt  }
0x5e: {  	_ =	shalt  }
0x5f: {  	_ =	shalt  }
0x60: {  	_ =	shalt  }
0x61: {  	_ =	shalt  }
0x62: {  	_ =	shalt  }
0x63: {  	_ =	shalt  }
0x64: {  	_ =	shalt  }
0x65: {  	_ =	shalt  }
0x66: {  	_ =	shalt  }
0x67: {  	_ =	shalt  }
0x68: {  	_ =	shalt  }
0x69: {  	_ =	shalt  }
0x6a: {  	_ =	shalt  }
0x6b: {  	_ =	shalt  }
0x6c: {  	_ =	shalt  }
0x6d: {  	_ =	shalt  }
0x6e: {  	_ =	shalt  }
0x6f: {  	_ =	shalt  }
0x70: {  	_ =	shalt  }
0x71: {  	_ =	shalt  }
0x72: {  	_ =	shalt  }
0x73: {  	_ =	shalt  }
0x74: {  	_ =	shalt  }
0x75: {  	_ =	shalt  }
0x76: {  	_ =	shalt  }
0x77: {  	_ =	shalt  }
0x78: {  	_ =	shalt  }
0x79: {  	_ =	shalt  }
0x7a: {  	_ =	shalt  }
0x7b: {  	_ =	shalt  }
0x7c: {  	_ =	shalt  }
0x7d: {  	_ =	shalt  }
0x7e: {  	_ =	shalt  }
0x7f: {  	_ =	shalt  }
0x80: {  	_ =	shalt  }
0x81: {  	_ =	shalt  }
0x82: {  	_ =	shalt  }
0x83: {  	_ =	shalt  }
0x84: {  	_ =	shalt  }
0x85: {  	_ =	shalt  }
0x86: {  	_ =	shalt  }
0x87: {  	_ =	shalt  }
.Lfunc_end0:
.L_simem_size_0:
called_computation.1_lowered:
.L_overlay_start_0:
0x88: {  	s2 =	sld [smem:$0x3FD9]  }
0x89: {  	s3 =	sld [smem:$0x3FFE];
	_ =	sdelay $0x1  }
0x8a: {  	s1 =	srdreg.scid  }
0x8b: {  	s0 =	sand.u32 $0x1, s1  }
0x8c: {  	s17 =	sshll.u32 s0, $0xA;
	s2 =	sadd.s32 s3, s2  }
0x8d: {  	s2 =	sadd.s32 s2, s17  }
0x8e: {  	[smem:$0x3FC4] =	sst s2  }
0x8f: {  	_ = 	snop  }
0x90: {  	s2 =	sld [smem:$0x3FD0];
	(tm) =	ssettm $0x1  }
0x91: {  	s18 =	sld [smem:$0x3FFB];
	_ =	sdelay $0x3  }
0x92: {  	_ =	strace s18  }
0x93: {  	s3 =	sld [smem:$0x3FFC];
	_ =	sdelay $0x3  }
0x94: {  	_ =	strace s3  }
0x95: {  	s3 =	sld [smem:$0x3FFD];
	_ =	sdelay $0x3  }
0x96: {  	_ =	strace s3  }
0x97: {  	_ =	strace $0x8FFFFFFF  }
0x98: {  	s19 =	sld [smem:$0x3FDB];
	_ =	sdelay $0x1  }
0x99: {  	s4 =	simm.s32 $_scs_section_size  }
0x9a: {  	s5 =	simm.s32 $_size__tile_overlayer_lowered;
	s6 =	simm.s32 $_tile_overlayer_lowered  }
0x9b: {  	s22 =	simm.s32 $0x1BFF;
	s21 =	sshll.u32 s6, $0x1;
	s3 =	sadd.s32 s4, s19  }
0x9c: {  	s7 =	simm.s32 $0x0;
	s20 =	sshll.u32 s5, $0x1;
	s5 =	sadd.s32 s21, s3  }
0x9d: {  	[timem:s7], [sflag:s22] =	dma.local [hbm:s5], s20  }
0x9e: {  	_ =	swait.ge [sflag:s22], s20  }
0x9f: {  	s4 =	ssub.s32 $0x0, s20;
	[sflag:s22] =	ssyncset.done $0x0  }
0xa0: {  	[sflag:s22] =	ssyncadd.s32 s4;
	_ =	sdelay $0x1  }
0xa1: {  	s23 =	simm.s32 $0x1B8B  }
0xa2: {  	_ =	swait.ge [sflag:s23], $0x1  }
0xa3: {  	[sflag:s23] =	ssyncset.done $0x0  }
0xa4: {  	s25 =	simm.s32 $0x1B8E;
	s24 =	sld [smem:$0x3FFE];
	[sflag:s23] =	ssyncadd.s32 $0xFFFFFFFF  }
0xa5: {  	s26 =	simm.s32 $execute0_lowered;
	[smem:$0x3FD2] =	sst s25  }
0xa6: {  	s5 =	sshll.u32 s26, $0x1;
	_ =	strace $0x80000049;
	[dreg:$0x1] =	wrdreg $0xFFFFFFFF  }
0xa7: {  	s28 =	simm.s32 $_size_execute0_lowered;
	s3 =	sadd.s32 s3, s5;
	[dreg:$0x0] =	wrdreg $0x0  }
0xa8: {  	s5 =	sshll.u32 s28, $0x1;
	[dreg:$0x2] =	wrdreg s3  }
0xa9: {  	[dreg:$0x3] =	wrdreg s5  }
0xaa: {  	[dreg:$0x4] =	wrdreg $0xC0  }
0xab: {  	_ =	task [dreg:s7], $0x5FFFF  }
0xac: {  	[dreg:$0x1] =	wrdreg $0xFFFFFFFF  }
0xad: {  	[dreg:$0x0] =	wrdreg $0x60  }
0xae: {  	[dreg:$0x2] =	wrdreg s24  }
0xaf: {  	[dreg:$0x3] =	wrdreg s2  }
0xb0: {  	[dreg:$0x4] =	wrdreg $0xC0000  }
0xb1: {  	[dreg:$0x5] =	wrdreg $0x9  }
0xb2: {  	_ =	task.clear_ibuf [dreg:s7], $0x6FFFF;
	_ =	strace $0x90000049  }
0xb3: {  	s29 =	simm.s32 $0x9;
	_ =	strace $0x8000004B  }
0xb4: {  	_ =	swait.ge [sflag:s29], $0x1  }
0xb5: {  	[sflag:s29] =	ssyncadd.s32 $0xFFFFFFFF  }
0xb6: {  	_ =	strace $0x9000004B  }
0xb7: {  	_ =	sfence  }
0xb8: {  	s30 =	sld [smem:$0x0];
	_ =	sdelay $0x2  }
0xb9: {  	s31 =	sshll.u32 s1, $0xD;
	s1 =	sshrl.u32 s1, $0x2  }
0xba: {  	s3 =	sand.u32 $0x4000, s31;
	s1 =	sadd.s32 s1, s30  }
0xbb: {  	s0 =	sor.u32 s3, s0;
	s1 =	sshll.u32 s1, $0x11  }
0xbc: {  	s0 =	sor.u32 s1, s0  }
0xbd: {  	s0 =	sadd.s32 $0x8F2B, s0  }
0xbe: {  	[sflag:s0] =	ssyncadd.remote.s32 $0x1  }
0xbf: {  	_ =	sfence.sel $0xFFFF  }
0xc0: {  	[dreg:$0x0] =	wrdreg $0xFFFFFFFF;
	(pc) =	sbr.abs _section_cstart, $3  }
0xc1: {  	[dreg:$0x1] =	wrdreg $0xFFFFFFFF  }
0xc2: {  	_ =	task.clear_ibuf [dreg:s7], $0x2FFFF;
	_ =	strace $0x9FFFFFFF  }
0xc3: {  	(tm) =	ssettm $0x7FFFFFFF  }
tec
execute0_lowered:
.L_overlay_start_1:
0x0: {  	(tag) =	ssettag $0x1  }
0x1: {  	s0 =	rddreg [dreg:$0x0]  }
0x2: {  	s2 =	rddreg [dreg:$0x1]  }
0x3: {  	s1 =	rddreg [dreg:$0x2];
	s3 =	srdreg.scid  }
0x4: {  	s11 =	stileid.u32;
	s28 =	simm.s32 $0x80;
	s29 =	simm.s32 $0x4800  }
0x5: {  	s30 =	simm.s32 $0x100;
	s31 =	simm.s32 $0x7000;
	s6 =	sand.u32 $0x1, s3  }
0x6: {  	s3 =	simm.s32 $0x0;
	s7 =	smul.u32 $0x14000, s11;
	s4 =	sadd.s32 $0x14800, s0  }
0x7: {  	s8 =	smul.u32 $0x50000, s11;
	s9 =	sadd.s32 $0x3C800, s0;
	s15 =	sshll.u32 s11, $0xC  }
0x8: {  	s11 =	simm.s32 $0x6;
	s5 =	smul.u32 $0x140000, s6;
	[smem:$0x7FF] =	sst s3  }
0x9: {  	s26 =	ssub.s32 $0x2, s6;
	s6 =	sshll.u32 s6, $0xB;
	_ =	strace $0x8000004A  }
0xa: {  	s10 =	sshrl.u32 s26, $0x1;
	s8 =	sshrl.u32 s8, $0x2;
	s6 =	sor.u32 s6, s15  }
0xb: {  	s15 =	simm.s32 $0x1E80;
	s5 =	sadd.s32 s7, s5;
	s7 =	ssub.s32 s26, s10  }
0xc: {  	s19 =	sadd.s32 s2, s6;
	s20 =	sor.u32 $0x200, s6;
	s21 =	sadd.s32 s9, s6  }
0xd: {  	s23 =	sor.u32 $0x400, s6;
	s6 =	sor.u32 $0x600, s6;
	[dreg:$0xb] =	wrdreg s19  }
0xe: {  	s10 =	simm.s32 $0x5;
	[dreg:$0xc] =	wrdreg s21;
	s22 =	sadd.s32 s2, s20  }
0xf: {  	s5 =	sshrl.u32 s5, $0x3;
	s24 =	sadd.s32 s2, s23;
	[dreg:$0xd] =	wrdreg s22  }
0x10: {  	s25 =	sadd.s32 s9, s23;
	s2 =	sadd.s32 s2, s6;
	[dreg:$0xf] =	wrdreg s24  }
0x11: {  	s26 =	sadd.s32 s9, s6;
	s23 =	simm.s32 $0x2000;
	[dreg:$0x10] =	wrdreg s25  }
0x12: {  	s0 =	sadd.s32 s5, s0;
	s5 =	sadd.s32 s8, s1;
	[dreg:$0x11] =	wrdreg s2  }
0x13: {  	s6 =	simm.s32 $0x1;
	[dreg:$0x12] =	wrdreg s26;
	s8 =	sadd.s32 $0x2800, s5  }
0x14: {  	s22 =	smax.u32 s7, $0x1;
	s12 =	sadd.s32 $0x5000, s5;
	[dreg:$0x4] =	wrdreg s8  }
0x15: {  	s24 =	simm.s32 $0x9;
	s13 =	sadd.s32 $0x7800, s5;
	[dreg:$0x5] =	wrdreg s12  }
0x16: {  	s25 =	simm.s32 $0x1000;
	s14 =	sadd.s32 $0xA000, s5;
	[dreg:$0x6] =	wrdreg s13  }
0x17: {  	s26 =	simm.s32 $0x50;
	s16 =	sadd.s32 $0xC800, s5;
	[dreg:$0x7] =	wrdreg s14  }
0x18: {  	s2 =	simm.s32 $0x9800;
	s17 =	sadd.s32 $0xF000, s5;
	[dreg:$0x8] =	wrdreg s16  }
0x19: {  	s7 =	simm.s32 $0x2;
	s18 =	sadd.s32 $0x11800, s5;
	[dreg:$0x9] =	wrdreg s17  }
0x1a: {  	s21 =	sadd.s32 $0x4C800, s0;
	s0 =	simm.s32 $0x180;
	[dreg:$0xa] =	wrdreg s18  }
0x1b: {  	s8 =	sadd.s32 s9, s20;
	s9 =	simm.s32 $0x4;
	s12 =	simm.s32 $0x7  }
0x1c: {  	s13 =	simm.s32 $0x8;
	s14 =	simm.s32 $0x1E00;
	s16 =	simm.s32 $0x1F00  }
0x1d: {  	v0 =	vimm.f32 $0.0e+00;
	s17 =	simm.s32 $0x1F80;
	[dreg:$0xe] =	wrdreg s8;
	s8 =	simm.s32 $0x3  }
.LBB2_1:
0x1e: {  	s18 =	simm.s32 $0x0;
	s19 =	simm.s32 $0x200  }
.LBB2_2:
0x1f: {  	p0 =	sne.s32 s19, $0x9E00;
	[tilespmem:s18+$0x2070] =	vst v0  }
0x20: {  	[tilespmem:s18+$0x2000] =	vst v0  }
0x21: {  	[tilespmem:s18+$0x2010] =	vst v0  }
.Ltmp0:
0x22: {  	[tilespmem:s18+$0x2020] =	vst v0;
	(pc) =	sbr.rel @p0 .LBB2_2-.Ltmp0, $4  }
0x23: {  	[tilespmem:s18+$0x2030] =	vst v0  }
0x24: {  	[tilespmem:s18+$0x2040] =	vst v0  }
0x25: {  	[tilespmem:s18+$0x2050] =	vst v0  }
0x26: {  	[tilespmem:s18+$0x2060] =	vst v0;
	s18 =	sshra.s32 s19, $0x2;
	s19 =	sadd.s32 $0x200, s19  }
0x27: {  	[tilespmem:s18+$0x2070] =	vst v0  }
0x28: {  	[tilespmem:s18+$0x2000] =	vst v0  }
0x29: {  	[tilespmem:s18+$0x2010] =	vst v0  }
0x2a: {  	[tilespmem:s18+$0x2020] =	vst v0  }
0x2b: {  	[tilespmem:s18+$0x2030] =	vst v0  }
0x2c: {  	[tilespmem:s18+$0x2040] =	vst v0  }
0x2d: {  	[tilespmem:s18+$0x2050] =	vst v0  }
0x2e: {  	[tilespmem:s18+$0x2060] =	vst v0  }
0x2f: {  	[spmem:s5] =	stream.linear.scatter [tilespmem:s23], [sflag:$0x9], $0x2800, $0x38;
	v63 =	vld [tilespmem:$0x0]  }
0x30: {  	_ =	swait.ge [sflag:s24], $0x2800  }
0x31: {  	[sflag:s24] =	ssyncset.done $0x0  }
0x32: {  	s19 =	rddreg [dreg:$0x4];
	[sflag:s24] =	ssyncadd.s32 $0xFFFFD800  }
0x33: {  	[spmem:s19] =	stream.linear.scatter [tilespmem:s23], [sflag:$0x9], $0x2800, $0x38;
	v63 =	vld [tilespmem:$0x0]  }
0x34: {  	_ =	swait.ge [sflag:s24], $0x2800  }
0x35: {  	[sflag:s24] =	ssyncset.done $0x0  }
0x36: {  	s20 =	rddreg [dreg:$0x5];
	[sflag:s24] =	ssyncadd.s32 $0xFFFFD800  }
0x37: {  	[spmem:s20] =	stream.linear.scatter [tilespmem:s23], [sflag:$0x9], $0x2800, $0x38;
	v63 =	vld [tilespmem:$0x0]  }
0x38: {  	_ =	swait.ge [sflag:s24], $0x2800  }
0x39: {  	[sflag:s24] =	ssyncset.done $0x0  }
0x3a: {  	s19 =	rddreg [dreg:$0x6];
	[sflag:s24] =	ssyncadd.s32 $0xFFFFD800  }
0x3b: {  	[spmem:s19] =	stream.linear.scatter [tilespmem:s23], [sflag:$0x9], $0x2800, $0x38;
	v63 =	vld [tilespmem:$0x0]  }
0x3c: {  	_ =	swait.ge [sflag:s24], $0x2800  }
0x3d: {  	[sflag:s24] =	ssyncset.done $0x0  }
0x3e: {  	s20 =	rddreg [dreg:$0x7];
	[sflag:s24] =	ssyncadd.s32 $0xFFFFD800  }
0x3f: {  	[spmem:s20] =	stream.linear.scatter [tilespmem:s23], [sflag:$0x9], $0x2800, $0x38;
	v63 =	vld [tilespmem:$0x0]  }
0x40: {  	_ =	swait.ge [sflag:s24], $0x2800  }
0x41: {  	[sflag:s24] =	ssyncset.done $0x0  }
0x42: {  	s19 =	rddreg [dreg:$0x8];
	[sflag:s24] =	ssyncadd.s32 $0xFFFFD800  }
0x43: {  	[spmem:s19] =	stream.linear.scatter [tilespmem:s23], [sflag:$0x9], $0x2800, $0x38;
	v63 =	vld [tilespmem:$0x0]  }
0x44: {  	_ =	swait.ge [sflag:s24], $0x2800  }
0x45: {  	[sflag:s24] =	ssyncset.done $0x0  }
0x46: {  	s20 =	rddreg [dreg:$0x9];
	[sflag:s24] =	ssyncadd.s32 $0xFFFFD800  }
0x47: {  	[spmem:s20] =	stream.linear.scatter [tilespmem:s23], [sflag:$0x9], $0x2800, $0x38;
	v63 =	vld [tilespmem:$0x0]  }
0x48: {  	_ =	swait.ge [sflag:s24], $0x2800  }
0x49: {  	[sflag:s24] =	ssyncset.done $0x0  }
0x4a: {  	s19 =	rddreg [dreg:$0xa];
	[sflag:s24] =	ssyncadd.s32 $0xFFFFD800  }
0x4b: {  	[spmem:s19] =	stream.linear.scatter [tilespmem:s23], [sflag:$0x9], $0x2800, $0x38;
	v63 =	vld [tilespmem:$0x0]  }
0x4c: {  	_ =	swait.ge [sflag:s24], $0x2800  }
0x4d: {  	[sflag:s24] =	ssyncset.done $0x0  }
0x4e: {  	[sflag:s24] =	ssyncadd.s32 $0xFFFFD800  }
0x4f: {  	[bflag:$0x0] =	sbarrier.arrive $0xFFFF  }
0x50: {  	s18 =	simm.s32 $0x0;
	s19 =	rddreg [dreg:$0xb]  }
0x51: {  	[tilespmem:s18], [sflag:$0x9] =	stream.linear.gather [hbm4b:s19+s18], $0x1000, $0x38;
	v63 =	vld [tilespmem:$0x0]  }
0x52: {  	_ =	swait.ge [sflag:s24], $0x1000  }
0x53: {  	[sflag:s24] =	ssyncset.done $0x0  }
0x54: {  	s20 =	rddreg [dreg:$0xc];
	[sflag:s24] =	ssyncadd.s32 $0xFFFFF000  }
0x55: {  	[tilespmem:s25], [sflag:$0x9] =	stream.linear.gather [hbm4b:s20+s18], $0x1000, $0x38;
	v63 =	vld [tilespmem:$0x0]  }
0x56: {  	_ =	swait.ge [sflag:s24], $0x1000  }
0x57: {  	[sflag:s24] =	ssyncset.done $0x0  }
0x58: {  	[sflag:s24] =	ssyncadd.s32 $0xFFFFF000  }
0x59: {  	[tilespmem:s23], [sflag:$0x1] =	stream.indirect.gather [hbm4b:s4+s26], $0x80, s18, s26, $0xb8;
	v63 =	vld [tilespmem:$0x0]  }
0x5a: {  	_ = 	snop  }
0x5b: {  	[tilespmem:s29], [sflag:$0x2] =	stream.indirect.gather [hbm4b:s4+s26], $0x80, s28, s26, $0xb8;
	v63 =	vld [tilespmem:$0x0]  }
0x5c: {  	_ = 	snop  }
0x5d: {  	[tilespmem:s31], [sflag:$0x3] =	stream.indirect.gather [hbm4b:s4+s26], $0x80, s30, s26, $0xb8;
	v63 =	vld [tilespmem:$0x0]  }
0x5e: {  	_ = 	snop  }
0x5f: {  	[tilespmem:s2], [sflag:$0x4] =	stream.indirect.gather [hbm4b:s4+s26], $0x80, s0, s26, $0xb8;
	v63 =	vld [tilespmem:$0x0]  }
0x60: {  	_ =	swait.ge [sflag:s6], $0x2800  }
0x61: {  	[sflag:s6] =	ssyncset.done $0x0  }
0x62: {  	s20 =	simm.s32 $0x1000;
	[sflag:s6] =	ssyncadd.s32 $0xFFFFD800  }
0x63: {  	[spmem:s1] =	stream.indirect.scatter.add.f32 [tilespmem:s23], [sflag:$0x5], $0x80, s20, s26, $0xb8;
	v63 =	vld [tilespmem:$0x0]  }
0x64: {  	_ =	swait.ge [sflag:s7], $0x2800  }
0x65: {  	[sflag:s7] =	ssyncset.done $0x0  }
0x66: {  	s19 =	simm.s32 $0x1080;
	[sflag:s7] =	ssyncadd.s32 $0xFFFFD800  }
0x67: {  	[spmem:s1] =	stream.indirect.scatter.add.f32 [tilespmem:s29], [sflag:$0x6], $0x80, s19, s26, $0xb8;
	v63 =	vld [tilespmem:$0x0]  }
0x68: {  	_ =	swait.ge [sflag:s8], $0x2800  }
0x69: {  	[sflag:s8] =	ssyncset.done $0x0  }
0x6a: {  	s20 =	simm.s32 $0x1100;
	[sflag:s8] =	ssyncadd.s32 $0xFFFFD800  }
0x6b: {  	[spmem:s1] =	stream.indirect.scatter.add.f32 [tilespmem:s31], [sflag:$0x7], $0x80, s20, s26, $0xb8;
	v63 =	vld [tilespmem:$0x0]  }
0x6c: {  	_ =	swait.ge [sflag:s9], $0x2800  }
0x6d: {  	[sflag:s9] =	ssyncset.done $0x0  }
0x6e: {  	s19 =	simm.s32 $0x1180;
	[sflag:s9] =	ssyncadd.s32 $0xFFFFD800  }
0x6f: {  	[spmem:s1] =	stream.indirect.scatter.add.f32 [tilespmem:s2], [sflag:$0x8], $0x80, s19, s26, $0xb8;
	v63 =	vld [tilespmem:$0x0]  }
0x70: {  	_ =	swait.ge [sflag:s10], $0x2800  }
0x71: {  	[sflag:s10] =	ssyncset.done $0x0  }
0x72: {  	s20 =	simm.s32 $0x200;
	[sflag:s10] =	ssyncadd.s32 $0xFFFFD800  }
0x73: {  	[tilespmem:s23], [sflag:$0x1] =	stream.indirect.gather [hbm4b:s4+s26], $0x80, s20, s26, $0xb8;
	v63 =	vld [tilespmem:$0x0]  }
0x74: {  	_ =	swait.ge [sflag:s11], $0x2800  }
0x75: {  	[sflag:s11] =	ssyncset.done $0x0  }
0x76: {  	s19 =	simm.s32 $0x280;
	[sflag:s11] =	ssyncadd.s32 $0xFFFFD800  }
0x77: {  	[tilespmem:s29], [sflag:$0x2] =	stream.indirect.gather [hbm4b:s4+s26], $0x80, s19, s26, $0xb8;
	v63 =	vld [tilespmem:$0x0]  }
0x78: {  	_ =	swait.ge [sflag:s12], $0x2800  }
0x79: {  	[sflag:s12] =	ssyncset.done $0x0  }
0x7a: {  	s20 =	simm.s32 $0x300;
	[sflag:s12] =	ssyncadd.s32 $0xFFFFD800  }
0x7b: {  	[tilespmem:s31], [sflag:$0x3] =	stream.indirect.gather [hbm4b:s4+s26], $0x80, s20, s26, $0xb8;
	v63 =	vld [tilespmem:$0x0]  }
0x7c: {  	_ =	swait.ge [sflag:s13], $0x2800  }
0x7d: {  	[sflag:s13] =	ssyncset.done $0x0  }
0x7e: {  	s18 =	simm.s32 $0x800;
	s19 =	simm.s32 $0x380;
	[sflag:s13] =	ssyncadd.s32 $0xFFFFD800  }
.LBB2_4:
0x7f: {  	[tilespmem:s2], [sflag:$0x4] =	stream.indirect.gather [hbm4b:s4+s26], $0x80, s19, s26, $0xb8;
	v63 =	vld [tilespmem:$0x0]  }
0x80: {  	s19 =	smov.u32 s18  }
0x81: {  	p0 =	sne.s32 s18, $0x3000;
	s18 =	sadd.s32 $0x800, s18;
	_ =	swait.ge [sflag:s6], $0x2800  }
0x82: {  	s19 =	sshra.s32 s19, $0x2;
	[sflag:s6] =	ssyncset.done $0x0  }
0x83: {  	s20 =	sadd.s32 $0x1000, s19;
	[sflag:s6] =	ssyncadd.s32 $0xFFFFD800  }
0x84: {  	[spmem:s1] =	stream.indirect.scatter.add.f32 [tilespmem:s23], [sflag:$0x5], $0x80, s20, s26, $0xb8;
	v63 =	vld [tilespmem:$0x0]  }
0x85: {  	_ =	swait.ge [sflag:s7], $0x2800  }
0x86: {  	[sflag:s7] =	ssyncset.done $0x0  }
0x87: {  	s20 =	sadd.s32 $0x1080, s19;
	[sflag:s7] =	ssyncadd.s32 $0xFFFFD800  }
0x88: {  	[spmem:s1] =	stream.indirect.scatter.add.f32 [tilespmem:s29], [sflag:$0x6], $0x80, s20, s26, $0xb8;
	v63 =	vld [tilespmem:$0x0]  }
0x89: {  	_ =	swait.ge [sflag:s8], $0x2800  }
0x8a: {  	[sflag:s8] =	ssyncset.done $0x0  }
0x8b: {  	s20 =	sadd.s32 $0x1100, s19;
	[sflag:s8] =	ssyncadd.s32 $0xFFFFD800  }
0x8c: {  	[spmem:s1] =	stream.indirect.scatter.add.f32 [tilespmem:s31], [sflag:$0x7], $0x80, s20, s26, $0xb8;
	v63 =	vld [tilespmem:$0x0]  }
0x8d: {  	_ =	swait.ge [sflag:s9], $0x2800  }
0x8e: {  	[sflag:s9] =	ssyncset.done $0x0  }
0x8f: {  	s20 =	sadd.s32 $0x1180, s19;
	[sflag:s9] =	ssyncadd.s32 $0xFFFFD800  }
0x90: {  	[spmem:s1] =	stream.indirect.scatter.add.f32 [tilespmem:s2], [sflag:$0x8], $0x80, s20, s26, $0xb8;
	v63 =	vld [tilespmem:$0x0]  }
0x91: {  	_ =	swait.ge [sflag:s10], $0x2800  }
0x92: {  	[sflag:s10] =	ssyncset.done $0x0  }
0x93: {  	s20 =	sadd.s32 $0x200, s19;
	[sflag:s10] =	ssyncadd.s32 $0xFFFFD800  }
0x94: {  	[tilespmem:s23], [sflag:$0x1] =	stream.indirect.gather [hbm4b:s4+s26], $0x80, s20, s26, $0xb8;
	v63 =	vld [tilespmem:$0x0]  }
0x95: {  	_ =	swait.ge [sflag:s11], $0x2800  }
0x96: {  	[sflag:s11] =	ssyncset.done $0x0  }
0x97: {  	s20 =	sadd.s32 $0x280, s19;
	[sflag:s11] =	ssyncadd.s32 $0xFFFFD800  }
0x98: {  	[tilespmem:s29], [sflag:$0x2] =	stream.indirect.gather [hbm4b:s4+s26], $0x80, s20, s26, $0xb8;
	v63 =	vld [tilespmem:$0x0]  }
0x99: {  	_ =	swait.ge [sflag:s12], $0x2800  }
0x9a: {  	[sflag:s12] =	ssyncset.done $0x0  }
.Ltmp1:
0x9b: {  	s20 =	sadd.s32 $0x300, s19;
	[sflag:s12] =	ssyncadd.s32 $0xFFFFD800;
	(pc) =	sbr.rel @p0 .LBB2_4-.Ltmp1, $4  }
0x9c: {  	[tilespmem:s31], [sflag:$0x3] =	stream.indirect.gather [hbm4b:s4+s26], $0x80, s20, s26, $0xb8;
	v63 =	vld [tilespmem:$0x0]  }
0x9d: {  	_ =	swait.ge [sflag:s13], $0x2800  }
0x9e: {  	[sflag:s13] =	ssyncset.done $0x0  }
0x9f: {  	s19 =	sadd.s32 $0x380, s19;
	[sflag:s13] =	ssyncadd.s32 $0xFFFFD800  }
0xa0: {  	[tilespmem:s2], [sflag:$0x4] =	stream.indirect.gather [hbm4b:s4+s26], $0x80, s19, s26, $0xb8;
	v63 =	vld [tilespmem:$0x0]  }
0xa1: {  	_ =	swait.ge [sflag:s6], $0x2800  }
0xa2: {  	[sflag:s6] =	ssyncset.done $0x0  }
0xa3: {  	[sflag:s6] =	ssyncadd.s32 $0xFFFFD800  }
0xa4: {  	[spmem:s1] =	stream.indirect.scatter.add.f32 [tilespmem:s23], [sflag:$0x5], $0x80, s14, s26, $0xb8;
	v63 =	vld [tilespmem:$0x0]  }
0xa5: {  	_ =	swait.ge [sflag:s7], $0x2800  }
0xa6: {  	[sflag:s7] =	ssyncset.done $0x0  }
0xa7: {  	[sflag:s7] =	ssyncadd.s32 $0xFFFFD800  }
0xa8: {  	[spmem:s1] =	stream.indirect.scatter.add.f32 [tilespmem:s29], [sflag:$0x6], $0x80, s15, s26, $0xb8;
	v63 =	vld [tilespmem:$0x0]  }
0xa9: {  	_ =	swait.ge [sflag:s8], $0x2800  }
0xaa: {  	[sflag:s8] =	ssyncset.done $0x0  }
0xab: {  	[sflag:s8] =	ssyncadd.s32 $0xFFFFD800  }
0xac: {  	[spmem:s1] =	stream.indirect.scatter.add.f32 [tilespmem:s31], [sflag:$0x7], $0x80, s16, s26, $0xb8;
	v63 =	vld [tilespmem:$0x0]  }
0xad: {  	_ =	swait.ge [sflag:s9], $0x2800  }
0xae: {  	[sflag:s9] =	ssyncset.done $0x0  }
0xaf: {  	[sflag:s9] =	ssyncadd.s32 $0xFFFFD800  }
0xb0: {  	[spmem:s1] =	stream.indirect.scatter.add.f32 [tilespmem:s2], [sflag:$0x8], $0x80, s17, s26, $0xb8;
	v63 =	vld [tilespmem:$0x0]  }
0xb1: {  	_ =	swait.ge [sflag:s10], $0x2800  }
0xb2: {  	[sflag:s10] =	ssyncset.done $0x0  }
0xb3: {  	[sflag:s10] =	ssyncadd.s32 $0xFFFFD800  }
0xb4: {  	_ =	swait.ge [sflag:s11], $0x2800  }
0xb5: {  	[sflag:s11] =	ssyncset.done $0x0  }
0xb6: {  	[sflag:s11] =	ssyncadd.s32 $0xFFFFD800  }
0xb7: {  	_ =	swait.ge [sflag:s12], $0x2800  }
0xb8: {  	[sflag:s12] =	ssyncset.done $0x0  }
0xb9: {  	[sflag:s12] =	ssyncadd.s32 $0xFFFFD800  }
0xba: {  	_ =	swait.ge [sflag:s13], $0x2800  }
0xbb: {  	[sflag:s13] =	ssyncset.done $0x0  }
0xbc: {  	s18 =	simm.s32 $0x0;
	s20 =	rddreg [dreg:$0xd];
	[sflag:s13] =	ssyncadd.s32 $0xFFFFD800  }
0xbd: {  	[tilespmem:s18], [sflag:$0x9] =	stream.linear.gather [hbm4b:s20+s18], $0x1000, $0x38;
	v63 =	vld [tilespmem:$0x0]  }
0xbe: {  	_ =	swait.ge [sflag:s24], $0x1000  }
0xbf: {  	[sflag:s24] =	ssyncset.done $0x0  }
0xc0: {  	s20 =	rddreg [dreg:$0xe];
	[sflag:s24] =	ssyncadd.s32 $0xFFFFF000  }
0xc1: {  	[tilespmem:s25], [sflag:$0x9] =	stream.linear.gather [hbm4b:s20+s18], $0x1000, $0x38;
	v63 =	vld [tilespmem:$0x0]  }
0xc2: {  	_ =	swait.ge [sflag:s24], $0x1000  }
0xc3: {  	[sflag:s24] =	ssyncset.done $0x0  }
0xc4: {  	[sflag:s24] =	ssyncadd.s32 $0xFFFFF000  }
0xc5: {  	[tilespmem:s23], [sflag:$0x1] =	stream.indirect.gather [hbm4b:s4+s26], $0x80, s18, s26, $0xb8;
	v63 =	vld [tilespmem:$0x0]  }
0xc6: {  	_ = 	snop  }
0xc7: {  	[tilespmem:s29], [sflag:$0x2] =	stream.indirect.gather [hbm4b:s4+s26], $0x80, s28, s26, $0xb8;
	v63 =	vld [tilespmem:$0x0]  }
0xc8: {  	_ = 	snop  }
0xc9: {  	[tilespmem:s31], [sflag:$0x3] =	stream.indirect.gather [hbm4b:s4+s26], $0x80, s30, s26, $0xb8;
	v63 =	vld [tilespmem:$0x0]  }
0xca: {  	_ = 	snop  }
0xcb: {  	[tilespmem:s2], [sflag:$0x4] =	stream.indirect.gather [hbm4b:s4+s26], $0x80, s0, s26, $0xb8;
	v63 =	vld [tilespmem:$0x0]  }
0xcc: {  	_ =	swait.ge [sflag:s6], $0x2800  }
0xcd: {  	[sflag:s6] =	ssyncset.done $0x0  }
0xce: {  	s20 =	simm.s32 $0x1000;
	[sflag:s6] =	ssyncadd.s32 $0xFFFFD800  }
0xcf: {  	[spmem:s1] =	stream.indirect.scatter.add.f32 [tilespmem:s23], [sflag:$0x5], $0x80, s20, s26, $0xb8;
	v63 =	vld [tilespmem:$0x0]  }
0xd0: {  	_ =	swait.ge [sflag:s7], $0x2800  }
0xd1: {  	[sflag:s7] =	ssyncset.done $0x0  }
0xd2: {  	s19 =	simm.s32 $0x1080;
	[sflag:s7] =	ssyncadd.s32 $0xFFFFD800  }
0xd3: {  	[spmem:s1] =	stream.indirect.scatter.add.f32 [tilespmem:s29], [sflag:$0x6], $0x80, s19, s26, $0xb8;
	v63 =	vld [tilespmem:$0x0]  }
0xd4: {  	_ =	swait.ge [sflag:s8], $0x2800  }
0xd5: {  	[sflag:s8] =	ssyncset.done $0x0  }
0xd6: {  	s20 =	simm.s32 $0x1100;
	[sflag:s8] =	ssyncadd.s32 $0xFFFFD800  }
0xd7: {  	[spmem:s1] =	stream.indirect.scatter.add.f32 [tilespmem:s31], [sflag:$0x7], $0x80, s20, s26, $0xb8;
	v63 =	vld [tilespmem:$0x0]  }
0xd8: {  	_ =	swait.ge [sflag:s9], $0x2800  }
0xd9: {  	[sflag:s9] =	ssyncset.done $0x0  }
0xda: {  	s19 =	simm.s32 $0x1180;
	[sflag:s9] =	ssyncadd.s32 $0xFFFFD800  }
0xdb: {  	[spmem:s1] =	stream.indirect.scatter.add.f32 [tilespmem:s2], [sflag:$0x8], $0x80, s19, s26, $0xb8;
	v63 =	vld [tilespmem:$0x0]  }
0xdc: {  	_ =	swait.ge [sflag:s10], $0x2800  }
0xdd: {  	[sflag:s10] =	ssyncset.done $0x0  }
0xde: {  	s20 =	simm.s32 $0x200;
	[sflag:s10] =	ssyncadd.s32 $0xFFFFD800  }
0xdf: {  	[tilespmem:s23], [sflag:$0x1] =	stream.indirect.gather [hbm4b:s4+s26], $0x80, s20, s26, $0xb8;
	v63 =	vld [tilespmem:$0x0]  }
0xe0: {  	_ =	swait.ge [sflag:s11], $0x2800  }
0xe1: {  	[sflag:s11] =	ssyncset.done $0x0  }
0xe2: {  	s19 =	simm.s32 $0x280;
	[sflag:s11] =	ssyncadd.s32 $0xFFFFD800  }
0xe3: {  	[tilespmem:s29], [sflag:$0x2] =	stream.indirect.gather [hbm4b:s4+s26], $0x80, s19, s26, $0xb8;
	v63 =	vld [tilespmem:$0x0]  }
0xe4: {  	_ =	swait.ge [sflag:s12], $0x2800  }
0xe5: {  	[sflag:s12] =	ssyncset.done $0x0  }
0xe6: {  	s20 =	simm.s32 $0x300;
	[sflag:s12] =	ssyncadd.s32 $0xFFFFD800  }
0xe7: {  	[tilespmem:s31], [sflag:$0x3] =	stream.indirect.gather [hbm4b:s4+s26], $0x80, s20, s26, $0xb8;
	v63 =	vld [tilespmem:$0x0]  }
0xe8: {  	_ =	swait.ge [sflag:s13], $0x2800  }
0xe9: {  	[sflag:s13] =	ssyncset.done $0x0  }
0xea: {  	s18 =	simm.s32 $0x800;
	s19 =	simm.s32 $0x380;
	[sflag:s13] =	ssyncadd.s32 $0xFFFFD800  }
.LBB2_6:
0xeb: {  	[tilespmem:s2], [sflag:$0x4] =	stream.indirect.gather [hbm4b:s4+s26], $0x80, s19, s26, $0xb8;
	v63 =	vld [tilespmem:$0x0]  }
0xec: {  	s19 =	smov.u32 s18  }
0xed: {  	p0 =	sne.s32 s18, $0x3000;
	s18 =	sadd.s32 $0x800, s18;
	_ =	swait.ge [sflag:s6], $0x2800  }
0xee: {  	s19 =	sshra.s32 s19, $0x2;
	[sflag:s6] =	ssyncset.done $0x0  }
0xef: {  	s20 =	sadd.s32 $0x1000, s19;
	[sflag:s6] =	ssyncadd.s32 $0xFFFFD800  }
0xf0: {  	[spmem:s1] =	stream.indirect.scatter.add.f32 [tilespmem:s23], [sflag:$0x5], $0x80, s20, s26, $0xb8;
	v63 =	vld [tilespmem:$0x0]  }
0xf1: {  	_ =	swait.ge [sflag:s7], $0x2800  }
0xf2: {  	[sflag:s7] =	ssyncset.done $0x0  }
0xf3: {  	s20 =	sadd.s32 $0x1080, s19;
	[sflag:s7] =	ssyncadd.s32 $0xFFFFD800  }
0xf4: {  	[spmem:s1] =	stream.indirect.scatter.add.f32 [tilespmem:s29], [sflag:$0x6], $0x80, s20, s26, $0xb8;
	v63 =	vld [tilespmem:$0x0]  }
0xf5: {  	_ =	swait.ge [sflag:s8], $0x2800  }
0xf6: {  	[sflag:s8] =	ssyncset.done $0x0  }
0xf7: {  	s20 =	sadd.s32 $0x1100, s19;
	[sflag:s8] =	ssyncadd.s32 $0xFFFFD800  }
0xf8: {  	[spmem:s1] =	stream.indirect.scatter.add.f32 [tilespmem:s31], [sflag:$0x7], $0x80, s20, s26, $0xb8;
	v63 =	vld [tilespmem:$0x0]  }
0xf9: {  	_ =	swait.ge [sflag:s9], $0x2800  }
0xfa: {  	[sflag:s9] =	ssyncset.done $0x0  }
0xfb: {  	s20 =	sadd.s32 $0x1180, s19;
	[sflag:s9] =	ssyncadd.s32 $0xFFFFD800  }
0xfc: {  	[spmem:s1] =	stream.indirect.scatter.add.f32 [tilespmem:s2], [sflag:$0x8], $0x80, s20, s26, $0xb8;
	v63 =	vld [tilespmem:$0x0]  }
0xfd: {  	_ =	swait.ge [sflag:s10], $0x2800  }
0xfe: {  	[sflag:s10] =	ssyncset.done $0x0  }
0xff: {  	s20 =	sadd.s32 $0x200, s19;
	[sflag:s10] =	ssyncadd.s32 $0xFFFFD800  }
0x100: {  	[tilespmem:s23], [sflag:$0x1] =	stream.indirect.gather [hbm4b:s4+s26], $0x80, s20, s26, $0xb8;
	v63 =	vld [tilespmem:$0x0]  }
0x101: {  	_ =	swait.ge [sflag:s11], $0x2800  }
0x102: {  	[sflag:s11] =	ssyncset.done $0x0  }
0x103: {  	s20 =	sadd.s32 $0x280, s19;
	[sflag:s11] =	ssyncadd.s32 $0xFFFFD800  }
0x104: {  	[tilespmem:s29], [sflag:$0x2] =	stream.indirect.gather [hbm4b:s4+s26], $0x80, s20, s26, $0xb8;
	v63 =	vld [tilespmem:$0x0]  }
0x105: {  	_ =	swait.ge [sflag:s12], $0x2800  }
0x106: {  	[sflag:s12] =	ssyncset.done $0x0  }
.Ltmp2:
0x107: {  	s20 =	sadd.s32 $0x300, s19;
	[sflag:s12] =	ssyncadd.s32 $0xFFFFD800;
	(pc) =	sbr.rel @p0 .LBB2_6-.Ltmp2, $4  }
0x108: {  	[tilespmem:s31], [sflag:$0x3] =	stream.indirect.gather [hbm4b:s4+s26], $0x80, s20, s26, $0xb8;
	v63 =	vld [tilespmem:$0x0]  }
0x109: {  	_ =	swait.ge [sflag:s13], $0x2800  }
0x10a: {  	[sflag:s13] =	ssyncset.done $0x0  }
0x10b: {  	s19 =	sadd.s32 $0x380, s19;
	[sflag:s13] =	ssyncadd.s32 $0xFFFFD800  }
0x10c: {  	[tilespmem:s2], [sflag:$0x4] =	stream.indirect.gather [hbm4b:s4+s26], $0x80, s19, s26, $0xb8;
	v63 =	vld [tilespmem:$0x0]  }
0x10d: {  	_ =	swait.ge [sflag:s6], $0x2800  }
0x10e: {  	[sflag:s6] =	ssyncset.done $0x0  }
0x10f: {  	[sflag:s6] =	ssyncadd.s32 $0xFFFFD800  }
0x110: {  	[spmem:s1] =	stream.indirect.scatter.add.f32 [tilespmem:s23], [sflag:$0x5], $0x80, s14, s26, $0xb8;
	v63 =	vld [tilespmem:$0x0]  }
0x111: {  	_ =	swait.ge [sflag:s7], $0x2800  }
0x112: {  	[sflag:s7] =	ssyncset.done $0x0  }
0x113: {  	[sflag:s7] =	ssyncadd.s32 $0xFFFFD800  }
0x114: {  	[spmem:s1] =	stream.indirect.scatter.add.f32 [tilespmem:s29], [sflag:$0x6], $0x80, s15, s26, $0xb8;
	v63 =	vld [tilespmem:$0x0]  }
0x115: {  	_ =	swait.ge [sflag:s8], $0x2800  }
0x116: {  	[sflag:s8] =	ssyncset.done $0x0  }
0x117: {  	[sflag:s8] =	ssyncadd.s32 $0xFFFFD800  }
0x118: {  	[spmem:s1] =	stream.indirect.scatter.add.f32 [tilespmem:s31], [sflag:$0x7], $0x80, s16, s26, $0xb8;
	v63 =	vld [tilespmem:$0x0]  }
0x119: {  	_ =	swait.ge [sflag:s9], $0x2800  }
0x11a: {  	[sflag:s9] =	ssyncset.done $0x0  }
0x11b: {  	[sflag:s9] =	ssyncadd.s32 $0xFFFFD800  }
0x11c: {  	[spmem:s1] =	stream.indirect.scatter.add.f32 [tilespmem:s2], [sflag:$0x8], $0x80, s17, s26, $0xb8;
	v63 =	vld [tilespmem:$0x0]  }
0x11d: {  	_ =	swait.ge [sflag:s10], $0x2800  }
0x11e: {  	[sflag:s10] =	ssyncset.done $0x0  }
0x11f: {  	[sflag:s10] =	ssyncadd.s32 $0xFFFFD800  }
0x120: {  	_ =	swait.ge [sflag:s11], $0x2800  }
0x121: {  	[sflag:s11] =	ssyncset.done $0x0  }
0x122: {  	[sflag:s11] =	ssyncadd.s32 $0xFFFFD800  }
0x123: {  	_ =	swait.ge [sflag:s12], $0x2800  }
0x124: {  	[sflag:s12] =	ssyncset.done $0x0  }
0x125: {  	[sflag:s12] =	ssyncadd.s32 $0xFFFFD800  }
0x126: {  	_ =	swait.ge [sflag:s13], $0x2800  }
0x127: {  	[sflag:s13] =	ssyncset.done $0x0  }
0x128: {  	s18 =	simm.s32 $0x0;
	s20 =	rddreg [dreg:$0xf];
	[sflag:s13] =	ssyncadd.s32 $0xFFFFD800  }
0x129: {  	[tilespmem:s18], [sflag:$0x9] =	stream.linear.gather [hbm4b:s20+s18], $0x1000, $0x38;
	v63 =	vld [tilespmem:$0x0]  }
0x12a: {  	_ =	swait.ge [sflag:s24], $0x1000  }
0x12b: {  	[sflag:s24] =	ssyncset.done $0x0  }
0x12c: {  	s20 =	rddreg [dreg:$0x10];
	[sflag:s24] =	ssyncadd.s32 $0xFFFFF000  }
0x12d: {  	[tilespmem:s25], [sflag:$0x9] =	stream.linear.gather [hbm4b:s20+s18], $0x1000, $0x38;
	v63 =	vld [tilespmem:$0x0]  }
0x12e: {  	_ =	swait.ge [sflag:s24], $0x1000  }
0x12f: {  	[sflag:s24] =	ssyncset.done $0x0  }
0x130: {  	[sflag:s24] =	ssyncadd.s32 $0xFFFFF000  }
0x131: {  	[tilespmem:s23], [sflag:$0x1] =	stream.indirect.gather [hbm4b:s4+s26], $0x80, s18, s26, $0xb8;
	v63 =	vld [tilespmem:$0x0]  }
0x132: {  	_ = 	snop  }
0x133: {  	[tilespmem:s29], [sflag:$0x2] =	stream.indirect.gather [hbm4b:s4+s26], $0x80, s28, s26, $0xb8;
	v63 =	vld [tilespmem:$0x0]  }
0x134: {  	_ = 	snop  }
0x135: {  	[tilespmem:s31], [sflag:$0x3] =	stream.indirect.gather [hbm4b:s4+s26], $0x80, s30, s26, $0xb8;
	v63 =	vld [tilespmem:$0x0]  }
0x136: {  	_ = 	snop  }
0x137: {  	[tilespmem:s2], [sflag:$0x4] =	stream.indirect.gather [hbm4b:s4+s26], $0x80, s0, s26, $0xb8;
	v63 =	vld [tilespmem:$0x0]  }
0x138: {  	_ =	swait.ge [sflag:s6], $0x2800  }
0x139: {  	[sflag:s6] =	ssyncset.done $0x0  }
0x13a: {  	s20 =	simm.s32 $0x1000;
	[sflag:s6] =	ssyncadd.s32 $0xFFFFD800  }
0x13b: {  	[spmem:s1] =	stream.indirect.scatter.add.f32 [tilespmem:s23], [sflag:$0x5], $0x80, s20, s26, $0xb8;
	v63 =	vld [tilespmem:$0x0]  }
0x13c: {  	_ =	swait.ge [sflag:s7], $0x2800  }
0x13d: {  	[sflag:s7] =	ssyncset.done $0x0  }
0x13e: {  	s19 =	simm.s32 $0x1080;
	[sflag:s7] =	ssyncadd.s32 $0xFFFFD800  }
0x13f: {  	[spmem:s1] =	stream.indirect.scatter.add.f32 [tilespmem:s29], [sflag:$0x6], $0x80, s19, s26, $0xb8;
	v63 =	vld [tilespmem:$0x0]  }
0x140: {  	_ =	swait.ge [sflag:s8], $0x2800  }
0x141: {  	[sflag:s8] =	ssyncset.done $0x0  }
0x142: {  	s20 =	simm.s32 $0x1100;
	[sflag:s8] =	ssyncadd.s32 $0xFFFFD800  }
0x143: {  	[spmem:s1] =	stream.indirect.scatter.add.f32 [tilespmem:s31], [sflag:$0x7], $0x80, s20, s26, $0xb8;
	v63 =	vld [tilespmem:$0x0]  }
0x144: {  	_ =	swait.ge [sflag:s9], $0x2800  }
0x145: {  	[sflag:s9] =	ssyncset.done $0x0  }
0x146: {  	s19 =	simm.s32 $0x1180;
	[sflag:s9] =	ssyncadd.s32 $0xFFFFD800  }
0x147: {  	[spmem:s1] =	stream.indirect.scatter.add.f32 [tilespmem:s2], [sflag:$0x8], $0x80, s19, s26, $0xb8;
	v63 =	vld [tilespmem:$0x0]  }
0x148: {  	_ =	swait.ge [sflag:s10], $0x2800  }
0x149: {  	[sflag:s10] =	ssyncset.done $0x0  }
0x14a: {  	s20 =	simm.s32 $0x200;
	[sflag:s10] =	ssyncadd.s32 $0xFFFFD800  }
0x14b: {  	[tilespmem:s23], [sflag:$0x1] =	stream.indirect.gather [hbm4b:s4+s26], $0x80, s20, s26, $0xb8;
	v63 =	vld [tilespmem:$0x0]  }
0x14c: {  	_ =	swait.ge [sflag:s11], $0x2800  }
0x14d: {  	[sflag:s11] =	ssyncset.done $0x0  }
0x14e: {  	s19 =	simm.s32 $0x280;
	[sflag:s11] =	ssyncadd.s32 $0xFFFFD800  }
0x14f: {  	[tilespmem:s29], [sflag:$0x2] =	stream.indirect.gather [hbm4b:s4+s26], $0x80, s19, s26, $0xb8;
	v63 =	vld [tilespmem:$0x0]  }
0x150: {  	_ =	swait.ge [sflag:s12], $0x2800  }
0x151: {  	[sflag:s12] =	ssyncset.done $0x0  }
0x152: {  	s20 =	simm.s32 $0x300;
	[sflag:s12] =	ssyncadd.s32 $0xFFFFD800  }
0x153: {  	[tilespmem:s31], [sflag:$0x3] =	stream.indirect.gather [hbm4b:s4+s26], $0x80, s20, s26, $0xb8;
	v63 =	vld [tilespmem:$0x0]  }
0x154: {  	_ =	swait.ge [sflag:s13], $0x2800  }
0x155: {  	[sflag:s13] =	ssyncset.done $0x0  }
0x156: {  	s18 =	simm.s32 $0x800;
	s19 =	simm.s32 $0x380;
	[sflag:s13] =	ssyncadd.s32 $0xFFFFD800  }
.LBB2_8:
0x157: {  	[tilespmem:s2], [sflag:$0x4] =	stream.indirect.gather [hbm4b:s4+s26], $0x80, s19, s26, $0xb8;
	v63 =	vld [tilespmem:$0x0]  }
0x158: {  	s19 =	smov.u32 s18  }
0x159: {  	p0 =	sne.s32 s18, $0x3000;
	s18 =	sadd.s32 $0x800, s18;
	_ =	swait.ge [sflag:s6], $0x2800  }
0x15a: {  	s19 =	sshra.s32 s19, $0x2;
	[sflag:s6] =	ssyncset.done $0x0  }
0x15b: {  	s20 =	sadd.s32 $0x1000, s19;
	[sflag:s6] =	ssyncadd.s32 $0xFFFFD800  }
0x15c: {  	[spmem:s1] =	stream.indirect.scatter.add.f32 [tilespmem:s23], [sflag:$0x5], $0x80, s20, s26, $0xb8;
	v63 =	vld [tilespmem:$0x0]  }
0x15d: {  	_ =	swait.ge [sflag:s7], $0x2800  }
0x15e: {  	[sflag:s7] =	ssyncset.done $0x0  }
0x15f: {  	s20 =	sadd.s32 $0x1080, s19;
	[sflag:s7] =	ssyncadd.s32 $0xFFFFD800  }
0x160: {  	[spmem:s1] =	stream.indirect.scatter.add.f32 [tilespmem:s29], [sflag:$0x6], $0x80, s20, s26, $0xb8;
	v63 =	vld [tilespmem:$0x0]  }
0x161: {  	_ =	swait.ge [sflag:s8], $0x2800  }
0x162: {  	[sflag:s8] =	ssyncset.done $0x0  }
0x163: {  	s20 =	sadd.s32 $0x1100, s19;
	[sflag:s8] =	ssyncadd.s32 $0xFFFFD800  }
0x164: {  	[spmem:s1] =	stream.indirect.scatter.add.f32 [tilespmem:s31], [sflag:$0x7], $0x80, s20, s26, $0xb8;
	v63 =	vld [tilespmem:$0x0]  }
0x165: {  	_ =	swait.ge [sflag:s9], $0x2800  }
0x166: {  	[sflag:s9] =	ssyncset.done $0x0  }
0x167: {  	s20 =	sadd.s32 $0x1180, s19;
	[sflag:s9] =	ssyncadd.s32 $0xFFFFD800  }
0x168: {  	[spmem:s1] =	stream.indirect.scatter.add.f32 [tilespmem:s2], [sflag:$0x8], $0x80, s20, s26, $0xb8;
	v63 =	vld [tilespmem:$0x0]  }
0x169: {  	_ =	swait.ge [sflag:s10], $0x2800  }
0x16a: {  	[sflag:s10] =	ssyncset.done $0x0  }
0x16b: {  	s20 =	sadd.s32 $0x200, s19;
	[sflag:s10] =	ssyncadd.s32 $0xFFFFD800  }
0x16c: {  	[tilespmem:s23], [sflag:$0x1] =	stream.indirect.gather [hbm4b:s4+s26], $0x80, s20, s26, $0xb8;
	v63 =	vld [tilespmem:$0x0]  }
0x16d: {  	_ =	swait.ge [sflag:s11], $0x2800  }
0x16e: {  	[sflag:s11] =	ssyncset.done $0x0  }
0x16f: {  	s20 =	sadd.s32 $0x280, s19;
	[sflag:s11] =	ssyncadd.s32 $0xFFFFD800  }
0x170: {  	[tilespmem:s29], [sflag:$0x2] =	stream.indirect.gather [hbm4b:s4+s26], $0x80, s20, s26, $0xb8;
	v63 =	vld [tilespmem:$0x0]  }
0x171: {  	_ =	swait.ge [sflag:s12], $0x2800  }
0x172: {  	[sflag:s12] =	ssyncset.done $0x0  }
.Ltmp3:
0x173: {  	s20 =	sadd.s32 $0x300, s19;
	[sflag:s12] =	ssyncadd.s32 $0xFFFFD800;
	(pc) =	sbr.rel @p0 .LBB2_8-.Ltmp3, $4  }
0x174: {  	[tilespmem:s31], [sflag:$0x3] =	stream.indirect.gather [hbm4b:s4+s26], $0x80, s20, s26, $0xb8;
	v63 =	vld [tilespmem:$0x0]  }
0x175: {  	_ =	swait.ge [sflag:s13], $0x2800  }
0x176: {  	[sflag:s13] =	ssyncset.done $0x0  }
0x177: {  	s19 =	sadd.s32 $0x380, s19;
	[sflag:s13] =	ssyncadd.s32 $0xFFFFD800  }
0x178: {  	[tilespmem:s2], [sflag:$0x4] =	stream.indirect.gather [hbm4b:s4+s26], $0x80, s19, s26, $0xb8;
	v63 =	vld [tilespmem:$0x0]  }
0x179: {  	_ =	swait.ge [sflag:s6], $0x2800  }
0x17a: {  	[sflag:s6] =	ssyncset.done $0x0  }
0x17b: {  	[sflag:s6] =	ssyncadd.s32 $0xFFFFD800  }
0x17c: {  	[spmem:s1] =	stream.indirect.scatter.add.f32 [tilespmem:s23], [sflag:$0x5], $0x80, s14, s26, $0xb8;
	v63 =	vld [tilespmem:$0x0]  }
0x17d: {  	_ =	swait.ge [sflag:s7], $0x2800  }
0x17e: {  	[sflag:s7] =	ssyncset.done $0x0  }
0x17f: {  	[sflag:s7] =	ssyncadd.s32 $0xFFFFD800  }
0x180: {  	[spmem:s1] =	stream.indirect.scatter.add.f32 [tilespmem:s29], [sflag:$0x6], $0x80, s15, s26, $0xb8;
	v63 =	vld [tilespmem:$0x0]  }
0x181: {  	_ =	swait.ge [sflag:s8], $0x2800  }
0x182: {  	[sflag:s8] =	ssyncset.done $0x0  }
0x183: {  	[sflag:s8] =	ssyncadd.s32 $0xFFFFD800  }
0x184: {  	[spmem:s1] =	stream.indirect.scatter.add.f32 [tilespmem:s31], [sflag:$0x7], $0x80, s16, s26, $0xb8;
	v63 =	vld [tilespmem:$0x0]  }
0x185: {  	_ =	swait.ge [sflag:s9], $0x2800  }
0x186: {  	[sflag:s9] =	ssyncset.done $0x0  }
0x187: {  	[sflag:s9] =	ssyncadd.s32 $0xFFFFD800  }
0x188: {  	[spmem:s1] =	stream.indirect.scatter.add.f32 [tilespmem:s2], [sflag:$0x8], $0x80, s17, s26, $0xb8;
	v63 =	vld [tilespmem:$0x0]  }
0x189: {  	_ =	swait.ge [sflag:s10], $0x2800  }
0x18a: {  	[sflag:s10] =	ssyncset.done $0x0  }
0x18b: {  	[sflag:s10] =	ssyncadd.s32 $0xFFFFD800  }
0x18c: {  	_ =	swait.ge [sflag:s11], $0x2800  }
0x18d: {  	[sflag:s11] =	ssyncset.done $0x0  }
0x18e: {  	[sflag:s11] =	ssyncadd.s32 $0xFFFFD800  }
0x18f: {  	_ =	swait.ge [sflag:s12], $0x2800  }
0x190: {  	[sflag:s12] =	ssyncset.done $0x0  }
0x191: {  	[sflag:s12] =	ssyncadd.s32 $0xFFFFD800  }
0x192: {  	_ =	swait.ge [sflag:s13], $0x2800  }
0x193: {  	[sflag:s13] =	ssyncset.done $0x0  }
0x194: {  	s18 =	simm.s32 $0x0;
	s20 =	rddreg [dreg:$0x11];
	[sflag:s13] =	ssyncadd.s32 $0xFFFFD800  }
0x195: {  	[tilespmem:s18], [sflag:$0x9] =	stream.linear.gather [hbm4b:s20+s18], $0x1000, $0x38;
	v63 =	vld [tilespmem:$0x0]  }
0x196: {  	_ =	swait.ge [sflag:s24], $0x1000  }
0x197: {  	[sflag:s24] =	ssyncset.done $0x0  }
0x198: {  	s20 =	rddreg [dreg:$0x12];
	[sflag:s24] =	ssyncadd.s32 $0xFFFFF000  }
0x199: {  	[tilespmem:s25], [sflag:$0x9] =	stream.linear.gather [hbm4b:s20+s18], $0x1000, $0x38;
	v63 =	vld [tilespmem:$0x0]  }
0x19a: {  	_ =	swait.ge [sflag:s24], $0x1000  }
0x19b: {  	[sflag:s24] =	ssyncset.done $0x0  }
0x19c: {  	[sflag:s24] =	ssyncadd.s32 $0xFFFFF000  }
0x19d: {  	[tilespmem:s23], [sflag:$0x1] =	stream.indirect.gather [hbm4b:s4+s26], $0x80, s18, s26, $0xb8;
	v63 =	vld [tilespmem:$0x0]  }
0x19e: {  	_ = 	snop  }
0x19f: {  	[tilespmem:s29], [sflag:$0x2] =	stream.indirect.gather [hbm4b:s4+s26], $0x80, s28, s26, $0xb8;
	v63 =	vld [tilespmem:$0x0]  }
0x1a0: {  	_ = 	snop  }
0x1a1: {  	[tilespmem:s31], [sflag:$0x3] =	stream.indirect.gather [hbm4b:s4+s26], $0x80, s30, s26, $0xb8;
	v63 =	vld [tilespmem:$0x0]  }
0x1a2: {  	_ = 	snop  }
0x1a3: {  	[tilespmem:s2], [sflag:$0x4] =	stream.indirect.gather [hbm4b:s4+s26], $0x80, s0, s26, $0xb8;
	v63 =	vld [tilespmem:$0x0]  }
0x1a4: {  	_ =	swait.ge [sflag:s6], $0x2800  }
0x1a5: {  	[sflag:s6] =	ssyncset.done $0x0  }
0x1a6: {  	s20 =	simm.s32 $0x1000;
	[sflag:s6] =	ssyncadd.s32 $0xFFFFD800  }
0x1a7: {  	[spmem:s1] =	stream.indirect.scatter.add.f32 [tilespmem:s23], [sflag:$0x5], $0x80, s20, s26, $0xb8;
	v63 =	vld [tilespmem:$0x0]  }
0x1a8: {  	_ =	swait.ge [sflag:s7], $0x2800  }
0x1a9: {  	[sflag:s7] =	ssyncset.done $0x0  }
0x1aa: {  	s19 =	simm.s32 $0x1080;
	[sflag:s7] =	ssyncadd.s32 $0xFFFFD800  }
0x1ab: {  	[spmem:s1] =	stream.indirect.scatter.add.f32 [tilespmem:s29], [sflag:$0x6], $0x80, s19, s26, $0xb8;
	v63 =	vld [tilespmem:$0x0]  }
0x1ac: {  	_ =	swait.ge [sflag:s8], $0x2800  }
0x1ad: {  	[sflag:s8] =	ssyncset.done $0x0  }
0x1ae: {  	s20 =	simm.s32 $0x1100;
	[sflag:s8] =	ssyncadd.s32 $0xFFFFD800  }
0x1af: {  	[spmem:s1] =	stream.indirect.scatter.add.f32 [tilespmem:s31], [sflag:$0x7], $0x80, s20, s26, $0xb8;
	v63 =	vld [tilespmem:$0x0]  }
0x1b0: {  	_ =	swait.ge [sflag:s9], $0x2800  }
0x1b1: {  	[sflag:s9] =	ssyncset.done $0x0  }
0x1b2: {  	s19 =	simm.s32 $0x1180;
	[sflag:s9] =	ssyncadd.s32 $0xFFFFD800  }
0x1b3: {  	[spmem:s1] =	stream.indirect.scatter.add.f32 [tilespmem:s2], [sflag:$0x8], $0x80, s19, s26, $0xb8;
	v63 =	vld [tilespmem:$0x0]  }
0x1b4: {  	_ =	swait.ge [sflag:s10], $0x2800  }
0x1b5: {  	[sflag:s10] =	ssyncset.done $0x0  }
0x1b6: {  	s20 =	simm.s32 $0x200;
	[sflag:s10] =	ssyncadd.s32 $0xFFFFD800  }
0x1b7: {  	[tilespmem:s23], [sflag:$0x1] =	stream.indirect.gather [hbm4b:s4+s26], $0x80, s20, s26, $0xb8;
	v63 =	vld [tilespmem:$0x0]  }
0x1b8: {  	_ =	swait.ge [sflag:s11], $0x2800  }
0x1b9: {  	[sflag:s11] =	ssyncset.done $0x0  }
0x1ba: {  	s19 =	simm.s32 $0x280;
	[sflag:s11] =	ssyncadd.s32 $0xFFFFD800  }
0x1bb: {  	[tilespmem:s29], [sflag:$0x2] =	stream.indirect.gather [hbm4b:s4+s26], $0x80, s19, s26, $0xb8;
	v63 =	vld [tilespmem:$0x0]  }
0x1bc: {  	_ =	swait.ge [sflag:s12], $0x2800  }
0x1bd: {  	[sflag:s12] =	ssyncset.done $0x0  }
0x1be: {  	s20 =	simm.s32 $0x300;
	[sflag:s12] =	ssyncadd.s32 $0xFFFFD800  }
0x1bf: {  	[tilespmem:s31], [sflag:$0x3] =	stream.indirect.gather [hbm4b:s4+s26], $0x80, s20, s26, $0xb8;
	v63 =	vld [tilespmem:$0x0]  }
0x1c0: {  	_ =	swait.ge [sflag:s13], $0x2800  }
0x1c1: {  	[sflag:s13] =	ssyncset.done $0x0  }
0x1c2: {  	s18 =	simm.s32 $0x800;
	s19 =	simm.s32 $0x380;
	[sflag:s13] =	ssyncadd.s32 $0xFFFFD800  }
.LBB2_10:
0x1c3: {  	[tilespmem:s2], [sflag:$0x4] =	stream.indirect.gather [hbm4b:s4+s26], $0x80, s19, s26, $0xb8;
	v63 =	vld [tilespmem:$0x0]  }
0x1c4: {  	s19 =	smov.u32 s18  }
0x1c5: {  	p0 =	sne.s32 s18, $0x3000;
	s18 =	sadd.s32 $0x800, s18;
	_ =	swait.ge [sflag:s6], $0x2800  }
0x1c6: {  	s19 =	sshra.s32 s19, $0x2;
	[sflag:s6] =	ssyncset.done $0x0  }
0x1c7: {  	s20 =	sadd.s32 $0x1000, s19;
	[sflag:s6] =	ssyncadd.s32 $0xFFFFD800  }
0x1c8: {  	[spmem:s1] =	stream.indirect.scatter.add.f32 [tilespmem:s23], [sflag:$0x5], $0x80, s20, s26, $0xb8;
	v63 =	vld [tilespmem:$0x0]  }
0x1c9: {  	_ =	swait.ge [sflag:s7], $0x2800  }
0x1ca: {  	[sflag:s7] =	ssyncset.done $0x0  }
0x1cb: {  	s20 =	sadd.s32 $0x1080, s19;
	[sflag:s7] =	ssyncadd.s32 $0xFFFFD800  }
0x1cc: {  	[spmem:s1] =	stream.indirect.scatter.add.f32 [tilespmem:s29], [sflag:$0x6], $0x80, s20, s26, $0xb8;
	v63 =	vld [tilespmem:$0x0]  }
0x1cd: {  	_ =	swait.ge [sflag:s8], $0x2800  }
0x1ce: {  	[sflag:s8] =	ssyncset.done $0x0  }
0x1cf: {  	s20 =	sadd.s32 $0x1100, s19;
	[sflag:s8] =	ssyncadd.s32 $0xFFFFD800  }
0x1d0: {  	[spmem:s1] =	stream.indirect.scatter.add.f32 [tilespmem:s31], [sflag:$0x7], $0x80, s20, s26, $0xb8;
	v63 =	vld [tilespmem:$0x0]  }
0x1d1: {  	_ =	swait.ge [sflag:s9], $0x2800  }
0x1d2: {  	[sflag:s9] =	ssyncset.done $0x0  }
0x1d3: {  	s20 =	sadd.s32 $0x1180, s19;
	[sflag:s9] =	ssyncadd.s32 $0xFFFFD800  }
0x1d4: {  	[spmem:s1] =	stream.indirect.scatter.add.f32 [tilespmem:s2], [sflag:$0x8], $0x80, s20, s26, $0xb8;
	v63 =	vld [tilespmem:$0x0]  }
0x1d5: {  	_ =	swait.ge [sflag:s10], $0x2800  }
0x1d6: {  	[sflag:s10] =	ssyncset.done $0x0  }
0x1d7: {  	s20 =	sadd.s32 $0x200, s19;
	[sflag:s10] =	ssyncadd.s32 $0xFFFFD800  }
0x1d8: {  	[tilespmem:s23], [sflag:$0x1] =	stream.indirect.gather [hbm4b:s4+s26], $0x80, s20, s26, $0xb8;
	v63 =	vld [tilespmem:$0x0]  }
0x1d9: {  	_ =	swait.ge [sflag:s11], $0x2800  }
0x1da: {  	[sflag:s11] =	ssyncset.done $0x0  }
0x1db: {  	s20 =	sadd.s32 $0x280, s19;
	[sflag:s11] =	ssyncadd.s32 $0xFFFFD800  }
0x1dc: {  	[tilespmem:s29], [sflag:$0x2] =	stream.indirect.gather [hbm4b:s4+s26], $0x80, s20, s26, $0xb8;
	v63 =	vld [tilespmem:$0x0]  }
0x1dd: {  	_ =	swait.ge [sflag:s12], $0x2800  }
0x1de: {  	[sflag:s12] =	ssyncset.done $0x0  }
.Ltmp4:
0x1df: {  	s20 =	sadd.s32 $0x300, s19;
	[sflag:s12] =	ssyncadd.s32 $0xFFFFD800;
	(pc) =	sbr.rel @p0 .LBB2_10-.Ltmp4, $4  }
0x1e0: {  	[tilespmem:s31], [sflag:$0x3] =	stream.indirect.gather [hbm4b:s4+s26], $0x80, s20, s26, $0xb8;
	v63 =	vld [tilespmem:$0x0]  }
0x1e1: {  	_ =	swait.ge [sflag:s13], $0x2800  }
0x1e2: {  	[sflag:s13] =	ssyncset.done $0x0  }
0x1e3: {  	s19 =	sadd.s32 $0x380, s19;
	[sflag:s13] =	ssyncadd.s32 $0xFFFFD800  }
0x1e4: {  	[tilespmem:s2], [sflag:$0x4] =	stream.indirect.gather [hbm4b:s4+s26], $0x80, s19, s26, $0xb8;
	v63 =	vld [tilespmem:$0x0]  }
0x1e5: {  	_ =	swait.ge [sflag:s6], $0x2800  }
0x1e6: {  	[sflag:s6] =	ssyncset.done $0x0  }
0x1e7: {  	[sflag:s6] =	ssyncadd.s32 $0xFFFFD800  }
0x1e8: {  	[spmem:s1] =	stream.indirect.scatter.add.f32 [tilespmem:s23], [sflag:$0x5], $0x80, s14, s26, $0xb8;
	v63 =	vld [tilespmem:$0x0]  }
0x1e9: {  	_ =	swait.ge [sflag:s7], $0x2800  }
0x1ea: {  	[sflag:s7] =	ssyncset.done $0x0  }
0x1eb: {  	[sflag:s7] =	ssyncadd.s32 $0xFFFFD800  }
0x1ec: {  	[spmem:s1] =	stream.indirect.scatter.add.f32 [tilespmem:s29], [sflag:$0x6], $0x80, s15, s26, $0xb8;
	v63 =	vld [tilespmem:$0x0]  }
0x1ed: {  	_ =	swait.ge [sflag:s8], $0x2800  }
0x1ee: {  	[sflag:s8] =	ssyncset.done $0x0  }
0x1ef: {  	[sflag:s8] =	ssyncadd.s32 $0xFFFFD800  }
0x1f0: {  	[spmem:s1] =	stream.indirect.scatter.add.f32 [tilespmem:s31], [sflag:$0x7], $0x80, s16, s26, $0xb8;
	v63 =	vld [tilespmem:$0x0]  }
0x1f1: {  	_ =	swait.ge [sflag:s9], $0x2800  }
0x1f2: {  	[sflag:s9] =	ssyncset.done $0x0  }
0x1f3: {  	[sflag:s9] =	ssyncadd.s32 $0xFFFFD800  }
0x1f4: {  	[spmem:s1] =	stream.indirect.scatter.add.f32 [tilespmem:s2], [sflag:$0x8], $0x80, s17, s26, $0xb8;
	v63 =	vld [tilespmem:$0x0]  }
0x1f5: {  	_ =	swait.ge [sflag:s10], $0x2800  }
0x1f6: {  	[sflag:s10] =	ssyncset.done $0x0  }
0x1f7: {  	[sflag:s10] =	ssyncadd.s32 $0xFFFFD800  }
0x1f8: {  	_ =	swait.ge [sflag:s11], $0x2800  }
0x1f9: {  	[sflag:s11] =	ssyncset.done $0x0  }
0x1fa: {  	[sflag:s11] =	ssyncadd.s32 $0xFFFFD800  }
0x1fb: {  	_ =	swait.ge [sflag:s12], $0x2800  }
0x1fc: {  	[sflag:s12] =	ssyncset.done $0x0  }
0x1fd: {  	[sflag:s12] =	ssyncadd.s32 $0xFFFFD800  }
0x1fe: {  	s18 =	stileid.u32;
	_ =	swait.ge [sflag:s13], $0x2800  }
0x1ff: {  	s20 =	sshrl.u32 s5, $0x3;
	s3 =	sadd.s32 $0x1, s3;
	[sflag:s13] =	ssyncset.done $0x0  }
0x200: {  	s18 =	sshll.u32 s18, $0x6;
	p0 =	sne.s32 s3, s22;
	[sflag:s13] =	ssyncadd.s32 $0xFFFFD800  }
.Ltmp5:
0x201: {  	s18 =	sor.u32 $0x1C09, s18;
	[bflag:$0x0] =	sbarrier.arrive $0xFFFF;
	(pc) =	sbr.rel @p0 .LBB2_1-.Ltmp5, $4  }
0x202: {  	[hbm:s21], [sflag:s18] =	dma.local [spmem:s20], $0x2800  }
0x203: {  	_ =	swait.ge [sflag:s24], $0x2800  }
0x204: {  	[sflag:s24] =	ssyncset.done $0x0  }
0x205: {  	[sflag:s24] =	ssyncadd.s32 $0xFFFFD800  }
0x206: {  	_ =	sfence.sel $0x180000  }
0x207: {  	[bflag:$0x0] =	sbarrier.arrive $0xFFFF  }
0x208: {  	_ =	strace $0x9000004A  }
0x209: {  	s0 =	stileid.u32;
	[bflag:$0x2] =	sbarrier.arrive $0xFFFF  }
0x20a: {  	p0 =	sne.s32 s0, $0x0;
	s0 =	rddreg [dreg:$0x3]  }
0x20b: {  	s0 =	sadd.s32 @!p0 $0x100000, s0  }
0x20c: {  	[sflag:s0] =	ssyncadd.tile.s32 @!p0 $0x1;
	_ =	shalt  }
.Lfunc_end2:
_tile_overlayer_lowered:
.L_overlay_start_2:
0x20d: {  	(tag) =	ssettag $0x2  }
0x20e: {  	s0 =	rddreg [dreg:$0x0];
	s2 =	stileid.u32  }
0x20f: {  	s1 =	rddreg [dreg:$0x1];
	p0 =	sne.s32 s2, $0x0  }
0x210: {  	s3 =	rddreg [dreg:$0x2];
	[bflag:$0x3] =	sbarrier.arrive $0xFFFF;
	s2 =	simm.s32 @!p0 $0x1C09  }
0x211: {  	[timem:s3], [sflag:s2] =	dma.local @!p0 [hbm:s0], s1  }
0x212: {  	s0 =	simm.s32 @!p0 $0x9  }
0x213: {  	_ =	swait.ge @!p0 [sflag:s0], s1  }
0x214: {  	s1 =	ssub.s32 @!p0 $0x0, s1;
	[sflag:s0] =	ssyncset.done @!p0 $0x0  }
0x215: {  	[sflag:s0] =	ssyncadd.s32 @!p0 s1  }
0x216: {  	[bflag:$0x3] =	sbarrier.arrive $0xFFFF  }
0x217: {  	_ =	shalt  }

</sc_bundles>
